<compile_context>
chip_gen: v7x
topology: tpu7x:2x2x1
jax: 0.10.2.dev20260603
libtpu: 0.0.44.dev20260713+nightly
codegen_flags: <defaults>
</compile_context>

<pallas_src>
import dataclasses
import functools

import jax
import jax.numpy as jnp
from jax import lax
from jax.experimental import pallas as pl
from jax.experimental.pallas import tpu as pltpu
from jax.experimental.pallas import tpu_sc as plsc

_NC = 2
_NS = 16
_CHUNK = 112
_PAD_ROWS = 8



def _first_matmul(x, w, b):
    n, _ = x.shape
    h = w.shape[1]

    def body(x_ref, w_ref, b_ref, o_ref):
        o_ref[...] = (
            jnp.dot(x_ref[...], w_ref[...], preferred_element_type=jnp.float32)
            + b_ref[...]
        )

    return pl.pallas_call(
        body, out_shape=jax.ShapeDtypeStruct((n, h), jnp.float32)
    )(x, w, b.reshape(1, h))


def _fused_layer(parts, g, be, w, b):
    _, n, hd = parts.shape
    ho = w.shape[1]

    def body(p_ref, g_ref, be_ref, w_ref, b_ref, o_ref):
        t = p_ref[0] + p_ref[1]
        hh = jnp.maximum(t, 0.0)
        mu = jnp.mean(hh, axis=-1, keepdims=True)
        var = jnp.mean((hh - mu) ** 2, axis=-1, keepdims=True)
        hn = (hh - mu) * lax.rsqrt(var + 1e-5) * g_ref[...] + be_ref[...]
        o_ref[...] = (
            jnp.dot(hn, w_ref[...], preferred_element_type=jnp.float32)
            + b_ref[...]
        )

    return pl.pallas_call(
        body, out_shape=jax.ShapeDtypeStruct((n, ho), jnp.float32)
    )(parts, g.reshape(1, hd), be.reshape(1, hd), w, b.reshape(1, ho))



@functools.cache
def _make_edge_agg(n, h, e_pad):
    nw = _NC * _NS
    assert e_pad % (nw * _CHUNK) == 0
    ept = e_pad // nw
    nchunk = ept // _CHUNK
    na = n + _PAD_ROWS
    rpt = (n // (_NS * 8)) * 8
    rem = n - _NS * rpt
    assert rem % 8 == 0 and rem >= 0
    zrows = 16
    assert rpt % zrows == 0 and rem % zrows == 0 and _CHUNK >= zrows
    nseg = h // 16

    mesh = plsc.VectorSubcoreMesh(core_axis_name="c", subcore_axis_name="s")
    cp = pltpu.CompilerParams()
    if "needs_layout_passes" in pltpu.CompilerParams.__dataclass_fields__:
        cp = dataclasses.replace(cp, needs_layout_passes=False)

    @functools.partial(
        pl.kernel,
        out_type=jax.ShapeDtypeStruct((_NC, n, h), jnp.float32),
        mesh=mesh,
        compiler_params=cp,
        scratch_types=[
            pltpu.VMEM((ept,), jnp.int32),
            pltpu.VMEM((ept,), jnp.float32),
            pltpu.VMEM((_CHUNK,), jnp.int32),
            pltpu.VMEM((_CHUNK,), jnp.int32),
            pltpu.VMEM((_CHUNK,), jnp.int32),
            pltpu.VMEM((_CHUNK,), jnp.int32),
            pltpu.VMEM((_CHUNK, h), jnp.float32),
            pltpu.VMEM((_CHUNK, h), jnp.float32),
            pltpu.VMEM_SHARED((na, h), jnp.float32),
            pltpu.SemaphoreType.DMA,
            pltpu.SemaphoreType.DMA,
            pltpu.SemaphoreType.DMA,
            pltpu.SemaphoreType.DMA,
        ],
    )
    def edge_agg(m_hbm, packed_hbm, mask_hbm, out_hbm,
                 packed_all, mask_all, srcv0, srcv1, dst0, dst1, rows0, rows1,
                 agg_sh, sg0, sg1, ss0, ss1):
        cid = lax.axis_index("c")
        sid = lax.axis_index("s")
        wid = cid * _NS + sid
        rows = (rows0, rows1)
        src_v = (srcv0, srcv1)
        dst_v = (dst0, dst1)
        sg = (sg0, sg1)
        ss = (ss0, ss1)

        ebase = wid * ept

        pltpu.sync_copy(packed_hbm.at[pl.ds(ebase, ept)], packed_all)
        pltpu.sync_copy(mask_hbm.at[pl.ds(ebase, ept)], mask_all)

        @pl.loop(0, zrows)
        def _(r):
            for cseg in range(nseg):
                rows0[r, pl.ds(cseg * 16, 16)] = jnp.zeros((16,), jnp.float32)

        rbase = sid * rpt
        tbase = _NS * rpt

        @pl.loop(0, rpt // zrows)
        def _(k):
            pltpu.sync_copy(
                rows0.at[pl.ds(0, zrows)],
                agg_sh.at[pl.ds(rbase + k * zrows, zrows)],
            )

        if rem:
            @pl.when(sid == _NS - 1)
            def _():
                @pl.loop(0, rem // zrows)
                def _(k):
                    pltpu.sync_copy(
                        rows0.at[pl.ds(0, zrows)],
                        agg_sh.at[pl.ds(tbase + k * zrows, zrows)],
                    )

        plsc.subcore_barrier()

        def gather_start(b):
            pltpu.async_copy(m_hbm.at[src_v[b]], rows[b], sg[b])

        def gather_wait(b):
            pltpu.make_async_copy(m_hbm.at[src_v[b]], rows[b], sg[b]).wait()

        def unpack_idx(b, c):
            lo = jnp.full((16,), 0x3FFF, jnp.int32)
            sh = jnp.full((16,), 14, jnp.int32)
            for s in range(_CHUNK // 16):
                sl = pl.ds(c * _CHUNK + s * 16, 16)
                p = packed_all[sl]
                src_v[b][pl.ds(s * 16, 16)] = p & lo
                dst_v[b][pl.ds(s * 16, 16)] = lax.shift_right_logical(p, sh)

        def scatter_start(b):
            pltpu.async_copy(rows[b], agg_sh.at[dst_v[b]], ss[b], add=True)

        def scatter_wait(b):
            pltpu.make_async_copy(rows[b], agg_sh.at[dst_v[b]], ss[b]).wait()

        def visit(b, c):
            c = jnp.asarray(c, jnp.int32)
            gather_wait(b)

            @pl.when(c >= 1)
            def _():
                scatter_wait(1 - b)

            @pl.when(c + 1 < nchunk)
            def _():
                unpack_idx(1 - b, c + 1)
                gather_start(1 - b)

            cbase = c * _CHUNK
            one = jnp.ones((16,), jnp.float32)
            allones = mask_all[pl.ds(cbase, 16)] == one
            for s in range(1, _CHUNK // 16):
                allones = jnp.logical_and(
                    allones, mask_all[pl.ds(cbase + s * 16, 16)] == one
                )

            @pl.when(jnp.logical_not(jnp.all(allones)))
            def _():
                @pl.loop(0, _CHUNK, unroll=2)
                def _(i):
                    bm = plsc.load_gather(
                        mask_all, [jnp.full((16,), cbase + i, jnp.int32)]
                    )
                    for cseg in range(nseg):
                        sl = (i, pl.ds(cseg * 16, 16))
                        rows[b][sl] = rows[b][sl] * bm

            scatter_start(b)

        unpack_idx(0, jnp.asarray(0, jnp.int32))
        gather_start(0)

        @pl.loop(0, nchunk // 2)
        def _(t):
            visit(0, 2 * t)
            visit(1, 2 * t + 1)

        if nchunk % 2:
            visit(0, nchunk - 1)
        scatter_wait((nchunk - 1) % 2)

        plsc.subcore_barrier()
        pltpu.sync_copy(
            agg_sh.at[pl.ds(rbase, rpt)], out_hbm.at[cid, pl.ds(rbase, rpt)]
        )
        if rem:
            @pl.when(sid == _NS - 1)
            def _():
                pltpu.sync_copy(
                    agg_sh.at[pl.ds(tbase, rem)], out_hbm.at[cid, pl.ds(tbase, rem)]
                )

    return edge_agg


def _edge_agg(m, packed_p, mask_p):
    n, h = m.shape
    return _make_edge_agg(n, h, mask_p.shape[0])(m, packed_p, mask_p)



def kernel(x, edge_index, batch, adj_mask_train,
           W0, b0, ln_g0, ln_b0, W1, b1, ln_g1, ln_b1,
           W2, b2, ln_g2, ln_b2, W_out, b_out):
    n = x.shape[0]
    src = edge_index[0]
    dst = edge_index[1]
    mask = jnp.concatenate([adj_mask_train, adj_mask_train])
    e = src.shape[0]

    nw = _NC * _NS
    grain = nw * _CHUNK
    e_pad = ((e + grain - 1) // grain) * grain
    pad = e_pad - e
    if pad:
        pidx = jnp.arange(pad, dtype=jnp.int32)
        src = jnp.concatenate([src, (pidx * 131) % jnp.int32(n)])
        dst = jnp.concatenate([dst, jnp.int32(n) + (pidx % _PAD_ROWS)])
        mask = jnp.concatenate([mask, jnp.zeros((pad,), jnp.float32)])
    packed = jnp.bitwise_or(src, jnp.left_shift(dst, 14))

    m = _first_matmul(x, W0, b0)
    parts = _edge_agg(m, packed, mask)
    m = _fused_layer(parts, ln_g0, ln_b0, W1, b1)
    parts = _edge_agg(m, packed, mask)
    m = _fused_layer(parts, ln_g1, ln_b1, W2, b2)
    parts = _edge_agg(m, packed, mask)
    return _fused_layer(parts, ln_g2, ln_b2, W_out, b_out)

# --- scband reference (transcript-rebuilt; emitter-appended) ---
"""Pipeline reference for scband-graph-model-24799141167620 (READ-ONLY COPY).

The authoritative reference and input builder live on the scoring server;
editing this copy changes nothing except your own understanding.
"""

import jax, jax.numpy as jnp
import numpy as np

N = 10000
E = 320000
D = 128
H = 128
OUT = 64
NUM_LAYERS = 3


def setup_inputs(seed: int = 0) -> dict:
    key = jax.random.key(seed)
    ks = jax.random.split(key, 24)
    inp = {}
    inp['x'] = jax.random.normal(ks[0], (N, D), dtype=jnp.float32)
    inp['edge_index'] = jax.random.randint(ks[1], (2, E), 0, N, dtype=jnp.int32)
    inp['batch'] = jnp.sort(jax.random.randint(ks[2], (N,), 0, 64, dtype=jnp.int32))
    # UGS adjacency mask over half the edges (mask_init -> ones)
    inp['adj_mask_train'] = jnp.ones((E // 2,), dtype=jnp.float32)
    # GNN layer weights (GCN-style: linear transform then masked scatter-add aggregation)
    dims_in = [D] + [H] * (NUM_LAYERS - 1)
    for i in range(NUM_LAYERS):
        inp['W%d' % i] = jax.random.normal(ks[3 + 2 * i], (dims_in[i], H), dtype=jnp.float32) * 0.05
        inp['b%d' % i] = jnp.zeros((H,), dtype=jnp.float32)
        inp['ln_g%d' % i] = jnp.ones((H,), dtype=jnp.float32)
        inp['ln_b%d' % i] = jnp.zeros((H,), dtype=jnp.float32)
    inp['W_out'] = jax.random.normal(ks[20], (H, OUT), dtype=jnp.float32) * 0.05
    inp['b_out'] = jnp.zeros((OUT,), dtype=jnp.float32)
    return inp


def reference(x, edge_index, batch, adj_mask_train, W0, b0, ln_g0, ln_b0, W1, b1, ln_g1, ln_b1, W2, b2, ln_g2, ln_b2, W_out, b_out):
    # is_ugs_mask_train=True: mask = cat([adj_mask_train, adj_mask_train])
    mask = jnp.concatenate([adj_mask_train, adj_mask_train])
    src = edge_index[0]
    dst = edge_index[1]
    params = [(W0, b0, ln_g0, ln_b0), (W1, b1, ln_g1, ln_b1), (W2, b2, ln_g2, ln_b2)]
    h = x
    for (W, b, g, be) in params:
        m = h @ W + b
        # masked message passing: gather at src, weight by edge mask, scatter-add at dst
        msgs = mask[:, None] * jnp.take(m, src, axis=0)
        agg = jnp.zeros((N, m.shape[1]), dtype=m.dtype).at[dst].add(msgs)
        h = jax.nn.relu(agg)
        # LayerNorm
        mu = jnp.mean(h, axis=-1, keepdims=True)
        var = jnp.var(h, axis=-1, keepdims=True)
        h = (h - mu) / jnp.sqrt(var + 1e-5) * g + be
    # graph_output=False: node-level output head (batch unused)
    return h @ W_out + b_out

if __name__ == "__main__":
    import jax
    _d = setup_inputs()
    print(jax.jit(kernel)(*tuple(_d.values())))

</pallas_src>

<mosaic_0001>
#map = affine_map<(d0, d1) -> (0, 0)>
#map1 = affine_map<(d0, d1) -> (0)>
#map2 = affine_map<(d0, d1) -> (0, 0, 0)>
module attributes {stable_mosaic.version = 14 : i64} {
  func.func @edge_agg(%arg0: i32, %arg1: i32, %arg2: memref<10000x128xf32, #tpu.memory_space<hbm>>, %arg3: memref<322560xi32, #tpu.memory_space<hbm>>, %arg4: memref<322560xf32, #tpu.memory_space<hbm>>, %arg5: memref<2x10000x128xf32, #tpu.memory_space<hbm>>, %arg6: memref<10080xi32, #tpu.memory_space<vmem>>, %arg7: memref<10080xf32, #tpu.memory_space<vmem>>, %arg8: memref<112xi32, #tpu.memory_space<vmem>>, %arg9: memref<112xi32, #tpu.memory_space<vmem>>, %arg10: memref<112xi32, #tpu.memory_space<vmem>>, %arg11: memref<112xi32, #tpu.memory_space<vmem>>, %arg12: memref<112x128xf32, #tpu.memory_space<vmem>>, %arg13: memref<112x128xf32, #tpu.memory_space<vmem>>, %arg14: memref<10008x128xf32, #tpu.memory_space<vmem_shared>>, %arg15: memref<!tpu.dma_semaphore, #tpu.memory_space<semaphore_mem>>, %arg16: memref<!tpu.dma_semaphore, #tpu.memory_space<semaphore_mem>>, %arg17: memref<!tpu.dma_semaphore, #tpu.memory_space<semaphore_mem>>, %arg18: memref<!tpu.dma_semaphore, #tpu.memory_space<semaphore_mem>>) attributes {dimension_semantics = [#tpu.dimension_semantics<core_parallel>, #tpu.dimension_semantics<subcore_parallel>], iteration_bounds = array<i64: 2, 16>, scalar_prefetch = 0 : i64, scratch_operands = 13 : i64, tpu.core_type = #tpu.core_type<sc_vector_subcore>, window_params = [{transform_indices = #map}, {transform_indices = #map1}, {transform_indices = #map1}, {transform_indices = #map2}]} {
    %mul3A = arith.constant 16 : i32
    %mul3A_0 = arith.muli %arg0, %mul3A : i32
    %add3A = arith.addi %mul3A_0, %arg1 : i32
    %mul3A_1 = arith.constant 10080 : i32
    %mul3A_2 = arith.muli %add3A, %mul3A_1 : i32
    "tpu.region"() ({
      %run_scoped3A = tpu.sem_alloc : memref<!tpu.dma_semaphore, #tpu.memory_space<semaphore_mem>>
      %dma_start3A_121 = tpu.memref_slice %arg3[%mul3A_2] : memref<322560xi32, #tpu.memory_space<hbm>> -> memref<10080xi32, #tpu.memory_space<hbm>>
      %dma_start3A_122 = tpu.memref_slice %arg3[%mul3A_2] : memref<322560xi32, #tpu.memory_space<hbm>> -> memref<10080xi32, #tpu.memory_space<hbm>>
      tpu.enqueue_dma source(%dma_start3A_122 : memref<10080xi32, #tpu.memory_space<hbm>>) target(%arg6 : memref<10080xi32, #tpu.memory_space<vmem>>) target_semaphore(%run_scoped3A : memref<!tpu.dma_semaphore, #tpu.memory_space<semaphore_mem>>)
      %dma_wait3A_123 = tpu.memref_slice %arg3[%mul3A_2] : memref<322560xi32, #tpu.memory_space<hbm>> -> memref<10080xi32, #tpu.memory_space<hbm>>
      %dma_wait3A_124 = tpu.memref_slice %arg3[%mul3A_2] : memref<322560xi32, #tpu.memory_space<hbm>> -> memref<10080xi32, #tpu.memory_space<hbm>>
      tpu.wait_dma2 semaphore(%run_scoped3A : memref<!tpu.dma_semaphore, #tpu.memory_space<semaphore_mem>>) src(%dma_wait3A_124 : memref<10080xi32, #tpu.memory_space<hbm>>) dst(%arg6 : memref<10080xi32, #tpu.memory_space<vmem>>)
      tpu.yield
    }) : () -> ()
    "tpu.region"() ({
      %run_scoped3A = tpu.sem_alloc : memref<!tpu.dma_semaphore, #tpu.memory_space<semaphore_mem>>
      %dma_start3A_121 = tpu.memref_slice %arg4[%mul3A_2] : memref<322560xf32, #tpu.memory_space<hbm>> -> memref<10080xf32, #tpu.memory_space<hbm>>
      %dma_start3A_122 = tpu.memref_slice %arg4[%mul3A_2] : memref<322560xf32, #tpu.memory_space<hbm>> -> memref<10080xf32, #tpu.memory_space<hbm>>
      tpu.enqueue_dma source(%dma_start3A_122 : memref<10080xf32, #tpu.memory_space<hbm>>) target(%arg7 : memref<10080xf32, #tpu.memory_space<vmem>>) target_semaphore(%run_scoped3A : memref<!tpu.dma_semaphore, #tpu.memory_space<semaphore_mem>>)
      %dma_wait3A_123 = tpu.memref_slice %arg4[%mul3A_2] : memref<322560xf32, #tpu.memory_space<hbm>> -> memref<10080xf32, #tpu.memory_space<hbm>>
      %dma_wait3A_124 = tpu.memref_slice %arg4[%mul3A_2] : memref<322560xf32, #tpu.memory_space<hbm>> -> memref<10080xf32, #tpu.memory_space<hbm>>
      tpu.wait_dma2 semaphore(%run_scoped3A : memref<!tpu.dma_semaphore, #tpu.memory_space<semaphore_mem>>) src(%dma_wait3A_124 : memref<10080xf32, #tpu.memory_space<hbm>>) dst(%arg7 : memref<10080xf32, #tpu.memory_space<vmem>>)
      tpu.yield
    }) : () -> ()
    %scan3A = arith.constant 0 : i32
    %scan3A_3 = arith.constant 16 : i32
    %scan3A_4 = arith.addi %scan3A, %scan3A_3 : i32
    %scan3A_5 = arith.constant 1 : i32
    scf.for %scan3A_121 = %scan3A to %scan3A_4 step %scan3A_5  : i32 {
      %mul3A_122 = arith.constant 1 : i32
      %mul3A_123 = arith.muli %scan3A_121, %mul3A_122 : i32
      %add3A_124 = arith.constant 0 : i32
      %add3A_125 = arith.addi %add3A_124, %mul3A_123 : i32
      %broadcast_in_dim3A_126 = arith.constant 0.000000e+00 : f32
      %broadcast_in_dim3A_127 = vector.broadcast %broadcast_in_dim3A_126 : f32 to vector<16xf32>
      %swap3A_128 = arith.index_cast %add3A_125 : i32 to index
      %swap3A_129 = arith.constant 0 : index
      %swap3A_130 = tpu.vector_load %arg12[%swap3A_128, %swap3A_129] {strides = array<i32>} : memref<112x128xf32, #tpu.memory_space<vmem>>, vector<16xf32>,
      tpu.vector_store %arg12[%swap3A_128, %swap3A_129], %broadcast_in_dim3A_127 {strides = array<i32>} : memref<112x128xf32, #tpu.memory_space<vmem>>, vector<16xf32>,
      %broadcast_in_dim3A_131 = arith.constant 0.000000e+00 : f32
      %broadcast_in_dim3A_132 = vector.broadcast %broadcast_in_dim3A_131 : f32 to vector<16xf32>
      %swap3A_133 = arith.index_cast %add3A_125 : i32 to index
      %swap3A_134 = arith.constant 16 : index
      %swap3A_135 = tpu.vector_load %arg12[%swap3A_133, %swap3A_134] {strides = array<i32>} : memref<112x128xf32, #tpu.memory_space<vmem>>, vector<16xf32>,
      tpu.vector_store %arg12[%swap3A_133, %swap3A_134], %broadcast_in_dim3A_132 {strides = array<i32>} : memref<112x128xf32, #tpu.memory_space<vmem>>, vector<16xf32>,
      %broadcast_in_dim3A_136 = arith.constant 0.000000e+00 : f32
      %broadcast_in_dim3A_137 = vector.broadcast %broadcast_in_dim3A_136 : f32 to vector<16xf32>
      %swap3A_138 = arith.index_cast %add3A_125 : i32 to index
      %swap3A_139 = arith.constant 32 : index
      %swap3A_140 = tpu.vector_load %arg12[%swap3A_138, %swap3A_139] {strides = array<i32>} : memref<112x128xf32, #tpu.memory_space<vmem>>, vector<16xf32>,
      tpu.vector_store %arg12[%swap3A_138, %swap3A_139], %broadcast_in_dim3A_137 {strides = array<i32>} : memref<112x128xf32, #tpu.memory_space<vmem>>, vector<16xf32>,
      %broadcast_in_dim3A_141 = arith.constant 0.000000e+00 : f32
      %broadcast_in_dim3A_142 = vector.broadcast %broadcast_in_dim3A_141 : f32 to vector<16xf32>
      %swap3A_143 = arith.index_cast %add3A_125 : i32 to index
      %swap3A_144 = arith.constant 48 : index
      %swap3A_145 = tpu.vector_load %arg12[%swap3A_143, %swap3A_144] {strides = array<i32>} : memref<112x128xf32, #tpu.memory_space<vmem>>, vector<16xf32>,
      tpu.vector_store %arg12[%swap3A_143, %swap3A_144], %broadcast_in_dim3A_142 {strides = array<i32>} : memref<112x128xf32, #tpu.memory_space<vmem>>, vector<16xf32>,
      %broadcast_in_dim3A_146 = arith.constant 0.000000e+00 : f32
      %broadcast_in_dim3A_147 = vector.broadcast %broadcast_in_dim3A_146 : f32 to vector<16xf32>
      %swap3A_148 = arith.index_cast %add3A_125 : i32 to index
      %swap3A_149 = arith.constant 64 : index
      %swap3A_150 = tpu.vector_load %arg12[%swap3A_148, %swap3A_149] {strides = array<i32>} : memref<112x128xf32, #tpu.memory_space<vmem>>, vector<16xf32>,
      tpu.vector_store %arg12[%swap3A_148, %swap3A_149], %broadcast_in_dim3A_147 {strides = array<i32>} : memref<112x128xf32, #tpu.memory_space<vmem>>, vector<16xf32>,
      %broadcast_in_dim3A_151 = arith.constant 0.000000e+00 : f32
      %broadcast_in_dim3A_152 = vector.broadcast %broadcast_in_dim3A_151 : f32 to vector<16xf32>
      %swap3A_153 = arith.index_cast %add3A_125 : i32 to index
      %swap3A_154 = arith.constant 80 : index
      %swap3A_155 = tpu.vector_load %arg12[%swap3A_153, %swap3A_154] {strides = array<i32>} : memref<112x128xf32, #tpu.memory_space<vmem>>, vector<16xf32>,
      tpu.vector_store %arg12[%swap3A_153, %swap3A_154], %broadcast_in_dim3A_152 {strides = array<i32>} : memref<112x128xf32, #tpu.memory_space<vmem>>, vector<16xf32>,
      %broadcast_in_dim3A_156 = arith.constant 0.000000e+00 : f32
      %broadcast_in_dim3A_157 = vector.broadcast %broadcast_in_dim3A_156 : f32 to vector<16xf32>
      %swap3A_158 = arith.index_cast %add3A_125 : i32 to index
      %swap3A_159 = arith.constant 96 : index
      %swap3A_160 = tpu.vector_load %arg12[%swap3A_158, %swap3A_159] {strides = array<i32>} : memref<112x128xf32, #tpu.memory_space<vmem>>, vector<16xf32>,
      tpu.vector_store %arg12[%swap3A_158, %swap3A_159], %broadcast_in_dim3A_157 {strides = array<i32>} : memref<112x128xf32, #tpu.memory_space<vmem>>, vector<16xf32>,
      %broadcast_in_dim3A_161 = arith.constant 0.000000e+00 : f32
      %broadcast_in_dim3A_162 = vector.broadcast %broadcast_in_dim3A_161 : f32 to vector<16xf32>
      %swap3A_163 = arith.index_cast %add3A_125 : i32 to index
      %swap3A_164 = arith.constant 112 : index
      %swap3A_165 = tpu.vector_load %arg12[%swap3A_163, %swap3A_164] {strides = array<i32>} : memref<112x128xf32, #tpu.memory_space<vmem>>, vector<16xf32>,
      tpu.vector_store %arg12[%swap3A_163, %swap3A_164], %broadcast_in_dim3A_162 {strides = array<i32>} : memref<112x128xf32, #tpu.memory_space<vmem>>, vector<16xf32>,
    }
    %scan3A_6 = arith.constant 16 : i32
    %mul3A_7 = arith.constant 624 : i32
    %mul3A_8 = arith.muli %arg1, %mul3A_7 : i32
    %scan3A_9 = arith.constant 0 : i32
    %scan3A_10 = arith.constant 39 : i32
    %scan3A_11 = arith.addi %scan3A_9, %scan3A_10 : i32
    %scan3A_12 = arith.constant 1 : i32
    scf.for %scan3A_121 = %scan3A_9 to %scan3A_11 step %scan3A_12  : i32 {
      %mul3A_122 = arith.constant 1 : i32
      %mul3A_123 = arith.muli %scan3A_121, %mul3A_122 : i32
      %add3A_124 = arith.constant 0 : i32
      %add3A_125 = arith.addi %add3A_124, %mul3A_123 : i32
      %mul3A_126 = arith.constant 16 : i32
      %mul3A_127 = arith.muli %add3A_125, %mul3A_126 : i32
      %add3A_128 = arith.addi %mul3A_8, %mul3A_127 : i32
      "tpu.region"() ({
        %run_scoped3A = tpu.sem_alloc : memref<!tpu.dma_semaphore, #tpu.memory_space<semaphore_mem>>
        %dma_start3A_129 = arith.constant 0 : i32
        %dma_start3A_130 = arith.constant 0 : i32
        %dma_start3A_131 = tpu.memref_slice %arg12[%dma_start3A_129, %dma_start3A_130] : memref<112x128xf32, #tpu.memory_space<vmem>> -> memref<16x128xf32, #tpu.memory_space<vmem>>
        %dma_start3A_132 = arith.constant 0 : i32
        %dma_start3A_133 = tpu.memref_slice %arg14[%add3A_128, %dma_start3A_132] : memref<10008x128xf32, #tpu.memory_space<vmem_shared>> -> memref<16x128xf32, #tpu.memory_space<vmem_shared>>
        %dma_start3A_134 = arith.constant 0 : i32
        %dma_start3A_135 = tpu.memref_slice %arg14[%add3A_128, %dma_start3A_134] : memref<10008x128xf32, #tpu.memory_space<vmem_shared>> -> memref<16x128xf32, #tpu.memory_space<vmem_shared>>
        %dma_start3A_136 = arith.constant 0 : i32
        %dma_start3A_137 = arith.constant 0 : i32
        %dma_start3A_138 = tpu.memref_slice %arg12[%dma_start3A_136, %dma_start3A_137] : memref<112x128xf32, #tpu.memory_space<vmem>> -> memref<16x128xf32, #tpu.memory_space<vmem>>
        tpu.enqueue_dma source(%dma_start3A_138 : memref<16x128xf32, #tpu.memory_space<vmem>>) target(%dma_start3A_135 : memref<16x128xf32, #tpu.memory_space<vmem_shared>>) target_semaphore(%run_scoped3A : memref<!tpu.dma_semaphore, #tpu.memory_space<semaphore_mem>>)
        %dma_wait3A_139 = arith.constant 0 : i32
        %dma_wait3A_140 = arith.constant 0 : i32
        %dma_wait3A_141 = tpu.memref_slice %arg12[%dma_wait3A_139, %dma_wait3A_140] : memref<112x128xf32, #tpu.memory_space<vmem>> -> memref<16x128xf32, #tpu.memory_space<vmem>>
        %dma_wait3A_142 = arith.constant 0 : i32
        %dma_wait3A_143 = tpu.memref_slice %arg14[%add3A_128, %dma_wait3A_142] : memref<10008x128xf32, #tpu.memory_space<vmem_shared>> -> memref<16x128xf32, #tpu.memory_space<vmem_shared>>
        %dma_wait3A_144 = arith.constant 0 : i32
        %dma_wait3A_145 = tpu.memref_slice %arg14[%add3A_128, %dma_wait3A_144] : memref<10008x128xf32, #tpu.memory_space<vmem_shared>> -> memref<16x128xf32, #tpu.memory_space<vmem_shared>>
        %dma_wait3A_146 = arith.constant 0 : i32
        %dma_wait3A_147 = arith.constant 0 : i32
        %dma_wait3A_148 = tpu.memref_slice %arg12[%dma_wait3A_146, %dma_wait3A_147] : memref<112x128xf32, #tpu.memory_space<vmem>> -> memref<16x128xf32, #tpu.memory_space<vmem>>
        tpu.wait_dma2 semaphore(%run_scoped3A : memref<!tpu.dma_semaphore, #tpu.memory_space<semaphore_mem>>) src(%dma_wait3A_148 : memref<16x128xf32, #tpu.memory_space<vmem>>) dst(%dma_wait3A_145 : memref<16x128xf32, #tpu.memory_space<vmem_shared>>)
        tpu.yield
      }) : () -> ()
    }
    %scan3A_13 = arith.constant 39 : i32
    %eq3A = arith.constant 15 : i32
    %eq3A_14 = arith.cmpi eq, %arg1, %eq3A : i32
    %convert_element_type3A = arith.extui %eq3A_14 : i1 to i32
    %cond3A = arith.constant 0 : i32
    %cond3A_15 = arith.cmpi ne, %convert_element_type3A, %cond3A : i32
    scf.if %cond3A_15 {
      %scan3A_121 = arith.constant 0 : i32
      %mul3A_122 = arith.constant 1 : i32
      %mul3A_123 = arith.muli %scan3A_121, %mul3A_122 : i32
      %add3A_124 = arith.constant 0 : i32
      %add3A_125 = arith.addi %add3A_124, %mul3A_123 : i32
      %mul3A_126 = arith.constant 16 : i32
      %mul3A_127 = arith.muli %add3A_125, %mul3A_126 : i32
      %add3A_128 = arith.constant 9984 : i32
      %add3A_129 = arith.addi %add3A_128, %mul3A_127 : i32
      "tpu.region"() ({
        %run_scoped3A = tpu.sem_alloc : memref<!tpu.dma_semaphore, #tpu.memory_space<semaphore_mem>>
        %dma_start3A_131 = arith.constant 0 : i32
        %dma_start3A_132 = arith.constant 0 : i32
        %dma_start3A_133 = tpu.memref_slice %arg12[%dma_start3A_131, %dma_start3A_132] : memref<112x128xf32, #tpu.memory_space<vmem>> -> memref<16x128xf32, #tpu.memory_space<vmem>>
        %dma_start3A_134 = arith.constant 0 : i32
        %dma_start3A_135 = tpu.memref_slice %arg14[%add3A_129, %dma_start3A_134] : memref<10008x128xf32, #tpu.memory_space<vmem_shared>> -> memref<16x128xf32, #tpu.memory_space<vmem_shared>>
        %dma_start3A_136 = arith.constant 0 : i32
        %dma_start3A_137 = tpu.memref_slice %arg14[%add3A_129, %dma_start3A_136] : memref<10008x128xf32, #tpu.memory_space<vmem_shared>> -> memref<16x128xf32, #tpu.memory_space<vmem_shared>>
        %dma_start3A_138 = arith.constant 0 : i32
        %dma_start3A_139 = arith.constant 0 : i32
        %dma_start3A_140 = tpu.memref_slice %arg12[%dma_start3A_138, %dma_start3A_139] : memref<112x128xf32, #tpu.memory_space<vmem>> -> memref<16x128xf32, #tpu.memory_space<vmem>>
        tpu.enqueue_dma source(%dma_start3A_140 : memref<16x128xf32, #tpu.memory_space<vmem>>) target(%dma_start3A_137 : memref<16x128xf32, #tpu.memory_space<vmem_shared>>) target_semaphore(%run_scoped3A : memref<!tpu.dma_semaphore, #tpu.memory_space<semaphore_mem>>)
        %dma_wait3A_141 = arith.constant 0 : i32
        %dma_wait3A_142 = arith.constant 0 : i32
        %dma_wait3A_143 = tpu.memref_slice %arg12[%dma_wait3A_141, %dma_wait3A_142] : memref<112x128xf32, #tpu.memory_space<vmem>> -> memref<16x128xf32, #tpu.memory_space<vmem>>
        %dma_wait3A_144 = arith.constant 0 : i32
        %dma_wait3A_145 = tpu.memref_slice %arg14[%add3A_129, %dma_wait3A_144] : memref<10008x128xf32, #tpu.memory_space<vmem_shared>> -> memref<16x128xf32, #tpu.memory_space<vmem_shared>>
        %dma_wait3A_146 = arith.constant 0 : i32
        %dma_wait3A_147 = tpu.memref_slice %arg14[%add3A_129, %dma_wait3A_146] : memref<10008x128xf32, #tpu.memory_space<vmem_shared>> -> memref<16x128xf32, #tpu.memory_space<vmem_shared>>
        %dma_wait3A_148 = arith.constant 0 : i32
        %dma_wait3A_149 = arith.constant 0 : i32
        %dma_wait3A_150 = tpu.memref_slice %arg12[%dma_wait3A_148, %dma_wait3A_149] : memref<112x128xf32, #tpu.memory_space<vmem>> -> memref<16x128xf32, #tpu.memory_space<vmem>>
        tpu.wait_dma2 semaphore(%run_scoped3A : memref<!tpu.dma_semaphore, #tpu.memory_space<semaphore_mem>>) src(%dma_wait3A_150 : memref<16x128xf32, #tpu.memory_space<vmem>>) dst(%dma_wait3A_147 : memref<16x128xf32, #tpu.memory_space<vmem_shared>>)
        tpu.yield
      }) : () -> ()
      %scan3A_130 = arith.constant 1 : i32
    } else {
    }
    %barrier3A = arith.constant 0 : index
    tpu.barrier barrier_id(%barrier3A)
    %broadcast_in_dim3A = arith.constant 16383 : i32
    %broadcast_in_dim3A_16 = vector.broadcast %broadcast_in_dim3A : i32 to vector<16xi32>
    %broadcast_in_dim3A_17 = arith.constant 14 : i32
    %broadcast_in_dim3A_18 = vector.broadcast %broadcast_in_dim3A_17 : i32 to vector<16xi32>
    %mul3A_19 = arith.constant 0 : i32
    %mul3A_20 = arith.constant 112 : i32
    %mul3A_21 = arith.muli %mul3A_19, %mul3A_20 : i32
    %add3A_22 = arith.constant 0 : i32
    %add3A_23 = arith.addi %mul3A_21, %add3A_22 : i32
    %get3A = arith.index_cast %add3A_23 : i32 to index
    %get3A_24 = tpu.vector_load %arg6[%get3A] {strides = array<i32>} : memref<10080xi32, #tpu.memory_space<vmem>>, vector<16xi32>,
    %and3A = arith.andi %get3A_24, %broadcast_in_dim3A_16 : vector<16xi32>
    %swap3A = arith.constant 0 : index
    %swap3A_25 = tpu.vector_load %arg8[%swap3A] {strides = array<i32>} : memref<112xi32, #tpu.memory_space<vmem>>, vector<16xi32>,
    tpu.vector_store %arg8[%swap3A], %and3A {strides = array<i32>} : memref<112xi32, #tpu.memory_space<vmem>>, vector<16xi32>,
    %shift_right_logical3A = arith.shrui %get3A_24, %broadcast_in_dim3A_18 : vector<16xi32>
    %swap3A_26 = arith.constant 0 : index
    %swap3A_27 = tpu.vector_load %arg10[%swap3A_26] {strides = array<i32>} : memref<112xi32, #tpu.memory_space<vmem>>, vector<16xi32>,
    tpu.vector_store %arg10[%swap3A_26], %shift_right_logical3A {strides = array<i32>} : memref<112xi32, #tpu.memory_space<vmem>>, vector<16xi32>,
    %mul3A_28 = arith.constant 0 : i32
    %mul3A_29 = arith.constant 112 : i32
    %mul3A_30 = arith.muli %mul3A_28, %mul3A_29 : i32
    %add3A_31 = arith.constant 16 : i32
    %add3A_32 = arith.addi %mul3A_30, %add3A_31 : i32
    %get3A_33 = arith.index_cast %add3A_32 : i32 to index
    %get3A_34 = tpu.vector_load %arg6[%get3A_33] {strides = array<i32>} : memref<10080xi32, #tpu.memory_space<vmem>>, vector<16xi32>,
    %and3A_35 = arith.andi %get3A_34, %broadcast_in_dim3A_16 : vector<16xi32>
    %swap3A_36 = arith.constant 16 : index
    %swap3A_37 = tpu.vector_load %arg8[%swap3A_36] {strides = array<i32>} : memref<112xi32, #tpu.memory_space<vmem>>, vector<16xi32>,
    tpu.vector_store %arg8[%swap3A_36], %and3A_35 {strides = array<i32>} : memref<112xi32, #tpu.memory_space<vmem>>, vector<16xi32>,
    %shift_right_logical3A_38 = arith.shrui %get3A_34, %broadcast_in_dim3A_18 : vector<16xi32>
    %swap3A_39 = arith.constant 16 : index
    %swap3A_40 = tpu.vector_load %arg10[%swap3A_39] {strides = array<i32>} : memref<112xi32, #tpu.memory_space<vmem>>, vector<16xi32>,
    tpu.vector_store %arg10[%swap3A_39], %shift_right_logical3A_38 {strides = array<i32>} : memref<112xi32, #tpu.memory_space<vmem>>, vector<16xi32>,
    %mul3A_41 = arith.constant 0 : i32
    %mul3A_42 = arith.constant 112 : i32
    %mul3A_43 = arith.muli %mul3A_41, %mul3A_42 : i32
    %add3A_44 = arith.constant 32 : i32
    %add3A_45 = arith.addi %mul3A_43, %add3A_44 : i32
    %get3A_46 = arith.index_cast %add3A_45 : i32 to index
    %get3A_47 = tpu.vector_load %arg6[%get3A_46] {strides = array<i32>} : memref<10080xi32, #tpu.memory_space<vmem>>, vector<16xi32>,
    %and3A_48 = arith.andi %get3A_47, %broadcast_in_dim3A_16 : vector<16xi32>
    %swap3A_49 = arith.constant 32 : index
    %swap3A_50 = tpu.vector_load %arg8[%swap3A_49] {strides = array<i32>} : memref<112xi32, #tpu.memory_space<vmem>>, vector<16xi32>,
    tpu.vector_store %arg8[%swap3A_49], %and3A_48 {strides = array<i32>} : memref<112xi32, #tpu.memory_space<vmem>>, vector<16xi32>,
    %shift_right_logical3A_51 = arith.shrui %get3A_47, %broadcast_in_dim3A_18 : vector<16xi32>
    %swap3A_52 = arith.constant 32 : index
    %swap3A_53 = tpu.vector_load %arg10[%swap3A_52] {strides = array<i32>} : memref<112xi32, #tpu.memory_space<vmem>>, vector<16xi32>,
    tpu.vector_store %arg10[%swap3A_52], %shift_right_logical3A_51 {strides = array<i32>} : memref<112xi32, #tpu.memory_space<vmem>>, vector<16xi32>,
    %mul3A_54 = arith.constant 0 : i32
    %mul3A_55 = arith.constant 112 : i32
    %mul3A_56 = arith.muli %mul3A_54, %mul3A_55 : i32
    %add3A_57 = arith.constant 48 : i32
    %add3A_58 = arith.addi %mul3A_56, %add3A_57 : i32
    %get3A_59 = arith.index_cast %add3A_58 : i32 to index
    %get3A_60 = tpu.vector_load %arg6[%get3A_59] {strides = array<i32>} : memref<10080xi32, #tpu.memory_space<vmem>>, vector<16xi32>,
    %and3A_61 = arith.andi %get3A_60, %broadcast_in_dim3A_16 : vector<16xi32>
    %swap3A_62 = arith.constant 48 : index
    %swap3A_63 = tpu.vector_load %arg8[%swap3A_62] {strides = array<i32>} : memref<112xi32, #tpu.memory_space<vmem>>, vector<16xi32>,
    tpu.vector_store %arg8[%swap3A_62], %and3A_61 {strides = array<i32>} : memref<112xi32, #tpu.memory_space<vmem>>, vector<16xi32>,
    %shift_right_logical3A_64 = arith.shrui %get3A_60, %broadcast_in_dim3A_18 : vector<16xi32>
    %swap3A_65 = arith.constant 48 : index
    %swap3A_66 = tpu.vector_load %arg10[%swap3A_65] {strides = array<i32>} : memref<112xi32, #tpu.memory_space<vmem>>, vector<16xi32>,
    tpu.vector_store %arg10[%swap3A_65], %shift_right_logical3A_64 {strides = array<i32>} : memref<112xi32, #tpu.memory_space<vmem>>, vector<16xi32>,
    %mul3A_67 = arith.constant 0 : i32
    %mul3A_68 = arith.constant 112 : i32
    %mul3A_69 = arith.muli %mul3A_67, %mul3A_68 : i32
    %add3A_70 = arith.constant 64 : i32
    %add3A_71 = arith.addi %mul3A_69, %add3A_70 : i32
    %get3A_72 = arith.index_cast %add3A_71 : i32 to index
    %get3A_73 = tpu.vector_load %arg6[%get3A_72] {strides = array<i32>} : memref<10080xi32, #tpu.memory_space<vmem>>, vector<16xi32>,
    %and3A_74 = arith.andi %get3A_73, %broadcast_in_dim3A_16 : vector<16xi32>
    %swap3A_75 = arith.constant 64 : index
    %swap3A_76 = tpu.vector_load %arg8[%swap3A_75] {strides = array<i32>} : memref<112xi32, #tpu.memory_space<vmem>>, vector<16xi32>,
    tpu.vector_store %arg8[%swap3A_75], %and3A_74 {strides = array<i32>} : memref<112xi32, #tpu.memory_space<vmem>>, vector<16xi32>,
    %shift_right_logical3A_77 = arith.shrui %get3A_73, %broadcast_in_dim3A_18 : vector<16xi32>
    %swap3A_78 = arith.constant 64 : index
    %swap3A_79 = tpu.vector_load %arg10[%swap3A_78] {strides = array<i32>} : memref<112xi32, #tpu.memory_space<vmem>>, vector<16xi32>,
    tpu.vector_store %arg10[%swap3A_78], %shift_right_logical3A_77 {strides = array<i32>} : memref<112xi32, #tpu.memory_space<vmem>>, vector<16xi32>,
    %mul3A_80 = arith.constant 0 : i32
    %mul3A_81 = arith.constant 112 : i32
    %mul3A_82 = arith.muli %mul3A_80, %mul3A_81 : i32
    %add3A_83 = arith.constant 80 : i32
    %add3A_84 = arith.addi %mul3A_82, %add3A_83 : i32
    %get3A_85 = arith.index_cast %add3A_84 : i32 to index
    %get3A_86 = tpu.vector_load %arg6[%get3A_85] {strides = array<i32>} : memref<10080xi32, #tpu.memory_space<vmem>>, vector<16xi32>,
    %and3A_87 = arith.andi %get3A_86, %broadcast_in_dim3A_16 : vector<16xi32>
    %swap3A_88 = arith.constant 80 : index
    %swap3A_89 = tpu.vector_load %arg8[%swap3A_88] {strides = array<i32>} : memref<112xi32, #tpu.memory_space<vmem>>, vector<16xi32>,
    tpu.vector_store %arg8[%swap3A_88], %and3A_87 {strides = array<i32>} : memref<112xi32, #tpu.memory_space<vmem>>, vector<16xi32>,
    %shift_right_logical3A_90 = arith.shrui %get3A_86, %broadcast_in_dim3A_18 : vector<16xi32>
    %swap3A_91 = arith.constant 80 : index
    %swap3A_92 = tpu.vector_load %arg10[%swap3A_91] {strides = array<i32>} : memref<112xi32, #tpu.memory_space<vmem>>, vector<16xi32>,
    tpu.vector_store %arg10[%swap3A_91], %shift_right_logical3A_90 {strides = array<i32>} : memref<112xi32, #tpu.memory_space<vmem>>, vector<16xi32>,
    %mul3A_93 = arith.constant 0 : i32
    %mul3A_94 = arith.constant 112 : i32
    %mul3A_95 = arith.muli %mul3A_93, %mul3A_94 : i32
    %add3A_96 = arith.constant 96 : i32
    %add3A_97 = arith.addi %mul3A_95, %add3A_96 : i32
    %get3A_98 = arith.index_cast %add3A_97 : i32 to index
    %get3A_99 = tpu.vector_load %arg6[%get3A_98] {strides = array<i32>} : memref<10080xi32, #tpu.memory_space<vmem>>, vector<16xi32>,
    %and3A_100 = arith.andi %get3A_99, %broadcast_in_dim3A_16 : vector<16xi32>
    %swap3A_101 = arith.constant 96 : index
    %swap3A_102 = tpu.vector_load %arg8[%swap3A_101] {strides = array<i32>} : memref<112xi32, #tpu.memory_space<vmem>>, vector<16xi32>,
    tpu.vector_store %arg8[%swap3A_101], %and3A_100 {strides = array<i32>} : memref<112xi32, #tpu.memory_space<vmem>>, vector<16xi32>,
    %shift_right_logical3A_103 = arith.shrui %get3A_99, %broadcast_in_dim3A_18 : vector<16xi32>
    %swap3A_104 = arith.constant 96 : index
    %swap3A_105 = tpu.vector_load %arg10[%swap3A_104] {strides = array<i32>} : memref<112xi32, #tpu.memory_space<vmem>>, vector<16xi32>,
    tpu.vector_store %arg10[%swap3A_104], %shift_right_logical3A_103 {strides = array<i32>} : memref<112xi32, #tpu.memory_space<vmem>>, vector<16xi32>,
    %dma_start3A = arith.constant 0 : i32
    %dma_start3A_106 = arith.constant 0 : i32
    %dma_start3A_107 = tpu.memref_slice %arg2[%dma_start3A, %dma_start3A_106] : memref<10000x128xf32, #tpu.memory_space<hbm>> -> memref<10000x128xf32, #tpu.memory_space<hbm>>
    tpu.enqueue_indirect_dma source(%dma_start3A_107 : memref<10000x128xf32, #tpu.memory_space<hbm>>) target(%arg12 : memref<112x128xf32, #tpu.memory_space<vmem>>) offsets(%arg8 : memref<112xi32, #tpu.memory_space<vmem>>) semaphore(%arg15 : memref<!tpu.dma_semaphore, #tpu.memory_space<semaphore_mem>>)
    %scan3A_108 = arith.constant 0 : i32
    %scan3A_109 = arith.constant 45 : i32
    %scan3A_110 = arith.addi %scan3A_108, %scan3A_109 : i32
    %scan3A_111 = arith.constant 1 : i32
    scf.for %scan3A_121 = %scan3A_108 to %scan3A_110 step %scan3A_111  : i32 {
      %mul3A_122 = arith.constant 1 : i32
      %mul3A_123 = arith.muli %scan3A_121, %mul3A_122 : i32
      %add3A_124 = arith.constant 0 : i32
      %add3A_125 = arith.addi %add3A_124, %mul3A_123 : i32
      %mul3A_126 = arith.constant 2 : i32
      %mul3A_127 = arith.muli %mul3A_126, %add3A_125 : i32
      %dma_wait3A_128 = arith.constant 0 : i32
      %dma_wait3A_129 = arith.constant 0 : i32
      %dma_wait3A_130 = tpu.memref_slice %arg2[%dma_wait3A_128, %dma_wait3A_129] : memref<10000x128xf32, #tpu.memory_space<hbm>> -> memref<10000x128xf32, #tpu.memory_space<hbm>>
      tpu.wait_indirect_dma semaphore(%arg15 : memref<!tpu.dma_semaphore, #tpu.memory_space<semaphore_mem>>) src(%dma_wait3A_130 : memref<10000x128xf32, #tpu.memory_space<hbm>>) dst(%arg12 : memref<112x128xf32, #tpu.memory_space<vmem>>)
      %ge3A = arith.constant 1 : i32
      %ge3A_131 = arith.cmpi sge, %mul3A_127, %ge3A : i32
      %convert_element_type3A_132 = arith.extui %ge3A_131 : i1 to i32
      %cond3A_133 = arith.constant 0 : i32
      %cond3A_134 = arith.cmpi ne, %convert_element_type3A_132, %cond3A_133 : i32
      scf.if %cond3A_134 {
        %dma_wait3A_282 = arith.constant 0 : i32
        %dma_wait3A_283 = arith.constant 0 : i32
        %dma_wait3A_284 = tpu.memref_slice %arg14[%dma_wait3A_282, %dma_wait3A_283] : memref<10008x128xf32, #tpu.memory_space<vmem_shared>> -> memref<10008x128xf32, #tpu.memory_space<vmem_shared>>
        tpu.wait_indirect_dma semaphore(%arg18 : memref<!tpu.dma_semaphore, #tpu.memory_space<semaphore_mem>>) src(%arg13 : memref<112x128xf32, #tpu.memory_space<vmem>>) dst(%dma_wait3A_284 : memref<10008x128xf32, #tpu.memory_space<vmem_shared>>)
      } else {
      }
      %add3A_135 = arith.constant 1 : i32
      %add3A_136 = arith.addi %mul3A_127, %add3A_135 : i32
      %lt3A = arith.constant 90 : i32
      %lt3A_137 = arith.cmpi slt, %add3A_136, %lt3A : i32
      %convert_element_type3A_138 = arith.extui %lt3A_137 : i1 to i32
      %cond3A_139 = arith.constant 0 : i32
      %cond3A_140 = arith.cmpi ne, %convert_element_type3A_138, %cond3A_139 : i32
      scf.if %cond3A_140 {
        %add3A_282 = arith.constant 1 : i32
        %add3A_283 = arith.addi %mul3A_127, %add3A_282 : i32
        %broadcast_in_dim3A_284 = arith.constant 16383 : i32
        %broadcast_in_dim3A_285 = vector.broadcast %broadcast_in_dim3A_284 : i32 to vector<16xi32>
        %broadcast_in_dim3A_286 = arith.constant 14 : i32
        %broadcast_in_dim3A_287 = vector.broadcast %broadcast_in_dim3A_286 : i32 to vector<16xi32>
        %mul3A_288 = arith.constant 112 : i32
        %mul3A_289 = arith.muli %add3A_283, %mul3A_288 : i32
        %add3A_290 = arith.constant 0 : i32
        %add3A_291 = arith.addi %mul3A_289, %add3A_290 : i32
        %get3A_292 = arith.index_cast %add3A_291 : i32 to index
        %get3A_293 = tpu.vector_load %arg6[%get3A_292] {strides = array<i32>} : memref<10080xi32, #tpu.memory_space<vmem>>, vector<16xi32>,
        %and3A_294 = arith.andi %get3A_293, %broadcast_in_dim3A_285 : vector<16xi32>
        %swap3A_295 = arith.constant 0 : index
        %swap3A_296 = tpu.vector_load %arg9[%swap3A_295] {strides = array<i32>} : memref<112xi32, #tpu.memory_space<vmem>>, vector<16xi32>,
        tpu.vector_store %arg9[%swap3A_295], %and3A_294 {strides = array<i32>} : memref<112xi32, #tpu.memory_space<vmem>>, vector<16xi32>,
        %shift_right_logical3A_297 = arith.shrui %get3A_293, %broadcast_in_dim3A_287 : vector<16xi32>
        %swap3A_298 = arith.constant 0 : index
        %swap3A_299 = tpu.vector_load %arg11[%swap3A_298] {strides = array<i32>} : memref<112xi32, #tpu.memory_space<vmem>>, vector<16xi32>,
        tpu.vector_store %arg11[%swap3A_298], %shift_right_logical3A_297 {strides = array<i32>} : memref<112xi32, #tpu.memory_space<vmem>>, vector<16xi32>,
        %mul3A_300 = arith.constant 112 : i32
        %mul3A_301 = arith.muli %add3A_283, %mul3A_300 : i32
        %add3A_302 = arith.constant 16 : i32
        %add3A_303 = arith.addi %mul3A_301, %add3A_302 : i32
        %get3A_304 = arith.index_cast %add3A_303 : i32 to index
        %get3A_305 = tpu.vector_load %arg6[%get3A_304] {strides = array<i32>} : memref<10080xi32, #tpu.memory_space<vmem>>, vector<16xi32>,
        %and3A_306 = arith.andi %get3A_305, %broadcast_in_dim3A_285 : vector<16xi32>
        %swap3A_307 = arith.constant 16 : index
        %swap3A_308 = tpu.vector_load %arg9[%swap3A_307] {strides = array<i32>} : memref<112xi32, #tpu.memory_space<vmem>>, vector<16xi32>,
        tpu.vector_store %arg9[%swap3A_307], %and3A_306 {strides = array<i32>} : memref<112xi32, #tpu.memory_space<vmem>>, vector<16xi32>,
        %shift_right_logical3A_309 = arith.shrui %get3A_305, %broadcast_in_dim3A_287 : vector<16xi32>
        %swap3A_310 = arith.constant 16 : index
        %swap3A_311 = tpu.vector_load %arg11[%swap3A_310] {strides = array<i32>} : memref<112xi32, #tpu.memory_space<vmem>>, vector<16xi32>,
        tpu.vector_store %arg11[%swap3A_310], %shift_right_logical3A_309 {strides = array<i32>} : memref<112xi32, #tpu.memory_space<vmem>>, vector<16xi32>,
        %mul3A_312 = arith.constant 112 : i32
        %mul3A_313 = arith.muli %add3A_283, %mul3A_312 : i32
        %add3A_314 = arith.constant 32 : i32
        %add3A_315 = arith.addi %mul3A_313, %add3A_314 : i32
        %get3A_316 = arith.index_cast %add3A_315 : i32 to index
        %get3A_317 = tpu.vector_load %arg6[%get3A_316] {strides = array<i32>} : memref<10080xi32, #tpu.memory_space<vmem>>, vector<16xi32>,
        %and3A_318 = arith.andi %get3A_317, %broadcast_in_dim3A_285 : vector<16xi32>
        %swap3A_319 = arith.constant 32 : index
        %swap3A_320 = tpu.vector_load %arg9[%swap3A_319] {strides = array<i32>} : memref<112xi32, #tpu.memory_space<vmem>>, vector<16xi32>,
        tpu.vector_store %arg9[%swap3A_319], %and3A_318 {strides = array<i32>} : memref<112xi32, #tpu.memory_space<vmem>>, vector<16xi32>,
        %shift_right_logical3A_321 = arith.shrui %get3A_317, %broadcast_in_dim3A_287 : vector<16xi32>
        %swap3A_322 = arith.constant 32 : index
        %swap3A_323 = tpu.vector_load %arg11[%swap3A_322] {strides = array<i32>} : memref<112xi32, #tpu.memory_space<vmem>>, vector<16xi32>,
        tpu.vector_store %arg11[%swap3A_322], %shift_right_logical3A_321 {strides = array<i32>} : memref<112xi32, #tpu.memory_space<vmem>>, vector<16xi32>,
        %mul3A_324 = arith.constant 112 : i32
        %mul3A_325 = arith.muli %add3A_283, %mul3A_324 : i32
        %add3A_326 = arith.constant 48 : i32
        %add3A_327 = arith.addi %mul3A_325, %add3A_326 : i32
        %get3A_328 = arith.index_cast %add3A_327 : i32 to index
        %get3A_329 = tpu.vector_load %arg6[%get3A_328] {strides = array<i32>} : memref<10080xi32, #tpu.memory_space<vmem>>, vector<16xi32>,
        %and3A_330 = arith.andi %get3A_329, %broadcast_in_dim3A_285 : vector<16xi32>
        %swap3A_331 = arith.constant 48 : index
        %swap3A_332 = tpu.vector_load %arg9[%swap3A_331] {strides = array<i32>} : memref<112xi32, #tpu.memory_space<vmem>>, vector<16xi32>,
        tpu.vector_store %arg9[%swap3A_331], %and3A_330 {strides = array<i32>} : memref<112xi32, #tpu.memory_space<vmem>>, vector<16xi32>,
        %shift_right_logical3A_333 = arith.shrui %get3A_329, %broadcast_in_dim3A_287 : vector<16xi32>
        %swap3A_334 = arith.constant 48 : index
        %swap3A_335 = tpu.vector_load %arg11[%swap3A_334] {strides = array<i32>} : memref<112xi32, #tpu.memory_space<vmem>>, vector<16xi32>,
        tpu.vector_store %arg11[%swap3A_334], %shift_right_logical3A_333 {strides = array<i32>} : memref<112xi32, #tpu.memory_space<vmem>>, vector<16xi32>,
        %mul3A_336 = arith.constant 112 : i32
        %mul3A_337 = arith.muli %add3A_283, %mul3A_336 : i32
        %add3A_338 = arith.constant 64 : i32
        %add3A_339 = arith.addi %mul3A_337, %add3A_338 : i32
        %get3A_340 = arith.index_cast %add3A_339 : i32 to index
        %get3A_341 = tpu.vector_load %arg6[%get3A_340] {strides = array<i32>} : memref<10080xi32, #tpu.memory_space<vmem>>, vector<16xi32>,
        %and3A_342 = arith.andi %get3A_341, %broadcast_in_dim3A_285 : vector<16xi32>
        %swap3A_343 = arith.constant 64 : index
        %swap3A_344 = tpu.vector_load %arg9[%swap3A_343] {strides = array<i32>} : memref<112xi32, #tpu.memory_space<vmem>>, vector<16xi32>,
        tpu.vector_store %arg9[%swap3A_343], %and3A_342 {strides = array<i32>} : memref<112xi32, #tpu.memory_space<vmem>>, vector<16xi32>,
        %shift_right_logical3A_345 = arith.shrui %get3A_341, %broadcast_in_dim3A_287 : vector<16xi32>
        %swap3A_346 = arith.constant 64 : index
        %swap3A_347 = tpu.vector_load %arg11[%swap3A_346] {strides = array<i32>} : memref<112xi32, #tpu.memory_space<vmem>>, vector<16xi32>,
        tpu.vector_store %arg11[%swap3A_346], %shift_right_logical3A_345 {strides = array<i32>} : memref<112xi32, #tpu.memory_space<vmem>>, vector<16xi32>,
        %mul3A_348 = arith.constant 112 : i32
        %mul3A_349 = arith.muli %add3A_283, %mul3A_348 : i32
        %add3A_350 = arith.constant 80 : i32
        %add3A_351 = arith.addi %mul3A_349, %add3A_350 : i32
        %get3A_352 = arith.index_cast %add3A_351 : i32 to index
        %get3A_353 = tpu.vector_load %arg6[%get3A_352] {strides = array<i32>} : memref<10080xi32, #tpu.memory_space<vmem>>, vector<16xi32>,
        %and3A_354 = arith.andi %get3A_353, %broadcast_in_dim3A_285 : vector<16xi32>
        %swap3A_355 = arith.constant 80 : index
        %swap3A_356 = tpu.vector_load %arg9[%swap3A_355] {strides = array<i32>} : memref<112xi32, #tpu.memory_space<vmem>>, vector<16xi32>,
        tpu.vector_store %arg9[%swap3A_355], %and3A_354 {strides = array<i32>} : memref<112xi32, #tpu.memory_space<vmem>>, vector<16xi32>,
        %shift_right_logical3A_357 = arith.shrui %get3A_353, %broadcast_in_dim3A_287 : vector<16xi32>
        %swap3A_358 = arith.constant 80 : index
        %swap3A_359 = tpu.vector_load %arg11[%swap3A_358] {strides = array<i32>} : memref<112xi32, #tpu.memory_space<vmem>>, vector<16xi32>,
        tpu.vector_store %arg11[%swap3A_358], %shift_right_logical3A_357 {strides = array<i32>} : memref<112xi32, #tpu.memory_space<vmem>>, vector<16xi32>,
        %mul3A_360 = arith.constant 112 : i32
        %mul3A_361 = arith.muli %add3A_283, %mul3A_360 : i32
        %add3A_362 = arith.constant 96 : i32
        %add3A_363 = arith.addi %mul3A_361, %add3A_362 : i32
        %get3A_364 = arith.index_cast %add3A_363 : i32 to index
        %get3A_365 = tpu.vector_load %arg6[%get3A_364] {strides = array<i32>} : memref<10080xi32, #tpu.memory_space<vmem>>, vector<16xi32>,
        %and3A_366 = arith.andi %get3A_365, %broadcast_in_dim3A_285 : vector<16xi32>
        %swap3A_367 = arith.constant 96 : index
        %swap3A_368 = tpu.vector_load %arg9[%swap3A_367] {strides = array<i32>} : memref<112xi32, #tpu.memory_space<vmem>>, vector<16xi32>,
        tpu.vector_store %arg9[%swap3A_367], %and3A_366 {strides = array<i32>} : memref<112xi32, #tpu.memory_space<vmem>>, vector<16xi32>,
        %shift_right_logical3A_369 = arith.shrui %get3A_365, %broadcast_in_dim3A_287 : vector<16xi32>
        %swap3A_370 = arith.constant 96 : index
        %swap3A_371 = tpu.vector_load %arg11[%swap3A_370] {strides = array<i32>} : memref<112xi32, #tpu.memory_space<vmem>>, vector<16xi32>,
        tpu.vector_store %arg11[%swap3A_370], %shift_right_logical3A_369 {strides = array<i32>} : memref<112xi32, #tpu.memory_space<vmem>>, vector<16xi32>,
        %dma_start3A_372 = arith.constant 0 : i32
        %dma_start3A_373 = arith.constant 0 : i32
        %dma_start3A_374 = tpu.memref_slice %arg2[%dma_start3A_372, %dma_start3A_373] : memref<10000x128xf32, #tpu.memory_space<hbm>> -> memref<10000x128xf32, #tpu.memory_space<hbm>>
        tpu.enqueue_indirect_dma source(%dma_start3A_374 : memref<10000x128xf32, #tpu.memory_space<hbm>>) target(%arg13 : memref<112x128xf32, #tpu.memory_space<vmem>>) offsets(%arg9 : memref<112xi32, #tpu.memory_space<vmem>>) semaphore(%arg16 : memref<!tpu.dma_semaphore, #tpu.memory_space<semaphore_mem>>)
      } else {
      }
      %mul3A_141 = arith.constant 112 : i32
      %mul3A_142 = arith.muli %mul3A_127, %mul3A_141 : i32
      %broadcast_in_dim3A_143 = arith.constant 1.000000e+00 : f32
      %broadcast_in_dim3A_144 = vector.broadcast %broadcast_in_dim3A_143 : f32 to vector<16xf32>
      %get3A_145 = arith.index_cast %mul3A_142 : i32 to index
      %get3A_146 = tpu.vector_load %arg7[%get3A_145] {strides = array<i32>} : memref<10080xf32, #tpu.memory_space<vmem>>, vector<16xf32>,
      %eq3A_147 = arith.cmpf oeq, %get3A_146, %broadcast_in_dim3A_144 : vector<16xf32>
      %add3A_148 = arith.constant 16 : i32
      %add3A_149 = arith.addi %mul3A_142, %add3A_148 : i32
      %get3A_150 = arith.index_cast %add3A_149 : i32 to index
      %get3A_151 = tpu.vector_load %arg7[%get3A_150] {strides = array<i32>} : memref<10080xf32, #tpu.memory_space<vmem>>, vector<16xf32>,
      %eq3A_152 = arith.cmpf oeq, %get3A_151, %broadcast_in_dim3A_144 : vector<16xf32>
      %and3A_153 = arith.andi %eq3A_147, %eq3A_152 : vector<16xi1>
      %add3A_154 = arith.constant 32 : i32
      %add3A_155 = arith.addi %mul3A_142, %add3A_154 : i32
      %get3A_156 = arith.index_cast %add3A_155 : i32 to index
      %get3A_157 = tpu.vector_load %arg7[%get3A_156] {strides = array<i32>} : memref<10080xf32, #tpu.memory_space<vmem>>, vector<16xf32>,
      %eq3A_158 = arith.cmpf oeq, %get3A_157, %broadcast_in_dim3A_144 : vector<16xf32>
      %and3A_159 = arith.andi %and3A_153, %eq3A_158 : vector<16xi1>
      %add3A_160 = arith.constant 48 : i32
      %add3A_161 = arith.addi %mul3A_142, %add3A_160 : i32
      %get3A_162 = arith.index_cast %add3A_161 : i32 to index
      %get3A_163 = tpu.vector_load %arg7[%get3A_162] {strides = array<i32>} : memref<10080xf32, #tpu.memory_space<vmem>>, vector<16xf32>,
      %eq3A_164 = arith.cmpf oeq, %get3A_163, %broadcast_in_dim3A_144 : vector<16xf32>
      %and3A_165 = arith.andi %and3A_159, %eq3A_164 : vector<16xi1>
      %add3A_166 = arith.constant 64 : i32
      %add3A_167 = arith.addi %mul3A_142, %add3A_166 : i32
      %get3A_168 = arith.index_cast %add3A_167 : i32 to index
      %get3A_169 = tpu.vector_load %arg7[%get3A_168] {strides = array<i32>} : memref<10080xf32, #tpu.memory_space<vmem>>, vector<16xf32>,
      %eq3A_170 = arith.cmpf oeq, %get3A_169, %broadcast_in_dim3A_144 : vector<16xf32>
      %and3A_171 = arith.andi %and3A_165, %eq3A_170 : vector<16xi1>
      %add3A_172 = arith.constant 80 : i32
      %add3A_173 = arith.addi %mul3A_142, %add3A_172 : i32
      %get3A_174 = arith.index_cast %add3A_173 : i32 to index
      %get3A_175 = tpu.vector_load %arg7[%get3A_174] {strides = array<i32>} : memref<10080xf32, #tpu.memory_space<vmem>>, vector<16xf32>,
      %eq3A_176 = arith.cmpf oeq, %get3A_175, %broadcast_in_dim3A_144 : vector<16xf32>
      %and3A_177 = arith.andi %and3A_171, %eq3A_176 : vector<16xi1>
      %add3A_178 = arith.constant 96 : i32
      %add3A_179 = arith.addi %mul3A_142, %add3A_178 : i32
      %get3A_180 = arith.index_cast %add3A_179 : i32 to index
      %get3A_181 = tpu.vector_load %arg7[%get3A_180] {strides = array<i32>} : memref<10080xf32, #tpu.memory_space<vmem>>, vector<16xf32>,
      %eq3A_182 = arith.cmpf oeq, %get3A_181, %broadcast_in_dim3A_144 : vector<16xf32>
      %and3A_183 = arith.andi %and3A_177, %eq3A_182 : vector<16xi1>
      %reduce_and3A = arith.constant 1.000000e+00 : f32
      %reduce_and3A_184 = arith.constant 0.000000e+00 : f32
      %reduce_and3A_185 = vector.broadcast %reduce_and3A : f32 to vector<16xf32>
      %reduce_and3A_186 = vector.broadcast %reduce_and3A_184 : f32 to vector<16xf32>
      %reduce_and3A_187 = arith.select %and3A_183, %reduce_and3A_185, %reduce_and3A_186 : vector<16xi1>, vector<16xf32>
      %reduce_and3A_188 = arith.constant true
      %reduce_and3A_189 = vector.broadcast %reduce_and3A_188 : i1 to vector<16xi1>
      %reduce_and3A_190 = tpu.scan <min>, %reduce_and3A_187 masked %reduce_and3A_189 : vector<16xf32>, vector<16xi1> -> vector<16xf32>
      %reduce_and3A_191 = vector.extract %reduce_and3A_190[15] : f32 from vector<16xf32>
      %reduce_and3A_192 = arith.constant 0.000000e+00 : f32
      %reduce_and3A_193 = arith.cmpf ogt, %reduce_and3A_191, %reduce_and3A_192 : f32
      %not3A = arith.constant true
      %not3A_194 = arith.xori %reduce_and3A_193, %not3A : i1
      %convert_element_type3A_195 = arith.extui %not3A_194 : i1 to i32
      %cond3A_196 = arith.constant 0 : i32
      %cond3A_197 = arith.cmpi ne, %convert_element_type3A_195, %cond3A_196 : i32
      scf.if %cond3A_197 {
        %scan3A_282 = arith.constant 0 : i32
        %scan3A_283 = arith.constant 112 : i32
        %scan3A_284 = arith.addi %scan3A_282, %scan3A_283 : i32
        %scan3A_285 = arith.constant 2 : i32
        scf.for %scan3A_287 = %scan3A_282 to %scan3A_284 step %scan3A_285  : i32 {
          %mul3A_288 = arith.constant 1 : i32
          %mul3A_289 = arith.muli %scan3A_287, %mul3A_288 : i32
          %add3A_290 = arith.constant 0 : i32
          %add3A_291 = arith.addi %add3A_290, %mul3A_289 : i32
          %add3A_292 = arith.addi %mul3A_142, %add3A_291 : i32
          %broadcast_in_dim3A_293 = vector.broadcast %add3A_292 : i32 to vector<16xi32>
          %gather3A = tpu.vector_load_idx %arg7[%broadcast_in_dim3A_293] : memref<10080xf32, #tpu.memory_space<vmem>>[vector<16xi32>], vector<16xf32>,
          %get3A_294 = arith.index_cast %add3A_291 : i32 to index
          %get3A_295 = arith.constant 0 : index
          %get3A_296 = tpu.vector_load %arg12[%get3A_294, %get3A_295] {strides = array<i32>} : memref<112x128xf32, #tpu.memory_space<vmem>>, vector<16xf32>,
          %mul3A_297 = arith.mulf %get3A_296, %gather3A : vector<16xf32>
          %swap3A_298 = arith.index_cast %add3A_291 : i32 to index
          %swap3A_299 = arith.constant 0 : index
          %swap3A_300 = tpu.vector_load %arg12[%swap3A_298, %swap3A_299] {strides = array<i32>} : memref<112x128xf32, #tpu.memory_space<vmem>>, vector<16xf32>,
          tpu.vector_store %arg12[%swap3A_298, %swap3A_299], %mul3A_297 {strides = array<i32>} : memref<112x128xf32, #tpu.memory_space<vmem>>, vector<16xf32>,
          %get3A_301 = arith.index_cast %add3A_291 : i32 to index
          %get3A_302 = arith.constant 16 : index
          %get3A_303 = tpu.vector_load %arg12[%get3A_301, %get3A_302] {strides = array<i32>} : memref<112x128xf32, #tpu.memory_space<vmem>>, vector<16xf32>,
          %mul3A_304 = arith.mulf %get3A_303, %gather3A : vector<16xf32>
          %swap3A_305 = arith.index_cast %add3A_291 : i32 to index
          %swap3A_306 = arith.constant 16 : index
          %swap3A_307 = tpu.vector_load %arg12[%swap3A_305, %swap3A_306] {strides = array<i32>} : memref<112x128xf32, #tpu.memory_space<vmem>>, vector<16xf32>,
          tpu.vector_store %arg12[%swap3A_305, %swap3A_306], %mul3A_304 {strides = array<i32>} : memref<112x128xf32, #tpu.memory_space<vmem>>, vector<16xf32>,
          %get3A_308 = arith.index_cast %add3A_291 : i32 to index
          %get3A_309 = arith.constant 32 : index
          %get3A_310 = tpu.vector_load %arg12[%get3A_308, %get3A_309] {strides = array<i32>} : memref<112x128xf32, #tpu.memory_space<vmem>>, vector<16xf32>,
          %mul3A_311 = arith.mulf %get3A_310, %gather3A : vector<16xf32>
          %swap3A_312 = arith.index_cast %add3A_291 : i32 to index
          %swap3A_313 = arith.constant 32 : index
          %swap3A_314 = tpu.vector_load %arg12[%swap3A_312, %swap3A_313] {strides = array<i32>} : memref<112x128xf32, #tpu.memory_space<vmem>>, vector<16xf32>,
          tpu.vector_store %arg12[%swap3A_312, %swap3A_313], %mul3A_311 {strides = array<i32>} : memref<112x128xf32, #tpu.memory_space<vmem>>, vector<16xf32>,
          %get3A_315 = arith.index_cast %add3A_291 : i32 to index
          %get3A_316 = arith.constant 48 : index
          %get3A_317 = tpu.vector_load %arg12[%get3A_315, %get3A_316] {strides = array<i32>} : memref<112x128xf32, #tpu.memory_space<vmem>>, vector<16xf32>,
          %mul3A_318 = arith.mulf %get3A_317, %gather3A : vector<16xf32>
          %swap3A_319 = arith.index_cast %add3A_291 : i32 to index
          %swap3A_320 = arith.constant 48 : index
          %swap3A_321 = tpu.vector_load %arg12[%swap3A_319, %swap3A_320] {strides = array<i32>} : memref<112x128xf32, #tpu.memory_space<vmem>>, vector<16xf32>,
          tpu.vector_store %arg12[%swap3A_319, %swap3A_320], %mul3A_318 {strides = array<i32>} : memref<112x128xf32, #tpu.memory_space<vmem>>, vector<16xf32>,
          %get3A_322 = arith.index_cast %add3A_291 : i32 to index
          %get3A_323 = arith.constant 64 : index
          %get3A_324 = tpu.vector_load %arg12[%get3A_322, %get3A_323] {strides = array<i32>} : memref<112x128xf32, #tpu.memory_space<vmem>>, vector<16xf32>,
          %mul3A_325 = arith.mulf %get3A_324, %gather3A : vector<16xf32>
          %swap3A_326 = arith.index_cast %add3A_291 : i32 to index
          %swap3A_327 = arith.constant 64 : index
          %swap3A_328 = tpu.vector_load %arg12[%swap3A_326, %swap3A_327] {strides = array<i32>} : memref<112x128xf32, #tpu.memory_space<vmem>>, vector<16xf32>,
          tpu.vector_store %arg12[%swap3A_326, %swap3A_327], %mul3A_325 {strides = array<i32>} : memref<112x128xf32, #tpu.memory_space<vmem>>, vector<16xf32>,
          %get3A_329 = arith.index_cast %add3A_291 : i32 to index
          %get3A_330 = arith.constant 80 : index
          %get3A_331 = tpu.vector_load %arg12[%get3A_329, %get3A_330] {strides = array<i32>} : memref<112x128xf32, #tpu.memory_space<vmem>>, vector<16xf32>,
          %mul3A_332 = arith.mulf %get3A_331, %gather3A : vector<16xf32>
          %swap3A_333 = arith.index_cast %add3A_291 : i32 to index
          %swap3A_334 = arith.constant 80 : index
          %swap3A_335 = tpu.vector_load %arg12[%swap3A_333, %swap3A_334] {strides = array<i32>} : memref<112x128xf32, #tpu.memory_space<vmem>>, vector<16xf32>,
          tpu.vector_store %arg12[%swap3A_333, %swap3A_334], %mul3A_332 {strides = array<i32>} : memref<112x128xf32, #tpu.memory_space<vmem>>, vector<16xf32>,
          %get3A_336 = arith.index_cast %add3A_291 : i32 to index
          %get3A_337 = arith.constant 96 : index
          %get3A_338 = tpu.vector_load %arg12[%get3A_336, %get3A_337] {strides = array<i32>} : memref<112x128xf32, #tpu.memory_space<vmem>>, vector<16xf32>,
          %mul3A_339 = arith.mulf %get3A_338, %gather3A : vector<16xf32>
          %swap3A_340 = arith.index_cast %add3A_291 : i32 to index
          %swap3A_341 = arith.constant 96 : index
          %swap3A_342 = tpu.vector_load %arg12[%swap3A_340, %swap3A_341] {strides = array<i32>} : memref<112x128xf32, #tpu.memory_space<vmem>>, vector<16xf32>,
          tpu.vector_store %arg12[%swap3A_340, %swap3A_341], %mul3A_339 {strides = array<i32>} : memref<112x128xf32, #tpu.memory_space<vmem>>, vector<16xf32>,
          %get3A_343 = arith.index_cast %add3A_291 : i32 to index
          %get3A_344 = arith.constant 112 : index
          %get3A_345 = tpu.vector_load %arg12[%get3A_343, %get3A_344] {strides = array<i32>} : memref<112x128xf32, #tpu.memory_space<vmem>>, vector<16xf32>,
          %mul3A_346 = arith.mulf %get3A_345, %gather3A : vector<16xf32>
          %swap3A_347 = arith.index_cast %add3A_291 : i32 to index
          %swap3A_348 = arith.constant 112 : index
          %swap3A_349 = tpu.vector_load %arg12[%swap3A_347, %swap3A_348] {strides = array<i32>} : memref<112x128xf32, #tpu.memory_space<vmem>>, vector<16xf32>,
          tpu.vector_store %arg12[%swap3A_347, %swap3A_348], %mul3A_346 {strides = array<i32>} : memref<112x128xf32, #tpu.memory_space<vmem>>, vector<16xf32>,
          %scan3A_350 = arith.constant 1 : i32
          %scan3A_351 = arith.addi %scan3A_287, %scan3A_350 : i32
          %mul3A_352 = arith.constant 1 : i32
          %mul3A_353 = arith.muli %scan3A_351, %mul3A_352 : i32
          %add3A_354 = arith.constant 0 : i32
          %add3A_355 = arith.addi %add3A_354, %mul3A_353 : i32
          %add3A_356 = arith.addi %mul3A_142, %add3A_355 : i32
          %broadcast_in_dim3A_357 = vector.broadcast %add3A_356 : i32 to vector<16xi32>
          %gather3A_358 = tpu.vector_load_idx %arg7[%broadcast_in_dim3A_357] : memref<10080xf32, #tpu.memory_space<vmem>>[vector<16xi32>], vector<16xf32>,
          %get3A_359 = arith.index_cast %add3A_355 : i32 to index
          %get3A_360 = arith.constant 0 : index
          %get3A_361 = tpu.vector_load %arg12[%get3A_359, %get3A_360] {strides = array<i32>} : memref<112x128xf32, #tpu.memory_space<vmem>>, vector<16xf32>,
          %mul3A_362 = arith.mulf %get3A_361, %gather3A_358 : vector<16xf32>
          %swap3A_363 = arith.index_cast %add3A_355 : i32 to index
          %swap3A_364 = arith.constant 0 : index
          %swap3A_365 = tpu.vector_load %arg12[%swap3A_363, %swap3A_364] {strides = array<i32>} : memref<112x128xf32, #tpu.memory_space<vmem>>, vector<16xf32>,
          tpu.vector_store %arg12[%swap3A_363, %swap3A_364], %mul3A_362 {strides = array<i32>} : memref<112x128xf32, #tpu.memory_space<vmem>>, vector<16xf32>,
          %get3A_366 = arith.index_cast %add3A_355 : i32 to index
          %get3A_367 = arith.constant 16 : index
          %get3A_368 = tpu.vector_load %arg12[%get3A_366, %get3A_367] {strides = array<i32>} : memref<112x128xf32, #tpu.memory_space<vmem>>, vector<16xf32>,
          %mul3A_369 = arith.mulf %get3A_368, %gather3A_358 : vector<16xf32>
          %swap3A_370 = arith.index_cast %add3A_355 : i32 to index
          %swap3A_371 = arith.constant 16 : index
          %swap3A_372 = tpu.vector_load %arg12[%swap3A_370, %swap3A_371] {strides = array<i32>} : memref<112x128xf32, #tpu.memory_space<vmem>>, vector<16xf32>,
          tpu.vector_store %arg12[%swap3A_370, %swap3A_371], %mul3A_369 {strides = array<i32>} : memref<112x128xf32, #tpu.memory_space<vmem>>, vector<16xf32>,
          %get3A_373 = arith.index_cast %add3A_355 : i32 to index
          %get3A_374 = arith.constant 32 : index
          %get3A_375 = tpu.vector_load %arg12[%get3A_373, %get3A_374] {strides = array<i32>} : memref<112x128xf32, #tpu.memory_space<vmem>>, vector<16xf32>,
          %mul3A_376 = arith.mulf %get3A_375, %gather3A_358 : vector<16xf32>
          %swap3A_377 = arith.index_cast %add3A_355 : i32 to index
          %swap3A_378 = arith.constant 32 : index
          %swap3A_379 = tpu.vector_load %arg12[%swap3A_377, %swap3A_378] {strides = array<i32>} : memref<112x128xf32, #tpu.memory_space<vmem>>, vector<16xf32>,
          tpu.vector_store %arg12[%swap3A_377, %swap3A_378], %mul3A_376 {strides = array<i32>} : memref<112x128xf32, #tpu.memory_space<vmem>>, vector<16xf32>,
          %get3A_380 = arith.index_cast %add3A_355 : i32 to index
          %get3A_381 = arith.constant 48 : index
          %get3A_382 = tpu.vector_load %arg12[%get3A_380, %get3A_381] {strides = array<i32>} : memref<112x128xf32, #tpu.memory_space<vmem>>, vector<16xf32>,
          %mul3A_383 = arith.mulf %get3A_382, %gather3A_358 : vector<16xf32>
          %swap3A_384 = arith.index_cast %add3A_355 : i32 to index
          %swap3A_385 = arith.constant 48 : index
          %swap3A_386 = tpu.vector_load %arg12[%swap3A_384, %swap3A_385] {strides = array<i32>} : memref<112x128xf32, #tpu.memory_space<vmem>>, vector<16xf32>,
          tpu.vector_store %arg12[%swap3A_384, %swap3A_385], %mul3A_383 {strides = array<i32>} : memref<112x128xf32, #tpu.memory_space<vmem>>, vector<16xf32>,
          %get3A_387 = arith.index_cast %add3A_355 : i32 to index
          %get3A_388 = arith.constant 64 : index
          %get3A_389 = tpu.vector_load %arg12[%get3A_387, %get3A_388] {strides = array<i32>} : memref<112x128xf32, #tpu.memory_space<vmem>>, vector<16xf32>,
          %mul3A_390 = arith.mulf %get3A_389, %gather3A_358 : vector<16xf32>
          %swap3A_391 = arith.index_cast %add3A_355 : i32 to index
          %swap3A_392 = arith.constant 64 : index
          %swap3A_393 = tpu.vector_load %arg12[%swap3A_391, %swap3A_392] {strides = array<i32>} : memref<112x128xf32, #tpu.memory_space<vmem>>, vector<16xf32>,
          tpu.vector_store %arg12[%swap3A_391, %swap3A_392], %mul3A_390 {strides = array<i32>} : memref<112x128xf32, #tpu.memory_space<vmem>>, vector<16xf32>,
          %get3A_394 = arith.index_cast %add3A_355 : i32 to index
          %get3A_395 = arith.constant 80 : index
          %get3A_396 = tpu.vector_load %arg12[%get3A_394, %get3A_395] {strides = array<i32>} : memref<112x128xf32, #tpu.memory_space<vmem>>, vector<16xf32>,
          %mul3A_397 = arith.mulf %get3A_396, %gather3A_358 : vector<16xf32>
          %swap3A_398 = arith.index_cast %add3A_355 : i32 to index
          %swap3A_399 = arith.constant 80 : index
          %swap3A_400 = tpu.vector_load %arg12[%swap3A_398, %swap3A_399] {strides = array<i32>} : memref<112x128xf32, #tpu.memory_space<vmem>>, vector<16xf32>,
          tpu.vector_store %arg12[%swap3A_398, %swap3A_399], %mul3A_397 {strides = array<i32>} : memref<112x128xf32, #tpu.memory_space<vmem>>, vector<16xf32>,
          %get3A_401 = arith.index_cast %add3A_355 : i32 to index
          %get3A_402 = arith.constant 96 : index
          %get3A_403 = tpu.vector_load %arg12[%get3A_401, %get3A_402] {strides = array<i32>} : memref<112x128xf32, #tpu.memory_space<vmem>>, vector<16xf32>,
          %mul3A_404 = arith.mulf %get3A_403, %gather3A_358 : vector<16xf32>
          %swap3A_405 = arith.index_cast %add3A_355 : i32 to index
          %swap3A_406 = arith.constant 96 : index
          %swap3A_407 = tpu.vector_load %arg12[%swap3A_405, %swap3A_406] {strides = array<i32>} : memref<112x128xf32, #tpu.memory_space<vmem>>, vector<16xf32>,
          tpu.vector_store %arg12[%swap3A_405, %swap3A_406], %mul3A_404 {strides = array<i32>} : memref<112x128xf32, #tpu.memory_space<vmem>>, vector<16xf32>,
          %get3A_408 = arith.index_cast %add3A_355 : i32 to index
          %get3A_409 = arith.constant 112 : index
          %get3A_410 = tpu.vector_load %arg12[%get3A_408, %get3A_409] {strides = array<i32>} : memref<112x128xf32, #tpu.memory_space<vmem>>, vector<16xf32>,
          %mul3A_411 = arith.mulf %get3A_410, %gather3A_358 : vector<16xf32>
          %swap3A_412 = arith.index_cast %add3A_355 : i32 to index
          %swap3A_413 = arith.constant 112 : index
          %swap3A_414 = tpu.vector_load %arg12[%swap3A_412, %swap3A_413] {strides = array<i32>} : memref<112x128xf32, #tpu.memory_space<vmem>>, vector<16xf32>,
          tpu.vector_store %arg12[%swap3A_412, %swap3A_413], %mul3A_411 {strides = array<i32>} : memref<112x128xf32, #tpu.memory_space<vmem>>, vector<16xf32>,
        }
        %scan3A_286 = arith.constant 112 : i32
      } else {
      }
      %dma_start3A_198 = arith.constant 0 : i32
      %dma_start3A_199 = arith.constant 0 : i32
      %dma_start3A_200 = tpu.memref_slice %arg14[%dma_start3A_198, %dma_start3A_199] : memref<10008x128xf32, #tpu.memory_space<vmem_shared>> -> memref<10008x128xf32, #tpu.memory_space<vmem_shared>>
      tpu.enqueue_indirect_dma source(%arg12 : memref<112x128xf32, #tpu.memory_space<vmem>>) target(%dma_start3A_200 : memref<10008x128xf32, #tpu.memory_space<vmem_shared>>) offsets(%arg10 : memref<112xi32, #tpu.memory_space<vmem>>) semaphore(%arg17 : memref<!tpu.dma_semaphore, #tpu.memory_space<semaphore_mem>>) {add = true}
      %mul3A_201 = arith.constant 2 : i32
      %mul3A_202 = arith.muli %mul3A_201, %add3A_125 : i32
      %add3A_203 = arith.constant 1 : i32
      %add3A_204 = arith.addi %mul3A_202, %add3A_203 : i32
      %dma_wait3A_205 = arith.constant 0 : i32
      %dma_wait3A_206 = arith.constant 0 : i32
      %dma_wait3A_207 = tpu.memref_slice %arg2[%dma_wait3A_205, %dma_wait3A_206] : memref<10000x128xf32, #tpu.memory_space<hbm>> -> memref<10000x128xf32, #tpu.memory_space<hbm>>
      tpu.wait_indirect_dma semaphore(%arg16 : memref<!tpu.dma_semaphore, #tpu.memory_space<semaphore_mem>>) src(%dma_wait3A_207 : memref<10000x128xf32, #tpu.memory_space<hbm>>) dst(%arg13 : memref<112x128xf32, #tpu.memory_space<vmem>>)
      %ge3A_208 = arith.constant 1 : i32
      %ge3A_209 = arith.cmpi sge, %add3A_204, %ge3A_208 : i32
      %convert_element_type3A_210 = arith.extui %ge3A_209 : i1 to i32
      %cond3A_211 = arith.constant 0 : i32
      %cond3A_212 = arith.cmpi ne, %convert_element_type3A_210, %cond3A_211 : i32
      scf.if %cond3A_212 {
        %dma_wait3A_282 = arith.constant 0 : i32
        %dma_wait3A_283 = arith.constant 0 : i32
        %dma_wait3A_284 = tpu.memref_slice %arg14[%dma_wait3A_282, %dma_wait3A_283] : memref<10008x128xf32, #tpu.memory_space<vmem_shared>> -> memref<10008x128xf32, #tpu.memory_space<vmem_shared>>
        tpu.wait_indirect_dma semaphore(%arg17 : memref<!tpu.dma_semaphore, #tpu.memory_space<semaphore_mem>>) src(%arg12 : memref<112x128xf32, #tpu.memory_space<vmem>>) dst(%dma_wait3A_284 : memref<10008x128xf32, #tpu.memory_space<vmem_shared>>)
      } else {
      }
      %add3A_213 = arith.constant 1 : i32
      %add3A_214 = arith.addi %add3A_204, %add3A_213 : i32
      %lt3A_215 = arith.constant 90 : i32
      %lt3A_216 = arith.cmpi slt, %add3A_214, %lt3A_215 : i32
      %convert_element_type3A_217 = arith.extui %lt3A_216 : i1 to i32
      %cond3A_218 = arith.constant 0 : i32
      %cond3A_219 = arith.cmpi ne, %convert_element_type3A_217, %cond3A_218 : i32
      scf.if %cond3A_219 {
        %add3A_282 = arith.constant 1 : i32
        %add3A_283 = arith.addi %add3A_204, %add3A_282 : i32
        %broadcast_in_dim3A_284 = arith.constant 16383 : i32
        %broadcast_in_dim3A_285 = vector.broadcast %broadcast_in_dim3A_284 : i32 to vector<16xi32>
        %broadcast_in_dim3A_286 = arith.constant 14 : i32
        %broadcast_in_dim3A_287 = vector.broadcast %broadcast_in_dim3A_286 : i32 to vector<16xi32>
        %mul3A_288 = arith.constant 112 : i32
        %mul3A_289 = arith.muli %add3A_283, %mul3A_288 : i32
        %add3A_290 = arith.constant 0 : i32
        %add3A_291 = arith.addi %mul3A_289, %add3A_290 : i32
        %get3A_292 = arith.index_cast %add3A_291 : i32 to index
        %get3A_293 = tpu.vector_load %arg6[%get3A_292] {strides = array<i32>} : memref<10080xi32, #tpu.memory_space<vmem>>, vector<16xi32>,
        %and3A_294 = arith.andi %get3A_293, %broadcast_in_dim3A_285 : vector<16xi32>
        %swap3A_295 = arith.constant 0 : index
        %swap3A_296 = tpu.vector_load %arg8[%swap3A_295] {strides = array<i32>} : memref<112xi32, #tpu.memory_space<vmem>>, vector<16xi32>,
        tpu.vector_store %arg8[%swap3A_295], %and3A_294 {strides = array<i32>} : memref<112xi32, #tpu.memory_space<vmem>>, vector<16xi32>,
        %shift_right_logical3A_297 = arith.shrui %get3A_293, %broadcast_in_dim3A_287 : vector<16xi32>
        %swap3A_298 = arith.constant 0 : index
        %swap3A_299 = tpu.vector_load %arg10[%swap3A_298] {strides = array<i32>} : memref<112xi32, #tpu.memory_space<vmem>>, vector<16xi32>,
        tpu.vector_store %arg10[%swap3A_298], %shift_right_logical3A_297 {strides = array<i32>} : memref<112xi32, #tpu.memory_space<vmem>>, vector<16xi32>,
        %mul3A_300 = arith.constant 112 : i32
        %mul3A_301 = arith.muli %add3A_283, %mul3A_300 : i32
        %add3A_302 = arith.constant 16 : i32
        %add3A_303 = arith.addi %mul3A_301, %add3A_302 : i32
        %get3A_304 = arith.index_cast %add3A_303 : i32 to index
        %get3A_305 = tpu.vector_load %arg6[%get3A_304] {strides = array<i32>} : memref<10080xi32, #tpu.memory_space<vmem>>, vector<16xi32>,
        %and3A_306 = arith.andi %get3A_305, %broadcast_in_dim3A_285 : vector<16xi32>
        %swap3A_307 = arith.constant 16 : index
        %swap3A_308 = tpu.vector_load %arg8[%swap3A_307] {strides = array<i32>} : memref<112xi32, #tpu.memory_space<vmem>>, vector<16xi32>,
        tpu.vector_store %arg8[%swap3A_307], %and3A_306 {strides = array<i32>} : memref<112xi32, #tpu.memory_space<vmem>>, vector<16xi32>,
        %shift_right_logical3A_309 = arith.shrui %get3A_305, %broadcast_in_dim3A_287 : vector<16xi32>
        %swap3A_310 = arith.constant 16 : index
        %swap3A_311 = tpu.vector_load %arg10[%swap3A_310] {strides = array<i32>} : memref<112xi32, #tpu.memory_space<vmem>>, vector<16xi32>,
        tpu.vector_store %arg10[%swap3A_310], %shift_right_logical3A_309 {strides = array<i32>} : memref<112xi32, #tpu.memory_space<vmem>>, vector<16xi32>,
        %mul3A_312 = arith.constant 112 : i32
        %mul3A_313 = arith.muli %add3A_283, %mul3A_312 : i32
        %add3A_314 = arith.constant 32 : i32
        %add3A_315 = arith.addi %mul3A_313, %add3A_314 : i32
        %get3A_316 = arith.index_cast %add3A_315 : i32 to index
        %get3A_317 = tpu.vector_load %arg6[%get3A_316] {strides = array<i32>} : memref<10080xi32, #tpu.memory_space<vmem>>, vector<16xi32>,
        %and3A_318 = arith.andi %get3A_317, %broadcast_in_dim3A_285 : vector<16xi32>
        %swap3A_319 = arith.constant 32 : index
        %swap3A_320 = tpu.vector_load %arg8[%swap3A_319] {strides = array<i32>} : memref<112xi32, #tpu.memory_space<vmem>>, vector<16xi32>,
        tpu.vector_store %arg8[%swap3A_319], %and3A_318 {strides = array<i32>} : memref<112xi32, #tpu.memory_space<vmem>>, vector<16xi32>,
        %shift_right_logical3A_321 = arith.shrui %get3A_317, %broadcast_in_dim3A_287 : vector<16xi32>
        %swap3A_322 = arith.constant 32 : index
        %swap3A_323 = tpu.vector_load %arg10[%swap3A_322] {strides = array<i32>} : memref<112xi32, #tpu.memory_space<vmem>>, vector<16xi32>,
        tpu.vector_store %arg10[%swap3A_322], %shift_right_logical3A_321 {strides = array<i32>} : memref<112xi32, #tpu.memory_space<vmem>>, vector<16xi32>,
        %mul3A_324 = arith.constant 112 : i32
        %mul3A_325 = arith.muli %add3A_283, %mul3A_324 : i32
        %add3A_326 = arith.constant 48 : i32
        %add3A_327 = arith.addi %mul3A_325, %add3A_326 : i32
        %get3A_328 = arith.index_cast %add3A_327 : i32 to index
        %get3A_329 = tpu.vector_load %arg6[%get3A_328] {strides = array<i32>} : memref<10080xi32, #tpu.memory_space<vmem>>, vector<16xi32>,
        %and3A_330 = arith.andi %get3A_329, %broadcast_in_dim3A_285 : vector<16xi32>
        %swap3A_331 = arith.constant 48 : index
        %swap3A_332 = tpu.vector_load %arg8[%swap3A_331] {strides = array<i32>} : memref<112xi32, #tpu.memory_space<vmem>>, vector<16xi32>,
        tpu.vector_store %arg8[%swap3A_331], %and3A_330 {strides = array<i32>} : memref<112xi32, #tpu.memory_space<vmem>>, vector<16xi32>,
        %shift_right_logical3A_333 = arith.shrui %get3A_329, %broadcast_in_dim3A_287 : vector<16xi32>
        %swap3A_334 = arith.constant 48 : index
        %swap3A_335 = tpu.vector_load %arg10[%swap3A_334] {strides = array<i32>} : memref<112xi32, #tpu.memory_space<vmem>>, vector<16xi32>,
        tpu.vector_store %arg10[%swap3A_334], %shift_right_logical3A_333 {strides = array<i32>} : memref<112xi32, #tpu.memory_space<vmem>>, vector<16xi32>,
        %mul3A_336 = arith.constant 112 : i32
        %mul3A_337 = arith.muli %add3A_283, %mul3A_336 : i32
        %add3A_338 = arith.constant 64 : i32
        %add3A_339 = arith.addi %mul3A_337, %add3A_338 : i32
        %get3A_340 = arith.index_cast %add3A_339 : i32 to index
        %get3A_341 = tpu.vector_load %arg6[%get3A_340] {strides = array<i32>} : memref<10080xi32, #tpu.memory_space<vmem>>, vector<16xi32>,
        %and3A_342 = arith.andi %get3A_341, %broadcast_in_dim3A_285 : vector<16xi32>
        %swap3A_343 = arith.constant 64 : index
        %swap3A_344 = tpu.vector_load %arg8[%swap3A_343] {strides = array<i32>} : memref<112xi32, #tpu.memory_space<vmem>>, vector<16xi32>,
        tpu.vector_store %arg8[%swap3A_343], %and3A_342 {strides = array<i32>} : memref<112xi32, #tpu.memory_space<vmem>>, vector<16xi32>,
        %shift_right_logical3A_345 = arith.shrui %get3A_341, %broadcast_in_dim3A_287 : vector<16xi32>
        %swap3A_346 = arith.constant 64 : index
        %swap3A_347 = tpu.vector_load %arg10[%swap3A_346] {strides = array<i32>} : memref<112xi32, #tpu.memory_space<vmem>>, vector<16xi32>,
        tpu.vector_store %arg10[%swap3A_346], %shift_right_logical3A_345 {strides = array<i32>} : memref<112xi32, #tpu.memory_space<vmem>>, vector<16xi32>,
        %mul3A_348 = arith.constant 112 : i32
        %mul3A_349 = arith.muli %add3A_283, %mul3A_348 : i32
        %add3A_350 = arith.constant 80 : i32
        %add3A_351 = arith.addi %mul3A_349, %add3A_350 : i32
        %get3A_352 = arith.index_cast %add3A_351 : i32 to index
        %get3A_353 = tpu.vector_load %arg6[%get3A_352] {strides = array<i32>} : memref<10080xi32, #tpu.memory_space<vmem>>, vector<16xi32>,
        %and3A_354 = arith.andi %get3A_353, %broadcast_in_dim3A_285 : vector<16xi32>
        %swap3A_355 = arith.constant 80 : index
        %swap3A_356 = tpu.vector_load %arg8[%swap3A_355] {strides = array<i32>} : memref<112xi32, #tpu.memory_space<vmem>>, vector<16xi32>,
        tpu.vector_store %arg8[%swap3A_355], %and3A_354 {strides = array<i32>} : memref<112xi32, #tpu.memory_space<vmem>>, vector<16xi32>,
        %shift_right_logical3A_357 = arith.shrui %get3A_353, %broadcast_in_dim3A_287 : vector<16xi32>
        %swap3A_358 = arith.constant 80 : index
        %swap3A_359 = tpu.vector_load %arg10[%swap3A_358] {strides = array<i32>} : memref<112xi32, #tpu.memory_space<vmem>>, vector<16xi32>,
        tpu.vector_store %arg10[%swap3A_358], %shift_right_logical3A_357 {strides = array<i32>} : memref<112xi32, #tpu.memory_space<vmem>>, vector<16xi32>,
        %mul3A_360 = arith.constant 112 : i32
        %mul3A_361 = arith.muli %add3A_283, %mul3A_360 : i32
        %add3A_362 = arith.constant 96 : i32
        %add3A_363 = arith.addi %mul3A_361, %add3A_362 : i32
        %get3A_364 = arith.index_cast %add3A_363 : i32 to index
        %get3A_365 = tpu.vector_load %arg6[%get3A_364] {strides = array<i32>} : memref<10080xi32, #tpu.memory_space<vmem>>, vector<16xi32>,
        %and3A_366 = arith.andi %get3A_365, %broadcast_in_dim3A_285 : vector<16xi32>
        %swap3A_367 = arith.constant 96 : index
        %swap3A_368 = tpu.vector_load %arg8[%swap3A_367] {strides = array<i32>} : memref<112xi32, #tpu.memory_space<vmem>>, vector<16xi32>,
        tpu.vector_store %arg8[%swap3A_367], %and3A_366 {strides = array<i32>} : memref<112xi32, #tpu.memory_space<vmem>>, vector<16xi32>,
        %shift_right_logical3A_369 = arith.shrui %get3A_365, %broadcast_in_dim3A_287 : vector<16xi32>
        %swap3A_370 = arith.constant 96 : index
        %swap3A_371 = tpu.vector_load %arg10[%swap3A_370] {strides = array<i32>} : memref<112xi32, #tpu.memory_space<vmem>>, vector<16xi32>,
        tpu.vector_store %arg10[%swap3A_370], %shift_right_logical3A_369 {strides = array<i32>} : memref<112xi32, #tpu.memory_space<vmem>>, vector<16xi32>,
        %dma_start3A_372 = arith.constant 0 : i32
        %dma_start3A_373 = arith.constant 0 : i32
        %dma_start3A_374 = tpu.memref_slice %arg2[%dma_start3A_372, %dma_start3A_373] : memref<10000x128xf32, #tpu.memory_space<hbm>> -> memref<10000x128xf32, #tpu.memory_space<hbm>>
        tpu.enqueue_indirect_dma source(%dma_start3A_374 : memref<10000x128xf32, #tpu.memory_space<hbm>>) target(%arg12 : memref<112x128xf32, #tpu.memory_space<vmem>>) offsets(%arg8 : memref<112xi32, #tpu.memory_space<vmem>>) semaphore(%arg15 : memref<!tpu.dma_semaphore, #tpu.memory_space<semaphore_mem>>)
      } else {
      }
      %mul3A_220 = arith.constant 112 : i32
      %mul3A_221 = arith.muli %add3A_204, %mul3A_220 : i32
      %broadcast_in_dim3A_222 = arith.constant 1.000000e+00 : f32
      %broadcast_in_dim3A_223 = vector.broadcast %broadcast_in_dim3A_222 : f32 to vector<16xf32>
      %get3A_224 = arith.index_cast %mul3A_221 : i32 to index
      %get3A_225 = tpu.vector_load %arg7[%get3A_224] {strides = array<i32>} : memref<10080xf32, #tpu.memory_space<vmem>>, vector<16xf32>,
      %eq3A_226 = arith.cmpf oeq, %get3A_225, %broadcast_in_dim3A_223 : vector<16xf32>
      %add3A_227 = arith.constant 16 : i32
      %add3A_228 = arith.addi %mul3A_221, %add3A_227 : i32
      %get3A_229 = arith.index_cast %add3A_228 : i32 to index
      %get3A_230 = tpu.vector_load %arg7[%get3A_229] {strides = array<i32>} : memref<10080xf32, #tpu.memory_space<vmem>>, vector<16xf32>,
      %eq3A_231 = arith.cmpf oeq, %get3A_230, %broadcast_in_dim3A_223 : vector<16xf32>
      %and3A_232 = arith.andi %eq3A_226, %eq3A_231 : vector<16xi1>
      %add3A_233 = arith.constant 32 : i32
      %add3A_234 = arith.addi %mul3A_221, %add3A_233 : i32
      %get3A_235 = arith.index_cast %add3A_234 : i32 to index
      %get3A_236 = tpu.vector_load %arg7[%get3A_235] {strides = array<i32>} : memref<10080xf32, #tpu.memory_space<vmem>>, vector<16xf32>,
      %eq3A_237 = arith.cmpf oeq, %get3A_236, %broadcast_in_dim3A_223 : vector<16xf32>
      %and3A_238 = arith.andi %and3A_232, %eq3A_237 : vector<16xi1>
      %add3A_239 = arith.constant 48 : i32
      %add3A_240 = arith.addi %mul3A_221, %add3A_239 : i32
      %get3A_241 = arith.index_cast %add3A_240 : i32 to index
      %get3A_242 = tpu.vector_load %arg7[%get3A_241] {strides = array<i32>} : memref<10080xf32, #tpu.memory_space<vmem>>, vector<16xf32>,
      %eq3A_243 = arith.cmpf oeq, %get3A_242, %broadcast_in_dim3A_223 : vector<16xf32>
      %and3A_244 = arith.andi %and3A_238, %eq3A_243 : vector<16xi1>
      %add3A_245 = arith.constant 64 : i32
      %add3A_246 = arith.addi %mul3A_221, %add3A_245 : i32
      %get3A_247 = arith.index_cast %add3A_246 : i32 to index
      %get3A_248 = tpu.vector_load %arg7[%get3A_247] {strides = array<i32>} : memref<10080xf32, #tpu.memory_space<vmem>>, vector<16xf32>,
      %eq3A_249 = arith.cmpf oeq, %get3A_248, %broadcast_in_dim3A_223 : vector<16xf32>
      %and3A_250 = arith.andi %and3A_244, %eq3A_249 : vector<16xi1>
      %add3A_251 = arith.constant 80 : i32
      %add3A_252 = arith.addi %mul3A_221, %add3A_251 : i32
      %get3A_253 = arith.index_cast %add3A_252 : i32 to index
      %get3A_254 = tpu.vector_load %arg7[%get3A_253] {strides = array<i32>} : memref<10080xf32, #tpu.memory_space<vmem>>, vector<16xf32>,
      %eq3A_255 = arith.cmpf oeq, %get3A_254, %broadcast_in_dim3A_223 : vector<16xf32>
      %and3A_256 = arith.andi %and3A_250, %eq3A_255 : vector<16xi1>
      %add3A_257 = arith.constant 96 : i32
      %add3A_258 = arith.addi %mul3A_221, %add3A_257 : i32
      %get3A_259 = arith.index_cast %add3A_258 : i32 to index
      %get3A_260 = tpu.vector_load %arg7[%get3A_259] {strides = array<i32>} : memref<10080xf32, #tpu.memory_space<vmem>>, vector<16xf32>,
      %eq3A_261 = arith.cmpf oeq, %get3A_260, %broadcast_in_dim3A_223 : vector<16xf32>
      %and3A_262 = arith.andi %and3A_256, %eq3A_261 : vector<16xi1>
      %reduce_and3A_263 = arith.constant 1.000000e+00 : f32
      %reduce_and3A_264 = arith.constant 0.000000e+00 : f32
      %reduce_and3A_265 = vector.broadcast %reduce_and3A_263 : f32 to vector<16xf32>
      %reduce_and3A_266 = vector.broadcast %reduce_and3A_264 : f32 to vector<16xf32>
      %reduce_and3A_267 = arith.select %and3A_262, %reduce_and3A_265, %reduce_and3A_266 : vector<16xi1>, vector<16xf32>
      %reduce_and3A_268 = arith.constant true
      %reduce_and3A_269 = vector.broadcast %reduce_and3A_268 : i1 to vector<16xi1>
      %reduce_and3A_270 = tpu.scan <min>, %reduce_and3A_267 masked %reduce_and3A_269 : vector<16xf32>, vector<16xi1> -> vector<16xf32>
      %reduce_and3A_271 = vector.extract %reduce_and3A_270[15] : f32 from vector<16xf32>
      %reduce_and3A_272 = arith.constant 0.000000e+00 : f32
      %reduce_and3A_273 = arith.cmpf ogt, %reduce_and3A_271, %reduce_and3A_272 : f32
      %not3A_274 = arith.constant true
      %not3A_275 = arith.xori %reduce_and3A_273, %not3A_274 : i1
      %convert_element_type3A_276 = arith.extui %not3A_275 : i1 to i32
      %cond3A_277 = arith.constant 0 : i32
      %cond3A_278 = arith.cmpi ne, %convert_element_type3A_276, %cond3A_277 : i32
      scf.if %cond3A_278 {
        %scan3A_282 = arith.constant 0 : i32
        %scan3A_283 = arith.constant 112 : i32
        %scan3A_284 = arith.addi %scan3A_282, %scan3A_283 : i32
        %scan3A_285 = arith.constant 2 : i32
        scf.for %scan3A_287 = %scan3A_282 to %scan3A_284 step %scan3A_285  : i32 {
          %mul3A_288 = arith.constant 1 : i32
          %mul3A_289 = arith.muli %scan3A_287, %mul3A_288 : i32
          %add3A_290 = arith.constant 0 : i32
          %add3A_291 = arith.addi %add3A_290, %mul3A_289 : i32
          %add3A_292 = arith.addi %mul3A_221, %add3A_291 : i32
          %broadcast_in_dim3A_293 = vector.broadcast %add3A_292 : i32 to vector<16xi32>
          %gather3A = tpu.vector_load_idx %arg7[%broadcast_in_dim3A_293] : memref<10080xf32, #tpu.memory_space<vmem>>[vector<16xi32>], vector<16xf32>,
          %get3A_294 = arith.index_cast %add3A_291 : i32 to index
          %get3A_295 = arith.constant 0 : index
          %get3A_296 = tpu.vector_load %arg13[%get3A_294, %get3A_295] {strides = array<i32>} : memref<112x128xf32, #tpu.memory_space<vmem>>, vector<16xf32>,
          %mul3A_297 = arith.mulf %get3A_296, %gather3A : vector<16xf32>
          %swap3A_298 = arith.index_cast %add3A_291 : i32 to index
          %swap3A_299 = arith.constant 0 : index
          %swap3A_300 = tpu.vector_load %arg13[%swap3A_298, %swap3A_299] {strides = array<i32>} : memref<112x128xf32, #tpu.memory_space<vmem>>, vector<16xf32>,
          tpu.vector_store %arg13[%swap3A_298, %swap3A_299], %mul3A_297 {strides = array<i32>} : memref<112x128xf32, #tpu.memory_space<vmem>>, vector<16xf32>,
          %get3A_301 = arith.index_cast %add3A_291 : i32 to index
          %get3A_302 = arith.constant 16 : index
          %get3A_303 = tpu.vector_load %arg13[%get3A_301, %get3A_302] {strides = array<i32>} : memref<112x128xf32, #tpu.memory_space<vmem>>, vector<16xf32>,
          %mul3A_304 = arith.mulf %get3A_303, %gather3A : vector<16xf32>
          %swap3A_305 = arith.index_cast %add3A_291 : i32 to index
          %swap3A_306 = arith.constant 16 : index
          %swap3A_307 = tpu.vector_load %arg13[%swap3A_305, %swap3A_306] {strides = array<i32>} : memref<112x128xf32, #tpu.memory_space<vmem>>, vector<16xf32>,
          tpu.vector_store %arg13[%swap3A_305, %swap3A_306], %mul3A_304 {strides = array<i32>} : memref<112x128xf32, #tpu.memory_space<vmem>>, vector<16xf32>,
          %get3A_308 = arith.index_cast %add3A_291 : i32 to index
          %get3A_309 = arith.constant 32 : index
          %get3A_310 = tpu.vector_load %arg13[%get3A_308, %get3A_309] {strides = array<i32>} : memref<112x128xf32, #tpu.memory_space<vmem>>, vector<16xf32>,
          %mul3A_311 = arith.mulf %get3A_310, %gather3A : vector<16xf32>
          %swap3A_312 = arith.index_cast %add3A_291 : i32 to index
          %swap3A_313 = arith.constant 32 : index
          %swap3A_314 = tpu.vector_load %arg13[%swap3A_312, %swap3A_313] {strides = array<i32>} : memref<112x128xf32, #tpu.memory_space<vmem>>, vector<16xf32>,
          tpu.vector_store %arg13[%swap3A_312, %swap3A_313], %mul3A_311 {strides = array<i32>} : memref<112x128xf32, #tpu.memory_space<vmem>>, vector<16xf32>,
          %get3A_315 = arith.index_cast %add3A_291 : i32 to index
          %get3A_316 = arith.constant 48 : index
          %get3A_317 = tpu.vector_load %arg13[%get3A_315, %get3A_316] {strides = array<i32>} : memref<112x128xf32, #tpu.memory_space<vmem>>, vector<16xf32>,
          %mul3A_318 = arith.mulf %get3A_317, %gather3A : vector<16xf32>
          %swap3A_319 = arith.index_cast %add3A_291 : i32 to index
          %swap3A_320 = arith.constant 48 : index
          %swap3A_321 = tpu.vector_load %arg13[%swap3A_319, %swap3A_320] {strides = array<i32>} : memref<112x128xf32, #tpu.memory_space<vmem>>, vector<16xf32>,
          tpu.vector_store %arg13[%swap3A_319, %swap3A_320], %mul3A_318 {strides = array<i32>} : memref<112x128xf32, #tpu.memory_space<vmem>>, vector<16xf32>,
          %get3A_322 = arith.index_cast %add3A_291 : i32 to index
          %get3A_323 = arith.constant 64 : index
          %get3A_324 = tpu.vector_load %arg13[%get3A_322, %get3A_323] {strides = array<i32>} : memref<112x128xf32, #tpu.memory_space<vmem>>, vector<16xf32>,
          %mul3A_325 = arith.mulf %get3A_324, %gather3A : vector<16xf32>
          %swap3A_326 = arith.index_cast %add3A_291 : i32 to index
          %swap3A_327 = arith.constant 64 : index
          %swap3A_328 = tpu.vector_load %arg13[%swap3A_326, %swap3A_327] {strides = array<i32>} : memref<112x128xf32, #tpu.memory_space<vmem>>, vector<16xf32>,
          tpu.vector_store %arg13[%swap3A_326, %swap3A_327], %mul3A_325 {strides = array<i32>} : memref<112x128xf32, #tpu.memory_space<vmem>>, vector<16xf32>,
          %get3A_329 = arith.index_cast %add3A_291 : i32 to index
          %get3A_330 = arith.constant 80 : index
          %get3A_331 = tpu.vector_load %arg13[%get3A_329, %get3A_330] {strides = array<i32>} : memref<112x128xf32, #tpu.memory_space<vmem>>, vector<16xf32>,
          %mul3A_332 = arith.mulf %get3A_331, %gather3A : vector<16xf32>
          %swap3A_333 = arith.index_cast %add3A_291 : i32 to index
          %swap3A_334 = arith.constant 80 : index
          %swap3A_335 = tpu.vector_load %arg13[%swap3A_333, %swap3A_334] {strides = array<i32>} : memref<112x128xf32, #tpu.memory_space<vmem>>, vector<16xf32>,
          tpu.vector_store %arg13[%swap3A_333, %swap3A_334], %mul3A_332 {strides = array<i32>} : memref<112x128xf32, #tpu.memory_space<vmem>>, vector<16xf32>,
          %get3A_336 = arith.index_cast %add3A_291 : i32 to index
          %get3A_337 = arith.constant 96 : index
          %get3A_338 = tpu.vector_load %arg13[%get3A_336, %get3A_337] {strides = array<i32>} : memref<112x128xf32, #tpu.memory_space<vmem>>, vector<16xf32>,
          %mul3A_339 = arith.mulf %get3A_338, %gather3A : vector<16xf32>
          %swap3A_340 = arith.index_cast %add3A_291 : i32 to index
          %swap3A_341 = arith.constant 96 : index
          %swap3A_342 = tpu.vector_load %arg13[%swap3A_340, %swap3A_341] {strides = array<i32>} : memref<112x128xf32, #tpu.memory_space<vmem>>, vector<16xf32>,
          tpu.vector_store %arg13[%swap3A_340, %swap3A_341], %mul3A_339 {strides = array<i32>} : memref<112x128xf32, #tpu.memory_space<vmem>>, vector<16xf32>,
          %get3A_343 = arith.index_cast %add3A_291 : i32 to index
          %get3A_344 = arith.constant 112 : index
          %get3A_345 = tpu.vector_load %arg13[%get3A_343, %get3A_344] {strides = array<i32>} : memref<112x128xf32, #tpu.memory_space<vmem>>, vector<16xf32>,
          %mul3A_346 = arith.mulf %get3A_345, %gather3A : vector<16xf32>
          %swap3A_347 = arith.index_cast %add3A_291 : i32 to index
          %swap3A_348 = arith.constant 112 : index
          %swap3A_349 = tpu.vector_load %arg13[%swap3A_347, %swap3A_348] {strides = array<i32>} : memref<112x128xf32, #tpu.memory_space<vmem>>, vector<16xf32>,
          tpu.vector_store %arg13[%swap3A_347, %swap3A_348], %mul3A_346 {strides = array<i32>} : memref<112x128xf32, #tpu.memory_space<vmem>>, vector<16xf32>,
          %scan3A_350 = arith.constant 1 : i32
          %scan3A_351 = arith.addi %scan3A_287, %scan3A_350 : i32
          %mul3A_352 = arith.constant 1 : i32
          %mul3A_353 = arith.muli %scan3A_351, %mul3A_352 : i32
          %add3A_354 = arith.constant 0 : i32
          %add3A_355 = arith.addi %add3A_354, %mul3A_353 : i32
          %add3A_356 = arith.addi %mul3A_221, %add3A_355 : i32
          %broadcast_in_dim3A_357 = vector.broadcast %add3A_356 : i32 to vector<16xi32>
          %gather3A_358 = tpu.vector_load_idx %arg7[%broadcast_in_dim3A_357] : memref<10080xf32, #tpu.memory_space<vmem>>[vector<16xi32>], vector<16xf32>,
          %get3A_359 = arith.index_cast %add3A_355 : i32 to index
          %get3A_360 = arith.constant 0 : index
          %get3A_361 = tpu.vector_load %arg13[%get3A_359, %get3A_360] {strides = array<i32>} : memref<112x128xf32, #tpu.memory_space<vmem>>, vector<16xf32>,
          %mul3A_362 = arith.mulf %get3A_361, %gather3A_358 : vector<16xf32>
          %swap3A_363 = arith.index_cast %add3A_355 : i32 to index
          %swap3A_364 = arith.constant 0 : index
          %swap3A_365 = tpu.vector_load %arg13[%swap3A_363, %swap3A_364] {strides = array<i32>} : memref<112x128xf32, #tpu.memory_space<vmem>>, vector<16xf32>,
          tpu.vector_store %arg13[%swap3A_363, %swap3A_364], %mul3A_362 {strides = array<i32>} : memref<112x128xf32, #tpu.memory_space<vmem>>, vector<16xf32>,
          %get3A_366 = arith.index_cast %add3A_355 : i32 to index
          %get3A_367 = arith.constant 16 : index
          %get3A_368 = tpu.vector_load %arg13[%get3A_366, %get3A_367] {strides = array<i32>} : memref<112x128xf32, #tpu.memory_space<vmem>>, vector<16xf32>,
          %mul3A_369 = arith.mulf %get3A_368, %gather3A_358 : vector<16xf32>
          %swap3A_370 = arith.index_cast %add3A_355 : i32 to index
          %swap3A_371 = arith.constant 16 : index
          %swap3A_372 = tpu.vector_load %arg13[%swap3A_370, %swap3A_371] {strides = array<i32>} : memref<112x128xf32, #tpu.memory_space<vmem>>, vector<16xf32>,
          tpu.vector_store %arg13[%swap3A_370, %swap3A_371], %mul3A_369 {strides = array<i32>} : memref<112x128xf32, #tpu.memory_space<vmem>>, vector<16xf32>,
          %get3A_373 = arith.index_cast %add3A_355 : i32 to index
          %get3A_374 = arith.constant 32 : index
          %get3A_375 = tpu.vector_load %arg13[%get3A_373, %get3A_374] {strides = array<i32>} : memref<112x128xf32, #tpu.memory_space<vmem>>, vector<16xf32>,
          %mul3A_376 = arith.mulf %get3A_375, %gather3A_358 : vector<16xf32>
          %swap3A_377 = arith.index_cast %add3A_355 : i32 to index
          %swap3A_378 = arith.constant 32 : index
          %swap3A_379 = tpu.vector_load %arg13[%swap3A_377, %swap3A_378] {strides = array<i32>} : memref<112x128xf32, #tpu.memory_space<vmem>>, vector<16xf32>,
          tpu.vector_store %arg13[%swap3A_377, %swap3A_378], %mul3A_376 {strides = array<i32>} : memref<112x128xf32, #tpu.memory_space<vmem>>, vector<16xf32>,
          %get3A_380 = arith.index_cast %add3A_355 : i32 to index
          %get3A_381 = arith.constant 48 : index
          %get3A_382 = tpu.vector_load %arg13[%get3A_380, %get3A_381] {strides = array<i32>} : memref<112x128xf32, #tpu.memory_space<vmem>>, vector<16xf32>,
          %mul3A_383 = arith.mulf %get3A_382, %gather3A_358 : vector<16xf32>
          %swap3A_384 = arith.index_cast %add3A_355 : i32 to index
          %swap3A_385 = arith.constant 48 : index
          %swap3A_386 = tpu.vector_load %arg13[%swap3A_384, %swap3A_385] {strides = array<i32>} : memref<112x128xf32, #tpu.memory_space<vmem>>, vector<16xf32>,
          tpu.vector_store %arg13[%swap3A_384, %swap3A_385], %mul3A_383 {strides = array<i32>} : memref<112x128xf32, #tpu.memory_space<vmem>>, vector<16xf32>,
          %get3A_387 = arith.index_cast %add3A_355 : i32 to index
          %get3A_388 = arith.constant 64 : index
          %get3A_389 = tpu.vector_load %arg13[%get3A_387, %get3A_388] {strides = array<i32>} : memref<112x128xf32, #tpu.memory_space<vmem>>, vector<16xf32>,
          %mul3A_390 = arith.mulf %get3A_389, %gather3A_358 : vector<16xf32>
          %swap3A_391 = arith.index_cast %add3A_355 : i32 to index
          %swap3A_392 = arith.constant 64 : index
          %swap3A_393 = tpu.vector_load %arg13[%swap3A_391, %swap3A_392] {strides = array<i32>} : memref<112x128xf32, #tpu.memory_space<vmem>>, vector<16xf32>,
          tpu.vector_store %arg13[%swap3A_391, %swap3A_392], %mul3A_390 {strides = array<i32>} : memref<112x128xf32, #tpu.memory_space<vmem>>, vector<16xf32>,
          %get3A_394 = arith.index_cast %add3A_355 : i32 to index
          %get3A_395 = arith.constant 80 : index
          %get3A_396 = tpu.vector_load %arg13[%get3A_394, %get3A_395] {strides = array<i32>} : memref<112x128xf32, #tpu.memory_space<vmem>>, vector<16xf32>,
          %mul3A_397 = arith.mulf %get3A_396, %gather3A_358 : vector<16xf32>
          %swap3A_398 = arith.index_cast %add3A_355 : i32 to index
          %swap3A_399 = arith.constant 80 : index
          %swap3A_400 = tpu.vector_load %arg13[%swap3A_398, %swap3A_399] {strides = array<i32>} : memref<112x128xf32, #tpu.memory_space<vmem>>, vector<16xf32>,
          tpu.vector_store %arg13[%swap3A_398, %swap3A_399], %mul3A_397 {strides = array<i32>} : memref<112x128xf32, #tpu.memory_space<vmem>>, vector<16xf32>,
          %get3A_401 = arith.index_cast %add3A_355 : i32 to index
          %get3A_402 = arith.constant 96 : index
          %get3A_403 = tpu.vector_load %arg13[%get3A_401, %get3A_402] {strides = array<i32>} : memref<112x128xf32, #tpu.memory_space<vmem>>, vector<16xf32>,
          %mul3A_404 = arith.mulf %get3A_403, %gather3A_358 : vector<16xf32>
          %swap3A_405 = arith.index_cast %add3A_355 : i32 to index
          %swap3A_406 = arith.constant 96 : index
          %swap3A_407 = tpu.vector_load %arg13[%swap3A_405, %swap3A_406] {strides = array<i32>} : memref<112x128xf32, #tpu.memory_space<vmem>>, vector<16xf32>,
          tpu.vector_store %arg13[%swap3A_405, %swap3A_406], %mul3A_404 {strides = array<i32>} : memref<112x128xf32, #tpu.memory_space<vmem>>, vector<16xf32>,
          %get3A_408 = arith.index_cast %add3A_355 : i32 to index
          %get3A_409 = arith.constant 112 : index
          %get3A_410 = tpu.vector_load %arg13[%get3A_408, %get3A_409] {strides = array<i32>} : memref<112x128xf32, #tpu.memory_space<vmem>>, vector<16xf32>,
          %mul3A_411 = arith.mulf %get3A_410, %gather3A_358 : vector<16xf32>
          %swap3A_412 = arith.index_cast %add3A_355 : i32 to index
          %swap3A_413 = arith.constant 112 : index
          %swap3A_414 = tpu.vector_load %arg13[%swap3A_412, %swap3A_413] {strides = array<i32>} : memref<112x128xf32, #tpu.memory_space<vmem>>, vector<16xf32>,
          tpu.vector_store %arg13[%swap3A_412, %swap3A_413], %mul3A_411 {strides = array<i32>} : memref<112x128xf32, #tpu.memory_space<vmem>>, vector<16xf32>,
        }
        %scan3A_286 = arith.constant 112 : i32
      } else {
      }
      %dma_start3A_279 = arith.constant 0 : i32
      %dma_start3A_280 = arith.constant 0 : i32
      %dma_start3A_281 = tpu.memref_slice %arg14[%dma_start3A_279, %dma_start3A_280] : memref<10008x128xf32, #tpu.memory_space<vmem_shared>> -> memref<10008x128xf32, #tpu.memory_space<vmem_shared>>
      tpu.enqueue_indirect_dma source(%arg13 : memref<112x128xf32, #tpu.memory_space<vmem>>) target(%dma_start3A_281 : memref<10008x128xf32, #tpu.memory_space<vmem_shared>>) offsets(%arg11 : memref<112xi32, #tpu.memory_space<vmem>>) semaphore(%arg18 : memref<!tpu.dma_semaphore, #tpu.memory_space<semaphore_mem>>) {add = true}
    }
    %scan3A_112 = arith.constant 45 : i32
    %dma_wait3A = arith.constant 0 : i32
    %dma_wait3A_113 = arith.constant 0 : i32
    %dma_wait3A_114 = tpu.memref_slice %arg14[%dma_wait3A, %dma_wait3A_113] : memref<10008x128xf32, #tpu.memory_space<vmem_shared>> -> memref<10008x128xf32, #tpu.memory_space<vmem_shared>>
    tpu.wait_indirect_dma semaphore(%arg18 : memref<!tpu.dma_semaphore, #tpu.memory_space<semaphore_mem>>) src(%arg13 : memref<112x128xf32, #tpu.memory_space<vmem>>) dst(%dma_wait3A_114 : memref<10008x128xf32, #tpu.memory_space<vmem_shared>>)
    %barrier3A_115 = arith.constant 0 : index
    tpu.barrier barrier_id(%barrier3A_115)
    "tpu.region"() ({
      %run_scoped3A = tpu.sem_alloc : memref<!tpu.dma_semaphore, #tpu.memory_space<semaphore_mem>>
      %dma_start3A_121 = arith.constant 0 : i32
      %dma_start3A_122 = tpu.memref_slice %arg5[%arg0, %mul3A_8, %dma_start3A_121] : memref<2x10000x128xf32, #tpu.memory_space<hbm>> -> memref<1x624x128xf32, #tpu.memory_space<hbm>>
      %dma_start3A_123 = tpu.memref_squeeze %dma_start3A_122 : memref<1x624x128xf32, #tpu.memory_space<hbm>> -> memref<624x128xf32, #tpu.memory_space<hbm>>
      %dma_start3A_124 = arith.constant 0 : i32
      %dma_start3A_125 = tpu.memref_slice %arg14[%mul3A_8, %dma_start3A_124] : memref<10008x128xf32, #tpu.memory_space<vmem_shared>> -> memref<624x128xf32, #tpu.memory_space<vmem_shared>>
      tpu.enqueue_dma source(%dma_start3A_125 : memref<624x128xf32, #tpu.memory_space<vmem_shared>>) target(%dma_start3A_123 : memref<624x128xf32, #tpu.memory_space<hbm>>) target_semaphore(%run_scoped3A : memref<!tpu.dma_semaphore, #tpu.memory_space<semaphore_mem>>)
      %dma_wait3A_126 = arith.constant 0 : i32
      %dma_wait3A_127 = tpu.memref_slice %arg5[%arg0, %mul3A_8, %dma_wait3A_126] : memref<2x10000x128xf32, #tpu.memory_space<hbm>> -> memref<1x624x128xf32, #tpu.memory_space<hbm>>
      %dma_wait3A_128 = tpu.memref_squeeze %dma_wait3A_127 : memref<1x624x128xf32, #tpu.memory_space<hbm>> -> memref<624x128xf32, #tpu.memory_space<hbm>>
      %dma_wait3A_129 = arith.constant 0 : i32
      %dma_wait3A_130 = tpu.memref_slice %arg14[%mul3A_8, %dma_wait3A_129] : memref<10008x128xf32, #tpu.memory_space<vmem_shared>> -> memref<624x128xf32, #tpu.memory_space<vmem_shared>>
      tpu.wait_dma2 semaphore(%run_scoped3A : memref<!tpu.dma_semaphore, #tpu.memory_space<semaphore_mem>>) src(%dma_wait3A_130 : memref<624x128xf32, #tpu.memory_space<vmem_shared>>) dst(%dma_wait3A_128 : memref<624x128xf32, #tpu.memory_space<hbm>>)
      tpu.yield
    }) : () -> ()
    %eq3A_116 = arith.constant 15 : i32
    %eq3A_117 = arith.cmpi eq, %arg1, %eq3A_116 : i32
    %convert_element_type3A_118 = arith.extui %eq3A_117 : i1 to i32
    %cond3A_119 = arith.constant 0 : i32
    %cond3A_120 = arith.cmpi ne, %convert_element_type3A_118, %cond3A_119 : i32
    scf.if %cond3A_120 {
      "tpu.region"() ({
        %run_scoped3A = tpu.sem_alloc : memref<!tpu.dma_semaphore, #tpu.memory_space<semaphore_mem>>
        %dma_start3A_121 = arith.constant 9984 : i32
        %dma_start3A_122 = arith.constant 0 : i32
        %dma_start3A_123 = tpu.memref_slice %arg5[%arg0, %dma_start3A_121, %dma_start3A_122] : memref<2x10000x128xf32, #tpu.memory_space<hbm>> -> memref<1x16x128xf32, #tpu.memory_space<hbm>>
        %dma_start3A_124 = tpu.memref_squeeze %dma_start3A_123 : memref<1x16x128xf32, #tpu.memory_space<hbm>> -> memref<16x128xf32, #tpu.memory_space<hbm>>
        %dma_start3A_125 = arith.constant 9984 : i32
        %dma_start3A_126 = arith.constant 0 : i32
        %dma_start3A_127 = tpu.memref_slice %arg14[%dma_start3A_125, %dma_start3A_126] : memref<10008x128xf32, #tpu.memory_space<vmem_shared>> -> memref<16x128xf32, #tpu.memory_space<vmem_shared>>
        tpu.enqueue_dma source(%dma_start3A_127 : memref<16x128xf32, #tpu.memory_space<vmem_shared>>) target(%dma_start3A_124 : memref<16x128xf32, #tpu.memory_space<hbm>>) target_semaphore(%run_scoped3A : memref<!tpu.dma_semaphore, #tpu.memory_space<semaphore_mem>>)
        %dma_wait3A_128 = arith.constant 9984 : i32
        %dma_wait3A_129 = arith.constant 0 : i32
        %dma_wait3A_130 = tpu.memref_slice %arg5[%arg0, %dma_wait3A_128, %dma_wait3A_129] : memref<2x10000x128xf32, #tpu.memory_space<hbm>> -> memref<1x16x128xf32, #tpu.memory_space<hbm>>
        %dma_wait3A_131 = tpu.memref_squeeze %dma_wait3A_130 : memref<1x16x128xf32, #tpu.memory_space<hbm>> -> memref<16x128xf32, #tpu.memory_space<hbm>>
        %dma_wait3A_132 = arith.constant 9984 : i32
        %dma_wait3A_133 = arith.constant 0 : i32
        %dma_wait3A_134 = tpu.memref_slice %arg14[%dma_wait3A_132, %dma_wait3A_133] : memref<10008x128xf32, #tpu.memory_space<vmem_shared>> -> memref<16x128xf32, #tpu.memory_space<vmem_shared>>
        tpu.wait_dma2 semaphore(%run_scoped3A : memref<!tpu.dma_semaphore, #tpu.memory_space<semaphore_mem>>) src(%dma_wait3A_134 : memref<16x128xf32, #tpu.memory_space<vmem_shared>>) dst(%dma_wait3A_131 : memref<16x128xf32, #tpu.memory_space<hbm>>)
        tpu.yield
      }) : () -> ()
    } else {
    }
    return
  }
}

#map = affine_map<(d0, d1) -> (0, 0)>
#map1 = affine_map<(d0, d1) -> (0)>
#map2 = affine_map<(d0, d1) -> (0, 0, 0)>
module attributes {stable_mosaic.version = 14 : i64} {
  func.func @edge_agg(%arg0: i32, %arg1: i32, %arg2: memref<10000x128xf32, #tpu.memory_space<hbm>>, %arg3: memref<322560xi32, #tpu.memory_space<hbm>>, %arg4: memref<322560xf32, #tpu.memory_space<hbm>>, %arg5: memref<2x10000x128xf32, #tpu.memory_space<hbm>>, %arg6: memref<10080xi32, #tpu.memory_space<vmem>>, %arg7: memref<10080xf32, #tpu.memory_space<vmem>>, %arg8: memref<112xi32, #tpu.memory_space<vmem>>, %arg9: memref<112xi32, #tpu.memory_space<vmem>>, %arg10: memref<112xi32, #tpu.memory_space<vmem>>, %arg11: memref<112xi32, #tpu.memory_space<vmem>>, %arg12: memref<112x128xf32, #tpu.memory_space<vmem>>, %arg13: memref<112x128xf32, #tpu.memory_space<vmem>>, %arg14: memref<10008x128xf32, #tpu.memory_space<vmem_shared>>, %arg15: memref<!tpu.dma_semaphore, #tpu.memory_space<semaphore_mem>>, %arg16: memref<!tpu.dma_semaphore, #tpu.memory_space<semaphore_mem>>, %arg17: memref<!tpu.dma_semaphore, #tpu.memory_space<semaphore_mem>>, %arg18: memref<!tpu.dma_semaphore, #tpu.memory_space<semaphore_mem>>) attributes {dimension_semantics = [#tpu.dimension_semantics<core_parallel>, #tpu.dimension_semantics<subcore_parallel>], iteration_bounds = array<i64: 2, 16>, scalar_prefetch = 0 : i64, scratch_operands = 13 : i64, tpu.core_type = #tpu.core_type<sc_vector_subcore>, window_params = [{transform_indices = #map}, {transform_indices = #map1}, {transform_indices = #map1}, {transform_indices = #map2}]} {
    %mul3A = arith.constant 16 : i32
    %mul3A_0 = arith.muli %arg0, %mul3A : i32
    %add3A = arith.addi %mul3A_0, %arg1 : i32
    %mul3A_1 = arith.constant 10080 : i32
    %mul3A_2 = arith.muli %add3A, %mul3A_1 : i32
    "tpu.region"() ({
      %run_scoped3A = tpu.sem_alloc : memref<!tpu.dma_semaphore, #tpu.memory_space<semaphore_mem>>
      %dma_start3A_121 = tpu.memref_slice %arg3[%mul3A_2] : memref<322560xi32, #tpu.memory_space<hbm>> -> memref<10080xi32, #tpu.memory_space<hbm>>
      %dma_start3A_122 = tpu.memref_slice %arg3[%mul3A_2] : memref<322560xi32, #tpu.memory_space<hbm>> -> memref<10080xi32, #tpu.memory_space<hbm>>
      tpu.enqueue_dma source(%dma_start3A_122 : memref<10080xi32, #tpu.memory_space<hbm>>) target(%arg6 : memref<10080xi32, #tpu.memory_space<vmem>>) target_semaphore(%run_scoped3A : memref<!tpu.dma_semaphore, #tpu.memory_space<semaphore_mem>>)
      %dma_wait3A_123 = tpu.memref_slice %arg3[%mul3A_2] : memref<322560xi32, #tpu.memory_space<hbm>> -> memref<10080xi32, #tpu.memory_space<hbm>>
      %dma_wait3A_124 = tpu.memref_slice %arg3[%mul3A_2] : memref<322560xi32, #tpu.memory_space<hbm>> -> memref<10080xi32, #tpu.memory_space<hbm>>
      tpu.wait_dma2 semaphore(%run_scoped3A : memref<!tpu.dma_semaphore, #tpu.memory_space<semaphore_mem>>) src(%dma_wait3A_124 : memref<10080xi32, #tpu.memory_space<hbm>>) dst(%arg6 : memref<10080xi32, #tpu.memory_space<vmem>>)
      tpu.yield
    }) : () -> ()
    "tpu.region"() ({
      %run_scoped3A = tpu.sem_alloc : memref<!tpu.dma_semaphore, #tpu.memory_space<semaphore_mem>>
      %dma_start3A_121 = tpu.memref_slice %arg4[%mul3A_2] : memref<322560xf32, #tpu.memory_space<hbm>> -> memref<10080xf32, #tpu.memory_space<hbm>>
      %dma_start3A_122 = tpu.memref_slice %arg4[%mul3A_2] : memref<322560xf32, #tpu.memory_space<hbm>> -> memref<10080xf32, #tpu.memory_space<hbm>>
      tpu.enqueue_dma source(%dma_start3A_122 : memref<10080xf32, #tpu.memory_space<hbm>>) target(%arg7 : memref<10080xf32, #tpu.memory_space<vmem>>) target_semaphore(%run_scoped3A : memref<!tpu.dma_semaphore, #tpu.memory_space<semaphore_mem>>)
      %dma_wait3A_123 = tpu.memref_slice %arg4[%mul3A_2] : memref<322560xf32, #tpu.memory_space<hbm>> -> memref<10080xf32, #tpu.memory_space<hbm>>
      %dma_wait3A_124 = tpu.memref_slice %arg4[%mul3A_2] : memref<322560xf32, #tpu.memory_space<hbm>> -> memref<10080xf32, #tpu.memory_space<hbm>>
      tpu.wait_dma2 semaphore(%run_scoped3A : memref<!tpu.dma_semaphore, #tpu.memory_space<semaphore_mem>>) src(%dma_wait3A_124 : memref<10080xf32, #tpu.memory_space<hbm>>) dst(%arg7 : memref<10080xf32, #tpu.memory_space<vmem>>)
      tpu.yield
    }) : () -> ()
    %scan3A = arith.constant 0 : i32
    %scan3A_3 = arith.constant 16 : i32
    %scan3A_4 = arith.addi %scan3A, %scan3A_3 : i32
    %scan3A_5 = arith.constant 1 : i32
    scf.for %scan3A_121 = %scan3A to %scan3A_4 step %scan3A_5  : i32 {
      %mul3A_122 = arith.constant 1 : i32
      %mul3A_123 = arith.muli %scan3A_121, %mul3A_122 : i32
      %add3A_124 = arith.constant 0 : i32
      %add3A_125 = arith.addi %add3A_124, %mul3A_123 : i32
      %broadcast_in_dim3A_126 = arith.constant 0.000000e+00 : f32
      %broadcast_in_dim3A_127 = vector.broadcast %broadcast_in_dim3A_126 : f32 to vector<16xf32>
      %swap3A_128 = arith.index_cast %add3A_125 : i32 to index
      %swap3A_129 = arith.constant 0 : index
      %swap3A_130 = tpu.vector_load %arg12[%swap3A_128, %swap3A_129] {strides = array<i32>} : memref<112x128xf32, #tpu.memory_space<vmem>>, vector<16xf32>,
      tpu.vector_store %arg12[%swap3A_128, %swap3A_129], %broadcast_in_dim3A_127 {strides = array<i32>} : memref<112x128xf32, #tpu.memory_space<vmem>>, vector<16xf32>,
      %broadcast_in_dim3A_131 = arith.constant 0.000000e+00 : f32
      %broadcast_in_dim3A_132 = vector.broadcast %broadcast_in_dim3A_131 : f32 to vector<16xf32>
      %swap3A_133 = arith.index_cast %add3A_125 : i32 to index
      %swap3A_134 = arith.constant 16 : index
      %swap3A_135 = tpu.vector_load %arg12[%swap3A_133, %swap3A_134] {strides = array<i32>} : memref<112x128xf32, #tpu.memory_space<vmem>>, vector<16xf32>,
      tpu.vector_store %arg12[%swap3A_133, %swap3A_134], %broadcast_in_dim3A_132 {strides = array<i32>} : memref<112x128xf32, #tpu.memory_space<vmem>>, vector<16xf32>,
      %broadcast_in_dim3A_136 = arith.constant 0.000000e+00 : f32
      %broadcast_in_dim3A_137 = vector.broadcast %broadcast_in_dim3A_136 : f32 to vector<16xf32>
      %swap3A_138 = arith.index_cast %add3A_125 : i32 to index
      %swap3A_139 = arith.constant 32 : index
      %swap3A_140 = tpu.vector_load %arg12[%swap3A_138, %swap3A_139] {strides = array<i32>} : memref<112x128xf32, #tpu.memory_space<vmem>>, vector<16xf32>,
      tpu.vector_store %arg12[%swap3A_138, %swap3A_139], %broadcast_in_dim3A_137 {strides = array<i32>} : memref<112x128xf32, #tpu.memory_space<vmem>>, vector<16xf32>,
      %broadcast_in_dim3A_141 = arith.constant 0.000000e+00 : f32
      %broadcast_in_dim3A_142 = vector.broadcast %broadcast_in_dim3A_141 : f32 to vector<16xf32>
      %swap3A_143 = arith.index_cast %add3A_125 : i32 to index
      %swap3A_144 = arith.constant 48 : index
      %swap3A_145 = tpu.vector_load %arg12[%swap3A_143, %swap3A_144] {strides = array<i32>} : memref<112x128xf32, #tpu.memory_space<vmem>>, vector<16xf32>,
      tpu.vector_store %arg12[%swap3A_143, %swap3A_144], %broadcast_in_dim3A_142 {strides = array<i32>} : memref<112x128xf32, #tpu.memory_space<vmem>>, vector<16xf32>,
      %broadcast_in_dim3A_146 = arith.constant 0.000000e+00 : f32
      %broadcast_in_dim3A_147 = vector.broadcast %broadcast_in_dim3A_146 : f32 to vector<16xf32>
      %swap3A_148 = arith.index_cast %add3A_125 : i32 to index
      %swap3A_149 = arith.constant 64 : index
      %swap3A_150 = tpu.vector_load %arg12[%swap3A_148, %swap3A_149] {strides = array<i32>} : memref<112x128xf32, #tpu.memory_space<vmem>>, vector<16xf32>,
      tpu.vector_store %arg12[%swap3A_148, %swap3A_149], %broadcast_in_dim3A_147 {strides = array<i32>} : memref<112x128xf32, #tpu.memory_space<vmem>>, vector<16xf32>,
      %broadcast_in_dim3A_151 = arith.constant 0.000000e+00 : f32
      %broadcast_in_dim3A_152 = vector.broadcast %broadcast_in_dim3A_151 : f32 to vector<16xf32>
      %swap3A_153 = arith.index_cast %add3A_125 : i32 to index
      %swap3A_154 = arith.constant 80 : index
      %swap3A_155 = tpu.vector_load %arg12[%swap3A_153, %swap3A_154] {strides = array<i32>} : memref<112x128xf32, #tpu.memory_space<vmem>>, vector<16xf32>,
      tpu.vector_store %arg12[%swap3A_153, %swap3A_154], %broadcast_in_dim3A_152 {strides = array<i32>} : memref<112x128xf32, #tpu.memory_space<vmem>>, vector<16xf32>,
      %broadcast_in_dim3A_156 = arith.constant 0.000000e+00 : f32
      %broadcast_in_dim3A_157 = vector.broadcast %broadcast_in_dim3A_156 : f32 to vector<16xf32>
      %swap3A_158 = arith.index_cast %add3A_125 : i32 to index
      %swap3A_159 = arith.constant 96 : index
      %swap3A_160 = tpu.vector_load %arg12[%swap3A_158, %swap3A_159] {strides = array<i32>} : memref<112x128xf32, #tpu.memory_space<vmem>>, vector<16xf32>,
      tpu.vector_store %arg12[%swap3A_158, %swap3A_159], %broadcast_in_dim3A_157 {strides = array<i32>} : memref<112x128xf32, #tpu.memory_space<vmem>>, vector<16xf32>,
      %broadcast_in_dim3A_161 = arith.constant 0.000000e+00 : f32
      %broadcast_in_dim3A_162 = vector.broadcast %broadcast_in_dim3A_161 : f32 to vector<16xf32>
      %swap3A_163 = arith.index_cast %add3A_125 : i32 to index
      %swap3A_164 = arith.constant 112 : index
      %swap3A_165 = tpu.vector_load %arg12[%swap3A_163, %swap3A_164] {strides = array<i32>} : memref<112x128xf32, #tpu.memory_space<vmem>>, vector<16xf32>,
      tpu.vector_store %arg12[%swap3A_163, %swap3A_164], %broadcast_in_dim3A_162 {strides = array<i32>} : memref<112x128xf32, #tpu.memory_space<vmem>>, vector<16xf32>,
    }
    %scan3A_6 = arith.constant 16 : i32
    %mul3A_7 = arith.constant 624 : i32
    %mul3A_8 = arith.muli %arg1, %mul3A_7 : i32
    %scan3A_9 = arith.constant 0 : i32
    %scan3A_10 = arith.constant 39 : i32
    %scan3A_11 = arith.addi %scan3A_9, %scan3A_10 : i32
    %scan3A_12 = arith.constant 1 : i32
    scf.for %scan3A_121 = %scan3A_9 to %scan3A_11 step %scan3A_12  : i32 {
      %mul3A_122 = arith.constant 1 : i32
      %mul3A_123 = arith.muli %scan3A_121, %mul3A_122 : i32
      %add3A_124 = arith.constant 0 : i32
      %add3A_125 = arith.addi %add3A_124, %mul3A_123 : i32
      %mul3A_126 = arith.constant 16 : i32
      %mul3A_127 = arith.muli %add3A_125, %mul3A_126 : i32
      %add3A_128 = arith.addi %mul3A_8, %mul3A_127 : i32
      "tpu.region"() ({
        %run_scoped3A = tpu.sem_alloc : memref<!tpu.dma_semaphore, #tpu.memory_space<semaphore_mem>>
        %dma_start3A_129 = arith.constant 0 : i32
        %dma_start3A_130 = arith.constant 0 : i32
        %dma_start3A_131 = tpu.memref_slice %arg12[%dma_start3A_129, %dma_start3A_130] : memref<112x128xf32, #tpu.memory_space<vmem>> -> memref<16x128xf32, #tpu.memory_space<vmem>>
        %dma_start3A_132 = arith.constant 0 : i32
        %dma_start3A_133 = tpu.memref_slice %arg14[%add3A_128, %dma_start3A_132] : memref<10008x128xf32, #tpu.memory_space<vmem_shared>> -> memref<16x128xf32, #tpu.memory_space<vmem_shared>>
        %dma_start3A_134 = arith.constant 0 : i32
        %dma_start3A_135 = tpu.memref_slice %arg14[%add3A_128, %dma_start3A_134] : memref<10008x128xf32, #tpu.memory_space<vmem_shared>> -> memref<16x128xf32, #tpu.memory_space<vmem_shared>>
        %dma_start3A_136 = arith.constant 0 : i32
        %dma_start3A_137 = arith.constant 0 : i32
        %dma_start3A_138 = tpu.memref_slice %arg12[%dma_start3A_136, %dma_start3A_137] : memref<112x128xf32, #tpu.memory_space<vmem>> -> memref<16x128xf32, #tpu.memory_space<vmem>>
        tpu.enqueue_dma source(%dma_start3A_138 : memref<16x128xf32, #tpu.memory_space<vmem>>) target(%dma_start3A_135 : memref<16x128xf32, #tpu.memory_space<vmem_shared>>) target_semaphore(%run_scoped3A : memref<!tpu.dma_semaphore, #tpu.memory_space<semaphore_mem>>)
        %dma_wait3A_139 = arith.constant 0 : i32
        %dma_wait3A_140 = arith.constant 0 : i32
        %dma_wait3A_141 = tpu.memref_slice %arg12[%dma_wait3A_139, %dma_wait3A_140] : memref<112x128xf32, #tpu.memory_space<vmem>> -> memref<16x128xf32, #tpu.memory_space<vmem>>
        %dma_wait3A_142 = arith.constant 0 : i32
        %dma_wait3A_143 = tpu.memref_slice %arg14[%add3A_128, %dma_wait3A_142] : memref<10008x128xf32, #tpu.memory_space<vmem_shared>> -> memref<16x128xf32, #tpu.memory_space<vmem_shared>>
        %dma_wait3A_144 = arith.constant 0 : i32
        %dma_wait3A_145 = tpu.memref_slice %arg14[%add3A_128, %dma_wait3A_144] : memref<10008x128xf32, #tpu.memory_space<vmem_shared>> -> memref<16x128xf32, #tpu.memory_space<vmem_shared>>
        %dma_wait3A_146 = arith.constant 0 : i32
        %dma_wait3A_147 = arith.constant 0 : i32
        %dma_wait3A_148 = tpu.memref_slice %arg12[%dma_wait3A_146, %dma_wait3A_147] : memref<112x128xf32, #tpu.memory_space<vmem>> -> memref<16x128xf32, #tpu.memory_space<vmem>>
        tpu.wait_dma2 semaphore(%run_scoped3A : memref<!tpu.dma_semaphore, #tpu.memory_space<semaphore_mem>>) src(%dma_wait3A_148 : memref<16x128xf32, #tpu.memory_space<vmem>>) dst(%dma_wait3A_145 : memref<16x128xf32, #tpu.memory_space<vmem_shared>>)
        tpu.yield
      }) : () -> ()
    }
    %scan3A_13 = arith.constant 39 : i32
    %eq3A = arith.constant 15 : i32
    %eq3A_14 = arith.cmpi eq, %arg1, %eq3A : i32
    %convert_element_type3A = arith.extui %eq3A_14 : i1 to i32
    %cond3A = arith.constant 0 : i32
    %cond3A_15 = arith.cmpi ne, %convert_element_type3A, %cond3A : i32
    scf.if %cond3A_15 {
      %scan3A_121 = arith.constant 0 : i32
      %mul3A_122 = arith.constant 1 : i32
      %mul3A_123 = arith.muli %scan3A_121, %mul3A_122 : i32
      %add3A_124 = arith.constant 0 : i32
      %add3A_125 = arith.addi %add3A_124, %mul3A_123 : i32
      %mul3A_126 = arith.constant 16 : i32
      %mul3A_127 = arith.muli %add3A_125, %mul3A_126 : i32
      %add3A_128 = arith.constant 9984 : i32
      %add3A_129 = arith.addi %add3A_128, %mul3A_127 : i32
      "tpu.region"() ({
        %run_scoped3A = tpu.sem_alloc : memref<!tpu.dma_semaphore, #tpu.memory_space<semaphore_mem>>
        %dma_start3A_131 = arith.constant 0 : i32
        %dma_start3A_132 = arith.constant 0 : i32
        %dma_start3A_133 = tpu.memref_slice %arg12[%dma_start3A_131, %dma_start3A_132] : memref<112x128xf32, #tpu.memory_space<vmem>> -> memref<16x128xf32, #tpu.memory_space<vmem>>
        %dma_start3A_134 = arith.constant 0 : i32
        %dma_start3A_135 = tpu.memref_slice %arg14[%add3A_129, %dma_start3A_134] : memref<10008x128xf32, #tpu.memory_space<vmem_shared>> -> memref<16x128xf32, #tpu.memory_space<vmem_shared>>
        %dma_start3A_136 = arith.constant 0 : i32
        %dma_start3A_137 = tpu.memref_slice %arg14[%add3A_129, %dma_start3A_136] : memref<10008x128xf32, #tpu.memory_space<vmem_shared>> -> memref<16x128xf32, #tpu.memory_space<vmem_shared>>
        %dma_start3A_138 = arith.constant 0 : i32
        %dma_start3A_139 = arith.constant 0 : i32
        %dma_start3A_140 = tpu.memref_slice %arg12[%dma_start3A_138, %dma_start3A_139] : memref<112x128xf32, #tpu.memory_space<vmem>> -> memref<16x128xf32, #tpu.memory_space<vmem>>
        tpu.enqueue_dma source(%dma_start3A_140 : memref<16x128xf32, #tpu.memory_space<vmem>>) target(%dma_start3A_137 : memref<16x128xf32, #tpu.memory_space<vmem_shared>>) target_semaphore(%run_scoped3A : memref<!tpu.dma_semaphore, #tpu.memory_space<semaphore_mem>>)
        %dma_wait3A_141 = arith.constant 0 : i32
        %dma_wait3A_142 = arith.constant 0 : i32
        %dma_wait3A_143 = tpu.memref_slice %arg12[%dma_wait3A_141, %dma_wait3A_142] : memref<112x128xf32, #tpu.memory_space<vmem>> -> memref<16x128xf32, #tpu.memory_space<vmem>>
        %dma_wait3A_144 = arith.constant 0 : i32
        %dma_wait3A_145 = tpu.memref_slice %arg14[%add3A_129, %dma_wait3A_144] : memref<10008x128xf32, #tpu.memory_space<vmem_shared>> -> memref<16x128xf32, #tpu.memory_space<vmem_shared>>
        %dma_wait3A_146 = arith.constant 0 : i32
        %dma_wait3A_147 = tpu.memref_slice %arg14[%add3A_129, %dma_wait3A_146] : memref<10008x128xf32, #tpu.memory_space<vmem_shared>> -> memref<16x128xf32, #tpu.memory_space<vmem_shared>>
        %dma_wait3A_148 = arith.constant 0 : i32
        %dma_wait3A_149 = arith.constant 0 : i32
        %dma_wait3A_150 = tpu.memref_slice %arg12[%dma_wait3A_148, %dma_wait3A_149] : memref<112x128xf32, #tpu.memory_space<vmem>> -> memref<16x128xf32, #tpu.memory_space<vmem>>
        tpu.wait_dma2 semaphore(%run_scoped3A : memref<!tpu.dma_semaphore, #tpu.memory_space<semaphore_mem>>) src(%dma_wait3A_150 : memref<16x128xf32, #tpu.memory_space<vmem>>) dst(%dma_wait3A_147 : memref<16x128xf32, #tpu.memory_space<vmem_shared>>)
        tpu.yield
      }) : () -> ()
      %scan3A_130 = arith.constant 1 : i32
    } else {
    }
    %barrier3A = arith.constant 0 : index
    tpu.barrier barrier_id(%barrier3A)
    %broadcast_in_dim3A = arith.constant 16383 : i32
    %broadcast_in_dim3A_16 = vector.broadcast %broadcast_in_dim3A : i32 to vector<16xi32>
    %broadcast_in_dim3A_17 = arith.constant 14 : i32
    %broadcast_in_dim3A_18 = vector.broadcast %broadcast_in_dim3A_17 : i32 to vector<16xi32>
    %mul3A_19 = arith.constant 0 : i32
    %mul3A_20 = arith.constant 112 : i32
    %mul3A_21 = arith.muli %mul3A_19, %mul3A_20 : i32
    %add3A_22 = arith.constant 0 : i32
    %add3A_23 = arith.addi %mul3A_21, %add3A_22 : i32
    %get3A = arith.index_cast %add3A_23 : i32 to index
    %get3A_24 = tpu.vector_load %arg6[%get3A] {strides = array<i32>} : memref<10080xi32, #tpu.memory_space<vmem>>, vector<16xi32>,
    %and3A = arith.andi %get3A_24, %broadcast_in_dim3A_16 : vector<16xi32>
    %swap3A = arith.constant 0 : index
    %swap3A_25 = tpu.vector_load %arg8[%swap3A] {strides = array<i32>} : memref<112xi32, #tpu.memory_space<vmem>>, vector<16xi32>,
    tpu.vector_store %arg8[%swap3A], %and3A {strides = array<i32>} : memref<112xi32, #tpu.memory_space<vmem>>, vector<16xi32>,
    %shift_right_logical3A = arith.shrui %get3A_24, %broadcast_in_dim3A_18 : vector<16xi32>
    %swap3A_26 = arith.constant 0 : index
    %swap3A_27 = tpu.vector_load %arg10[%swap3A_26] {strides = array<i32>} : memref<112xi32, #tpu.memory_space<vmem>>, vector<16xi32>,
    tpu.vector_store %arg10[%swap3A_26], %shift_right_logical3A {strides = array<i32>} : memref<112xi32, #tpu.memory_space<vmem>>, vector<16xi32>,
    %mul3A_28 = arith.constant 0 : i32
    %mul3A_29 = arith.constant 112 : i32
    %mul3A_30 = arith.muli %mul3A_28, %mul3A_29 : i32
    %add3A_31 = arith.constant 16 : i32
    %add3A_32 = arith.addi %mul3A_30, %add3A_31 : i32
    %get3A_33 = arith.index_cast %add3A_32 : i32 to index
    %get3A_34 = tpu.vector_load %arg6[%get3A_33] {strides = array<i32>} : memref<10080xi32, #tpu.memory_space<vmem>>, vector<16xi32>,
    %and3A_35 = arith.andi %get3A_34, %broadcast_in_dim3A_16 : vector<16xi32>
    %swap3A_36 = arith.constant 16 : index
    %swap3A_37 = tpu.vector_load %arg8[%swap3A_36] {strides = array<i32>} : memref<112xi32, #tpu.memory_space<vmem>>, vector<16xi32>,
    tpu.vector_store %arg8[%swap3A_36], %and3A_35 {strides = array<i32>} : memref<112xi32, #tpu.memory_space<vmem>>, vector<16xi32>,
    %shift_right_logical3A_38 = arith.shrui %get3A_34, %broadcast_in_dim3A_18 : vector<16xi32>
    %swap3A_39 = arith.constant 16 : index
    %swap3A_40 = tpu.vector_load %arg10[%swap3A_39] {strides = array<i32>} : memref<112xi32, #tpu.memory_space<vmem>>, vector<16xi32>,
    tpu.vector_store %arg10[%swap3A_39], %shift_right_logical3A_38 {strides = array<i32>} : memref<112xi32, #tpu.memory_space<vmem>>, vector<16xi32>,
    %mul3A_41 = arith.constant 0 : i32
    %mul3A_42 = arith.constant 112 : i32
    %mul3A_43 = arith.muli %mul3A_41, %mul3A_42 : i32
    %add3A_44 = arith.constant 32 : i32
    %add3A_45 = arith.addi %mul3A_43, %add3A_44 : i32
    %get3A_46 = arith.index_cast %add3A_45 : i32 to index
    %get3A_47 = tpu.vector_load %arg6[%get3A_46] {strides = array<i32>} : memref<10080xi32, #tpu.memory_space<vmem>>, vector<16xi32>,
    %and3A_48 = arith.andi %get3A_47, %broadcast_in_dim3A_16 : vector<16xi32>
    %swap3A_49 = arith.constant 32 : index
    %swap3A_50 = tpu.vector_load %arg8[%swap3A_49] {strides = array<i32>} : memref<112xi32, #tpu.memory_space<vmem>>, vector<16xi32>,
    tpu.vector_store %arg8[%swap3A_49], %and3A_48 {strides = array<i32>} : memref<112xi32, #tpu.memory_space<vmem>>, vector<16xi32>,
    %shift_right_logical3A_51 = arith.shrui %get3A_47, %broadcast_in_dim3A_18 : vector<16xi32>
    %swap3A_52 = arith.constant 32 : index
    %swap3A_53 = tpu.vector_load %arg10[%swap3A_52] {strides = array<i32>} : memref<112xi32, #tpu.memory_space<vmem>>, vector<16xi32>,
    tpu.vector_store %arg10[%swap3A_52], %shift_right_logical3A_51 {strides = array<i32>} : memref<112xi32, #tpu.memory_space<vmem>>, vector<16xi32>,
    %mul3A_54 = arith.constant 0 : i32
    %mul3A_55 = arith.constant 112 : i32
    %mul3A_56 = arith.muli %mul3A_54, %mul3A_55 : i32
    %add3A_57 = arith.constant 48 : i32
    %add3A_58 = arith.addi %mul3A_56, %add3A_57 : i32
    %get3A_59 = arith.index_cast %add3A_58 : i32 to index
    %get3A_60 = tpu.vector_load %arg6[%get3A_59] {strides = array<i32>} : memref<10080xi32, #tpu.memory_space<vmem>>, vector<16xi32>,
    %and3A_61 = arith.andi %get3A_60, %broadcast_in_dim3A_16 : vector<16xi32>
    %swap3A_62 = arith.constant 48 : index
    %swap3A_63 = tpu.vector_load %arg8[%swap3A_62] {strides = array<i32>} : memref<112xi32, #tpu.memory_space<vmem>>, vector<16xi32>,
    tpu.vector_store %arg8[%swap3A_62], %and3A_61 {strides = array<i32>} : memref<112xi32, #tpu.memory_space<vmem>>, vector<16xi32>,
    %shift_right_logical3A_64 = arith.shrui %get3A_60, %broadcast_in_dim3A_18 : vector<16xi32>
    %swap3A_65 = arith.constant 48 : index
    %swap3A_66 = tpu.vector_load %arg10[%swap3A_65] {strides = array<i32>} : memref<112xi32, #tpu.memory_space<vmem>>, vector<16xi32>,
    tpu.vector_store %arg10[%swap3A_65], %shift_right_logical3A_64 {strides = array<i32>} : memref<112xi32, #tpu.memory_space<vmem>>, vector<16xi32>,
    %mul3A_67 = arith.constant 0 : i32
    %mul3A_68 = arith.constant 112 : i32
    %mul3A_69 = arith.muli %mul3A_67, %mul3A_68 : i32
    %add3A_70 = arith.constant 64 : i32
    %add3A_71 = arith.addi %mul3A_69, %add3A_70 : i32
    %get3A_72 = arith.index_cast %add3A_71 : i32 to index
    %get3A_73 = tpu.vector_load %arg6[%get3A_72] {strides = array<i32>} : memref<10080xi32, #tpu.memory_space<vmem>>, vector<16xi32>,
    %and3A_74 = arith.andi %get3A_73, %broadcast_in_dim3A_16 : vector<16xi32>
    %swap3A_75 = arith.constant 64 : index
    %swap3A_76 = tpu.vector_load %arg8[%swap3A_75] {strides = array<i32>} : memref<112xi32, #tpu.memory_space<vmem>>, vector<16xi32>,
    tpu.vector_store %arg8[%swap3A_75], %and3A_74 {strides = array<i32>} : memref<112xi32, #tpu.memory_space<vmem>>, vector<16xi32>,
    %shift_right_logical3A_77 = arith.shrui %get3A_73, %broadcast_in_dim3A_18 : vector<16xi32>
    %swap3A_78 = arith.constant 64 : index
    %swap3A_79 = tpu.vector_load %arg10[%swap3A_78] {strides = array<i32>} : memref<112xi32, #tpu.memory_space<vmem>>, vector<16xi32>,
    tpu.vector_store %arg10[%swap3A_78], %shift_right_logical3A_77 {strides = array<i32>} : memref<112xi32, #tpu.memory_space<vmem>>, vector<16xi32>,
    %mul3A_80 = arith.constant 0 : i32
    %mul3A_81 = arith.constant 112 : i32
    %mul3A_82 = arith.muli %mul3A_80, %mul3A_81 : i32
    %add3A_83 = arith.constant 80 : i32
    %add3A_84 = arith.addi %mul3A_82, %add3A_83 : i32
    %get3A_85 = arith.index_cast %add3A_84 : i32 to index
    %get3A_86 = tpu.vector_load %arg6[%get3A_85] {strides = array<i32>} : memref<10080xi32, #tpu.memory_space<vmem>>, vector<16xi32>,
    %and3A_87 = arith.andi %get3A_86, %broadcast_in_dim3A_16 : vector<16xi32>
    %swap3A_88 = arith.constant 80 : index
    %swap3A_89 = tpu.vector_load %arg8[%swap3A_88] {strides = array<i32>} : memref<112xi32, #tpu.memory_space<vmem>>, vector<16xi32>,
    tpu.vector_store %arg8[%swap3A_88], %and3A_87 {strides = array<i32>} : memref<112xi32, #tpu.memory_space<vmem>>, vector<16xi32>,
    %shift_right_logical3A_90 = arith.shrui %get3A_86, %broadcast_in_dim3A_18 : vector<16xi32>
    %swap3A_91 = arith.constant 80 : index
    %swap3A_92 = tpu.vector_load %arg10[%swap3A_91] {strides = array<i32>} : memref<112xi32, #tpu.memory_space<vmem>>, vector<16xi32>,
    tpu.vector_store %arg10[%swap3A_91], %shift_right_logical3A_90 {strides = array<i32>} : memref<112xi32, #tpu.memory_space<vmem>>, vector<16xi32>,
    %mul3A_93 = arith.constant 0 : i32
    %mul3A_94 = arith.constant 112 : i32
    %mul3A_95 = arith.muli %mul3A_93, %mul3A_94 : i32
    %add3A_96 = arith.constant 96 : i32
    %add3A_97 = arith.addi %mul3A_95, %add3A_96 : i32
    %get3A_98 = arith.index_cast %add3A_97 : i32 to index
    %get3A_99 = tpu.vector_load %arg6[%get3A_98] {strides = array<i32>} : memref<10080xi32, #tpu.memory_space<vmem>>, vector<16xi32>,
    %and3A_100 = arith.andi %get3A_99, %broadcast_in_dim3A_16 : vector<16xi32>
    %swap3A_101 = arith.constant 96 : index
    %swap3A_102 = tpu.vector_load %arg8[%swap3A_101] {strides = array<i32>} : memref<112xi32, #tpu.memory_space<vmem>>, vector<16xi32>,
    tpu.vector_store %arg8[%swap3A_101], %and3A_100 {strides = array<i32>} : memref<112xi32, #tpu.memory_space<vmem>>, vector<16xi32>,
    %shift_right_logical3A_103 = arith.shrui %get3A_99, %broadcast_in_dim3A_18 : vector<16xi32>
    %swap3A_104 = arith.constant 96 : index
    %swap3A_105 = tpu.vector_load %arg10[%swap3A_104] {strides = array<i32>} : memref<112xi32, #tpu.memory_space<vmem>>, vector<16xi32>,
    tpu.vector_store %arg10[%swap3A_104], %shift_right_logical3A_103 {strides = array<i32>} : memref<112xi32, #tpu.memory_space<vmem>>, vector<16xi32>,
    %dma_start3A = arith.constant 0 : i32
    %dma_start3A_106 = arith.constant 0 : i32
    %dma_start3A_107 = tpu.memref_slice %arg2[%dma_start3A, %dma_start3A_106] : memref<10000x128xf32, #tpu.memory_space<hbm>> -> memref<10000x128xf32, #tpu.memory_space<hbm>>
    tpu.enqueue_indirect_dma source(%dma_start3A_107 : memref<10000x128xf32, #tpu.memory_space<hbm>>) target(%arg12 : memref<112x128xf32, #tpu.memory_space<vmem>>) offsets(%arg8 : memref<112xi32, #tpu.memory_space<vmem>>) semaphore(%arg15 : memref<!tpu.dma_semaphore, #tpu.memory_space<semaphore_mem>>)
    %scan3A_108 = arith.constant 0 : i32
    %scan3A_109 = arith.constant 45 : i32
    %scan3A_110 = arith.addi %scan3A_108, %scan3A_109 : i32
    %scan3A_111 = arith.constant 1 : i32
    scf.for %scan3A_121 = %scan3A_108 to %scan3A_110 step %scan3A_111  : i32 {
      %mul3A_122 = arith.constant 1 : i32
      %mul3A_123 = arith.muli %scan3A_121, %mul3A_122 : i32
      %add3A_124 = arith.constant 0 : i32
      %add3A_125 = arith.addi %add3A_124, %mul3A_123 : i32
      %mul3A_126 = arith.constant 2 : i32
      %mul3A_127 = arith.muli %mul3A_126, %add3A_125 : i32
      %dma_wait3A_128 = arith.constant 0 : i32
      %dma_wait3A_129 = arith.constant 0 : i32
      %dma_wait3A_130 = tpu.memref_slice %arg2[%dma_wait3A_128, %dma_wait3A_129] : memref<10000x128xf32, #tpu.memory_space<hbm>> -> memref<10000x128xf32, #tpu.memory_space<hbm>>
      tpu.wait_indirect_dma semaphore(%arg15 : memref<!tpu.dma_semaphore, #tpu.memory_space<semaphore_mem>>) src(%dma_wait3A_130 : memref<10000x128xf32, #tpu.memory_space<hbm>>) dst(%arg12 : memref<112x128xf32, #tpu.memory_space<vmem>>)
      %ge3A = arith.constant 1 : i32
      %ge3A_131 = arith.cmpi sge, %mul3A_127, %ge3A : i32
      %convert_element_type3A_132 = arith.extui %ge3A_131 : i1 to i32
      %cond3A_133 = arith.constant 0 : i32
      %cond3A_134 = arith.cmpi ne, %convert_element_type3A_132, %cond3A_133 : i32
      scf.if %cond3A_134 {
        %dma_wait3A_282 = arith.constant 0 : i32
        %dma_wait3A_283 = arith.constant 0 : i32
        %dma_wait3A_284 = tpu.memref_slice %arg14[%dma_wait3A_282, %dma_wait3A_283] : memref<10008x128xf32, #tpu.memory_space<vmem_shared>> -> memref<10008x128xf32, #tpu.memory_space<vmem_shared>>
        tpu.wait_indirect_dma semaphore(%arg18 : memref<!tpu.dma_semaphore, #tpu.memory_space<semaphore_mem>>) src(%arg13 : memref<112x128xf32, #tpu.memory_space<vmem>>) dst(%dma_wait3A_284 : memref<10008x128xf32, #tpu.memory_space<vmem_shared>>)
      } else {
      }
      %add3A_135 = arith.constant 1 : i32
      %add3A_136 = arith.addi %mul3A_127, %add3A_135 : i32
      %lt3A = arith.constant 90 : i32
      %lt3A_137 = arith.cmpi slt, %add3A_136, %lt3A : i32
      %convert_element_type3A_138 = arith.extui %lt3A_137 : i1 to i32
      %cond3A_139 = arith.constant 0 : i32
      %cond3A_140 = arith.cmpi ne, %convert_element_type3A_138, %cond3A_139 : i32
      scf.if %cond3A_140 {
        %add3A_282 = arith.constant 1 : i32
        %add3A_283 = arith.addi %mul3A_127, %add3A_282 : i32
        %broadcast_in_dim3A_284 = arith.constant 16383 : i32
        %broadcast_in_dim3A_285 = vector.broadcast %broadcast_in_dim3A_284 : i32 to vector<16xi32>
        %broadcast_in_dim3A_286 = arith.constant 14 : i32
        %broadcast_in_dim3A_287 = vector.broadcast %broadcast_in_dim3A_286 : i32 to vector<16xi32>
        %mul3A_288 = arith.constant 112 : i32
        %mul3A_289 = arith.muli %add3A_283, %mul3A_288 : i32
        %add3A_290 = arith.constant 0 : i32
        %add3A_291 = arith.addi %mul3A_289, %add3A_290 : i32
        %get3A_292 = arith.index_cast %add3A_291 : i32 to index
        %get3A_293 = tpu.vector_load %arg6[%get3A_292] {strides = array<i32>} : memref<10080xi32, #tpu.memory_space<vmem>>, vector<16xi32>,
        %and3A_294 = arith.andi %get3A_293, %broadcast_in_dim3A_285 : vector<16xi32>
        %swap3A_295 = arith.constant 0 : index
        %swap3A_296 = tpu.vector_load %arg9[%swap3A_295] {strides = array<i32>} : memref<112xi32, #tpu.memory_space<vmem>>, vector<16xi32>,
        tpu.vector_store %arg9[%swap3A_295], %and3A_294 {strides = array<i32>} : memref<112xi32, #tpu.memory_space<vmem>>, vector<16xi32>,
        %shift_right_logical3A_297 = arith.shrui %get3A_293, %broadcast_in_dim3A_287 : vector<16xi32>
        %swap3A_298 = arith.constant 0 : index
        %swap3A_299 = tpu.vector_load %arg11[%swap3A_298] {strides = array<i32>} : memref<112xi32, #tpu.memory_space<vmem>>, vector<16xi32>,
        tpu.vector_store %arg11[%swap3A_298], %shift_right_logical3A_297 {strides = array<i32>} : memref<112xi32, #tpu.memory_space<vmem>>, vector<16xi32>,
        %mul3A_300 = arith.constant 112 : i32
        %mul3A_301 = arith.muli %add3A_283, %mul3A_300 : i32
        %add3A_302 = arith.constant 16 : i32
        %add3A_303 = arith.addi %mul3A_301, %add3A_302 : i32
        %get3A_304 = arith.index_cast %add3A_303 : i32 to index
        %get3A_305 = tpu.vector_load %arg6[%get3A_304] {strides = array<i32>} : memref<10080xi32, #tpu.memory_space<vmem>>, vector<16xi32>,
        %and3A_306 = arith.andi %get3A_305, %broadcast_in_dim3A_285 : vector<16xi32>
        %swap3A_307 = arith.constant 16 : index
        %swap3A_308 = tpu.vector_load %arg9[%swap3A_307] {strides = array<i32>} : memref<112xi32, #tpu.memory_space<vmem>>, vector<16xi32>,
        tpu.vector_store %arg9[%swap3A_307], %and3A_306 {strides = array<i32>} : memref<112xi32, #tpu.memory_space<vmem>>, vector<16xi32>,
        %shift_right_logical3A_309 = arith.shrui %get3A_305, %broadcast_in_dim3A_287 : vector<16xi32>
        %swap3A_310 = arith.constant 16 : index
        %swap3A_311 = tpu.vector_load %arg11[%swap3A_310] {strides = array<i32>} : memref<112xi32, #tpu.memory_space<vmem>>, vector<16xi32>,
        tpu.vector_store %arg11[%swap3A_310], %shift_right_logical3A_309 {strides = array<i32>} : memref<112xi32, #tpu.memory_space<vmem>>, vector<16xi32>,
        %mul3A_312 = arith.constant 112 : i32
        %mul3A_313 = arith.muli %add3A_283, %mul3A_312 : i32
        %add3A_314 = arith.constant 32 : i32
        %add3A_315 = arith.addi %mul3A_313, %add3A_314 : i32
        %get3A_316 = arith.index_cast %add3A_315 : i32 to index
        %get3A_317 = tpu.vector_load %arg6[%get3A_316] {strides = array<i32>} : memref<10080xi32, #tpu.memory_space<vmem>>, vector<16xi32>,
        %and3A_318 = arith.andi %get3A_317, %broadcast_in_dim3A_285 : vector<16xi32>
        %swap3A_319 = arith.constant 32 : index
        %swap3A_320 = tpu.vector_load %arg9[%swap3A_319] {strides = array<i32>} : memref<112xi32, #tpu.memory_space<vmem>>, vector<16xi32>,
        tpu.vector_store %arg9[%swap3A_319], %and3A_318 {strides = array<i32>} : memref<112xi32, #tpu.memory_space<vmem>>, vector<16xi32>,
        %shift_right_logical3A_321 = arith.shrui %get3A_317, %broadcast_in_dim3A_287 : vector<16xi32>
        %swap3A_322 = arith.constant 32 : index
        %swap3A_323 = tpu.vector_load %arg11[%swap3A_322] {strides = array<i32>} : memref<112xi32, #tpu.memory_space<vmem>>, vector<16xi32>,
        tpu.vector_store %arg11[%swap3A_322], %shift_right_logical3A_321 {strides = array<i32>} : memref<112xi32, #tpu.memory_space<vmem>>, vector<16xi32>,
        %mul3A_324 = arith.constant 112 : i32
        %mul3A_325 = arith.muli %add3A_283, %mul3A_324 : i32
        %add3A_326 = arith.constant 48 : i32
        %add3A_327 = arith.addi %mul3A_325, %add3A_326 : i32
        %get3A_328 = arith.index_cast %add3A_327 : i32 to index
        %get3A_329 = tpu.vector_load %arg6[%get3A_328] {strides = array<i32>} : memref<10080xi32, #tpu.memory_space<vmem>>, vector<16xi32>,
        %and3A_330 = arith.andi %get3A_329, %broadcast_in_dim3A_285 : vector<16xi32>
        %swap3A_331 = arith.constant 48 : index
        %swap3A_332 = tpu.vector_load %arg9[%swap3A_331] {strides = array<i32>} : memref<112xi32, #tpu.memory_space<vmem>>, vector<16xi32>,
        tpu.vector_store %arg9[%swap3A_331], %and3A_330 {strides = array<i32>} : memref<112xi32, #tpu.memory_space<vmem>>, vector<16xi32>,
        %shift_right_logical3A_333 = arith.shrui %get3A_329, %broadcast_in_dim3A_287 : vector<16xi32>
        %swap3A_334 = arith.constant 48 : index
        %swap3A_335 = tpu.vector_load %arg11[%swap3A_334] {strides = array<i32>} : memref<112xi32, #tpu.memory_space<vmem>>, vector<16xi32>,
        tpu.vector_store %arg11[%swap3A_334], %shift_right_logical3A_333 {strides = array<i32>} : memref<112xi32, #tpu.memory_space<vmem>>, vector<16xi32>,
        %mul3A_336 = arith.constant 112 : i32
        %mul3A_337 = arith.muli %add3A_283, %mul3A_336 : i32
        %add3A_338 = arith.constant 64 : i32
        %add3A_339 = arith.addi %mul3A_337, %add3A_338 : i32
        %get3A_340 = arith.index_cast %add3A_339 : i32 to index
        %get3A_341 = tpu.vector_load %arg6[%get3A_340] {strides = array<i32>} : memref<10080xi32, #tpu.memory_space<vmem>>, vector<16xi32>,
        %and3A_342 = arith.andi %get3A_341, %broadcast_in_dim3A_285 : vector<16xi32>
        %swap3A_343 = arith.constant 64 : index
        %swap3A_344 = tpu.vector_load %arg9[%swap3A_343] {strides = array<i32>} : memref<112xi32, #tpu.memory_space<vmem>>, vector<16xi32>,
        tpu.vector_store %arg9[%swap3A_343], %and3A_342 {strides = array<i32>} : memref<112xi32, #tpu.memory_space<vmem>>, vector<16xi32>,
        %shift_right_logical3A_345 = arith.shrui %get3A_341, %broadcast_in_dim3A_287 : vector<16xi32>
        %swap3A_346 = arith.constant 64 : index
        %swap3A_347 = tpu.vector_load %arg11[%swap3A_346] {strides = array<i32>} : memref<112xi32, #tpu.memory_space<vmem>>, vector<16xi32>,
        tpu.vector_store %arg11[%swap3A_346], %shift_right_logical3A_345 {strides = array<i32>} : memref<112xi32, #tpu.memory_space<vmem>>, vector<16xi32>,
        %mul3A_348 = arith.constant 112 : i32
        %mul3A_349 = arith.muli %add3A_283, %mul3A_348 : i32
        %add3A_350 = arith.constant 80 : i32
        %add3A_351 = arith.addi %mul3A_349, %add3A_350 : i32
        %get3A_352 = arith.index_cast %add3A_351 : i32 to index
        %get3A_353 = tpu.vector_load %arg6[%get3A_352] {strides = array<i32>} : memref<10080xi32, #tpu.memory_space<vmem>>, vector<16xi32>,
        %and3A_354 = arith.andi %get3A_353, %broadcast_in_dim3A_285 : vector<16xi32>
        %swap3A_355 = arith.constant 80 : index
        %swap3A_356 = tpu.vector_load %arg9[%swap3A_355] {strides = array<i32>} : memref<112xi32, #tpu.memory_space<vmem>>, vector<16xi32>,
        tpu.vector_store %arg9[%swap3A_355], %and3A_354 {strides = array<i32>} : memref<112xi32, #tpu.memory_space<vmem>>, vector<16xi32>,
        %shift_right_logical3A_357 = arith.shrui %get3A_353, %broadcast_in_dim3A_287 : vector<16xi32>
        %swap3A_358 = arith.constant 80 : index
        %swap3A_359 = tpu.vector_load %arg11[%swap3A_358] {strides = array<i32>} : memref<112xi32, #tpu.memory_space<vmem>>, vector<16xi32>,
        tpu.vector_store %arg11[%swap3A_358], %shift_right_logical3A_357 {strides = array<i32>} : memref<112xi32, #tpu.memory_space<vmem>>, vector<16xi32>,
        %mul3A_360 = arith.constant 112 : i32
        %mul3A_361 = arith.muli %add3A_283, %mul3A_360 : i32
        %add3A_362 = arith.constant 96 : i32
        %add3A_363 = arith.addi %mul3A_361, %add3A_362 : i32
        %get3A_364 = arith.index_cast %add3A_363 : i32 to index
        %get3A_365 = tpu.vector_load %arg6[%get3A_364] {strides = array<i32>} : memref<10080xi32, #tpu.memory_space<vmem>>, vector<16xi32>,
        %and3A_366 = arith.andi %get3A_365, %broadcast_in_dim3A_285 : vector<16xi32>
        %swap3A_367 = arith.constant 96 : index
        %swap3A_368 = tpu.vector_load %arg9[%swap3A_367] {strides = array<i32>} : memref<112xi32, #tpu.memory_space<vmem>>, vector<16xi32>,
        tpu.vector_store %arg9[%swap3A_367], %and3A_366 {strides = array<i32>} : memref<112xi32, #tpu.memory_space<vmem>>, vector<16xi32>,
        %shift_right_logical3A_369 = arith.shrui %get3A_365, %broadcast_in_dim3A_287 : vector<16xi32>
        %swap3A_370 = arith.constant 96 : index
        %swap3A_371 = tpu.vector_load %arg11[%swap3A_370] {strides = array<i32>} : memref<112xi32, #tpu.memory_space<vmem>>, vector<16xi32>,
        tpu.vector_store %arg11[%swap3A_370], %shift_right_logical3A_369 {strides = array<i32>} : memref<112xi32, #tpu.memory_space<vmem>>, vector<16xi32>,
        %dma_start3A_372 = arith.constant 0 : i32
        %dma_start3A_373 = arith.constant 0 : i32
        %dma_start3A_374 = tpu.memref_slice %arg2[%dma_start3A_372, %dma_start3A_373] : memref<10000x128xf32, #tpu.memory_space<hbm>> -> memref<10000x128xf32, #tpu.memory_space<hbm>>
        tpu.enqueue_indirect_dma source(%dma_start3A_374 : memref<10000x128xf32, #tpu.memory_space<hbm>>) target(%arg13 : memref<112x128xf32, #tpu.memory_space<vmem>>) offsets(%arg9 : memref<112xi32, #tpu.memory_space<vmem>>) semaphore(%arg16 : memref<!tpu.dma_semaphore, #tpu.memory_space<semaphore_mem>>)
      } else {
      }
      %mul3A_141 = arith.constant 112 : i32
      %mul3A_142 = arith.muli %mul3A_127, %mul3A_141 : i32
      %broadcast_in_dim3A_143 = arith.constant 1.000000e+00 : f32
      %broadcast_in_dim3A_144 = vector.broadcast %broadcast_in_dim3A_143 : f32 to vector<16xf32>
      %get3A_145 = arith.index_cast %mul3A_142 : i32 to index
      %get3A_146 = tpu.vector_load %arg7[%get3A_145] {strides = array<i32>} : memref<10080xf32, #tpu.memory_space<vmem>>, vector<16xf32>,
      %eq3A_147 = arith.cmpf oeq, %get3A_146, %broadcast_in_dim3A_144 : vector<16xf32>
      %add3A_148 = arith.constant 16 : i32
      %add3A_149 = arith.addi %mul3A_142, %add3A_148 : i32
      %get3A_150 = arith.index_cast %add3A_149 : i32 to index
      %get3A_151 = tpu.vector_load %arg7[%get3A_150] {strides = array<i32>} : memref<10080xf32, #tpu.memory_space<vmem>>, vector<16xf32>,
      %eq3A_152 = arith.cmpf oeq, %get3A_151, %broadcast_in_dim3A_144 : vector<16xf32>
      %and3A_153 = arith.andi %eq3A_147, %eq3A_152 : vector<16xi1>
      %add3A_154 = arith.constant 32 : i32
      %add3A_155 = arith.addi %mul3A_142, %add3A_154 : i32
      %get3A_156 = arith.index_cast %add3A_155 : i32 to index
      %get3A_157 = tpu.vector_load %arg7[%get3A_156] {strides = array<i32>} : memref<10080xf32, #tpu.memory_space<vmem>>, vector<16xf32>,
      %eq3A_158 = arith.cmpf oeq, %get3A_157, %broadcast_in_dim3A_144 : vector<16xf32>
      %and3A_159 = arith.andi %and3A_153, %eq3A_158 : vector<16xi1>
      %add3A_160 = arith.constant 48 : i32
      %add3A_161 = arith.addi %mul3A_142, %add3A_160 : i32
      %get3A_162 = arith.index_cast %add3A_161 : i32 to index
      %get3A_163 = tpu.vector_load %arg7[%get3A_162] {strides = array<i32>} : memref<10080xf32, #tpu.memory_space<vmem>>, vector<16xf32>,
      %eq3A_164 = arith.cmpf oeq, %get3A_163, %broadcast_in_dim3A_144 : vector<16xf32>
      %and3A_165 = arith.andi %and3A_159, %eq3A_164 : vector<16xi1>
      %add3A_166 = arith.constant 64 : i32
      %add3A_167 = arith.addi %mul3A_142, %add3A_166 : i32
      %get3A_168 = arith.index_cast %add3A_167 : i32 to index
      %get3A_169 = tpu.vector_load %arg7[%get3A_168] {strides = array<i32>} : memref<10080xf32, #tpu.memory_space<vmem>>, vector<16xf32>,
      %eq3A_170 = arith.cmpf oeq, %get3A_169, %broadcast_in_dim3A_144 : vector<16xf32>
      %and3A_171 = arith.andi %and3A_165, %eq3A_170 : vector<16xi1>
      %add3A_172 = arith.constant 80 : i32
      %add3A_173 = arith.addi %mul3A_142, %add3A_172 : i32
      %get3A_174 = arith.index_cast %add3A_173 : i32 to index
      %get3A_175 = tpu.vector_load %arg7[%get3A_174] {strides = array<i32>} : memref<10080xf32, #tpu.memory_space<vmem>>, vector<16xf32>,
      %eq3A_176 = arith.cmpf oeq, %get3A_175, %broadcast_in_dim3A_144 : vector<16xf32>
      %and3A_177 = arith.andi %and3A_171, %eq3A_176 : vector<16xi1>
      %add3A_178 = arith.constant 96 : i32
      %add3A_179 = arith.addi %mul3A_142, %add3A_178 : i32
      %get3A_180 = arith.index_cast %add3A_179 : i32 to index
      %get3A_181 = tpu.vector_load %arg7[%get3A_180] {strides = array<i32>} : memref<10080xf32, #tpu.memory_space<vmem>>, vector<16xf32>,
      %eq3A_182 = arith.cmpf oeq, %get3A_181, %broadcast_in_dim3A_144 : vector<16xf32>
      %and3A_183 = arith.andi %and3A_177, %eq3A_182 : vector<16xi1>
      %reduce_and3A = arith.constant 1.000000e+00 : f32
      %reduce_and3A_184 = arith.constant 0.000000e+00 : f32
      %reduce_and3A_185 = vector.broadcast %reduce_and3A : f32 to vector<16xf32>
      %reduce_and3A_186 = vector.broadcast %reduce_and3A_184 : f32 to vector<16xf32>
      %reduce_and3A_187 = arith.select %and3A_183, %reduce_and3A_185, %reduce_and3A_186 : vector<16xi1>, vector<16xf32>
      %reduce_and3A_188 = arith.constant true
      %reduce_and3A_189 = vector.broadcast %reduce_and3A_188 : i1 to vector<16xi1>
      %reduce_and3A_190 = tpu.scan <min>, %reduce_and3A_187 masked %reduce_and3A_189 : vector<16xf32>, vector<16xi1> -> vector<16xf32>
      %reduce_and3A_191 = vector.extract %reduce_and3A_190[15] : f32 from vector<16xf32>
      %reduce_and3A_192 = arith.constant 0.000000e+00 : f32
      %reduce_and3A_193 = arith.cmpf ogt, %reduce_and3A_191, %reduce_and3A_192 : f32
      %not3A = arith.constant true
      %not3A_194 = arith.xori %reduce_and3A_193, %not3A : i1
      %convert_element_type3A_195 = arith.extui %not3A_194 : i1 to i32
      %cond3A_196 = arith.constant 0 : i32
      %cond3A_197 = arith.cmpi ne, %convert_element_type3A_195, %cond3A_196 : i32
      scf.if %cond3A_197 {
        %scan3A_282 = arith.constant 0 : i32
        %scan3A_283 = arith.constant 112 : i32
        %scan3A_284 = arith.addi %scan3A_282, %scan3A_283 : i32
        %scan3A_285 = arith.constant 2 : i32
        scf.for %scan3A_287 = %scan3A_282 to %scan3A_284 step %scan3A_285  : i32 {
          %mul3A_288 = arith.constant 1 : i32
          %mul3A_289 = arith.muli %scan3A_287, %mul3A_288 : i32
          %add3A_290 = arith.constant 0 : i32
          %add3A_291 = arith.addi %add3A_290, %mul3A_289 : i32
          %add3A_292 = arith.addi %mul3A_142, %add3A_291 : i32
          %broadcast_in_dim3A_293 = vector.broadcast %add3A_292 : i32 to vector<16xi32>
          %gather3A = tpu.vector_load_idx %arg7[%broadcast_in_dim3A_293] : memref<10080xf32, #tpu.memory_space<vmem>>[vector<16xi32>], vector<16xf32>,
          %get3A_294 = arith.index_cast %add3A_291 : i32 to index
          %get3A_295 = arith.constant 0 : index
          %get3A_296 = tpu.vector_load %arg12[%get3A_294, %get3A_295] {strides = array<i32>} : memref<112x128xf32, #tpu.memory_space<vmem>>, vector<16xf32>,
          %mul3A_297 = arith.mulf %get3A_296, %gather3A : vector<16xf32>
          %swap3A_298 = arith.index_cast %add3A_291 : i32 to index
          %swap3A_299 = arith.constant 0 : index
          %swap3A_300 = tpu.vector_load %arg12[%swap3A_298, %swap3A_299] {strides = array<i32>} : memref<112x128xf32, #tpu.memory_space<vmem>>, vector<16xf32>,
          tpu.vector_store %arg12[%swap3A_298, %swap3A_299], %mul3A_297 {strides = array<i32>} : memref<112x128xf32, #tpu.memory_space<vmem>>, vector<16xf32>,
          %get3A_301 = arith.index_cast %add3A_291 : i32 to index
          %get3A_302 = arith.constant 16 : index
          %get3A_303 = tpu.vector_load %arg12[%get3A_301, %get3A_302] {strides = array<i32>} : memref<112x128xf32, #tpu.memory_space<vmem>>, vector<16xf32>,
          %mul3A_304 = arith.mulf %get3A_303, %gather3A : vector<16xf32>
          %swap3A_305 = arith.index_cast %add3A_291 : i32 to index
          %swap3A_306 = arith.constant 16 : index
          %swap3A_307 = tpu.vector_load %arg12[%swap3A_305, %swap3A_306] {strides = array<i32>} : memref<112x128xf32, #tpu.memory_space<vmem>>, vector<16xf32>,
          tpu.vector_store %arg12[%swap3A_305, %swap3A_306], %mul3A_304 {strides = array<i32>} : memref<112x128xf32, #tpu.memory_space<vmem>>, vector<16xf32>,
          %get3A_308 = arith.index_cast %add3A_291 : i32 to index
          %get3A_309 = arith.constant 32 : index
          %get3A_310 = tpu.vector_load %arg12[%get3A_308, %get3A_309] {strides = array<i32>} : memref<112x128xf32, #tpu.memory_space<vmem>>, vector<16xf32>,
          %mul3A_311 = arith.mulf %get3A_310, %gather3A : vector<16xf32>
          %swap3A_312 = arith.index_cast %add3A_291 : i32 to index
          %swap3A_313 = arith.constant 32 : index
          %swap3A_314 = tpu.vector_load %arg12[%swap3A_312, %swap3A_313] {strides = array<i32>} : memref<112x128xf32, #tpu.memory_space<vmem>>, vector<16xf32>,
          tpu.vector_store %arg12[%swap3A_312, %swap3A_313], %mul3A_311 {strides = array<i32>} : memref<112x128xf32, #tpu.memory_space<vmem>>, vector<16xf32>,
          %get3A_315 = arith.index_cast %add3A_291 : i32 to index
          %get3A_316 = arith.constant 48 : index
          %get3A_317 = tpu.vector_load %arg12[%get3A_315, %get3A_316] {strides = array<i32>} : memref<112x128xf32, #tpu.memory_space<vmem>>, vector<16xf32>,
          %mul3A_318 = arith.mulf %get3A_317, %gather3A : vector<16xf32>
          %swap3A_319 = arith.index_cast %add3A_291 : i32 to index
          %swap3A_320 = arith.constant 48 : index
          %swap3A_321 = tpu.vector_load %arg12[%swap3A_319, %swap3A_320] {strides = array<i32>} : memref<112x128xf32, #tpu.memory_space<vmem>>, vector<16xf32>,
          tpu.vector_store %arg12[%swap3A_319, %swap3A_320], %mul3A_318 {strides = array<i32>} : memref<112x128xf32, #tpu.memory_space<vmem>>, vector<16xf32>,
          %get3A_322 = arith.index_cast %add3A_291 : i32 to index
          %get3A_323 = arith.constant 64 : index
          %get3A_324 = tpu.vector_load %arg12[%get3A_322, %get3A_323] {strides = array<i32>} : memref<112x128xf32, #tpu.memory_space<vmem>>, vector<16xf32>,
          %mul3A_325 = arith.mulf %get3A_324, %gather3A : vector<16xf32>
          %swap3A_326 = arith.index_cast %add3A_291 : i32 to index
          %swap3A_327 = arith.constant 64 : index
          %swap3A_328 = tpu.vector_load %arg12[%swap3A_326, %swap3A_327] {strides = array<i32>} : memref<112x128xf32, #tpu.memory_space<vmem>>, vector<16xf32>,
          tpu.vector_store %arg12[%swap3A_326, %swap3A_327], %mul3A_325 {strides = array<i32>} : memref<112x128xf32, #tpu.memory_space<vmem>>, vector<16xf32>,
          %get3A_329 = arith.index_cast %add3A_291 : i32 to index
          %get3A_330 = arith.constant 80 : index
          %get3A_331 = tpu.vector_load %arg12[%get3A_329, %get3A_330] {strides = array<i32>} : memref<112x128xf32, #tpu.memory_space<vmem>>, vector<16xf32>,
          %mul3A_332 = arith.mulf %get3A_331, %gather3A : vector<16xf32>
          %swap3A_333 = arith.index_cast %add3A_291 : i32 to index
          %swap3A_334 = arith.constant 80 : index
          %swap3A_335 = tpu.vector_load %arg12[%swap3A_333, %swap3A_334] {strides = array<i32>} : memref<112x128xf32, #tpu.memory_space<vmem>>, vector<16xf32>,
          tpu.vector_store %arg12[%swap3A_333, %swap3A_334], %mul3A_332 {strides = array<i32>} : memref<112x128xf32, #tpu.memory_space<vmem>>, vector<16xf32>,
          %get3A_336 = arith.index_cast %add3A_291 : i32 to index
          %get3A_337 = arith.constant 96 : index
          %get3A_338 = tpu.vector_load %arg12[%get3A_336, %get3A_337] {strides = array<i32>} : memref<112x128xf32, #tpu.memory_space<vmem>>, vector<16xf32>,
          %mul3A_339 = arith.mulf %get3A_338, %gather3A : vector<16xf32>
          %swap3A_340 = arith.index_cast %add3A_291 : i32 to index
          %swap3A_341 = arith.constant 96 : index
          %swap3A_342 = tpu.vector_load %arg12[%swap3A_340, %swap3A_341] {strides = array<i32>} : memref<112x128xf32, #tpu.memory_space<vmem>>, vector<16xf32>,
          tpu.vector_store %arg12[%swap3A_340, %swap3A_341], %mul3A_339 {strides = array<i32>} : memref<112x128xf32, #tpu.memory_space<vmem>>, vector<16xf32>,
          %get3A_343 = arith.index_cast %add3A_291 : i32 to index
          %get3A_344 = arith.constant 112 : index
          %get3A_345 = tpu.vector_load %arg12[%get3A_343, %get3A_344] {strides = array<i32>} : memref<112x128xf32, #tpu.memory_space<vmem>>, vector<16xf32>,
          %mul3A_346 = arith.mulf %get3A_345, %gather3A : vector<16xf32>
          %swap3A_347 = arith.index_cast %add3A_291 : i32 to index
          %swap3A_348 = arith.constant 112 : index
          %swap3A_349 = tpu.vector_load %arg12[%swap3A_347, %swap3A_348] {strides = array<i32>} : memref<112x128xf32, #tpu.memory_space<vmem>>, vector<16xf32>,
          tpu.vector_store %arg12[%swap3A_347, %swap3A_348], %mul3A_346 {strides = array<i32>} : memref<112x128xf32, #tpu.memory_space<vmem>>, vector<16xf32>,
          %scan3A_350 = arith.constant 1 : i32
          %scan3A_351 = arith.addi %scan3A_287, %scan3A_350 : i32
          %mul3A_352 = arith.constant 1 : i32
          %mul3A_353 = arith.muli %scan3A_351, %mul3A_352 : i32
          %add3A_354 = arith.constant 0 : i32
          %add3A_355 = arith.addi %add3A_354, %mul3A_353 : i32
          %add3A_356 = arith.addi %mul3A_142, %add3A_355 : i32
          %broadcast_in_dim3A_357 = vector.broadcast %add3A_356 : i32 to vector<16xi32>
          %gather3A_358 = tpu.vector_load_idx %arg7[%broadcast_in_dim3A_357] : memref<10080xf32, #tpu.memory_space<vmem>>[vector<16xi32>], vector<16xf32>,
          %get3A_359 = arith.index_cast %add3A_355 : i32 to index
          %get3A_360 = arith.constant 0 : index
          %get3A_361 = tpu.vector_load %arg12[%get3A_359, %get3A_360] {strides = array<i32>} : memref<112x128xf32, #tpu.memory_space<vmem>>, vector<16xf32>,
          %mul3A_362 = arith.mulf %get3A_361, %gather3A_358 : vector<16xf32>
          %swap3A_363 = arith.index_cast %add3A_355 : i32 to index
          %swap3A_364 = arith.constant 0 : index
          %swap3A_365 = tpu.vector_load %arg12[%swap3A_363, %swap3A_364] {strides = array<i32>} : memref<112x128xf32, #tpu.memory_space<vmem>>, vector<16xf32>,
          tpu.vector_store %arg12[%swap3A_363, %swap3A_364], %mul3A_362 {strides = array<i32>} : memref<112x128xf32, #tpu.memory_space<vmem>>, vector<16xf32>,
          %get3A_366 = arith.index_cast %add3A_355 : i32 to index
          %get3A_367 = arith.constant 16 : index
          %get3A_368 = tpu.vector_load %arg12[%get3A_366, %get3A_367] {strides = array<i32>} : memref<112x128xf32, #tpu.memory_space<vmem>>, vector<16xf32>,
          %mul3A_369 = arith.mulf %get3A_368, %gather3A_358 : vector<16xf32>
          %swap3A_370 = arith.index_cast %add3A_355 : i32 to index
          %swap3A_371 = arith.constant 16 : index
          %swap3A_372 = tpu.vector_load %arg12[%swap3A_370, %swap3A_371] {strides = array<i32>} : memref<112x128xf32, #tpu.memory_space<vmem>>, vector<16xf32>,
          tpu.vector_store %arg12[%swap3A_370, %swap3A_371], %mul3A_369 {strides = array<i32>} : memref<112x128xf32, #tpu.memory_space<vmem>>, vector<16xf32>,
          %get3A_373 = arith.index_cast %add3A_355 : i32 to index
          %get3A_374 = arith.constant 32 : index
          %get3A_375 = tpu.vector_load %arg12[%get3A_373, %get3A_374] {strides = array<i32>} : memref<112x128xf32, #tpu.memory_space<vmem>>, vector<16xf32>,
          %mul3A_376 = arith.mulf %get3A_375, %gather3A_358 : vector<16xf32>
          %swap3A_377 = arith.index_cast %add3A_355 : i32 to index
          %swap3A_378 = arith.constant 32 : index
          %swap3A_379 = tpu.vector_load %arg12[%swap3A_377, %swap3A_378] {strides = array<i32>} : memref<112x128xf32, #tpu.memory_space<vmem>>, vector<16xf32>,
          tpu.vector_store %arg12[%swap3A_377, %swap3A_378], %mul3A_376 {strides = array<i32>} : memref<112x128xf32, #tpu.memory_space<vmem>>, vector<16xf32>,
          %get3A_380 = arith.index_cast %add3A_355 : i32 to index
          %get3A_381 = arith.constant 48 : index
          %get3A_382 = tpu.vector_load %arg12[%get3A_380, %get3A_381] {strides = array<i32>} : memref<112x128xf32, #tpu.memory_space<vmem>>, vector<16xf32>,
          %mul3A_383 = arith.mulf %get3A_382, %gather3A_358 : vector<16xf32>
          %swap3A_384 = arith.index_cast %add3A_355 : i32 to index
          %swap3A_385 = arith.constant 48 : index
          %swap3A_386 = tpu.vector_load %arg12[%swap3A_384, %swap3A_385] {strides = array<i32>} : memref<112x128xf32, #tpu.memory_space<vmem>>, vector<16xf32>,
          tpu.vector_store %arg12[%swap3A_384, %swap3A_385], %mul3A_383 {strides = array<i32>} : memref<112x128xf32, #tpu.memory_space<vmem>>, vector<16xf32>,
          %get3A_387 = arith.index_cast %add3A_355 : i32 to index
          %get3A_388 = arith.constant 64 : index
          %get3A_389 = tpu.vector_load %arg12[%get3A_387, %get3A_388] {strides = array<i32>} : memref<112x128xf32, #tpu.memory_space<vmem>>, vector<16xf32>,
          %mul3A_390 = arith.mulf %get3A_389, %gather3A_358 : vector<16xf32>
          %swap3A_391 = arith.index_cast %add3A_355 : i32 to index
          %swap3A_392 = arith.constant 64 : index
          %swap3A_393 = tpu.vector_load %arg12[%swap3A_391, %swap3A_392] {strides = array<i32>} : memref<112x128xf32, #tpu.memory_space<vmem>>, vector<16xf32>,
          tpu.vector_store %arg12[%swap3A_391, %swap3A_392], %mul3A_390 {strides = array<i32>} : memref<112x128xf32, #tpu.memory_space<vmem>>, vector<16xf32>,
          %get3A_394 = arith.index_cast %add3A_355 : i32 to index
          %get3A_395 = arith.constant 80 : index
          %get3A_396 = tpu.vector_load %arg12[%get3A_394, %get3A_395] {strides = array<i32>} : memref<112x128xf32, #tpu.memory_space<vmem>>, vector<16xf32>,
          %mul3A_397 = arith.mulf %get3A_396, %gather3A_358 : vector<16xf32>
          %swap3A_398 = arith.index_cast %add3A_355 : i32 to index
          %swap3A_399 = arith.constant 80 : index
          %swap3A_400 = tpu.vector_load %arg12[%swap3A_398, %swap3A_399] {strides = array<i32>} : memref<112x128xf32, #tpu.memory_space<vmem>>, vector<16xf32>,
          tpu.vector_store %arg12[%swap3A_398, %swap3A_399], %mul3A_397 {strides = array<i32>} : memref<112x128xf32, #tpu.memory_space<vmem>>, vector<16xf32>,
          %get3A_401 = arith.index_cast %add3A_355 : i32 to index
          %get3A_402 = arith.constant 96 : index
          %get3A_403 = tpu.vector_load %arg12[%get3A_401, %get3A_402] {strides = array<i32>} : memref<112x128xf32, #tpu.memory_space<vmem>>, vector<16xf32>,
          %mul3A_404 = arith.mulf %get3A_403, %gather3A_358 : vector<16xf32>
          %swap3A_405 = arith.index_cast %add3A_355 : i32 to index
          %swap3A_406 = arith.constant 96 : index
          %swap3A_407 = tpu.vector_load %arg12[%swap3A_405, %swap3A_406] {strides = array<i32>} : memref<112x128xf32, #tpu.memory_space<vmem>>, vector<16xf32>,
          tpu.vector_store %arg12[%swap3A_405, %swap3A_406], %mul3A_404 {strides = array<i32>} : memref<112x128xf32, #tpu.memory_space<vmem>>, vector<16xf32>,
          %get3A_408 = arith.index_cast %add3A_355 : i32 to index
          %get3A_409 = arith.constant 112 : index
          %get3A_410 = tpu.vector_load %arg12[%get3A_408, %get3A_409] {strides = array<i32>} : memref<112x128xf32, #tpu.memory_space<vmem>>, vector<16xf32>,
          %mul3A_411 = arith.mulf %get3A_410, %gather3A_358 : vector<16xf32>
          %swap3A_412 = arith.index_cast %add3A_355 : i32 to index
          %swap3A_413 = arith.constant 112 : index
          %swap3A_414 = tpu.vector_load %arg12[%swap3A_412, %swap3A_413] {strides = array<i32>} : memref<112x128xf32, #tpu.memory_space<vmem>>, vector<16xf32>,
          tpu.vector_store %arg12[%swap3A_412, %swap3A_413], %mul3A_411 {strides = array<i32>} : memref<112x128xf32, #tpu.memory_space<vmem>>, vector<16xf32>,
        }
        %scan3A_286 = arith.constant 112 : i32
      } else {
      }
      %dma_start3A_198 = arith.constant 0 : i32
      %dma_start3A_199 = arith.constant 0 : i32
      %dma_start3A_200 = tpu.memref_slice %arg14[%dma_start3A_198, %dma_start3A_199] : memref<10008x128xf32, #tpu.memory_space<vmem_shared>> -> memref<10008x128xf32, #tpu.memory_space<vmem_shared>>
      tpu.enqueue_indirect_dma source(%arg12 : memref<112x128xf32, #tpu.memory_space<vmem>>) target(%dma_start3A_200 : memref<10008x128xf32, #tpu.memory_space<vmem_shared>>) offsets(%arg10 : memref<112xi32, #tpu.memory_space<vmem>>) semaphore(%arg17 : memref<!tpu.dma_semaphore, #tpu.memory_space<semaphore_mem>>) {add = true}
      %mul3A_201 = arith.constant 2 : i32
      %mul3A_202 = arith.muli %mul3A_201, %add3A_125 : i32
      %add3A_203 = arith.constant 1 : i32
      %add3A_204 = arith.addi %mul3A_202, %add3A_203 : i32
      %dma_wait3A_205 = arith.constant 0 : i32
      %dma_wait3A_206 = arith.constant 0 : i32
      %dma_wait3A_207 = tpu.memref_slice %arg2[%dma_wait3A_205, %dma_wait3A_206] : memref<10000x128xf32, #tpu.memory_space<hbm>> -> memref<10000x128xf32, #tpu.memory_space<hbm>>
      tpu.wait_indirect_dma semaphore(%arg16 : memref<!tpu.dma_semaphore, #tpu.memory_space<semaphore_mem>>) src(%dma_wait3A_207 : memref<10000x128xf32, #tpu.memory_space<hbm>>) dst(%arg13 : memref<112x128xf32, #tpu.memory_space<vmem>>)
      %ge3A_208 = arith.constant 1 : i32
      %ge3A_209 = arith.cmpi sge, %add3A_204, %ge3A_208 : i32
      %convert_element_type3A_210 = arith.extui %ge3A_209 : i1 to i32
      %cond3A_211 = arith.constant 0 : i32
      %cond3A_212 = arith.cmpi ne, %convert_element_type3A_210, %cond3A_211 : i32
      scf.if %cond3A_212 {
        %dma_wait3A_282 = arith.constant 0 : i32
        %dma_wait3A_283 = arith.constant 0 : i32
        %dma_wait3A_284 = tpu.memref_slice %arg14[%dma_wait3A_282, %dma_wait3A_283] : memref<10008x128xf32, #tpu.memory_space<vmem_shared>> -> memref<10008x128xf32, #tpu.memory_space<vmem_shared>>
        tpu.wait_indirect_dma semaphore(%arg17 : memref<!tpu.dma_semaphore, #tpu.memory_space<semaphore_mem>>) src(%arg12 : memref<112x128xf32, #tpu.memory_space<vmem>>) dst(%dma_wait3A_284 : memref<10008x128xf32, #tpu.memory_space<vmem_shared>>)
      } else {
      }
      %add3A_213 = arith.constant 1 : i32
      %add3A_214 = arith.addi %add3A_204, %add3A_213 : i32
      %lt3A_215 = arith.constant 90 : i32
      %lt3A_216 = arith.cmpi slt, %add3A_214, %lt3A_215 : i32
      %convert_element_type3A_217 = arith.extui %lt3A_216 : i1 to i32
      %cond3A_218 = arith.constant 0 : i32
      %cond3A_219 = arith.cmpi ne, %convert_element_type3A_217, %cond3A_218 : i32
      scf.if %cond3A_219 {
        %add3A_282 = arith.constant 1 : i32
        %add3A_283 = arith.addi %add3A_204, %add3A_282 : i32
        %broadcast_in_dim3A_284 = arith.constant 16383 : i32
        %broadcast_in_dim3A_285 = vector.broadcast %broadcast_in_dim3A_284 : i32 to vector<16xi32>
        %broadcast_in_dim3A_286 = arith.constant 14 : i32
        %broadcast_in_dim3A_287 = vector.broadcast %broadcast_in_dim3A_286 : i32 to vector<16xi32>
        %mul3A_288 = arith.constant 112 : i32
        %mul3A_289 = arith.muli %add3A_283, %mul3A_288 : i32
        %add3A_290 = arith.constant 0 : i32
        %add3A_291 = arith.addi %mul3A_289, %add3A_290 : i32
        %get3A_292 = arith.index_cast %add3A_291 : i32 to index
        %get3A_293 = tpu.vector_load %arg6[%get3A_292] {strides = array<i32>} : memref<10080xi32, #tpu.memory_space<vmem>>, vector<16xi32>,
        %and3A_294 = arith.andi %get3A_293, %broadcast_in_dim3A_285 : vector<16xi32>
        %swap3A_295 = arith.constant 0 : index
        %swap3A_296 = tpu.vector_load %arg8[%swap3A_295] {strides = array<i32>} : memref<112xi32, #tpu.memory_space<vmem>>, vector<16xi32>,
        tpu.vector_store %arg8[%swap3A_295], %and3A_294 {strides = array<i32>} : memref<112xi32, #tpu.memory_space<vmem>>, vector<16xi32>,
        %shift_right_logical3A_297 = arith.shrui %get3A_293, %broadcast_in_dim3A_287 : vector<16xi32>
        %swap3A_298 = arith.constant 0 : index
        %swap3A_299 = tpu.vector_load %arg10[%swap3A_298] {strides = array<i32>} : memref<112xi32, #tpu.memory_space<vmem>>, vector<16xi32>,
        tpu.vector_store %arg10[%swap3A_298], %shift_right_logical3A_297 {strides = array<i32>} : memref<112xi32, #tpu.memory_space<vmem>>, vector<16xi32>,
        %mul3A_300 = arith.constant 112 : i32
        %mul3A_301 = arith.muli %add3A_283, %mul3A_300 : i32
        %add3A_302 = arith.constant 16 : i32
        %add3A_303 = arith.addi %mul3A_301, %add3A_302 : i32
        %get3A_304 = arith.index_cast %add3A_303 : i32 to index
        %get3A_305 = tpu.vector_load %arg6[%get3A_304] {strides = array<i32>} : memref<10080xi32, #tpu.memory_space<vmem>>, vector<16xi32>,
        %and3A_306 = arith.andi %get3A_305, %broadcast_in_dim3A_285 : vector<16xi32>
        %swap3A_307 = arith.constant 16 : index
        %swap3A_308 = tpu.vector_load %arg8[%swap3A_307] {strides = array<i32>} : memref<112xi32, #tpu.memory_space<vmem>>, vector<16xi32>,
        tpu.vector_store %arg8[%swap3A_307], %and3A_306 {strides = array<i32>} : memref<112xi32, #tpu.memory_space<vmem>>, vector<16xi32>,
        %shift_right_logical3A_309 = arith.shrui %get3A_305, %broadcast_in_dim3A_287 : vector<16xi32>
        %swap3A_310 = arith.constant 16 : index
        %swap3A_311 = tpu.vector_load %arg10[%swap3A_310] {strides = array<i32>} : memref<112xi32, #tpu.memory_space<vmem>>, vector<16xi32>,
        tpu.vector_store %arg10[%swap3A_310], %shift_right_logical3A_309 {strides = array<i32>} : memref<112xi32, #tpu.memory_space<vmem>>, vector<16xi32>,
        %mul3A_312 = arith.constant 112 : i32
        %mul3A_313 = arith.muli %add3A_283, %mul3A_312 : i32
        %add3A_314 = arith.constant 32 : i32
        %add3A_315 = arith.addi %mul3A_313, %add3A_314 : i32
        %get3A_316 = arith.index_cast %add3A_315 : i32 to index
        %get3A_317 = tpu.vector_load %arg6[%get3A_316] {strides = array<i32>} : memref<10080xi32, #tpu.memory_space<vmem>>, vector<16xi32>,
        %and3A_318 = arith.andi %get3A_317, %broadcast_in_dim3A_285 : vector<16xi32>
        %swap3A_319 = arith.constant 32 : index
        %swap3A_320 = tpu.vector_load %arg8[%swap3A_319] {strides = array<i32>} : memref<112xi32, #tpu.memory_space<vmem>>, vector<16xi32>,
        tpu.vector_store %arg8[%swap3A_319], %and3A_318 {strides = array<i32>} : memref<112xi32, #tpu.memory_space<vmem>>, vector<16xi32>,
        %shift_right_logical3A_321 = arith.shrui %get3A_317, %broadcast_in_dim3A_287 : vector<16xi32>
        %swap3A_322 = arith.constant 32 : index
        %swap3A_323 = tpu.vector_load %arg10[%swap3A_322] {strides = array<i32>} : memref<112xi32, #tpu.memory_space<vmem>>, vector<16xi32>,
        tpu.vector_store %arg10[%swap3A_322], %shift_right_logical3A_321 {strides = array<i32>} : memref<112xi32, #tpu.memory_space<vmem>>, vector<16xi32>,
        %mul3A_324 = arith.constant 112 : i32
        %mul3A_325 = arith.muli %add3A_283, %mul3A_324 : i32
        %add3A_326 = arith.constant 48 : i32
        %add3A_327 = arith.addi %mul3A_325, %add3A_326 : i32
        %get3A_328 = arith.index_cast %add3A_327 : i32 to index
        %get3A_329 = tpu.vector_load %arg6[%get3A_328] {strides = array<i32>} : memref<10080xi32, #tpu.memory_space<vmem>>, vector<16xi32>,
        %and3A_330 = arith.andi %get3A_329, %broadcast_in_dim3A_285 : vector<16xi32>
        %swap3A_331 = arith.constant 48 : index
        %swap3A_332 = tpu.vector_load %arg8[%swap3A_331] {strides = array<i32>} : memref<112xi32, #tpu.memory_space<vmem>>, vector<16xi32>,
        tpu.vector_store %arg8[%swap3A_331], %and3A_330 {strides = array<i32>} : memref<112xi32, #tpu.memory_space<vmem>>, vector<16xi32>,
        %shift_right_logical3A_333 = arith.shrui %get3A_329, %broadcast_in_dim3A_287 : vector<16xi32>
        %swap3A_334 = arith.constant 48 : index
        %swap3A_335 = tpu.vector_load %arg10[%swap3A_334] {strides = array<i32>} : memref<112xi32, #tpu.memory_space<vmem>>, vector<16xi32>,
        tpu.vector_store %arg10[%swap3A_334], %shift_right_logical3A_333 {strides = array<i32>} : memref<112xi32, #tpu.memory_space<vmem>>, vector<16xi32>,
        %mul3A_336 = arith.constant 112 : i32
        %mul3A_337 = arith.muli %add3A_283, %mul3A_336 : i32
        %add3A_338 = arith.constant 64 : i32
        %add3A_339 = arith.addi %mul3A_337, %add3A_338 : i32
        %get3A_340 = arith.index_cast %add3A_339 : i32 to index
        %get3A_341 = tpu.vector_load %arg6[%get3A_340] {strides = array<i32>} : memref<10080xi32, #tpu.memory_space<vmem>>, vector<16xi32>,
        %and3A_342 = arith.andi %get3A_341, %broadcast_in_dim3A_285 : vector<16xi32>
        %swap3A_343 = arith.constant 64 : index
        %swap3A_344 = tpu.vector_load %arg8[%swap3A_343] {strides = array<i32>} : memref<112xi32, #tpu.memory_space<vmem>>, vector<16xi32>,
        tpu.vector_store %arg8[%swap3A_343], %and3A_342 {strides = array<i32>} : memref<112xi32, #tpu.memory_space<vmem>>, vector<16xi32>,
        %shift_right_logical3A_345 = arith.shrui %get3A_341, %broadcast_in_dim3A_287 : vector<16xi32>
        %swap3A_346 = arith.constant 64 : index
        %swap3A_347 = tpu.vector_load %arg10[%swap3A_346] {strides = array<i32>} : memref<112xi32, #tpu.memory_space<vmem>>, vector<16xi32>,
        tpu.vector_store %arg10[%swap3A_346], %shift_right_logical3A_345 {strides = array<i32>} : memref<112xi32, #tpu.memory_space<vmem>>, vector<16xi32>,
        %mul3A_348 = arith.constant 112 : i32
        %mul3A_349 = arith.muli %add3A_283, %mul3A_348 : i32
        %add3A_350 = arith.constant 80 : i32
        %add3A_351 = arith.addi %mul3A_349, %add3A_350 : i32
        %get3A_352 = arith.index_cast %add3A_351 : i32 to index
        %get3A_353 = tpu.vector_load %arg6[%get3A_352] {strides = array<i32>} : memref<10080xi32, #tpu.memory_space<vmem>>, vector<16xi32>,
        %and3A_354 = arith.andi %get3A_353, %broadcast_in_dim3A_285 : vector<16xi32>
        %swap3A_355 = arith.constant 80 : index
        %swap3A_356 = tpu.vector_load %arg8[%swap3A_355] {strides = array<i32>} : memref<112xi32, #tpu.memory_space<vmem>>, vector<16xi32>,
        tpu.vector_store %arg8[%swap3A_355], %and3A_354 {strides = array<i32>} : memref<112xi32, #tpu.memory_space<vmem>>, vector<16xi32>,
        %shift_right_logical3A_357 = arith.shrui %get3A_353, %broadcast_in_dim3A_287 : vector<16xi32>
        %swap3A_358 = arith.constant 80 : index
        %swap3A_359 = tpu.vector_load %arg10[%swap3A_358] {strides = array<i32>} : memref<112xi32, #tpu.memory_space<vmem>>, vector<16xi32>,
        tpu.vector_store %arg10[%swap3A_358], %shift_right_logical3A_357 {strides = array<i32>} : memref<112xi32, #tpu.memory_space<vmem>>, vector<16xi32>,
        %mul3A_360 = arith.constant 112 : i32
        %mul3A_361 = arith.muli %add3A_283, %mul3A_360 : i32
        %add3A_362 = arith.constant 96 : i32
        %add3A_363 = arith.addi %mul3A_361, %add3A_362 : i32
        %get3A_364 = arith.index_cast %add3A_363 : i32 to index
        %get3A_365 = tpu.vector_load %arg6[%get3A_364] {strides = array<i32>} : memref<10080xi32, #tpu.memory_space<vmem>>, vector<16xi32>,
        %and3A_366 = arith.andi %get3A_365, %broadcast_in_dim3A_285 : vector<16xi32>
        %swap3A_367 = arith.constant 96 : index
        %swap3A_368 = tpu.vector_load %arg8[%swap3A_367] {strides = array<i32>} : memref<112xi32, #tpu.memory_space<vmem>>, vector<16xi32>,
        tpu.vector_store %arg8[%swap3A_367], %and3A_366 {strides = array<i32>} : memref<112xi32, #tpu.memory_space<vmem>>, vector<16xi32>,
        %shift_right_logical3A_369 = arith.shrui %get3A_365, %broadcast_in_dim3A_287 : vector<16xi32>
        %swap3A_370 = arith.constant 96 : index
        %swap3A_371 = tpu.vector_load %arg10[%swap3A_370] {strides = array<i32>} : memref<112xi32, #tpu.memory_space<vmem>>, vector<16xi32>,
        tpu.vector_store %arg10[%swap3A_370], %shift_right_logical3A_369 {strides = array<i32>} : memref<112xi32, #tpu.memory_space<vmem>>, vector<16xi32>,
        %dma_start3A_372 = arith.constant 0 : i32
        %dma_start3A_373 = arith.constant 0 : i32
        %dma_start3A_374 = tpu.memref_slice %arg2[%dma_start3A_372, %dma_start3A_373] : memref<10000x128xf32, #tpu.memory_space<hbm>> -> memref<10000x128xf32, #tpu.memory_space<hbm>>
        tpu.enqueue_indirect_dma source(%dma_start3A_374 : memref<10000x128xf32, #tpu.memory_space<hbm>>) target(%arg12 : memref<112x128xf32, #tpu.memory_space<vmem>>) offsets(%arg8 : memref<112xi32, #tpu.memory_space<vmem>>) semaphore(%arg15 : memref<!tpu.dma_semaphore, #tpu.memory_space<semaphore_mem>>)
      } else {
      }
      %mul3A_220 = arith.constant 112 : i32
      %mul3A_221 = arith.muli %add3A_204, %mul3A_220 : i32
      %broadcast_in_dim3A_222 = arith.constant 1.000000e+00 : f32
      %broadcast_in_dim3A_223 = vector.broadcast %broadcast_in_dim3A_222 : f32 to vector<16xf32>
      %get3A_224 = arith.index_cast %mul3A_221 : i32 to index
      %get3A_225 = tpu.vector_load %arg7[%get3A_224] {strides = array<i32>} : memref<10080xf32, #tpu.memory_space<vmem>>, vector<16xf32>,
      %eq3A_226 = arith.cmpf oeq, %get3A_225, %broadcast_in_dim3A_223 : vector<16xf32>
      %add3A_227 = arith.constant 16 : i32
      %add3A_228 = arith.addi %mul3A_221, %add3A_227 : i32
      %get3A_229 = arith.index_cast %add3A_228 : i32 to index
      %get3A_230 = tpu.vector_load %arg7[%get3A_229] {strides = array<i32>} : memref<10080xf32, #tpu.memory_space<vmem>>, vector<16xf32>,
      %eq3A_231 = arith.cmpf oeq, %get3A_230, %broadcast_in_dim3A_223 : vector<16xf32>
      %and3A_232 = arith.andi %eq3A_226, %eq3A_231 : vector<16xi1>
      %add3A_233 = arith.constant 32 : i32
      %add3A_234 = arith.addi %mul3A_221, %add3A_233 : i32
      %get3A_235 = arith.index_cast %add3A_234 : i32 to index
      %get3A_236 = tpu.vector_load %arg7[%get3A_235] {strides = array<i32>} : memref<10080xf32, #tpu.memory_space<vmem>>, vector<16xf32>,
      %eq3A_237 = arith.cmpf oeq, %get3A_236, %broadcast_in_dim3A_223 : vector<16xf32>
      %and3A_238 = arith.andi %and3A_232, %eq3A_237 : vector<16xi1>
      %add3A_239 = arith.constant 48 : i32
      %add3A_240 = arith.addi %mul3A_221, %add3A_239 : i32
      %get3A_241 = arith.index_cast %add3A_240 : i32 to index
      %get3A_242 = tpu.vector_load %arg7[%get3A_241] {strides = array<i32>} : memref<10080xf32, #tpu.memory_space<vmem>>, vector<16xf32>,
      %eq3A_243 = arith.cmpf oeq, %get3A_242, %broadcast_in_dim3A_223 : vector<16xf32>
      %and3A_244 = arith.andi %and3A_238, %eq3A_243 : vector<16xi1>
      %add3A_245 = arith.constant 64 : i32
      %add3A_246 = arith.addi %mul3A_221, %add3A_245 : i32
      %get3A_247 = arith.index_cast %add3A_246 : i32 to index
      %get3A_248 = tpu.vector_load %arg7[%get3A_247] {strides = array<i32>} : memref<10080xf32, #tpu.memory_space<vmem>>, vector<16xf32>,
      %eq3A_249 = arith.cmpf oeq, %get3A_248, %broadcast_in_dim3A_223 : vector<16xf32>
      %and3A_250 = arith.andi %and3A_244, %eq3A_249 : vector<16xi1>
      %add3A_251 = arith.constant 80 : i32
      %add3A_252 = arith.addi %mul3A_221, %add3A_251 : i32
      %get3A_253 = arith.index_cast %add3A_252 : i32 to index
      %get3A_254 = tpu.vector_load %arg7[%get3A_253] {strides = array<i32>} : memref<10080xf32, #tpu.memory_space<vmem>>, vector<16xf32>,
      %eq3A_255 = arith.cmpf oeq, %get3A_254, %broadcast_in_dim3A_223 : vector<16xf32>
      %and3A_256 = arith.andi %and3A_250, %eq3A_255 : vector<16xi1>
      %add3A_257 = arith.constant 96 : i32
      %add3A_258 = arith.addi %mul3A_221, %add3A_257 : i32
      %get3A_259 = arith.index_cast %add3A_258 : i32 to index
      %get3A_260 = tpu.vector_load %arg7[%get3A_259] {strides = array<i32>} : memref<10080xf32, #tpu.memory_space<vmem>>, vector<16xf32>,
      %eq3A_261 = arith.cmpf oeq, %get3A_260, %broadcast_in_dim3A_223 : vector<16xf32>
      %and3A_262 = arith.andi %and3A_256, %eq3A_261 : vector<16xi1>
      %reduce_and3A_263 = arith.constant 1.000000e+00 : f32
      %reduce_and3A_264 = arith.constant 0.000000e+00 : f32
      %reduce_and3A_265 = vector.broadcast %reduce_and3A_263 : f32 to vector<16xf32>
      %reduce_and3A_266 = vector.broadcast %reduce_and3A_264 : f32 to vector<16xf32>
      %reduce_and3A_267 = arith.select %and3A_262, %reduce_and3A_265, %reduce_and3A_266 : vector<16xi1>, vector<16xf32>
      %reduce_and3A_268 = arith.constant true
      %reduce_and3A_269 = vector.broadcast %reduce_and3A_268 : i1 to vector<16xi1>
      %reduce_and3A_270 = tpu.scan <min>, %reduce_and3A_267 masked %reduce_and3A_269 : vector<16xf32>, vector<16xi1> -> vector<16xf32>
      %reduce_and3A_271 = vector.extract %reduce_and3A_270[15] : f32 from vector<16xf32>
      %reduce_and3A_272 = arith.constant 0.000000e+00 : f32
      %reduce_and3A_273 = arith.cmpf ogt, %reduce_and3A_271, %reduce_and3A_272 : f32
      %not3A_274 = arith.constant true
      %not3A_275 = arith.xori %reduce_and3A_273, %not3A_274 : i1
      %convert_element_type3A_276 = arith.extui %not3A_275 : i1 to i32
      %cond3A_277 = arith.constant 0 : i32
      %cond3A_278 = arith.cmpi ne, %convert_element_type3A_276, %cond3A_277 : i32
      scf.if %cond3A_278 {
        %scan3A_282 = arith.constant 0 : i32
        %scan3A_283 = arith.constant 112 : i32
        %scan3A_284 = arith.addi %scan3A_282, %scan3A_283 : i32
        %scan3A_285 = arith.constant 2 : i32
        scf.for %scan3A_287 = %scan3A_282 to %scan3A_284 step %scan3A_285  : i32 {
          %mul3A_288 = arith.constant 1 : i32
          %mul3A_289 = arith.muli %scan3A_287, %mul3A_288 : i32
          %add3A_290 = arith.constant 0 : i32
          %add3A_291 = arith.addi %add3A_290, %mul3A_289 : i32
          %add3A_292 = arith.addi %mul3A_221, %add3A_291 : i32
          %broadcast_in_dim3A_293 = vector.broadcast %add3A_292 : i32 to vector<16xi32>
          %gather3A = tpu.vector_load_idx %arg7[%broadcast_in_dim3A_293] : memref<10080xf32, #tpu.memory_space<vmem>>[vector<16xi32>], vector<16xf32>,
          %get3A_294 = arith.index_cast %add3A_291 : i32 to index
          %get3A_295 = arith.constant 0 : index
          %get3A_296 = tpu.vector_load %arg13[%get3A_294, %get3A_295] {strides = array<i32>} : memref<112x128xf32, #tpu.memory_space<vmem>>, vector<16xf32>,
          %mul3A_297 = arith.mulf %get3A_296, %gather3A : vector<16xf32>
          %swap3A_298 = arith.index_cast %add3A_291 : i32 to index
          %swap3A_299 = arith.constant 0 : index
          %swap3A_300 = tpu.vector_load %arg13[%swap3A_298, %swap3A_299] {strides = array<i32>} : memref<112x128xf32, #tpu.memory_space<vmem>>, vector<16xf32>,
          tpu.vector_store %arg13[%swap3A_298, %swap3A_299], %mul3A_297 {strides = array<i32>} : memref<112x128xf32, #tpu.memory_space<vmem>>, vector<16xf32>,
          %get3A_301 = arith.index_cast %add3A_291 : i32 to index
          %get3A_302 = arith.constant 16 : index
          %get3A_303 = tpu.vector_load %arg13[%get3A_301, %get3A_302] {strides = array<i32>} : memref<112x128xf32, #tpu.memory_space<vmem>>, vector<16xf32>,
          %mul3A_304 = arith.mulf %get3A_303, %gather3A : vector<16xf32>
          %swap3A_305 = arith.index_cast %add3A_291 : i32 to index
          %swap3A_306 = arith.constant 16 : index
          %swap3A_307 = tpu.vector_load %arg13[%swap3A_305, %swap3A_306] {strides = array<i32>} : memref<112x128xf32, #tpu.memory_space<vmem>>, vector<16xf32>,
          tpu.vector_store %arg13[%swap3A_305, %swap3A_306], %mul3A_304 {strides = array<i32>} : memref<112x128xf32, #tpu.memory_space<vmem>>, vector<16xf32>,
          %get3A_308 = arith.index_cast %add3A_291 : i32 to index
          %get3A_309 = arith.constant 32 : index
          %get3A_310 = tpu.vector_load %arg13[%get3A_308, %get3A_309] {strides = array<i32>} : memref<112x128xf32, #tpu.memory_space<vmem>>, vector<16xf32>,
          %mul3A_311 = arith.mulf %get3A_310, %gather3A : vector<16xf32>
          %swap3A_312 = arith.index_cast %add3A_291 : i32 to index
          %swap3A_313 = arith.constant 32 : index
          %swap3A_314 = tpu.vector_load %arg13[%swap3A_312, %swap3A_313] {strides = array<i32>} : memref<112x128xf32, #tpu.memory_space<vmem>>, vector<16xf32>,
          tpu.vector_store %arg13[%swap3A_312, %swap3A_313], %mul3A_311 {strides = array<i32>} : memref<112x128xf32, #tpu.memory_space<vmem>>, vector<16xf32>,
          %get3A_315 = arith.index_cast %add3A_291 : i32 to index
          %get3A_316 = arith.constant 48 : index
          %get3A_317 = tpu.vector_load %arg13[%get3A_315, %get3A_316] {strides = array<i32>} : memref<112x128xf32, #tpu.memory_space<vmem>>, vector<16xf32>,
          %mul3A_318 = arith.mulf %get3A_317, %gather3A : vector<16xf32>
          %swap3A_319 = arith.index_cast %add3A_291 : i32 to index
          %swap3A_320 = arith.constant 48 : index
          %swap3A_321 = tpu.vector_load %arg13[%swap3A_319, %swap3A_320] {strides = array<i32>} : memref<112x128xf32, #tpu.memory_space<vmem>>, vector<16xf32>,
          tpu.vector_store %arg13[%swap3A_319, %swap3A_320], %mul3A_318 {strides = array<i32>} : memref<112x128xf32, #tpu.memory_space<vmem>>, vector<16xf32>,
          %get3A_322 = arith.index_cast %add3A_291 : i32 to index
          %get3A_323 = arith.constant 64 : index
          %get3A_324 = tpu.vector_load %arg13[%get3A_322, %get3A_323] {strides = array<i32>} : memref<112x128xf32, #tpu.memory_space<vmem>>, vector<16xf32>,
          %mul3A_325 = arith.mulf %get3A_324, %gather3A : vector<16xf32>
          %swap3A_326 = arith.index_cast %add3A_291 : i32 to index
          %swap3A_327 = arith.constant 64 : index
          %swap3A_328 = tpu.vector_load %arg13[%swap3A_326, %swap3A_327] {strides = array<i32>} : memref<112x128xf32, #tpu.memory_space<vmem>>, vector<16xf32>,
          tpu.vector_store %arg13[%swap3A_326, %swap3A_327], %mul3A_325 {strides = array<i32>} : memref<112x128xf32, #tpu.memory_space<vmem>>, vector<16xf32>,
          %get3A_329 = arith.index_cast %add3A_291 : i32 to index
          %get3A_330 = arith.constant 80 : index
          %get3A_331 = tpu.vector_load %arg13[%get3A_329, %get3A_330] {strides = array<i32>} : memref<112x128xf32, #tpu.memory_space<vmem>>, vector<16xf32>,
          %mul3A_332 = arith.mulf %get3A_331, %gather3A : vector<16xf32>
          %swap3A_333 = arith.index_cast %add3A_291 : i32 to index
          %swap3A_334 = arith.constant 80 : index
          %swap3A_335 = tpu.vector_load %arg13[%swap3A_333, %swap3A_334] {strides = array<i32>} : memref<112x128xf32, #tpu.memory_space<vmem>>, vector<16xf32>,
          tpu.vector_store %arg13[%swap3A_333, %swap3A_334], %mul3A_332 {strides = array<i32>} : memref<112x128xf32, #tpu.memory_space<vmem>>, vector<16xf32>,
          %get3A_336 = arith.index_cast %add3A_291 : i32 to index
          %get3A_337 = arith.constant 96 : index
          %get3A_338 = tpu.vector_load %arg13[%get3A_336, %get3A_337] {strides = array<i32>} : memref<112x128xf32, #tpu.memory_space<vmem>>, vector<16xf32>,
          %mul3A_339 = arith.mulf %get3A_338, %gather3A : vector<16xf32>
          %swap3A_340 = arith.index_cast %add3A_291 : i32 to index
          %swap3A_341 = arith.constant 96 : index
          %swap3A_342 = tpu.vector_load %arg13[%swap3A_340, %swap3A_341] {strides = array<i32>} : memref<112x128xf32, #tpu.memory_space<vmem>>, vector<16xf32>,
          tpu.vector_store %arg13[%swap3A_340, %swap3A_341], %mul3A_339 {strides = array<i32>} : memref<112x128xf32, #tpu.memory_space<vmem>>, vector<16xf32>,
          %get3A_343 = arith.index_cast %add3A_291 : i32 to index
          %get3A_344 = arith.constant 112 : index
          %get3A_345 = tpu.vector_load %arg13[%get3A_343, %get3A_344] {strides = array<i32>} : memref<112x128xf32, #tpu.memory_space<vmem>>, vector<16xf32>,
          %mul3A_346 = arith.mulf %get3A_345, %gather3A : vector<16xf32>
          %swap3A_347 = arith.index_cast %add3A_291 : i32 to index
          %swap3A_348 = arith.constant 112 : index
          %swap3A_349 = tpu.vector_load %arg13[%swap3A_347, %swap3A_348] {strides = array<i32>} : memref<112x128xf32, #tpu.memory_space<vmem>>, vector<16xf32>,
          tpu.vector_store %arg13[%swap3A_347, %swap3A_348], %mul3A_346 {strides = array<i32>} : memref<112x128xf32, #tpu.memory_space<vmem>>, vector<16xf32>,
          %scan3A_350 = arith.constant 1 : i32
          %scan3A_351 = arith.addi %scan3A_287, %scan3A_350 : i32
          %mul3A_352 = arith.constant 1 : i32
          %mul3A_353 = arith.muli %scan3A_351, %mul3A_352 : i32
          %add3A_354 = arith.constant 0 : i32
          %add3A_355 = arith.addi %add3A_354, %mul3A_353 : i32
          %add3A_356 = arith.addi %mul3A_221, %add3A_355 : i32
          %broadcast_in_dim3A_357 = vector.broadcast %add3A_356 : i32 to vector<16xi32>
          %gather3A_358 = tpu.vector_load_idx %arg7[%broadcast_in_dim3A_357] : memref<10080xf32, #tpu.memory_space<vmem>>[vector<16xi32>], vector<16xf32>,
          %get3A_359 = arith.index_cast %add3A_355 : i32 to index
          %get3A_360 = arith.constant 0 : index
          %get3A_361 = tpu.vector_load %arg13[%get3A_359, %get3A_360] {strides = array<i32>} : memref<112x128xf32, #tpu.memory_space<vmem>>, vector<16xf32>,
          %mul3A_362 = arith.mulf %get3A_361, %gather3A_358 : vector<16xf32>
          %swap3A_363 = arith.index_cast %add3A_355 : i32 to index
          %swap3A_364 = arith.constant 0 : index
          %swap3A_365 = tpu.vector_load %arg13[%swap3A_363, %swap3A_364] {strides = array<i32>} : memref<112x128xf32, #tpu.memory_space<vmem>>, vector<16xf32>,
          tpu.vector_store %arg13[%swap3A_363, %swap3A_364], %mul3A_362 {strides = array<i32>} : memref<112x128xf32, #tpu.memory_space<vmem>>, vector<16xf32>,
          %get3A_366 = arith.index_cast %add3A_355 : i32 to index
          %get3A_367 = arith.constant 16 : index
          %get3A_368 = tpu.vector_load %arg13[%get3A_366, %get3A_367] {strides = array<i32>} : memref<112x128xf32, #tpu.memory_space<vmem>>, vector<16xf32>,
          %mul3A_369 = arith.mulf %get3A_368, %gather3A_358 : vector<16xf32>
          %swap3A_370 = arith.index_cast %add3A_355 : i32 to index
          %swap3A_371 = arith.constant 16 : index
          %swap3A_372 = tpu.vector_load %arg13[%swap3A_370, %swap3A_371] {strides = array<i32>} : memref<112x128xf32, #tpu.memory_space<vmem>>, vector<16xf32>,
          tpu.vector_store %arg13[%swap3A_370, %swap3A_371], %mul3A_369 {strides = array<i32>} : memref<112x128xf32, #tpu.memory_space<vmem>>, vector<16xf32>,
          %get3A_373 = arith.index_cast %add3A_355 : i32 to index
          %get3A_374 = arith.constant 32 : index
          %get3A_375 = tpu.vector_load %arg13[%get3A_373, %get3A_374] {strides = array<i32>} : memref<112x128xf32, #tpu.memory_space<vmem>>, vector<16xf32>,
          %mul3A_376 = arith.mulf %get3A_375, %gather3A_358 : vector<16xf32>
          %swap3A_377 = arith.index_cast %add3A_355 : i32 to index
          %swap3A_378 = arith.constant 32 : index
          %swap3A_379 = tpu.vector_load %arg13[%swap3A_377, %swap3A_378] {strides = array<i32>} : memref<112x128xf32, #tpu.memory_space<vmem>>, vector<16xf32>,
          tpu.vector_store %arg13[%swap3A_377, %swap3A_378], %mul3A_376 {strides = array<i32>} : memref<112x128xf32, #tpu.memory_space<vmem>>, vector<16xf32>,
          %get3A_380 = arith.index_cast %add3A_355 : i32 to index
          %get3A_381 = arith.constant 48 : index
          %get3A_382 = tpu.vector_load %arg13[%get3A_380, %get3A_381] {strides = array<i32>} : memref<112x128xf32, #tpu.memory_space<vmem>>, vector<16xf32>,
          %mul3A_383 = arith.mulf %get3A_382, %gather3A_358 : vector<16xf32>
          %swap3A_384 = arith.index_cast %add3A_355 : i32 to index
          %swap3A_385 = arith.constant 48 : index
          %swap3A_386 = tpu.vector_load %arg13[%swap3A_384, %swap3A_385] {strides = array<i32>} : memref<112x128xf32, #tpu.memory_space<vmem>>, vector<16xf32>,
          tpu.vector_store %arg13[%swap3A_384, %swap3A_385], %mul3A_383 {strides = array<i32>} : memref<112x128xf32, #tpu.memory_space<vmem>>, vector<16xf32>,
          %get3A_387 = arith.index_cast %add3A_355 : i32 to index
          %get3A_388 = arith.constant 64 : index
          %get3A_389 = tpu.vector_load %arg13[%get3A_387, %get3A_388] {strides = array<i32>} : memref<112x128xf32, #tpu.memory_space<vmem>>, vector<16xf32>,
          %mul3A_390 = arith.mulf %get3A_389, %gather3A_358 : vector<16xf32>
          %swap3A_391 = arith.index_cast %add3A_355 : i32 to index
          %swap3A_392 = arith.constant 64 : index
          %swap3A_393 = tpu.vector_load %arg13[%swap3A_391, %swap3A_392] {strides = array<i32>} : memref<112x128xf32, #tpu.memory_space<vmem>>, vector<16xf32>,
          tpu.vector_store %arg13[%swap3A_391, %swap3A_392], %mul3A_390 {strides = array<i32>} : memref<112x128xf32, #tpu.memory_space<vmem>>, vector<16xf32>,
          %get3A_394 = arith.index_cast %add3A_355 : i32 to index
          %get3A_395 = arith.constant 80 : index
          %get3A_396 = tpu.vector_load %arg13[%get3A_394, %get3A_395] {strides = array<i32>} : memref<112x128xf32, #tpu.memory_space<vmem>>, vector<16xf32>,
          %mul3A_397 = arith.mulf %get3A_396, %gather3A_358 : vector<16xf32>
          %swap3A_398 = arith.index_cast %add3A_355 : i32 to index
          %swap3A_399 = arith.constant 80 : index
          %swap3A_400 = tpu.vector_load %arg13[%swap3A_398, %swap3A_399] {strides = array<i32>} : memref<112x128xf32, #tpu.memory_space<vmem>>, vector<16xf32>,
          tpu.vector_store %arg13[%swap3A_398, %swap3A_399], %mul3A_397 {strides = array<i32>} : memref<112x128xf32, #tpu.memory_space<vmem>>, vector<16xf32>,
          %get3A_401 = arith.index_cast %add3A_355 : i32 to index
          %get3A_402 = arith.constant 96 : index
          %get3A_403 = tpu.vector_load %arg13[%get3A_401, %get3A_402] {strides = array<i32>} : memref<112x128xf32, #tpu.memory_space<vmem>>, vector<16xf32>,
          %mul3A_404 = arith.mulf %get3A_403, %gather3A_358 : vector<16xf32>
          %swap3A_405 = arith.index_cast %add3A_355 : i32 to index
          %swap3A_406 = arith.constant 96 : index
          %swap3A_407 = tpu.vector_load %arg13[%swap3A_405, %swap3A_406] {strides = array<i32>} : memref<112x128xf32, #tpu.memory_space<vmem>>, vector<16xf32>,
          tpu.vector_store %arg13[%swap3A_405, %swap3A_406], %mul3A_404 {strides = array<i32>} : memref<112x128xf32, #tpu.memory_space<vmem>>, vector<16xf32>,
          %get3A_408 = arith.index_cast %add3A_355 : i32 to index
          %get3A_409 = arith.constant 112 : index
          %get3A_410 = tpu.vector_load %arg13[%get3A_408, %get3A_409] {strides = array<i32>} : memref<112x128xf32, #tpu.memory_space<vmem>>, vector<16xf32>,
          %mul3A_411 = arith.mulf %get3A_410, %gather3A_358 : vector<16xf32>
          %swap3A_412 = arith.index_cast %add3A_355 : i32 to index
          %swap3A_413 = arith.constant 112 : index
          %swap3A_414 = tpu.vector_load %arg13[%swap3A_412, %swap3A_413] {strides = array<i32>} : memref<112x128xf32, #tpu.memory_space<vmem>>, vector<16xf32>,
          tpu.vector_store %arg13[%swap3A_412, %swap3A_413], %mul3A_411 {strides = array<i32>} : memref<112x128xf32, #tpu.memory_space<vmem>>, vector<16xf32>,
        }
        %scan3A_286 = arith.constant 112 : i32
      } else {
      }
      %dma_start3A_279 = arith.constant 0 : i32
      %dma_start3A_280 = arith.constant 0 : i32
      %dma_start3A_281 = tpu.memref_slice %arg14[%dma_start3A_279, %dma_start3A_280] : memref<10008x128xf32, #tpu.memory_space<vmem_shared>> -> memref<10008x128xf32, #tpu.memory_space<vmem_shared>>
      tpu.enqueue_indirect_dma source(%arg13 : memref<112x128xf32, #tpu.memory_space<vmem>>) target(%dma_start3A_281 : memref<10008x128xf32, #tpu.memory_space<vmem_shared>>) offsets(%arg11 : memref<112xi32, #tpu.memory_space<vmem>>) semaphore(%arg18 : memref<!tpu.dma_semaphore, #tpu.memory_space<semaphore_mem>>) {add = true}
    }
    %scan3A_112 = arith.constant 45 : i32
    %dma_wait3A = arith.constant 0 : i32
    %dma_wait3A_113 = arith.constant 0 : i32
    %dma_wait3A_114 = tpu.memref_slice %arg14[%dma_wait3A, %dma_wait3A_113] : memref<10008x128xf32, #tpu.memory_space<vmem_shared>> -> memref<10008x128xf32, #tpu.memory_space<vmem_shared>>
    tpu.wait_indirect_dma semaphore(%arg18 : memref<!tpu.dma_semaphore, #tpu.memory_space<semaphore_mem>>) src(%arg13 : memref<112x128xf32, #tpu.memory_space<vmem>>) dst(%dma_wait3A_114 : memref<10008x128xf32, #tpu.memory_space<vmem_shared>>)
    %barrier3A_115 = arith.constant 0 : index
    tpu.barrier barrier_id(%barrier3A_115)
    "tpu.region"() ({
      %run_scoped3A = tpu.sem_alloc : memref<!tpu.dma_semaphore, #tpu.memory_space<semaphore_mem>>
      %dma_start3A_121 = arith.constant 0 : i32
      %dma_start3A_122 = tpu.memref_slice %arg5[%arg0, %mul3A_8, %dma_start3A_121] : memref<2x10000x128xf32, #tpu.memory_space<hbm>> -> memref<1x624x128xf32, #tpu.memory_space<hbm>>
      %dma_start3A_123 = tpu.memref_squeeze %dma_start3A_122 : memref<1x624x128xf32, #tpu.memory_space<hbm>> -> memref<624x128xf32, #tpu.memory_space<hbm>>
      %dma_start3A_124 = arith.constant 0 : i32
      %dma_start3A_125 = tpu.memref_slice %arg14[%mul3A_8, %dma_start3A_124] : memref<10008x128xf32, #tpu.memory_space<vmem_shared>> -> memref<624x128xf32, #tpu.memory_space<vmem_shared>>
      tpu.enqueue_dma source(%dma_start3A_125 : memref<624x128xf32, #tpu.memory_space<vmem_shared>>) target(%dma_start3A_123 : memref<624x128xf32, #tpu.memory_space<hbm>>) target_semaphore(%run_scoped3A : memref<!tpu.dma_semaphore, #tpu.memory_space<semaphore_mem>>)
      %dma_wait3A_126 = arith.constant 0 : i32
      %dma_wait3A_127 = tpu.memref_slice %arg5[%arg0, %mul3A_8, %dma_wait3A_126] : memref<2x10000x128xf32, #tpu.memory_space<hbm>> -> memref<1x624x128xf32, #tpu.memory_space<hbm>>
      %dma_wait3A_128 = tpu.memref_squeeze %dma_wait3A_127 : memref<1x624x128xf32, #tpu.memory_space<hbm>> -> memref<624x128xf32, #tpu.memory_space<hbm>>
      %dma_wait3A_129 = arith.constant 0 : i32
      %dma_wait3A_130 = tpu.memref_slice %arg14[%mul3A_8, %dma_wait3A_129] : memref<10008x128xf32, #tpu.memory_space<vmem_shared>> -> memref<624x128xf32, #tpu.memory_space<vmem_shared>>
      tpu.wait_dma2 semaphore(%run_scoped3A : memref<!tpu.dma_semaphore, #tpu.memory_space<semaphore_mem>>) src(%dma_wait3A_130 : memref<624x128xf32, #tpu.memory_space<vmem_shared>>) dst(%dma_wait3A_128 : memref<624x128xf32, #tpu.memory_space<hbm>>)
      tpu.yield
    }) : () -> ()
    %eq3A_116 = arith.constant 15 : i32
    %eq3A_117 = arith.cmpi eq, %arg1, %eq3A_116 : i32
    %convert_element_type3A_118 = arith.extui %eq3A_117 : i1 to i32
    %cond3A_119 = arith.constant 0 : i32
    %cond3A_120 = arith.cmpi ne, %convert_element_type3A_118, %cond3A_119 : i32
    scf.if %cond3A_120 {
      "tpu.region"() ({
        %run_scoped3A = tpu.sem_alloc : memref<!tpu.dma_semaphore, #tpu.memory_space<semaphore_mem>>
        %dma_start3A_121 = arith.constant 9984 : i32
        %dma_start3A_122 = arith.constant 0 : i32
        %dma_start3A_123 = tpu.memref_slice %arg5[%arg0, %dma_start3A_121, %dma_start3A_122] : memref<2x10000x128xf32, #tpu.memory_space<hbm>> -> memref<1x16x128xf32, #tpu.memory_space<hbm>>
        %dma_start3A_124 = tpu.memref_squeeze %dma_start3A_123 : memref<1x16x128xf32, #tpu.memory_space<hbm>> -> memref<16x128xf32, #tpu.memory_space<hbm>>
        %dma_start3A_125 = arith.constant 9984 : i32
        %dma_start3A_126 = arith.constant 0 : i32
        %dma_start3A_127 = tpu.memref_slice %arg14[%dma_start3A_125, %dma_start3A_126] : memref<10008x128xf32, #tpu.memory_space<vmem_shared>> -> memref<16x128xf32, #tpu.memory_space<vmem_shared>>
        tpu.enqueue_dma source(%dma_start3A_127 : memref<16x128xf32, #tpu.memory_space<vmem_shared>>) target(%dma_start3A_124 : memref<16x128xf32, #tpu.memory_space<hbm>>) target_semaphore(%run_scoped3A : memref<!tpu.dma_semaphore, #tpu.memory_space<semaphore_mem>>)
        %dma_wait3A_128 = arith.constant 9984 : i32
        %dma_wait3A_129 = arith.constant 0 : i32
        %dma_wait3A_130 = tpu.memref_slice %arg5[%arg0, %dma_wait3A_128, %dma_wait3A_129] : memref<2x10000x128xf32, #tpu.memory_space<hbm>> -> memref<1x16x128xf32, #tpu.memory_space<hbm>>
        %dma_wait3A_131 = tpu.memref_squeeze %dma_wait3A_130 : memref<1x16x128xf32, #tpu.memory_space<hbm>> -> memref<16x128xf32, #tpu.memory_space<hbm>>
        %dma_wait3A_132 = arith.constant 9984 : i32
        %dma_wait3A_133 = arith.constant 0 : i32
        %dma_wait3A_134 = tpu.memref_slice %arg14[%dma_wait3A_132, %dma_wait3A_133] : memref<10008x128xf32, #tpu.memory_space<vmem_shared>> -> memref<16x128xf32, #tpu.memory_space<vmem_shared>>
        tpu.wait_dma2 semaphore(%run_scoped3A : memref<!tpu.dma_semaphore, #tpu.memory_space<semaphore_mem>>) src(%dma_wait3A_134 : memref<16x128xf32, #tpu.memory_space<vmem_shared>>) dst(%dma_wait3A_131 : memref<16x128xf32, #tpu.memory_space<hbm>>)
        tpu.yield
      }) : () -> ()
    } else {
    }
    return
  }
}

#map = affine_map<(d0, d1) -> (0, 0)>
#map1 = affine_map<(d0, d1) -> (0)>
#map2 = affine_map<(d0, d1) -> (0, 0, 0)>
module attributes {stable_mosaic.version = 14 : i64} {
  func.func @edge_agg(%arg0: i32, %arg1: i32, %arg2: memref<10000x128xf32, #tpu.memory_space<hbm>>, %arg3: memref<322560xi32, #tpu.memory_space<hbm>>, %arg4: memref<322560xf32, #tpu.memory_space<hbm>>, %arg5: memref<2x10000x128xf32, #tpu.memory_space<hbm>>, %arg6: memref<10080xi32, #tpu.memory_space<vmem>>, %arg7: memref<10080xf32, #tpu.memory_space<vmem>>, %arg8: memref<112xi32, #tpu.memory_space<vmem>>, %arg9: memref<112xi32, #tpu.memory_space<vmem>>, %arg10: memref<112xi32, #tpu.memory_space<vmem>>, %arg11: memref<112xi32, #tpu.memory_space<vmem>>, %arg12: memref<112x128xf32, #tpu.memory_space<vmem>>, %arg13: memref<112x128xf32, #tpu.memory_space<vmem>>, %arg14: memref<10008x128xf32, #tpu.memory_space<vmem_shared>>, %arg15: memref<!tpu.dma_semaphore, #tpu.memory_space<semaphore_mem>>, %arg16: memref<!tpu.dma_semaphore, #tpu.memory_space<semaphore_mem>>, %arg17: memref<!tpu.dma_semaphore, #tpu.memory_space<semaphore_mem>>, %arg18: memref<!tpu.dma_semaphore, #tpu.memory_space<semaphore_mem>>) attributes {dimension_semantics = [#tpu.dimension_semantics<core_parallel>, #tpu.dimension_semantics<subcore_parallel>], iteration_bounds = array<i64: 2, 16>, scalar_prefetch = 0 : i64, scratch_operands = 13 : i64, tpu.core_type = #tpu.core_type<sc_vector_subcore>, window_params = [{transform_indices = #map}, {transform_indices = #map1}, {transform_indices = #map1}, {transform_indices = #map2}]} {
    %mul3A = arith.constant 16 : i32
    %mul3A_0 = arith.muli %arg0, %mul3A : i32
    %add3A = arith.addi %mul3A_0, %arg1 : i32
    %mul3A_1 = arith.constant 10080 : i32
    %mul3A_2 = arith.muli %add3A, %mul3A_1 : i32
    "tpu.region"() ({
      %run_scoped3A = tpu.sem_alloc : memref<!tpu.dma_semaphore, #tpu.memory_space<semaphore_mem>>
      %dma_start3A_121 = tpu.memref_slice %arg3[%mul3A_2] : memref<322560xi32, #tpu.memory_space<hbm>> -> memref<10080xi32, #tpu.memory_space<hbm>>
      %dma_start3A_122 = tpu.memref_slice %arg3[%mul3A_2] : memref<322560xi32, #tpu.memory_space<hbm>> -> memref<10080xi32, #tpu.memory_space<hbm>>
      tpu.enqueue_dma source(%dma_start3A_122 : memref<10080xi32, #tpu.memory_space<hbm>>) target(%arg6 : memref<10080xi32, #tpu.memory_space<vmem>>) target_semaphore(%run_scoped3A : memref<!tpu.dma_semaphore, #tpu.memory_space<semaphore_mem>>)
      %dma_wait3A_123 = tpu.memref_slice %arg3[%mul3A_2] : memref<322560xi32, #tpu.memory_space<hbm>> -> memref<10080xi32, #tpu.memory_space<hbm>>
      %dma_wait3A_124 = tpu.memref_slice %arg3[%mul3A_2] : memref<322560xi32, #tpu.memory_space<hbm>> -> memref<10080xi32, #tpu.memory_space<hbm>>
      tpu.wait_dma2 semaphore(%run_scoped3A : memref<!tpu.dma_semaphore, #tpu.memory_space<semaphore_mem>>) src(%dma_wait3A_124 : memref<10080xi32, #tpu.memory_space<hbm>>) dst(%arg6 : memref<10080xi32, #tpu.memory_space<vmem>>)
      tpu.yield
    }) : () -> ()
    "tpu.region"() ({
      %run_scoped3A = tpu.sem_alloc : memref<!tpu.dma_semaphore, #tpu.memory_space<semaphore_mem>>
      %dma_start3A_121 = tpu.memref_slice %arg4[%mul3A_2] : memref<322560xf32, #tpu.memory_space<hbm>> -> memref<10080xf32, #tpu.memory_space<hbm>>
      %dma_start3A_122 = tpu.memref_slice %arg4[%mul3A_2] : memref<322560xf32, #tpu.memory_space<hbm>> -> memref<10080xf32, #tpu.memory_space<hbm>>
      tpu.enqueue_dma source(%dma_start3A_122 : memref<10080xf32, #tpu.memory_space<hbm>>) target(%arg7 : memref<10080xf32, #tpu.memory_space<vmem>>) target_semaphore(%run_scoped3A : memref<!tpu.dma_semaphore, #tpu.memory_space<semaphore_mem>>)
      %dma_wait3A_123 = tpu.memref_slice %arg4[%mul3A_2] : memref<322560xf32, #tpu.memory_space<hbm>> -> memref<10080xf32, #tpu.memory_space<hbm>>
      %dma_wait3A_124 = tpu.memref_slice %arg4[%mul3A_2] : memref<322560xf32, #tpu.memory_space<hbm>> -> memref<10080xf32, #tpu.memory_space<hbm>>
      tpu.wait_dma2 semaphore(%run_scoped3A : memref<!tpu.dma_semaphore, #tpu.memory_space<semaphore_mem>>) src(%dma_wait3A_124 : memref<10080xf32, #tpu.memory_space<hbm>>) dst(%arg7 : memref<10080xf32, #tpu.memory_space<vmem>>)
      tpu.yield
    }) : () -> ()
    %scan3A = arith.constant 0 : i32
    %scan3A_3 = arith.constant 16 : i32
    %scan3A_4 = arith.addi %scan3A, %scan3A_3 : i32
    %scan3A_5 = arith.constant 1 : i32
    scf.for %scan3A_121 = %scan3A to %scan3A_4 step %scan3A_5  : i32 {
      %mul3A_122 = arith.constant 1 : i32
      %mul3A_123 = arith.muli %scan3A_121, %mul3A_122 : i32
      %add3A_124 = arith.constant 0 : i32
      %add3A_125 = arith.addi %add3A_124, %mul3A_123 : i32
      %broadcast_in_dim3A_126 = arith.constant 0.000000e+00 : f32
      %broadcast_in_dim3A_127 = vector.broadcast %broadcast_in_dim3A_126 : f32 to vector<16xf32>
      %swap3A_128 = arith.index_cast %add3A_125 : i32 to index
      %swap3A_129 = arith.constant 0 : index
      %swap3A_130 = tpu.vector_load %arg12[%swap3A_128, %swap3A_129] {strides = array<i32>} : memref<112x128xf32, #tpu.memory_space<vmem>>, vector<16xf32>,
      tpu.vector_store %arg12[%swap3A_128, %swap3A_129], %broadcast_in_dim3A_127 {strides = array<i32>} : memref<112x128xf32, #tpu.memory_space<vmem>>, vector<16xf32>,
      %broadcast_in_dim3A_131 = arith.constant 0.000000e+00 : f32
      %broadcast_in_dim3A_132 = vector.broadcast %broadcast_in_dim3A_131 : f32 to vector<16xf32>
      %swap3A_133 = arith.index_cast %add3A_125 : i32 to index
      %swap3A_134 = arith.constant 16 : index
      %swap3A_135 = tpu.vector_load %arg12[%swap3A_133, %swap3A_134] {strides = array<i32>} : memref<112x128xf32, #tpu.memory_space<vmem>>, vector<16xf32>,
      tpu.vector_store %arg12[%swap3A_133, %swap3A_134], %broadcast_in_dim3A_132 {strides = array<i32>} : memref<112x128xf32, #tpu.memory_space<vmem>>, vector<16xf32>,
      %broadcast_in_dim3A_136 = arith.constant 0.000000e+00 : f32
      %broadcast_in_dim3A_137 = vector.broadcast %broadcast_in_dim3A_136 : f32 to vector<16xf32>
      %swap3A_138 = arith.index_cast %add3A_125 : i32 to index
      %swap3A_139 = arith.constant 32 : index
      %swap3A_140 = tpu.vector_load %arg12[%swap3A_138, %swap3A_139] {strides = array<i32>} : memref<112x128xf32, #tpu.memory_space<vmem>>, vector<16xf32>,
      tpu.vector_store %arg12[%swap3A_138, %swap3A_139], %broadcast_in_dim3A_137 {strides = array<i32>} : memref<112x128xf32, #tpu.memory_space<vmem>>, vector<16xf32>,
      %broadcast_in_dim3A_141 = arith.constant 0.000000e+00 : f32
      %broadcast_in_dim3A_142 = vector.broadcast %broadcast_in_dim3A_141 : f32 to vector<16xf32>
      %swap3A_143 = arith.index_cast %add3A_125 : i32 to index
      %swap3A_144 = arith.constant 48 : index
      %swap3A_145 = tpu.vector_load %arg12[%swap3A_143, %swap3A_144] {strides = array<i32>} : memref<112x128xf32, #tpu.memory_space<vmem>>, vector<16xf32>,
      tpu.vector_store %arg12[%swap3A_143, %swap3A_144], %broadcast_in_dim3A_142 {strides = array<i32>} : memref<112x128xf32, #tpu.memory_space<vmem>>, vector<16xf32>,
      %broadcast_in_dim3A_146 = arith.constant 0.000000e+00 : f32
      %broadcast_in_dim3A_147 = vector.broadcast %broadcast_in_dim3A_146 : f32 to vector<16xf32>
      %swap3A_148 = arith.index_cast %add3A_125 : i32 to index
      %swap3A_149 = arith.constant 64 : index
      %swap3A_150 = tpu.vector_load %arg12[%swap3A_148, %swap3A_149] {strides = array<i32>} : memref<112x128xf32, #tpu.memory_space<vmem>>, vector<16xf32>,
      tpu.vector_store %arg12[%swap3A_148, %swap3A_149], %broadcast_in_dim3A_147 {strides = array<i32>} : memref<112x128xf32, #tpu.memory_space<vmem>>, vector<16xf32>,
      %broadcast_in_dim3A_151 = arith.constant 0.000000e+00 : f32
      %broadcast_in_dim3A_152 = vector.broadcast %broadcast_in_dim3A_151 : f32 to vector<16xf32>
      %swap3A_153 = arith.index_cast %add3A_125 : i32 to index
      %swap3A_154 = arith.constant 80 : index
      %swap3A_155 = tpu.vector_load %arg12[%swap3A_153, %swap3A_154] {strides = array<i32>} : memref<112x128xf32, #tpu.memory_space<vmem>>, vector<16xf32>,
      tpu.vector_store %arg12[%swap3A_153, %swap3A_154], %broadcast_in_dim3A_152 {strides = array<i32>} : memref<112x128xf32, #tpu.memory_space<vmem>>, vector<16xf32>,
      %broadcast_in_dim3A_156 = arith.constant 0.000000e+00 : f32
      %broadcast_in_dim3A_157 = vector.broadcast %broadcast_in_dim3A_156 : f32 to vector<16xf32>
      %swap3A_158 = arith.index_cast %add3A_125 : i32 to index
      %swap3A_159 = arith.constant 96 : index
      %swap3A_160 = tpu.vector_load %arg12[%swap3A_158, %swap3A_159] {strides = array<i32>} : memref<112x128xf32, #tpu.memory_space<vmem>>, vector<16xf32>,
      tpu.vector_store %arg12[%swap3A_158, %swap3A_159], %broadcast_in_dim3A_157 {strides = array<i32>} : memref<112x128xf32, #tpu.memory_space<vmem>>, vector<16xf32>,
      %broadcast_in_dim3A_161 = arith.constant 0.000000e+00 : f32
      %broadcast_in_dim3A_162 = vector.broadcast %broadcast_in_dim3A_161 : f32 to vector<16xf32>
      %swap3A_163 = arith.index_cast %add3A_125 : i32 to index
      %swap3A_164 = arith.constant 112 : index
      %swap3A_165 = tpu.vector_load %arg12[%swap3A_163, %swap3A_164] {strides = array<i32>} : memref<112x128xf32, #tpu.memory_space<vmem>>, vector<16xf32>,
      tpu.vector_store %arg12[%swap3A_163, %swap3A_164], %broadcast_in_dim3A_162 {strides = array<i32>} : memref<112x128xf32, #tpu.memory_space<vmem>>, vector<16xf32>,
    }
    %scan3A_6 = arith.constant 16 : i32
    %mul3A_7 = arith.constant 624 : i32
    %mul3A_8 = arith.muli %arg1, %mul3A_7 : i32
    %scan3A_9 = arith.constant 0 : i32
    %scan3A_10 = arith.constant 39 : i32
    %scan3A_11 = arith.addi %scan3A_9, %scan3A_10 : i32
    %scan3A_12 = arith.constant 1 : i32
    scf.for %scan3A_121 = %scan3A_9 to %scan3A_11 step %scan3A_12  : i32 {
      %mul3A_122 = arith.constant 1 : i32
      %mul3A_123 = arith.muli %scan3A_121, %mul3A_122 : i32
      %add3A_124 = arith.constant 0 : i32
      %add3A_125 = arith.addi %add3A_124, %mul3A_123 : i32
      %mul3A_126 = arith.constant 16 : i32
      %mul3A_127 = arith.muli %add3A_125, %mul3A_126 : i32
      %add3A_128 = arith.addi %mul3A_8, %mul3A_127 : i32
      "tpu.region"() ({
        %run_scoped3A = tpu.sem_alloc : memref<!tpu.dma_semaphore, #tpu.memory_space<semaphore_mem>>
        %dma_start3A_129 = arith.constant 0 : i32
        %dma_start3A_130 = arith.constant 0 : i32
        %dma_start3A_131 = tpu.memref_slice %arg12[%dma_start3A_129, %dma_start3A_130] : memref<112x128xf32, #tpu.memory_space<vmem>> -> memref<16x128xf32, #tpu.memory_space<vmem>>
        %dma_start3A_132 = arith.constant 0 : i32
        %dma_start3A_133 = tpu.memref_slice %arg14[%add3A_128, %dma_start3A_132] : memref<10008x128xf32, #tpu.memory_space<vmem_shared>> -> memref<16x128xf32, #tpu.memory_space<vmem_shared>>
        %dma_start3A_134 = arith.constant 0 : i32
        %dma_start3A_135 = tpu.memref_slice %arg14[%add3A_128, %dma_start3A_134] : memref<10008x128xf32, #tpu.memory_space<vmem_shared>> -> memref<16x128xf32, #tpu.memory_space<vmem_shared>>
        %dma_start3A_136 = arith.constant 0 : i32
        %dma_start3A_137 = arith.constant 0 : i32
        %dma_start3A_138 = tpu.memref_slice %arg12[%dma_start3A_136, %dma_start3A_137] : memref<112x128xf32, #tpu.memory_space<vmem>> -> memref<16x128xf32, #tpu.memory_space<vmem>>
        tpu.enqueue_dma source(%dma_start3A_138 : memref<16x128xf32, #tpu.memory_space<vmem>>) target(%dma_start3A_135 : memref<16x128xf32, #tpu.memory_space<vmem_shared>>) target_semaphore(%run_scoped3A : memref<!tpu.dma_semaphore, #tpu.memory_space<semaphore_mem>>)
        %dma_wait3A_139 = arith.constant 0 : i32
        %dma_wait3A_140 = arith.constant 0 : i32
        %dma_wait3A_141 = tpu.memref_slice %arg12[%dma_wait3A_139, %dma_wait3A_140] : memref<112x128xf32, #tpu.memory_space<vmem>> -> memref<16x128xf32, #tpu.memory_space<vmem>>
        %dma_wait3A_142 = arith.constant 0 : i32
        %dma_wait3A_143 = tpu.memref_slice %arg14[%add3A_128, %dma_wait3A_142] : memref<10008x128xf32, #tpu.memory_space<vmem_shared>> -> memref<16x128xf32, #tpu.memory_space<vmem_shared>>
        %dma_wait3A_144 = arith.constant 0 : i32
        %dma_wait3A_145 = tpu.memref_slice %arg14[%add3A_128, %dma_wait3A_144] : memref<10008x128xf32, #tpu.memory_space<vmem_shared>> -> memref<16x128xf32, #tpu.memory_space<vmem_shared>>
        %dma_wait3A_146 = arith.constant 0 : i32
        %dma_wait3A_147 = arith.constant 0 : i32
        %dma_wait3A_148 = tpu.memref_slice %arg12[%dma_wait3A_146, %dma_wait3A_147] : memref<112x128xf32, #tpu.memory_space<vmem>> -> memref<16x128xf32, #tpu.memory_space<vmem>>
        tpu.wait_dma2 semaphore(%run_scoped3A : memref<!tpu.dma_semaphore, #tpu.memory_space<semaphore_mem>>) src(%dma_wait3A_148 : memref<16x128xf32, #tpu.memory_space<vmem>>) dst(%dma_wait3A_145 : memref<16x128xf32, #tpu.memory_space<vmem_shared>>)
        tpu.yield
      }) : () -> ()
    }
    %scan3A_13 = arith.constant 39 : i32
    %eq3A = arith.constant 15 : i32
    %eq3A_14 = arith.cmpi eq, %arg1, %eq3A : i32
    %convert_element_type3A = arith.extui %eq3A_14 : i1 to i32
    %cond3A = arith.constant 0 : i32
    %cond3A_15 = arith.cmpi ne, %convert_element_type3A, %cond3A : i32
    scf.if %cond3A_15 {
      %scan3A_121 = arith.constant 0 : i32
      %mul3A_122 = arith.constant 1 : i32
      %mul3A_123 = arith.muli %scan3A_121, %mul3A_122 : i32
      %add3A_124 = arith.constant 0 : i32
      %add3A_125 = arith.addi %add3A_124, %mul3A_123 : i32
      %mul3A_126 = arith.constant 16 : i32
      %mul3A_127 = arith.muli %add3A_125, %mul3A_126 : i32
      %add3A_128 = arith.constant 9984 : i32
      %add3A_129 = arith.addi %add3A_128, %mul3A_127 : i32
      "tpu.region"() ({
        %run_scoped3A = tpu.sem_alloc : memref<!tpu.dma_semaphore, #tpu.memory_space<semaphore_mem>>
        %dma_start3A_131 = arith.constant 0 : i32
        %dma_start3A_132 = arith.constant 0 : i32
        %dma_start3A_133 = tpu.memref_slice %arg12[%dma_start3A_131, %dma_start3A_132] : memref<112x128xf32, #tpu.memory_space<vmem>> -> memref<16x128xf32, #tpu.memory_space<vmem>>
        %dma_start3A_134 = arith.constant 0 : i32
        %dma_start3A_135 = tpu.memref_slice %arg14[%add3A_129, %dma_start3A_134] : memref<10008x128xf32, #tpu.memory_space<vmem_shared>> -> memref<16x128xf32, #tpu.memory_space<vmem_shared>>
        %dma_start3A_136 = arith.constant 0 : i32
        %dma_start3A_137 = tpu.memref_slice %arg14[%add3A_129, %dma_start3A_136] : memref<10008x128xf32, #tpu.memory_space<vmem_shared>> -> memref<16x128xf32, #tpu.memory_space<vmem_shared>>
        %dma_start3A_138 = arith.constant 0 : i32
        %dma_start3A_139 = arith.constant 0 : i32
        %dma_start3A_140 = tpu.memref_slice %arg12[%dma_start3A_138, %dma_start3A_139] : memref<112x128xf32, #tpu.memory_space<vmem>> -> memref<16x128xf32, #tpu.memory_space<vmem>>
        tpu.enqueue_dma source(%dma_start3A_140 : memref<16x128xf32, #tpu.memory_space<vmem>>) target(%dma_start3A_137 : memref<16x128xf32, #tpu.memory_space<vmem_shared>>) target_semaphore(%run_scoped3A : memref<!tpu.dma_semaphore, #tpu.memory_space<semaphore_mem>>)
        %dma_wait3A_141 = arith.constant 0 : i32
        %dma_wait3A_142 = arith.constant 0 : i32
        %dma_wait3A_143 = tpu.memref_slice %arg12[%dma_wait3A_141, %dma_wait3A_142] : memref<112x128xf32, #tpu.memory_space<vmem>> -> memref<16x128xf32, #tpu.memory_space<vmem>>
        %dma_wait3A_144 = arith.constant 0 : i32
        %dma_wait3A_145 = tpu.memref_slice %arg14[%add3A_129, %dma_wait3A_144] : memref<10008x128xf32, #tpu.memory_space<vmem_shared>> -> memref<16x128xf32, #tpu.memory_space<vmem_shared>>
        %dma_wait3A_146 = arith.constant 0 : i32
        %dma_wait3A_147 = tpu.memref_slice %arg14[%add3A_129, %dma_wait3A_146] : memref<10008x128xf32, #tpu.memory_space<vmem_shared>> -> memref<16x128xf32, #tpu.memory_space<vmem_shared>>
        %dma_wait3A_148 = arith.constant 0 : i32
        %dma_wait3A_149 = arith.constant 0 : i32
        %dma_wait3A_150 = tpu.memref_slice %arg12[%dma_wait3A_148, %dma_wait3A_149] : memref<112x128xf32, #tpu.memory_space<vmem>> -> memref<16x128xf32, #tpu.memory_space<vmem>>
        tpu.wait_dma2 semaphore(%run_scoped3A : memref<!tpu.dma_semaphore, #tpu.memory_space<semaphore_mem>>) src(%dma_wait3A_150 : memref<16x128xf32, #tpu.memory_space<vmem>>) dst(%dma_wait3A_147 : memref<16x128xf32, #tpu.memory_space<vmem_shared>>)
        tpu.yield
      }) : () -> ()
      %scan3A_130 = arith.constant 1 : i32
    } else {
    }
    %barrier3A = arith.constant 0 : index
    tpu.barrier barrier_id(%barrier3A)
    %broadcast_in_dim3A = arith.constant 16383 : i32
    %broadcast_in_dim3A_16 = vector.broadcast %broadcast_in_dim3A : i32 to vector<16xi32>
    %broadcast_in_dim3A_17 = arith.constant 14 : i32
    %broadcast_in_dim3A_18 = vector.broadcast %broadcast_in_dim3A_17 : i32 to vector<16xi32>
    %mul3A_19 = arith.constant 0 : i32
    %mul3A_20 = arith.constant 112 : i32
    %mul3A_21 = arith.muli %mul3A_19, %mul3A_20 : i32
    %add3A_22 = arith.constant 0 : i32
    %add3A_23 = arith.addi %mul3A_21, %add3A_22 : i32
    %get3A = arith.index_cast %add3A_23 : i32 to index
    %get3A_24 = tpu.vector_load %arg6[%get3A] {strides = array<i32>} : memref<10080xi32, #tpu.memory_space<vmem>>, vector<16xi32>,
    %and3A = arith.andi %get3A_24, %broadcast_in_dim3A_16 : vector<16xi32>
    %swap3A = arith.constant 0 : index
    %swap3A_25 = tpu.vector_load %arg8[%swap3A] {strides = array<i32>} : memref<112xi32, #tpu.memory_space<vmem>>, vector<16xi32>,
    tpu.vector_store %arg8[%swap3A], %and3A {strides = array<i32>} : memref<112xi32, #tpu.memory_space<vmem>>, vector<16xi32>,
    %shift_right_logical3A = arith.shrui %get3A_24, %broadcast_in_dim3A_18 : vector<16xi32>
    %swap3A_26 = arith.constant 0 : index
    %swap3A_27 = tpu.vector_load %arg10[%swap3A_26] {strides = array<i32>} : memref<112xi32, #tpu.memory_space<vmem>>, vector<16xi32>,
    tpu.vector_store %arg10[%swap3A_26], %shift_right_logical3A {strides = array<i32>} : memref<112xi32, #tpu.memory_space<vmem>>, vector<16xi32>,
    %mul3A_28 = arith.constant 0 : i32
    %mul3A_29 = arith.constant 112 : i32
    %mul3A_30 = arith.muli %mul3A_28, %mul3A_29 : i32
    %add3A_31 = arith.constant 16 : i32
    %add3A_32 = arith.addi %mul3A_30, %add3A_31 : i32
    %get3A_33 = arith.index_cast %add3A_32 : i32 to index
    %get3A_34 = tpu.vector_load %arg6[%get3A_33] {strides = array<i32>} : memref<10080xi32, #tpu.memory_space<vmem>>, vector<16xi32>,
    %and3A_35 = arith.andi %get3A_34, %broadcast_in_dim3A_16 : vector<16xi32>
    %swap3A_36 = arith.constant 16 : index
    %swap3A_37 = tpu.vector_load %arg8[%swap3A_36] {strides = array<i32>} : memref<112xi32, #tpu.memory_space<vmem>>, vector<16xi32>,
    tpu.vector_store %arg8[%swap3A_36], %and3A_35 {strides = array<i32>} : memref<112xi32, #tpu.memory_space<vmem>>, vector<16xi32>,
    %shift_right_logical3A_38 = arith.shrui %get3A_34, %broadcast_in_dim3A_18 : vector<16xi32>
    %swap3A_39 = arith.constant 16 : index
    %swap3A_40 = tpu.vector_load %arg10[%swap3A_39] {strides = array<i32>} : memref<112xi32, #tpu.memory_space<vmem>>, vector<16xi32>,
    tpu.vector_store %arg10[%swap3A_39], %shift_right_logical3A_38 {strides = array<i32>} : memref<112xi32, #tpu.memory_space<vmem>>, vector<16xi32>,
    %mul3A_41 = arith.constant 0 : i32
    %mul3A_42 = arith.constant 112 : i32
    %mul3A_43 = arith.muli %mul3A_41, %mul3A_42 : i32
    %add3A_44 = arith.constant 32 : i32
    %add3A_45 = arith.addi %mul3A_43, %add3A_44 : i32
    %get3A_46 = arith.index_cast %add3A_45 : i32 to index
    %get3A_47 = tpu.vector_load %arg6[%get3A_46] {strides = array<i32>} : memref<10080xi32, #tpu.memory_space<vmem>>, vector<16xi32>,
    %and3A_48 = arith.andi %get3A_47, %broadcast_in_dim3A_16 : vector<16xi32>
    %swap3A_49 = arith.constant 32 : index
    %swap3A_50 = tpu.vector_load %arg8[%swap3A_49] {strides = array<i32>} : memref<112xi32, #tpu.memory_space<vmem>>, vector<16xi32>,
    tpu.vector_store %arg8[%swap3A_49], %and3A_48 {strides = array<i32>} : memref<112xi32, #tpu.memory_space<vmem>>, vector<16xi32>,
    %shift_right_logical3A_51 = arith.shrui %get3A_47, %broadcast_in_dim3A_18 : vector<16xi32>
    %swap3A_52 = arith.constant 32 : index
    %swap3A_53 = tpu.vector_load %arg10[%swap3A_52] {strides = array<i32>} : memref<112xi32, #tpu.memory_space<vmem>>, vector<16xi32>,
    tpu.vector_store %arg10[%swap3A_52], %shift_right_logical3A_51 {strides = array<i32>} : memref<112xi32, #tpu.memory_space<vmem>>, vector<16xi32>,
    %mul3A_54 = arith.constant 0 : i32
    %mul3A_55 = arith.constant 112 : i32
    %mul3A_56 = arith.muli %mul3A_54, %mul3A_55 : i32
    %add3A_57 = arith.constant 48 : i32
    %add3A_58 = arith.addi %mul3A_56, %add3A_57 : i32
    %get3A_59 = arith.index_cast %add3A_58 : i32 to index
    %get3A_60 = tpu.vector_load %arg6[%get3A_59] {strides = array<i32>} : memref<10080xi32, #tpu.memory_space<vmem>>, vector<16xi32>,
    %and3A_61 = arith.andi %get3A_60, %broadcast_in_dim3A_16 : vector<16xi32>
    %swap3A_62 = arith.constant 48 : index
    %swap3A_63 = tpu.vector_load %arg8[%swap3A_62] {strides = array<i32>} : memref<112xi32, #tpu.memory_space<vmem>>, vector<16xi32>,
    tpu.vector_store %arg8[%swap3A_62], %and3A_61 {strides = array<i32>} : memref<112xi32, #tpu.memory_space<vmem>>, vector<16xi32>,
    %shift_right_logical3A_64 = arith.shrui %get3A_60, %broadcast_in_dim3A_18 : vector<16xi32>
    %swap3A_65 = arith.constant 48 : index
    %swap3A_66 = tpu.vector_load %arg10[%swap3A_65] {strides = array<i32>} : memref<112xi32, #tpu.memory_space<vmem>>, vector<16xi32>,
    tpu.vector_store %arg10[%swap3A_65], %shift_right_logical3A_64 {strides = array<i32>} : memref<112xi32, #tpu.memory_space<vmem>>, vector<16xi32>,
    %mul3A_67 = arith.constant 0 : i32
    %mul3A_68 = arith.constant 112 : i32
    %mul3A_69 = arith.muli %mul3A_67, %mul3A_68 : i32
    %add3A_70 = arith.constant 64 : i32
    %add3A_71 = arith.addi %mul3A_69, %add3A_70 : i32
    %get3A_72 = arith.index_cast %add3A_71 : i32 to index
    %get3A_73 = tpu.vector_load %arg6[%get3A_72] {strides = array<i32>} : memref<10080xi32, #tpu.memory_space<vmem>>, vector<16xi32>,
    %and3A_74 = arith.andi %get3A_73, %broadcast_in_dim3A_16 : vector<16xi32>
    %swap3A_75 = arith.constant 64 : index
    %swap3A_76 = tpu.vector_load %arg8[%swap3A_75] {strides = array<i32>} : memref<112xi32, #tpu.memory_space<vmem>>, vector<16xi32>,
    tpu.vector_store %arg8[%swap3A_75], %and3A_74 {strides = array<i32>} : memref<112xi32, #tpu.memory_space<vmem>>, vector<16xi32>,
    %shift_right_logical3A_77 = arith.shrui %get3A_73, %broadcast_in_dim3A_18 : vector<16xi32>
    %swap3A_78 = arith.constant 64 : index
    %swap3A_79 = tpu.vector_load %arg10[%swap3A_78] {strides = array<i32>} : memref<112xi32, #tpu.memory_space<vmem>>, vector<16xi32>,
    tpu.vector_store %arg10[%swap3A_78], %shift_right_logical3A_77 {strides = array<i32>} : memref<112xi32, #tpu.memory_space<vmem>>, vector<16xi32>,
    %mul3A_80 = arith.constant 0 : i32
    %mul3A_81 = arith.constant 112 : i32
    %mul3A_82 = arith.muli %mul3A_80, %mul3A_81 : i32
    %add3A_83 = arith.constant 80 : i32
    %add3A_84 = arith.addi %mul3A_82, %add3A_83 : i32
    %get3A_85 = arith.index_cast %add3A_84 : i32 to index
    %get3A_86 = tpu.vector_load %arg6[%get3A_85] {strides = array<i32>} : memref<10080xi32, #tpu.memory_space<vmem>>, vector<16xi32>,
    %and3A_87 = arith.andi %get3A_86, %broadcast_in_dim3A_16 : vector<16xi32>
    %swap3A_88 = arith.constant 80 : index
    %swap3A_89 = tpu.vector_load %arg8[%swap3A_88] {strides = array<i32>} : memref<112xi32, #tpu.memory_space<vmem>>, vector<16xi32>,
    tpu.vector_store %arg8[%swap3A_88], %and3A_87 {strides = array<i32>} : memref<112xi32, #tpu.memory_space<vmem>>, vector<16xi32>,
    %shift_right_logical3A_90 = arith.shrui %get3A_86, %broadcast_in_dim3A_18 : vector<16xi32>
    %swap3A_91 = arith.constant 80 : index
    %swap3A_92 = tpu.vector_load %arg10[%swap3A_91] {strides = array<i32>} : memref<112xi32, #tpu.memory_space<vmem>>, vector<16xi32>,
    tpu.vector_store %arg10[%swap3A_91], %shift_right_logical3A_90 {strides = array<i32>} : memref<112xi32, #tpu.memory_space<vmem>>, vector<16xi32>,
    %mul3A_93 = arith.constant 0 : i32
    %mul3A_94 = arith.constant 112 : i32
    %mul3A_95 = arith.muli %mul3A_93, %mul3A_94 : i32
    %add3A_96 = arith.constant 96 : i32
    %add3A_97 = arith.addi %mul3A_95, %add3A_96 : i32
    %get3A_98 = arith.index_cast %add3A_97 : i32 to index
    %get3A_99 = tpu.vector_load %arg6[%get3A_98] {strides = array<i32>} : memref<10080xi32, #tpu.memory_space<vmem>>, vector<16xi32>,
    %and3A_100 = arith.andi %get3A_99, %broadcast_in_dim3A_16 : vector<16xi32>
    %swap3A_101 = arith.constant 96 : index
    %swap3A_102 = tpu.vector_load %arg8[%swap3A_101] {strides = array<i32>} : memref<112xi32, #tpu.memory_space<vmem>>, vector<16xi32>,
    tpu.vector_store %arg8[%swap3A_101], %and3A_100 {strides = array<i32>} : memref<112xi32, #tpu.memory_space<vmem>>, vector<16xi32>,
    %shift_right_logical3A_103 = arith.shrui %get3A_99, %broadcast_in_dim3A_18 : vector<16xi32>
    %swap3A_104 = arith.constant 96 : index
    %swap3A_105 = tpu.vector_load %arg10[%swap3A_104] {strides = array<i32>} : memref<112xi32, #tpu.memory_space<vmem>>, vector<16xi32>,
    tpu.vector_store %arg10[%swap3A_104], %shift_right_logical3A_103 {strides = array<i32>} : memref<112xi32, #tpu.memory_space<vmem>>, vector<16xi32>,
    %dma_start3A = arith.constant 0 : i32
    %dma_start3A_106 = arith.constant 0 : i32
    %dma_start3A_107 = tpu.memref_slice %arg2[%dma_start3A, %dma_start3A_106] : memref<10000x128xf32, #tpu.memory_space<hbm>> -> memref<10000x128xf32, #tpu.memory_space<hbm>>
    tpu.enqueue_indirect_dma source(%dma_start3A_107 : memref<10000x128xf32, #tpu.memory_space<hbm>>) target(%arg12 : memref<112x128xf32, #tpu.memory_space<vmem>>) offsets(%arg8 : memref<112xi32, #tpu.memory_space<vmem>>) semaphore(%arg15 : memref<!tpu.dma_semaphore, #tpu.memory_space<semaphore_mem>>)
    %scan3A_108 = arith.constant 0 : i32
    %scan3A_109 = arith.constant 45 : i32
    %scan3A_110 = arith.addi %scan3A_108, %scan3A_109 : i32
    %scan3A_111 = arith.constant 1 : i32
    scf.for %scan3A_121 = %scan3A_108 to %scan3A_110 step %scan3A_111  : i32 {
      %mul3A_122 = arith.constant 1 : i32
      %mul3A_123 = arith.muli %scan3A_121, %mul3A_122 : i32
      %add3A_124 = arith.constant 0 : i32
      %add3A_125 = arith.addi %add3A_124, %mul3A_123 : i32
      %mul3A_126 = arith.constant 2 : i32
      %mul3A_127 = arith.muli %mul3A_126, %add3A_125 : i32
      %dma_wait3A_128 = arith.constant 0 : i32
      %dma_wait3A_129 = arith.constant 0 : i32
      %dma_wait3A_130 = tpu.memref_slice %arg2[%dma_wait3A_128, %dma_wait3A_129] : memref<10000x128xf32, #tpu.memory_space<hbm>> -> memref<10000x128xf32, #tpu.memory_space<hbm>>
      tpu.wait_indirect_dma semaphore(%arg15 : memref<!tpu.dma_semaphore, #tpu.memory_space<semaphore_mem>>) src(%dma_wait3A_130 : memref<10000x128xf32, #tpu.memory_space<hbm>>) dst(%arg12 : memref<112x128xf32, #tpu.memory_space<vmem>>)
      %ge3A = arith.constant 1 : i32
      %ge3A_131 = arith.cmpi sge, %mul3A_127, %ge3A : i32
      %convert_element_type3A_132 = arith.extui %ge3A_131 : i1 to i32
      %cond3A_133 = arith.constant 0 : i32
      %cond3A_134 = arith.cmpi ne, %convert_element_type3A_132, %cond3A_133 : i32
      scf.if %cond3A_134 {
        %dma_wait3A_282 = arith.constant 0 : i32
        %dma_wait3A_283 = arith.constant 0 : i32
        %dma_wait3A_284 = tpu.memref_slice %arg14[%dma_wait3A_282, %dma_wait3A_283] : memref<10008x128xf32, #tpu.memory_space<vmem_shared>> -> memref<10008x128xf32, #tpu.memory_space<vmem_shared>>
        tpu.wait_indirect_dma semaphore(%arg18 : memref<!tpu.dma_semaphore, #tpu.memory_space<semaphore_mem>>) src(%arg13 : memref<112x128xf32, #tpu.memory_space<vmem>>) dst(%dma_wait3A_284 : memref<10008x128xf32, #tpu.memory_space<vmem_shared>>)
      } else {
      }
      %add3A_135 = arith.constant 1 : i32
      %add3A_136 = arith.addi %mul3A_127, %add3A_135 : i32
      %lt3A = arith.constant 90 : i32
      %lt3A_137 = arith.cmpi slt, %add3A_136, %lt3A : i32
      %convert_element_type3A_138 = arith.extui %lt3A_137 : i1 to i32
      %cond3A_139 = arith.constant 0 : i32
      %cond3A_140 = arith.cmpi ne, %convert_element_type3A_138, %cond3A_139 : i32
      scf.if %cond3A_140 {
        %add3A_282 = arith.constant 1 : i32
        %add3A_283 = arith.addi %mul3A_127, %add3A_282 : i32
        %broadcast_in_dim3A_284 = arith.constant 16383 : i32
        %broadcast_in_dim3A_285 = vector.broadcast %broadcast_in_dim3A_284 : i32 to vector<16xi32>
        %broadcast_in_dim3A_286 = arith.constant 14 : i32
        %broadcast_in_dim3A_287 = vector.broadcast %broadcast_in_dim3A_286 : i32 to vector<16xi32>
        %mul3A_288 = arith.constant 112 : i32
        %mul3A_289 = arith.muli %add3A_283, %mul3A_288 : i32
        %add3A_290 = arith.constant 0 : i32
        %add3A_291 = arith.addi %mul3A_289, %add3A_290 : i32
        %get3A_292 = arith.index_cast %add3A_291 : i32 to index
        %get3A_293 = tpu.vector_load %arg6[%get3A_292] {strides = array<i32>} : memref<10080xi32, #tpu.memory_space<vmem>>, vector<16xi32>,
        %and3A_294 = arith.andi %get3A_293, %broadcast_in_dim3A_285 : vector<16xi32>
        %swap3A_295 = arith.constant 0 : index
        %swap3A_296 = tpu.vector_load %arg9[%swap3A_295] {strides = array<i32>} : memref<112xi32, #tpu.memory_space<vmem>>, vector<16xi32>,
        tpu.vector_store %arg9[%swap3A_295], %and3A_294 {strides = array<i32>} : memref<112xi32, #tpu.memory_space<vmem>>, vector<16xi32>,
        %shift_right_logical3A_297 = arith.shrui %get3A_293, %broadcast_in_dim3A_287 : vector<16xi32>
        %swap3A_298 = arith.constant 0 : index
        %swap3A_299 = tpu.vector_load %arg11[%swap3A_298] {strides = array<i32>} : memref<112xi32, #tpu.memory_space<vmem>>, vector<16xi32>,
        tpu.vector_store %arg11[%swap3A_298], %shift_right_logical3A_297 {strides = array<i32>} : memref<112xi32, #tpu.memory_space<vmem>>, vector<16xi32>,
        %mul3A_300 = arith.constant 112 : i32
        %mul3A_301 = arith.muli %add3A_283, %mul3A_300 : i32
        %add3A_302 = arith.constant 16 : i32
        %add3A_303 = arith.addi %mul3A_301, %add3A_302 : i32
        %get3A_304 = arith.index_cast %add3A_303 : i32 to index
        %get3A_305 = tpu.vector_load %arg6[%get3A_304] {strides = array<i32>} : memref<10080xi32, #tpu.memory_space<vmem>>, vector<16xi32>,
        %and3A_306 = arith.andi %get3A_305, %broadcast_in_dim3A_285 : vector<16xi32>
        %swap3A_307 = arith.constant 16 : index
        %swap3A_308 = tpu.vector_load %arg9[%swap3A_307] {strides = array<i32>} : memref<112xi32, #tpu.memory_space<vmem>>, vector<16xi32>,
        tpu.vector_store %arg9[%swap3A_307], %and3A_306 {strides = array<i32>} : memref<112xi32, #tpu.memory_space<vmem>>, vector<16xi32>,
        %shift_right_logical3A_309 = arith.shrui %get3A_305, %broadcast_in_dim3A_287 : vector<16xi32>
        %swap3A_310 = arith.constant 16 : index
        %swap3A_311 = tpu.vector_load %arg11[%swap3A_310] {strides = array<i32>} : memref<112xi32, #tpu.memory_space<vmem>>, vector<16xi32>,
        tpu.vector_store %arg11[%swap3A_310], %shift_right_logical3A_309 {strides = array<i32>} : memref<112xi32, #tpu.memory_space<vmem>>, vector<16xi32>,
        %mul3A_312 = arith.constant 112 : i32
        %mul3A_313 = arith.muli %add3A_283, %mul3A_312 : i32
        %add3A_314 = arith.constant 32 : i32
        %add3A_315 = arith.addi %mul3A_313, %add3A_314 : i32
        %get3A_316 = arith.index_cast %add3A_315 : i32 to index
        %get3A_317 = tpu.vector_load %arg6[%get3A_316] {strides = array<i32>} : memref<10080xi32, #tpu.memory_space<vmem>>, vector<16xi32>,
        %and3A_318 = arith.andi %get3A_317, %broadcast_in_dim3A_285 : vector<16xi32>
        %swap3A_319 = arith.constant 32 : index
        %swap3A_320 = tpu.vector_load %arg9[%swap3A_319] {strides = array<i32>} : memref<112xi32, #tpu.memory_space<vmem>>, vector<16xi32>,
        tpu.vector_store %arg9[%swap3A_319], %and3A_318 {strides = array<i32>} : memref<112xi32, #tpu.memory_space<vmem>>, vector<16xi32>,
        %shift_right_logical3A_321 = arith.shrui %get3A_317, %broadcast_in_dim3A_287 : vector<16xi32>
        %swap3A_322 = arith.constant 32 : index
        %swap3A_323 = tpu.vector_load %arg11[%swap3A_322] {strides = array<i32>} : memref<112xi32, #tpu.memory_space<vmem>>, vector<16xi32>,
        tpu.vector_store %arg11[%swap3A_322], %shift_right_logical3A_321 {strides = array<i32>} : memref<112xi32, #tpu.memory_space<vmem>>, vector<16xi32>,
        %mul3A_324 = arith.constant 112 : i32
        %mul3A_325 = arith.muli %add3A_283, %mul3A_324 : i32
        %add3A_326 = arith.constant 48 : i32
        %add3A_327 = arith.addi %mul3A_325, %add3A_326 : i32
        %get3A_328 = arith.index_cast %add3A_327 : i32 to index
        %get3A_329 = tpu.vector_load %arg6[%get3A_328] {strides = array<i32>} : memref<10080xi32, #tpu.memory_space<vmem>>, vector<16xi32>,
        %and3A_330 = arith.andi %get3A_329, %broadcast_in_dim3A_285 : vector<16xi32>
        %swap3A_331 = arith.constant 48 : index
        %swap3A_332 = tpu.vector_load %arg9[%swap3A_331] {strides = array<i32>} : memref<112xi32, #tpu.memory_space<vmem>>, vector<16xi32>,
        tpu.vector_store %arg9[%swap3A_331], %and3A_330 {strides = array<i32>} : memref<112xi32, #tpu.memory_space<vmem>>, vector<16xi32>,
        %shift_right_logical3A_333 = arith.shrui %get3A_329, %broadcast_in_dim3A_287 : vector<16xi32>
        %swap3A_334 = arith.constant 48 : index
        %swap3A_335 = tpu.vector_load %arg11[%swap3A_334] {strides = array<i32>} : memref<112xi32, #tpu.memory_space<vmem>>, vector<16xi32>,
        tpu.vector_store %arg11[%swap3A_334], %shift_right_logical3A_333 {strides = array<i32>} : memref<112xi32, #tpu.memory_space<vmem>>, vector<16xi32>,
        %mul3A_336 = arith.constant 112 : i32
        %mul3A_337 = arith.muli %add3A_283, %mul3A_336 : i32
        %add3A_338 = arith.constant 64 : i32
        %add3A_339 = arith.addi %mul3A_337, %add3A_338 : i32
        %get3A_340 = arith.index_cast %add3A_339 : i32 to index
        %get3A_341 = tpu.vector_load %arg6[%get3A_340] {strides = array<i32>} : memref<10080xi32, #tpu.memory_space<vmem>>, vector<16xi32>,
        %and3A_342 = arith.andi %get3A_341, %broadcast_in_dim3A_285 : vector<16xi32>
        %swap3A_343 = arith.constant 64 : index
        %swap3A_344 = tpu.vector_load %arg9[%swap3A_343] {strides = array<i32>} : memref<112xi32, #tpu.memory_space<vmem>>, vector<16xi32>,
        tpu.vector_store %arg9[%swap3A_343], %and3A_342 {strides = array<i32>} : memref<112xi32, #tpu.memory_space<vmem>>, vector<16xi32>,
        %shift_right_logical3A_345 = arith.shrui %get3A_341, %broadcast_in_dim3A_287 : vector<16xi32>
        %swap3A_346 = arith.constant 64 : index
        %swap3A_347 = tpu.vector_load %arg11[%swap3A_346] {strides = array<i32>} : memref<112xi32, #tpu.memory_space<vmem>>, vector<16xi32>,
        tpu.vector_store %arg11[%swap3A_346], %shift_right_logical3A_345 {strides = array<i32>} : memref<112xi32, #tpu.memory_space<vmem>>, vector<16xi32>,
        %mul3A_348 = arith.constant 112 : i32
        %mul3A_349 = arith.muli %add3A_283, %mul3A_348 : i32
        %add3A_350 = arith.constant 80 : i32
        %add3A_351 = arith.addi %mul3A_349, %add3A_350 : i32
        %get3A_352 = arith.index_cast %add3A_351 : i32 to index
        %get3A_353 = tpu.vector_load %arg6[%get3A_352] {strides = array<i32>} : memref<10080xi32, #tpu.memory_space<vmem>>, vector<16xi32>,
        %and3A_354 = arith.andi %get3A_353, %broadcast_in_dim3A_285 : vector<16xi32>
        %swap3A_355 = arith.constant 80 : index
        %swap3A_356 = tpu.vector_load %arg9[%swap3A_355] {strides = array<i32>} : memref<112xi32, #tpu.memory_space<vmem>>, vector<16xi32>,
        tpu.vector_store %arg9[%swap3A_355], %and3A_354 {strides = array<i32>} : memref<112xi32, #tpu.memory_space<vmem>>, vector<16xi32>,
        %shift_right_logical3A_357 = arith.shrui %get3A_353, %broadcast_in_dim3A_287 : vector<16xi32>
        %swap3A_358 = arith.constant 80 : index
        %swap3A_359 = tpu.vector_load %arg11[%swap3A_358] {strides = array<i32>} : memref<112xi32, #tpu.memory_space<vmem>>, vector<16xi32>,
        tpu.vector_store %arg11[%swap3A_358], %shift_right_logical3A_357 {strides = array<i32>} : memref<112xi32, #tpu.memory_space<vmem>>, vector<16xi32>,
        %mul3A_360 = arith.constant 112 : i32
        %mul3A_361 = arith.muli %add3A_283, %mul3A_360 : i32
        %add3A_362 = arith.constant 96 : i32
        %add3A_363 = arith.addi %mul3A_361, %add3A_362 : i32
        %get3A_364 = arith.index_cast %add3A_363 : i32 to index
        %get3A_365 = tpu.vector_load %arg6[%get3A_364] {strides = array<i32>} : memref<10080xi32, #tpu.memory_space<vmem>>, vector<16xi32>,
        %and3A_366 = arith.andi %get3A_365, %broadcast_in_dim3A_285 : vector<16xi32>
        %swap3A_367 = arith.constant 96 : index
        %swap3A_368 = tpu.vector_load %arg9[%swap3A_367] {strides = array<i32>} : memref<112xi32, #tpu.memory_space<vmem>>, vector<16xi32>,
        tpu.vector_store %arg9[%swap3A_367], %and3A_366 {strides = array<i32>} : memref<112xi32, #tpu.memory_space<vmem>>, vector<16xi32>,
        %shift_right_logical3A_369 = arith.shrui %get3A_365, %broadcast_in_dim3A_287 : vector<16xi32>
        %swap3A_370 = arith.constant 96 : index
        %swap3A_371 = tpu.vector_load %arg11[%swap3A_370] {strides = array<i32>} : memref<112xi32, #tpu.memory_space<vmem>>, vector<16xi32>,
        tpu.vector_store %arg11[%swap3A_370], %shift_right_logical3A_369 {strides = array<i32>} : memref<112xi32, #tpu.memory_space<vmem>>, vector<16xi32>,
        %dma_start3A_372 = arith.constant 0 : i32
        %dma_start3A_373 = arith.constant 0 : i32
        %dma_start3A_374 = tpu.memref_slice %arg2[%dma_start3A_372, %dma_start3A_373] : memref<10000x128xf32, #tpu.memory_space<hbm>> -> memref<10000x128xf32, #tpu.memory_space<hbm>>
        tpu.enqueue_indirect_dma source(%dma_start3A_374 : memref<10000x128xf32, #tpu.memory_space<hbm>>) target(%arg13 : memref<112x128xf32, #tpu.memory_space<vmem>>) offsets(%arg9 : memref<112xi32, #tpu.memory_space<vmem>>) semaphore(%arg16 : memref<!tpu.dma_semaphore, #tpu.memory_space<semaphore_mem>>)
      } else {
      }
      %mul3A_141 = arith.constant 112 : i32
      %mul3A_142 = arith.muli %mul3A_127, %mul3A_141 : i32
      %broadcast_in_dim3A_143 = arith.constant 1.000000e+00 : f32
      %broadcast_in_dim3A_144 = vector.broadcast %broadcast_in_dim3A_143 : f32 to vector<16xf32>
      %get3A_145 = arith.index_cast %mul3A_142 : i32 to index
      %get3A_146 = tpu.vector_load %arg7[%get3A_145] {strides = array<i32>} : memref<10080xf32, #tpu.memory_space<vmem>>, vector<16xf32>,
      %eq3A_147 = arith.cmpf oeq, %get3A_146, %broadcast_in_dim3A_144 : vector<16xf32>
      %add3A_148 = arith.constant 16 : i32
      %add3A_149 = arith.addi %mul3A_142, %add3A_148 : i32
      %get3A_150 = arith.index_cast %add3A_149 : i32 to index
      %get3A_151 = tpu.vector_load %arg7[%get3A_150] {strides = array<i32>} : memref<10080xf32, #tpu.memory_space<vmem>>, vector<16xf32>,
      %eq3A_152 = arith.cmpf oeq, %get3A_151, %broadcast_in_dim3A_144 : vector<16xf32>
      %and3A_153 = arith.andi %eq3A_147, %eq3A_152 : vector<16xi1>
      %add3A_154 = arith.constant 32 : i32
      %add3A_155 = arith.addi %mul3A_142, %add3A_154 : i32
      %get3A_156 = arith.index_cast %add3A_155 : i32 to index
      %get3A_157 = tpu.vector_load %arg7[%get3A_156] {strides = array<i32>} : memref<10080xf32, #tpu.memory_space<vmem>>, vector<16xf32>,
      %eq3A_158 = arith.cmpf oeq, %get3A_157, %broadcast_in_dim3A_144 : vector<16xf32>
      %and3A_159 = arith.andi %and3A_153, %eq3A_158 : vector<16xi1>
      %add3A_160 = arith.constant 48 : i32
      %add3A_161 = arith.addi %mul3A_142, %add3A_160 : i32
      %get3A_162 = arith.index_cast %add3A_161 : i32 to index
      %get3A_163 = tpu.vector_load %arg7[%get3A_162] {strides = array<i32>} : memref<10080xf32, #tpu.memory_space<vmem>>, vector<16xf32>,
      %eq3A_164 = arith.cmpf oeq, %get3A_163, %broadcast_in_dim3A_144 : vector<16xf32>
      %and3A_165 = arith.andi %and3A_159, %eq3A_164 : vector<16xi1>
      %add3A_166 = arith.constant 64 : i32
      %add3A_167 = arith.addi %mul3A_142, %add3A_166 : i32
      %get3A_168 = arith.index_cast %add3A_167 : i32 to index
      %get3A_169 = tpu.vector_load %arg7[%get3A_168] {strides = array<i32>} : memref<10080xf32, #tpu.memory_space<vmem>>, vector<16xf32>,
      %eq3A_170 = arith.cmpf oeq, %get3A_169, %broadcast_in_dim3A_144 : vector<16xf32>
      %and3A_171 = arith.andi %and3A_165, %eq3A_170 : vector<16xi1>
      %add3A_172 = arith.constant 80 : i32
      %add3A_173 = arith.addi %mul3A_142, %add3A_172 : i32
      %get3A_174 = arith.index_cast %add3A_173 : i32 to index
      %get3A_175 = tpu.vector_load %arg7[%get3A_174] {strides = array<i32>} : memref<10080xf32, #tpu.memory_space<vmem>>, vector<16xf32>,
      %eq3A_176 = arith.cmpf oeq, %get3A_175, %broadcast_in_dim3A_144 : vector<16xf32>
      %and3A_177 = arith.andi %and3A_171, %eq3A_176 : vector<16xi1>
      %add3A_178 = arith.constant 96 : i32
      %add3A_179 = arith.addi %mul3A_142, %add3A_178 : i32
      %get3A_180 = arith.index_cast %add3A_179 : i32 to index
      %get3A_181 = tpu.vector_load %arg7[%get3A_180] {strides = array<i32>} : memref<10080xf32, #tpu.memory_space<vmem>>, vector<16xf32>,
      %eq3A_182 = arith.cmpf oeq, %get3A_181, %broadcast_in_dim3A_144 : vector<16xf32>
      %and3A_183 = arith.andi %and3A_177, %eq3A_182 : vector<16xi1>
      %reduce_and3A = arith.constant 1.000000e+00 : f32
      %reduce_and3A_184 = arith.constant 0.000000e+00 : f32
      %reduce_and3A_185 = vector.broadcast %reduce_and3A : f32 to vector<16xf32>
      %reduce_and3A_186 = vector.broadcast %reduce_and3A_184 : f32 to vector<16xf32>
      %reduce_and3A_187 = arith.select %and3A_183, %reduce_and3A_185, %reduce_and3A_186 : vector<16xi1>, vector<16xf32>
      %reduce_and3A_188 = arith.constant true
      %reduce_and3A_189 = vector.broadcast %reduce_and3A_188 : i1 to vector<16xi1>
      %reduce_and3A_190 = tpu.scan <min>, %reduce_and3A_187 masked %reduce_and3A_189 : vector<16xf32>, vector<16xi1> -> vector<16xf32>
      %reduce_and3A_191 = vector.extract %reduce_and3A_190[15] : f32 from vector<16xf32>
      %reduce_and3A_192 = arith.constant 0.000000e+00 : f32
      %reduce_and3A_193 = arith.cmpf ogt, %reduce_and3A_191, %reduce_and3A_192 : f32
      %not3A = arith.constant true
      %not3A_194 = arith.xori %reduce_and3A_193, %not3A : i1
      %convert_element_type3A_195 = arith.extui %not3A_194 : i1 to i32
      %cond3A_196 = arith.constant 0 : i32
      %cond3A_197 = arith.cmpi ne, %convert_element_type3A_195, %cond3A_196 : i32
      scf.if %cond3A_197 {
        %scan3A_282 = arith.constant 0 : i32
        %scan3A_283 = arith.constant 112 : i32
        %scan3A_284 = arith.addi %scan3A_282, %scan3A_283 : i32
        %scan3A_285 = arith.constant 2 : i32
        scf.for %scan3A_287 = %scan3A_282 to %scan3A_284 step %scan3A_285  : i32 {
          %mul3A_288 = arith.constant 1 : i32
          %mul3A_289 = arith.muli %scan3A_287, %mul3A_288 : i32
          %add3A_290 = arith.constant 0 : i32
          %add3A_291 = arith.addi %add3A_290, %mul3A_289 : i32
          %add3A_292 = arith.addi %mul3A_142, %add3A_291 : i32
          %broadcast_in_dim3A_293 = vector.broadcast %add3A_292 : i32 to vector<16xi32>
          %gather3A = tpu.vector_load_idx %arg7[%broadcast_in_dim3A_293] : memref<10080xf32, #tpu.memory_space<vmem>>[vector<16xi32>], vector<16xf32>,
          %get3A_294 = arith.index_cast %add3A_291 : i32 to index
          %get3A_295 = arith.constant 0 : index
          %get3A_296 = tpu.vector_load %arg12[%get3A_294, %get3A_295] {strides = array<i32>} : memref<112x128xf32, #tpu.memory_space<vmem>>, vector<16xf32>,
          %mul3A_297 = arith.mulf %get3A_296, %gather3A : vector<16xf32>
          %swap3A_298 = arith.index_cast %add3A_291 : i32 to index
          %swap3A_299 = arith.constant 0 : index
          %swap3A_300 = tpu.vector_load %arg12[%swap3A_298, %swap3A_299] {strides = array<i32>} : memref<112x128xf32, #tpu.memory_space<vmem>>, vector<16xf32>,
          tpu.vector_store %arg12[%swap3A_298, %swap3A_299], %mul3A_297 {strides = array<i32>} : memref<112x128xf32, #tpu.memory_space<vmem>>, vector<16xf32>,
          %get3A_301 = arith.index_cast %add3A_291 : i32 to index
          %get3A_302 = arith.constant 16 : index
          %get3A_303 = tpu.vector_load %arg12[%get3A_301, %get3A_302] {strides = array<i32>} : memref<112x128xf32, #tpu.memory_space<vmem>>, vector<16xf32>,
          %mul3A_304 = arith.mulf %get3A_303, %gather3A : vector<16xf32>
          %swap3A_305 = arith.index_cast %add3A_291 : i32 to index
          %swap3A_306 = arith.constant 16 : index
          %swap3A_307 = tpu.vector_load %arg12[%swap3A_305, %swap3A_306] {strides = array<i32>} : memref<112x128xf32, #tpu.memory_space<vmem>>, vector<16xf32>,
          tpu.vector_store %arg12[%swap3A_305, %swap3A_306], %mul3A_304 {strides = array<i32>} : memref<112x128xf32, #tpu.memory_space<vmem>>, vector<16xf32>,
          %get3A_308 = arith.index_cast %add3A_291 : i32 to index
          %get3A_309 = arith.constant 32 : index
          %get3A_310 = tpu.vector_load %arg12[%get3A_308, %get3A_309] {strides = array<i32>} : memref<112x128xf32, #tpu.memory_space<vmem>>, vector<16xf32>,
          %mul3A_311 = arith.mulf %get3A_310, %gather3A : vector<16xf32>
          %swap3A_312 = arith.index_cast %add3A_291 : i32 to index
          %swap3A_313 = arith.constant 32 : index
          %swap3A_314 = tpu.vector_load %arg12[%swap3A_312, %swap3A_313] {strides = array<i32>} : memref<112x128xf32, #tpu.memory_space<vmem>>, vector<16xf32>,
          tpu.vector_store %arg12[%swap3A_312, %swap3A_313], %mul3A_311 {strides = array<i32>} : memref<112x128xf32, #tpu.memory_space<vmem>>, vector<16xf32>,
          %get3A_315 = arith.index_cast %add3A_291 : i32 to index
          %get3A_316 = arith.constant 48 : index
          %get3A_317 = tpu.vector_load %arg12[%get3A_315, %get3A_316] {strides = array<i32>} : memref<112x128xf32, #tpu.memory_space<vmem>>, vector<16xf32>,
          %mul3A_318 = arith.mulf %get3A_317, %gather3A : vector<16xf32>
          %swap3A_319 = arith.index_cast %add3A_291 : i32 to index
          %swap3A_320 = arith.constant 48 : index
          %swap3A_321 = tpu.vector_load %arg12[%swap3A_319, %swap3A_320] {strides = array<i32>} : memref<112x128xf32, #tpu.memory_space<vmem>>, vector<16xf32>,
          tpu.vector_store %arg12[%swap3A_319, %swap3A_320], %mul3A_318 {strides = array<i32>} : memref<112x128xf32, #tpu.memory_space<vmem>>, vector<16xf32>,
          %get3A_322 = arith.index_cast %add3A_291 : i32 to index
          %get3A_323 = arith.constant 64 : index
          %get3A_324 = tpu.vector_load %arg12[%get3A_322, %get3A_323] {strides = array<i32>} : memref<112x128xf32, #tpu.memory_space<vmem>>, vector<16xf32>,
          %mul3A_325 = arith.mulf %get3A_324, %gather3A : vector<16xf32>
          %swap3A_326 = arith.index_cast %add3A_291 : i32 to index
          %swap3A_327 = arith.constant 64 : index
          %swap3A_328 = tpu.vector_load %arg12[%swap3A_326, %swap3A_327] {strides = array<i32>} : memref<112x128xf32, #tpu.memory_space<vmem>>, vector<16xf32>,
          tpu.vector_store %arg12[%swap3A_326, %swap3A_327], %mul3A_325 {strides = array<i32>} : memref<112x128xf32, #tpu.memory_space<vmem>>, vector<16xf32>,
          %get3A_329 = arith.index_cast %add3A_291 : i32 to index
          %get3A_330 = arith.constant 80 : index
          %get3A_331 = tpu.vector_load %arg12[%get3A_329, %get3A_330] {strides = array<i32>} : memref<112x128xf32, #tpu.memory_space<vmem>>, vector<16xf32>,
          %mul3A_332 = arith.mulf %get3A_331, %gather3A : vector<16xf32>
          %swap3A_333 = arith.index_cast %add3A_291 : i32 to index
          %swap3A_334 = arith.constant 80 : index
          %swap3A_335 = tpu.vector_load %arg12[%swap3A_333, %swap3A_334] {strides = array<i32>} : memref<112x128xf32, #tpu.memory_space<vmem>>, vector<16xf32>,
          tpu.vector_store %arg12[%swap3A_333, %swap3A_334], %mul3A_332 {strides = array<i32>} : memref<112x128xf32, #tpu.memory_space<vmem>>, vector<16xf32>,
          %get3A_336 = arith.index_cast %add3A_291 : i32 to index
          %get3A_337 = arith.constant 96 : index
          %get3A_338 = tpu.vector_load %arg12[%get3A_336, %get3A_337] {strides = array<i32>} : memref<112x128xf32, #tpu.memory_space<vmem>>, vector<16xf32>,
          %mul3A_339 = arith.mulf %get3A_338, %gather3A : vector<16xf32>
          %swap3A_340 = arith.index_cast %add3A_291 : i32 to index
          %swap3A_341 = arith.constant 96 : index
          %swap3A_342 = tpu.vector_load %arg12[%swap3A_340, %swap3A_341] {strides = array<i32>} : memref<112x128xf32, #tpu.memory_space<vmem>>, vector<16xf32>,
          tpu.vector_store %arg12[%swap3A_340, %swap3A_341], %mul3A_339 {strides = array<i32>} : memref<112x128xf32, #tpu.memory_space<vmem>>, vector<16xf32>,
          %get3A_343 = arith.index_cast %add3A_291 : i32 to index
          %get3A_344 = arith.constant 112 : index
          %get3A_345 = tpu.vector_load %arg12[%get3A_343, %get3A_344] {strides = array<i32>} : memref<112x128xf32, #tpu.memory_space<vmem>>, vector<16xf32>,
          %mul3A_346 = arith.mulf %get3A_345, %gather3A : vector<16xf32>
          %swap3A_347 = arith.index_cast %add3A_291 : i32 to index
          %swap3A_348 = arith.constant 112 : index
          %swap3A_349 = tpu.vector_load %arg12[%swap3A_347, %swap3A_348] {strides = array<i32>} : memref<112x128xf32, #tpu.memory_space<vmem>>, vector<16xf32>,
          tpu.vector_store %arg12[%swap3A_347, %swap3A_348], %mul3A_346 {strides = array<i32>} : memref<112x128xf32, #tpu.memory_space<vmem>>, vector<16xf32>,
          %scan3A_350 = arith.constant 1 : i32
          %scan3A_351 = arith.addi %scan3A_287, %scan3A_350 : i32
          %mul3A_352 = arith.constant 1 : i32
          %mul3A_353 = arith.muli %scan3A_351, %mul3A_352 : i32
          %add3A_354 = arith.constant 0 : i32
          %add3A_355 = arith.addi %add3A_354, %mul3A_353 : i32
          %add3A_356 = arith.addi %mul3A_142, %add3A_355 : i32
          %broadcast_in_dim3A_357 = vector.broadcast %add3A_356 : i32 to vector<16xi32>
          %gather3A_358 = tpu.vector_load_idx %arg7[%broadcast_in_dim3A_357] : memref<10080xf32, #tpu.memory_space<vmem>>[vector<16xi32>], vector<16xf32>,
          %get3A_359 = arith.index_cast %add3A_355 : i32 to index
          %get3A_360 = arith.constant 0 : index
          %get3A_361 = tpu.vector_load %arg12[%get3A_359, %get3A_360] {strides = array<i32>} : memref<112x128xf32, #tpu.memory_space<vmem>>, vector<16xf32>,
          %mul3A_362 = arith.mulf %get3A_361, %gather3A_358 : vector<16xf32>
          %swap3A_363 = arith.index_cast %add3A_355 : i32 to index
          %swap3A_364 = arith.constant 0 : index
          %swap3A_365 = tpu.vector_load %arg12[%swap3A_363, %swap3A_364] {strides = array<i32>} : memref<112x128xf32, #tpu.memory_space<vmem>>, vector<16xf32>,
          tpu.vector_store %arg12[%swap3A_363, %swap3A_364], %mul3A_362 {strides = array<i32>} : memref<112x128xf32, #tpu.memory_space<vmem>>, vector<16xf32>,
          %get3A_366 = arith.index_cast %add3A_355 : i32 to index
          %get3A_367 = arith.constant 16 : index
          %get3A_368 = tpu.vector_load %arg12[%get3A_366, %get3A_367] {strides = array<i32>} : memref<112x128xf32, #tpu.memory_space<vmem>>, vector<16xf32>,
          %mul3A_369 = arith.mulf %get3A_368, %gather3A_358 : vector<16xf32>
          %swap3A_370 = arith.index_cast %add3A_355 : i32 to index
          %swap3A_371 = arith.constant 16 : index
          %swap3A_372 = tpu.vector_load %arg12[%swap3A_370, %swap3A_371] {strides = array<i32>} : memref<112x128xf32, #tpu.memory_space<vmem>>, vector<16xf32>,
          tpu.vector_store %arg12[%swap3A_370, %swap3A_371], %mul3A_369 {strides = array<i32>} : memref<112x128xf32, #tpu.memory_space<vmem>>, vector<16xf32>,
          %get3A_373 = arith.index_cast %add3A_355 : i32 to index
          %get3A_374 = arith.constant 32 : index
          %get3A_375 = tpu.vector_load %arg12[%get3A_373, %get3A_374] {strides = array<i32>} : memref<112x128xf32, #tpu.memory_space<vmem>>, vector<16xf32>,
          %mul3A_376 = arith.mulf %get3A_375, %gather3A_358 : vector<16xf32>
          %swap3A_377 = arith.index_cast %add3A_355 : i32 to index
          %swap3A_378 = arith.constant 32 : index
          %swap3A_379 = tpu.vector_load %arg12[%swap3A_377, %swap3A_378] {strides = array<i32>} : memref<112x128xf32, #tpu.memory_space<vmem>>, vector<16xf32>,
          tpu.vector_store %arg12[%swap3A_377, %swap3A_378], %mul3A_376 {strides = array<i32>} : memref<112x128xf32, #tpu.memory_space<vmem>>, vector<16xf32>,
          %get3A_380 = arith.index_cast %add3A_355 : i32 to index
          %get3A_381 = arith.constant 48 : index
          %get3A_382 = tpu.vector_load %arg12[%get3A_380, %get3A_381] {strides = array<i32>} : memref<112x128xf32, #tpu.memory_space<vmem>>, vector<16xf32>,
          %mul3A_383 = arith.mulf %get3A_382, %gather3A_358 : vector<16xf32>
          %swap3A_384 = arith.index_cast %add3A_355 : i32 to index
          %swap3A_385 = arith.constant 48 : index
          %swap3A_386 = tpu.vector_load %arg12[%swap3A_384, %swap3A_385] {strides = array<i32>} : memref<112x128xf32, #tpu.memory_space<vmem>>, vector<16xf32>,
          tpu.vector_store %arg12[%swap3A_384, %swap3A_385], %mul3A_383 {strides = array<i32>} : memref<112x128xf32, #tpu.memory_space<vmem>>, vector<16xf32>,
          %get3A_387 = arith.index_cast %add3A_355 : i32 to index
          %get3A_388 = arith.constant 64 : index
          %get3A_389 = tpu.vector_load %arg12[%get3A_387, %get3A_388] {strides = array<i32>} : memref<112x128xf32, #tpu.memory_space<vmem>>, vector<16xf32>,
          %mul3A_390 = arith.mulf %get3A_389, %gather3A_358 : vector<16xf32>
          %swap3A_391 = arith.index_cast %add3A_355 : i32 to index
          %swap3A_392 = arith.constant 64 : index
          %swap3A_393 = tpu.vector_load %arg12[%swap3A_391, %swap3A_392] {strides = array<i32>} : memref<112x128xf32, #tpu.memory_space<vmem>>, vector<16xf32>,
          tpu.vector_store %arg12[%swap3A_391, %swap3A_392], %mul3A_390 {strides = array<i32>} : memref<112x128xf32, #tpu.memory_space<vmem>>, vector<16xf32>,
          %get3A_394 = arith.index_cast %add3A_355 : i32 to index
          %get3A_395 = arith.constant 80 : index
          %get3A_396 = tpu.vector_load %arg12[%get3A_394, %get3A_395] {strides = array<i32>} : memref<112x128xf32, #tpu.memory_space<vmem>>, vector<16xf32>,
          %mul3A_397 = arith.mulf %get3A_396, %gather3A_358 : vector<16xf32>
          %swap3A_398 = arith.index_cast %add3A_355 : i32 to index
          %swap3A_399 = arith.constant 80 : index
          %swap3A_400 = tpu.vector_load %arg12[%swap3A_398, %swap3A_399] {strides = array<i32>} : memref<112x128xf32, #tpu.memory_space<vmem>>, vector<16xf32>,
          tpu.vector_store %arg12[%swap3A_398, %swap3A_399], %mul3A_397 {strides = array<i32>} : memref<112x128xf32, #tpu.memory_space<vmem>>, vector<16xf32>,
          %get3A_401 = arith.index_cast %add3A_355 : i32 to index
          %get3A_402 = arith.constant 96 : index
          %get3A_403 = tpu.vector_load %arg12[%get3A_401, %get3A_402] {strides = array<i32>} : memref<112x128xf32, #tpu.memory_space<vmem>>, vector<16xf32>,
          %mul3A_404 = arith.mulf %get3A_403, %gather3A_358 : vector<16xf32>
          %swap3A_405 = arith.index_cast %add3A_355 : i32 to index
          %swap3A_406 = arith.constant 96 : index
          %swap3A_407 = tpu.vector_load %arg12[%swap3A_405, %swap3A_406] {strides = array<i32>} : memref<112x128xf32, #tpu.memory_space<vmem>>, vector<16xf32>,
          tpu.vector_store %arg12[%swap3A_405, %swap3A_406], %mul3A_404 {strides = array<i32>} : memref<112x128xf32, #tpu.memory_space<vmem>>, vector<16xf32>,
          %get3A_408 = arith.index_cast %add3A_355 : i32 to index
          %get3A_409 = arith.constant 112 : index
          %get3A_410 = tpu.vector_load %arg12[%get3A_408, %get3A_409] {strides = array<i32>} : memref<112x128xf32, #tpu.memory_space<vmem>>, vector<16xf32>,
          %mul3A_411 = arith.mulf %get3A_410, %gather3A_358 : vector<16xf32>
          %swap3A_412 = arith.index_cast %add3A_355 : i32 to index
          %swap3A_413 = arith.constant 112 : index
          %swap3A_414 = tpu.vector_load %arg12[%swap3A_412, %swap3A_413] {strides = array<i32>} : memref<112x128xf32, #tpu.memory_space<vmem>>, vector<16xf32>,
          tpu.vector_store %arg12[%swap3A_412, %swap3A_413], %mul3A_411 {strides = array<i32>} : memref<112x128xf32, #tpu.memory_space<vmem>>, vector<16xf32>,
        }
        %scan3A_286 = arith.constant 112 : i32
      } else {
      }
      %dma_start3A_198 = arith.constant 0 : i32
      %dma_start3A_199 = arith.constant 0 : i32
      %dma_start3A_200 = tpu.memref_slice %arg14[%dma_start3A_198, %dma_start3A_199] : memref<10008x128xf32, #tpu.memory_space<vmem_shared>> -> memref<10008x128xf32, #tpu.memory_space<vmem_shared>>
      tpu.enqueue_indirect_dma source(%arg12 : memref<112x128xf32, #tpu.memory_space<vmem>>) target(%dma_start3A_200 : memref<10008x128xf32, #tpu.memory_space<vmem_shared>>) offsets(%arg10 : memref<112xi32, #tpu.memory_space<vmem>>) semaphore(%arg17 : memref<!tpu.dma_semaphore, #tpu.memory_space<semaphore_mem>>) {add = true}
      %mul3A_201 = arith.constant 2 : i32
      %mul3A_202 = arith.muli %mul3A_201, %add3A_125 : i32
      %add3A_203 = arith.constant 1 : i32
      %add3A_204 = arith.addi %mul3A_202, %add3A_203 : i32
      %dma_wait3A_205 = arith.constant 0 : i32
      %dma_wait3A_206 = arith.constant 0 : i32
      %dma_wait3A_207 = tpu.memref_slice %arg2[%dma_wait3A_205, %dma_wait3A_206] : memref<10000x128xf32, #tpu.memory_space<hbm>> -> memref<10000x128xf32, #tpu.memory_space<hbm>>
      tpu.wait_indirect_dma semaphore(%arg16 : memref<!tpu.dma_semaphore, #tpu.memory_space<semaphore_mem>>) src(%dma_wait3A_207 : memref<10000x128xf32, #tpu.memory_space<hbm>>) dst(%arg13 : memref<112x128xf32, #tpu.memory_space<vmem>>)
      %ge3A_208 = arith.constant 1 : i32
      %ge3A_209 = arith.cmpi sge, %add3A_204, %ge3A_208 : i32
      %convert_element_type3A_210 = arith.extui %ge3A_209 : i1 to i32
      %cond3A_211 = arith.constant 0 : i32
      %cond3A_212 = arith.cmpi ne, %convert_element_type3A_210, %cond3A_211 : i32
      scf.if %cond3A_212 {
        %dma_wait3A_282 = arith.constant 0 : i32
        %dma_wait3A_283 = arith.constant 0 : i32
        %dma_wait3A_284 = tpu.memref_slice %arg14[%dma_wait3A_282, %dma_wait3A_283] : memref<10008x128xf32, #tpu.memory_space<vmem_shared>> -> memref<10008x128xf32, #tpu.memory_space<vmem_shared>>
        tpu.wait_indirect_dma semaphore(%arg17 : memref<!tpu.dma_semaphore, #tpu.memory_space<semaphore_mem>>) src(%arg12 : memref<112x128xf32, #tpu.memory_space<vmem>>) dst(%dma_wait3A_284 : memref<10008x128xf32, #tpu.memory_space<vmem_shared>>)
      } else {
      }
      %add3A_213 = arith.constant 1 : i32
      %add3A_214 = arith.addi %add3A_204, %add3A_213 : i32
      %lt3A_215 = arith.constant 90 : i32
      %lt3A_216 = arith.cmpi slt, %add3A_214, %lt3A_215 : i32
      %convert_element_type3A_217 = arith.extui %lt3A_216 : i1 to i32
      %cond3A_218 = arith.constant 0 : i32
      %cond3A_219 = arith.cmpi ne, %convert_element_type3A_217, %cond3A_218 : i32
      scf.if %cond3A_219 {
        %add3A_282 = arith.constant 1 : i32
        %add3A_283 = arith.addi %add3A_204, %add3A_282 : i32
        %broadcast_in_dim3A_284 = arith.constant 16383 : i32
        %broadcast_in_dim3A_285 = vector.broadcast %broadcast_in_dim3A_284 : i32 to vector<16xi32>
        %broadcast_in_dim3A_286 = arith.constant 14 : i32
        %broadcast_in_dim3A_287 = vector.broadcast %broadcast_in_dim3A_286 : i32 to vector<16xi32>
        %mul3A_288 = arith.constant 112 : i32
        %mul3A_289 = arith.muli %add3A_283, %mul3A_288 : i32
        %add3A_290 = arith.constant 0 : i32
        %add3A_291 = arith.addi %mul3A_289, %add3A_290 : i32
        %get3A_292 = arith.index_cast %add3A_291 : i32 to index
        %get3A_293 = tpu.vector_load %arg6[%get3A_292] {strides = array<i32>} : memref<10080xi32, #tpu.memory_space<vmem>>, vector<16xi32>,
        %and3A_294 = arith.andi %get3A_293, %broadcast_in_dim3A_285 : vector<16xi32>
        %swap3A_295 = arith.constant 0 : index
        %swap3A_296 = tpu.vector_load %arg8[%swap3A_295] {strides = array<i32>} : memref<112xi32, #tpu.memory_space<vmem>>, vector<16xi32>,
        tpu.vector_store %arg8[%swap3A_295], %and3A_294 {strides = array<i32>} : memref<112xi32, #tpu.memory_space<vmem>>, vector<16xi32>,
        %shift_right_logical3A_297 = arith.shrui %get3A_293, %broadcast_in_dim3A_287 : vector<16xi32>
        %swap3A_298 = arith.constant 0 : index
        %swap3A_299 = tpu.vector_load %arg10[%swap3A_298] {strides = array<i32>} : memref<112xi32, #tpu.memory_space<vmem>>, vector<16xi32>,
        tpu.vector_store %arg10[%swap3A_298], %shift_right_logical3A_297 {strides = array<i32>} : memref<112xi32, #tpu.memory_space<vmem>>, vector<16xi32>,
        %mul3A_300 = arith.constant 112 : i32
        %mul3A_301 = arith.muli %add3A_283, %mul3A_300 : i32
        %add3A_302 = arith.constant 16 : i32
        %add3A_303 = arith.addi %mul3A_301, %add3A_302 : i32
        %get3A_304 = arith.index_cast %add3A_303 : i32 to index
        %get3A_305 = tpu.vector_load %arg6[%get3A_304] {strides = array<i32>} : memref<10080xi32, #tpu.memory_space<vmem>>, vector<16xi32>,
        %and3A_306 = arith.andi %get3A_305, %broadcast_in_dim3A_285 : vector<16xi32>
        %swap3A_307 = arith.constant 16 : index
        %swap3A_308 = tpu.vector_load %arg8[%swap3A_307] {strides = array<i32>} : memref<112xi32, #tpu.memory_space<vmem>>, vector<16xi32>,
        tpu.vector_store %arg8[%swap3A_307], %and3A_306 {strides = array<i32>} : memref<112xi32, #tpu.memory_space<vmem>>, vector<16xi32>,
        %shift_right_logical3A_309 = arith.shrui %get3A_305, %broadcast_in_dim3A_287 : vector<16xi32>
        %swap3A_310 = arith.constant 16 : index
        %swap3A_311 = tpu.vector_load %arg10[%swap3A_310] {strides = array<i32>} : memref<112xi32, #tpu.memory_space<vmem>>, vector<16xi32>,
        tpu.vector_store %arg10[%swap3A_310], %shift_right_logical3A_309 {strides = array<i32>} : memref<112xi32, #tpu.memory_space<vmem>>, vector<16xi32>,
        %mul3A_312 = arith.constant 112 : i32
        %mul3A_313 = arith.muli %add3A_283, %mul3A_312 : i32
        %add3A_314 = arith.constant 32 : i32
        %add3A_315 = arith.addi %mul3A_313, %add3A_314 : i32
        %get3A_316 = arith.index_cast %add3A_315 : i32 to index
        %get3A_317 = tpu.vector_load %arg6[%get3A_316] {strides = array<i32>} : memref<10080xi32, #tpu.memory_space<vmem>>, vector<16xi32>,
        %and3A_318 = arith.andi %get3A_317, %broadcast_in_dim3A_285 : vector<16xi32>
        %swap3A_319 = arith.constant 32 : index
        %swap3A_320 = tpu.vector_load %arg8[%swap3A_319] {strides = array<i32>} : memref<112xi32, #tpu.memory_space<vmem>>, vector<16xi32>,
        tpu.vector_store %arg8[%swap3A_319], %and3A_318 {strides = array<i32>} : memref<112xi32, #tpu.memory_space<vmem>>, vector<16xi32>,
        %shift_right_logical3A_321 = arith.shrui %get3A_317, %broadcast_in_dim3A_287 : vector<16xi32>
        %swap3A_322 = arith.constant 32 : index
        %swap3A_323 = tpu.vector_load %arg10[%swap3A_322] {strides = array<i32>} : memref<112xi32, #tpu.memory_space<vmem>>, vector<16xi32>,
        tpu.vector_store %arg10[%swap3A_322], %shift_right_logical3A_321 {strides = array<i32>} : memref<112xi32, #tpu.memory_space<vmem>>, vector<16xi32>,
        %mul3A_324 = arith.constant 112 : i32
        %mul3A_325 = arith.muli %add3A_283, %mul3A_324 : i32
        %add3A_326 = arith.constant 48 : i32
        %add3A_327 = arith.addi %mul3A_325, %add3A_326 : i32
        %get3A_328 = arith.index_cast %add3A_327 : i32 to index
        %get3A_329 = tpu.vector_load %arg6[%get3A_328] {strides = array<i32>} : memref<10080xi32, #tpu.memory_space<vmem>>, vector<16xi32>,
        %and3A_330 = arith.andi %get3A_329, %broadcast_in_dim3A_285 : vector<16xi32>
        %swap3A_331 = arith.constant 48 : index
        %swap3A_332 = tpu.vector_load %arg8[%swap3A_331] {strides = array<i32>} : memref<112xi32, #tpu.memory_space<vmem>>, vector<16xi32>,
        tpu.vector_store %arg8[%swap3A_331], %and3A_330 {strides = array<i32>} : memref<112xi32, #tpu.memory_space<vmem>>, vector<16xi32>,
        %shift_right_logical3A_333 = arith.shrui %get3A_329, %broadcast_in_dim3A_287 : vector<16xi32>
        %swap3A_334 = arith.constant 48 : index
        %swap3A_335 = tpu.vector_load %arg10[%swap3A_334] {strides = array<i32>} : memref<112xi32, #tpu.memory_space<vmem>>, vector<16xi32>,
        tpu.vector_store %arg10[%swap3A_334], %shift_right_logical3A_333 {strides = array<i32>} : memref<112xi32, #tpu.memory_space<vmem>>, vector<16xi32>,
        %mul3A_336 = arith.constant 112 : i32
        %mul3A_337 = arith.muli %add3A_283, %mul3A_336 : i32
        %add3A_338 = arith.constant 64 : i32
        %add3A_339 = arith.addi %mul3A_337, %add3A_338 : i32
        %get3A_340 = arith.index_cast %add3A_339 : i32 to index
        %get3A_341 = tpu.vector_load %arg6[%get3A_340] {strides = array<i32>} : memref<10080xi32, #tpu.memory_space<vmem>>, vector<16xi32>,
        %and3A_342 = arith.andi %get3A_341, %broadcast_in_dim3A_285 : vector<16xi32>
        %swap3A_343 = arith.constant 64 : index
        %swap3A_344 = tpu.vector_load %arg8[%swap3A_343] {strides = array<i32>} : memref<112xi32, #tpu.memory_space<vmem>>, vector<16xi32>,
        tpu.vector_store %arg8[%swap3A_343], %and3A_342 {strides = array<i32>} : memref<112xi32, #tpu.memory_space<vmem>>, vector<16xi32>,
        %shift_right_logical3A_345 = arith.shrui %get3A_341, %broadcast_in_dim3A_287 : vector<16xi32>
        %swap3A_346 = arith.constant 64 : index
        %swap3A_347 = tpu.vector_load %arg10[%swap3A_346] {strides = array<i32>} : memref<112xi32, #tpu.memory_space<vmem>>, vector<16xi32>,
        tpu.vector_store %arg10[%swap3A_346], %shift_right_logical3A_345 {strides = array<i32>} : memref<112xi32, #tpu.memory_space<vmem>>, vector<16xi32>,
        %mul3A_348 = arith.constant 112 : i32
        %mul3A_349 = arith.muli %add3A_283, %mul3A_348 : i32
        %add3A_350 = arith.constant 80 : i32
        %add3A_351 = arith.addi %mul3A_349, %add3A_350 : i32
        %get3A_352 = arith.index_cast %add3A_351 : i32 to index
        %get3A_353 = tpu.vector_load %arg6[%get3A_352] {strides = array<i32>} : memref<10080xi32, #tpu.memory_space<vmem>>, vector<16xi32>,
        %and3A_354 = arith.andi %get3A_353, %broadcast_in_dim3A_285 : vector<16xi32>
        %swap3A_355 = arith.constant 80 : index
        %swap3A_356 = tpu.vector_load %arg8[%swap3A_355] {strides = array<i32>} : memref<112xi32, #tpu.memory_space<vmem>>, vector<16xi32>,
        tpu.vector_store %arg8[%swap3A_355], %and3A_354 {strides = array<i32>} : memref<112xi32, #tpu.memory_space<vmem>>, vector<16xi32>,
        %shift_right_logical3A_357 = arith.shrui %get3A_353, %broadcast_in_dim3A_287 : vector<16xi32>
        %swap3A_358 = arith.constant 80 : index
        %swap3A_359 = tpu.vector_load %arg10[%swap3A_358] {strides = array<i32>} : memref<112xi32, #tpu.memory_space<vmem>>, vector<16xi32>,
        tpu.vector_store %arg10[%swap3A_358], %shift_right_logical3A_357 {strides = array<i32>} : memref<112xi32, #tpu.memory_space<vmem>>, vector<16xi32>,
        %mul3A_360 = arith.constant 112 : i32
        %mul3A_361 = arith.muli %add3A_283, %mul3A_360 : i32
        %add3A_362 = arith.constant 96 : i32
        %add3A_363 = arith.addi %mul3A_361, %add3A_362 : i32
        %get3A_364 = arith.index_cast %add3A_363 : i32 to index
        %get3A_365 = tpu.vector_load %arg6[%get3A_364] {strides = array<i32>} : memref<10080xi32, #tpu.memory_space<vmem>>, vector<16xi32>,
        %and3A_366 = arith.andi %get3A_365, %broadcast_in_dim3A_285 : vector<16xi32>
        %swap3A_367 = arith.constant 96 : index
        %swap3A_368 = tpu.vector_load %arg8[%swap3A_367] {strides = array<i32>} : memref<112xi32, #tpu.memory_space<vmem>>, vector<16xi32>,
        tpu.vector_store %arg8[%swap3A_367], %and3A_366 {strides = array<i32>} : memref<112xi32, #tpu.memory_space<vmem>>, vector<16xi32>,
        %shift_right_logical3A_369 = arith.shrui %get3A_365, %broadcast_in_dim3A_287 : vector<16xi32>
        %swap3A_370 = arith.constant 96 : index
        %swap3A_371 = tpu.vector_load %arg10[%swap3A_370] {strides = array<i32>} : memref<112xi32, #tpu.memory_space<vmem>>, vector<16xi32>,
        tpu.vector_store %arg10[%swap3A_370], %shift_right_logical3A_369 {strides = array<i32>} : memref<112xi32, #tpu.memory_space<vmem>>, vector<16xi32>,
        %dma_start3A_372 = arith.constant 0 : i32
        %dma_start3A_373 = arith.constant 0 : i32
        %dma_start3A_374 = tpu.memref_slice %arg2[%dma_start3A_372, %dma_start3A_373] : memref<10000x128xf32, #tpu.memory_space<hbm>> -> memref<10000x128xf32, #tpu.memory_space<hbm>>
        tpu.enqueue_indirect_dma source(%dma_start3A_374 : memref<10000x128xf32, #tpu.memory_space<hbm>>) target(%arg12 : memref<112x128xf32, #tpu.memory_space<vmem>>) offsets(%arg8 : memref<112xi32, #tpu.memory_space<vmem>>) semaphore(%arg15 : memref<!tpu.dma_semaphore, #tpu.memory_space<semaphore_mem>>)
      } else {
      }
      %mul3A_220 = arith.constant 112 : i32
      %mul3A_221 = arith.muli %add3A_204, %mul3A_220 : i32
      %broadcast_in_dim3A_222 = arith.constant 1.000000e+00 : f32
      %broadcast_in_dim3A_223 = vector.broadcast %broadcast_in_dim3A_222 : f32 to vector<16xf32>
      %get3A_224 = arith.index_cast %mul3A_221 : i32 to index
      %get3A_225 = tpu.vector_load %arg7[%get3A_224] {strides = array<i32>} : memref<10080xf32, #tpu.memory_space<vmem>>, vector<16xf32>,
      %eq3A_226 = arith.cmpf oeq, %get3A_225, %broadcast_in_dim3A_223 : vector<16xf32>
      %add3A_227 = arith.constant 16 : i32
      %add3A_228 = arith.addi %mul3A_221, %add3A_227 : i32
      %get3A_229 = arith.index_cast %add3A_228 : i32 to index
      %get3A_230 = tpu.vector_load %arg7[%get3A_229] {strides = array<i32>} : memref<10080xf32, #tpu.memory_space<vmem>>, vector<16xf32>,
      %eq3A_231 = arith.cmpf oeq, %get3A_230, %broadcast_in_dim3A_223 : vector<16xf32>
      %and3A_232 = arith.andi %eq3A_226, %eq3A_231 : vector<16xi1>
      %add3A_233 = arith.constant 32 : i32
      %add3A_234 = arith.addi %mul3A_221, %add3A_233 : i32
      %get3A_235 = arith.index_cast %add3A_234 : i32 to index
      %get3A_236 = tpu.vector_load %arg7[%get3A_235] {strides = array<i32>} : memref<10080xf32, #tpu.memory_space<vmem>>, vector<16xf32>,
      %eq3A_237 = arith.cmpf oeq, %get3A_236, %broadcast_in_dim3A_223 : vector<16xf32>
      %and3A_238 = arith.andi %and3A_232, %eq3A_237 : vector<16xi1>
      %add3A_239 = arith.constant 48 : i32
      %add3A_240 = arith.addi %mul3A_221, %add3A_239 : i32
      %get3A_241 = arith.index_cast %add3A_240 : i32 to index
      %get3A_242 = tpu.vector_load %arg7[%get3A_241] {strides = array<i32>} : memref<10080xf32, #tpu.memory_space<vmem>>, vector<16xf32>,
      %eq3A_243 = arith.cmpf oeq, %get3A_242, %broadcast_in_dim3A_223 : vector<16xf32>
      %and3A_244 = arith.andi %and3A_238, %eq3A_243 : vector<16xi1>
      %add3A_245 = arith.constant 64 : i32
      %add3A_246 = arith.addi %mul3A_221, %add3A_245 : i32
      %get3A_247 = arith.index_cast %add3A_246 : i32 to index
      %get3A_248 = tpu.vector_load %arg7[%get3A_247] {strides = array<i32>} : memref<10080xf32, #tpu.memory_space<vmem>>, vector<16xf32>,
      %eq3A_249 = arith.cmpf oeq, %get3A_248, %broadcast_in_dim3A_223 : vector<16xf32>
      %and3A_250 = arith.andi %and3A_244, %eq3A_249 : vector<16xi1>
      %add3A_251 = arith.constant 80 : i32
      %add3A_252 = arith.addi %mul3A_221, %add3A_251 : i32
      %get3A_253 = arith.index_cast %add3A_252 : i32 to index
      %get3A_254 = tpu.vector_load %arg7[%get3A_253] {strides = array<i32>} : memref<10080xf32, #tpu.memory_space<vmem>>, vector<16xf32>,
      %eq3A_255 = arith.cmpf oeq, %get3A_254, %broadcast_in_dim3A_223 : vector<16xf32>
      %and3A_256 = arith.andi %and3A_250, %eq3A_255 : vector<16xi1>
      %add3A_257 = arith.constant 96 : i32
      %add3A_258 = arith.addi %mul3A_221, %add3A_257 : i32
      %get3A_259 = arith.index_cast %add3A_258 : i32 to index
      %get3A_260 = tpu.vector_load %arg7[%get3A_259] {strides = array<i32>} : memref<10080xf32, #tpu.memory_space<vmem>>, vector<16xf32>,
      %eq3A_261 = arith.cmpf oeq, %get3A_260, %broadcast_in_dim3A_223 : vector<16xf32>
      %and3A_262 = arith.andi %and3A_256, %eq3A_261 : vector<16xi1>
      %reduce_and3A_263 = arith.constant 1.000000e+00 : f32
      %reduce_and3A_264 = arith.constant 0.000000e+00 : f32
      %reduce_and3A_265 = vector.broadcast %reduce_and3A_263 : f32 to vector<16xf32>
      %reduce_and3A_266 = vector.broadcast %reduce_and3A_264 : f32 to vector<16xf32>
      %reduce_and3A_267 = arith.select %and3A_262, %reduce_and3A_265, %reduce_and3A_266 : vector<16xi1>, vector<16xf32>
      %reduce_and3A_268 = arith.constant true
      %reduce_and3A_269 = vector.broadcast %reduce_and3A_268 : i1 to vector<16xi1>
      %reduce_and3A_270 = tpu.scan <min>, %reduce_and3A_267 masked %reduce_and3A_269 : vector<16xf32>, vector<16xi1> -> vector<16xf32>
      %reduce_and3A_271 = vector.extract %reduce_and3A_270[15] : f32 from vector<16xf32>
      %reduce_and3A_272 = arith.constant 0.000000e+00 : f32
      %reduce_and3A_273 = arith.cmpf ogt, %reduce_and3A_271, %reduce_and3A_272 : f32
      %not3A_274 = arith.constant true
      %not3A_275 = arith.xori %reduce_and3A_273, %not3A_274 : i1
      %convert_element_type3A_276 = arith.extui %not3A_275 : i1 to i32
      %cond3A_277 = arith.constant 0 : i32
      %cond3A_278 = arith.cmpi ne, %convert_element_type3A_276, %cond3A_277 : i32
      scf.if %cond3A_278 {
        %scan3A_282 = arith.constant 0 : i32
        %scan3A_283 = arith.constant 112 : i32
        %scan3A_284 = arith.addi %scan3A_282, %scan3A_283 : i32
        %scan3A_285 = arith.constant 2 : i32
        scf.for %scan3A_287 = %scan3A_282 to %scan3A_284 step %scan3A_285  : i32 {
          %mul3A_288 = arith.constant 1 : i32
          %mul3A_289 = arith.muli %scan3A_287, %mul3A_288 : i32
          %add3A_290 = arith.constant 0 : i32
          %add3A_291 = arith.addi %add3A_290, %mul3A_289 : i32
          %add3A_292 = arith.addi %mul3A_221, %add3A_291 : i32
          %broadcast_in_dim3A_293 = vector.broadcast %add3A_292 : i32 to vector<16xi32>
          %gather3A = tpu.vector_load_idx %arg7[%broadcast_in_dim3A_293] : memref<10080xf32, #tpu.memory_space<vmem>>[vector<16xi32>], vector<16xf32>,
          %get3A_294 = arith.index_cast %add3A_291 : i32 to index
          %get3A_295 = arith.constant 0 : index
          %get3A_296 = tpu.vector_load %arg13[%get3A_294, %get3A_295] {strides = array<i32>} : memref<112x128xf32, #tpu.memory_space<vmem>>, vector<16xf32>,
          %mul3A_297 = arith.mulf %get3A_296, %gather3A : vector<16xf32>
          %swap3A_298 = arith.index_cast %add3A_291 : i32 to index
          %swap3A_299 = arith.constant 0 : index
          %swap3A_300 = tpu.vector_load %arg13[%swap3A_298, %swap3A_299] {strides = array<i32>} : memref<112x128xf32, #tpu.memory_space<vmem>>, vector<16xf32>,
          tpu.vector_store %arg13[%swap3A_298, %swap3A_299], %mul3A_297 {strides = array<i32>} : memref<112x128xf32, #tpu.memory_space<vmem>>, vector<16xf32>,
          %get3A_301 = arith.index_cast %add3A_291 : i32 to index
          %get3A_302 = arith.constant 16 : index
          %get3A_303 = tpu.vector_load %arg13[%get3A_301, %get3A_302] {strides = array<i32>} : memref<112x128xf32, #tpu.memory_space<vmem>>, vector<16xf32>,
          %mul3A_304 = arith.mulf %get3A_303, %gather3A : vector<16xf32>
          %swap3A_305 = arith.index_cast %add3A_291 : i32 to index
          %swap3A_306 = arith.constant 16 : index
          %swap3A_307 = tpu.vector_load %arg13[%swap3A_305, %swap3A_306] {strides = array<i32>} : memref<112x128xf32, #tpu.memory_space<vmem>>, vector<16xf32>,
          tpu.vector_store %arg13[%swap3A_305, %swap3A_306], %mul3A_304 {strides = array<i32>} : memref<112x128xf32, #tpu.memory_space<vmem>>, vector<16xf32>,
          %get3A_308 = arith.index_cast %add3A_291 : i32 to index
          %get3A_309 = arith.constant 32 : index
          %get3A_310 = tpu.vector_load %arg13[%get3A_308, %get3A_309] {strides = array<i32>} : memref<112x128xf32, #tpu.memory_space<vmem>>, vector<16xf32>,
          %mul3A_311 = arith.mulf %get3A_310, %gather3A : vector<16xf32>
          %swap3A_312 = arith.index_cast %add3A_291 : i32 to index
          %swap3A_313 = arith.constant 32 : index
          %swap3A_314 = tpu.vector_load %arg13[%swap3A_312, %swap3A_313] {strides = array<i32>} : memref<112x128xf32, #tpu.memory_space<vmem>>, vector<16xf32>,
          tpu.vector_store %arg13[%swap3A_312, %swap3A_313], %mul3A_311 {strides = array<i32>} : memref<112x128xf32, #tpu.memory_space<vmem>>, vector<16xf32>,
          %get3A_315 = arith.index_cast %add3A_291 : i32 to index
          %get3A_316 = arith.constant 48 : index
          %get3A_317 = tpu.vector_load %arg13[%get3A_315, %get3A_316] {strides = array<i32>} : memref<112x128xf32, #tpu.memory_space<vmem>>, vector<16xf32>,
          %mul3A_318 = arith.mulf %get3A_317, %gather3A : vector<16xf32>
          %swap3A_319 = arith.index_cast %add3A_291 : i32 to index
          %swap3A_320 = arith.constant 48 : index
          %swap3A_321 = tpu.vector_load %arg13[%swap3A_319, %swap3A_320] {strides = array<i32>} : memref<112x128xf32, #tpu.memory_space<vmem>>, vector<16xf32>,
          tpu.vector_store %arg13[%swap3A_319, %swap3A_320], %mul3A_318 {strides = array<i32>} : memref<112x128xf32, #tpu.memory_space<vmem>>, vector<16xf32>,
          %get3A_322 = arith.index_cast %add3A_291 : i32 to index
          %get3A_323 = arith.constant 64 : index
          %get3A_324 = tpu.vector_load %arg13[%get3A_322, %get3A_323] {strides = array<i32>} : memref<112x128xf32, #tpu.memory_space<vmem>>, vector<16xf32>,
          %mul3A_325 = arith.mulf %get3A_324, %gather3A : vector<16xf32>
          %swap3A_326 = arith.index_cast %add3A_291 : i32 to index
          %swap3A_327 = arith.constant 64 : index
          %swap3A_328 = tpu.vector_load %arg13[%swap3A_326, %swap3A_327] {strides = array<i32>} : memref<112x128xf32, #tpu.memory_space<vmem>>, vector<16xf32>,
          tpu.vector_store %arg13[%swap3A_326, %swap3A_327], %mul3A_325 {strides = array<i32>} : memref<112x128xf32, #tpu.memory_space<vmem>>, vector<16xf32>,
          %get3A_329 = arith.index_cast %add3A_291 : i32 to index
          %get3A_330 = arith.constant 80 : index
          %get3A_331 = tpu.vector_load %arg13[%get3A_329, %get3A_330] {strides = array<i32>} : memref<112x128xf32, #tpu.memory_space<vmem>>, vector<16xf32>,
          %mul3A_332 = arith.mulf %get3A_331, %gather3A : vector<16xf32>
          %swap3A_333 = arith.index_cast %add3A_291 : i32 to index
          %swap3A_334 = arith.constant 80 : index
          %swap3A_335 = tpu.vector_load %arg13[%swap3A_333, %swap3A_334] {strides = array<i32>} : memref<112x128xf32, #tpu.memory_space<vmem>>, vector<16xf32>,
          tpu.vector_store %arg13[%swap3A_333, %swap3A_334], %mul3A_332 {strides = array<i32>} : memref<112x128xf32, #tpu.memory_space<vmem>>, vector<16xf32>,
          %get3A_336 = arith.index_cast %add3A_291 : i32 to index
          %get3A_337 = arith.constant 96 : index
          %get3A_338 = tpu.vector_load %arg13[%get3A_336, %get3A_337] {strides = array<i32>} : memref<112x128xf32, #tpu.memory_space<vmem>>, vector<16xf32>,
          %mul3A_339 = arith.mulf %get3A_338, %gather3A : vector<16xf32>
          %swap3A_340 = arith.index_cast %add3A_291 : i32 to index
          %swap3A_341 = arith.constant 96 : index
          %swap3A_342 = tpu.vector_load %arg13[%swap3A_340, %swap3A_341] {strides = array<i32>} : memref<112x128xf32, #tpu.memory_space<vmem>>, vector<16xf32>,
          tpu.vector_store %arg13[%swap3A_340, %swap3A_341], %mul3A_339 {strides = array<i32>} : memref<112x128xf32, #tpu.memory_space<vmem>>, vector<16xf32>,
          %get3A_343 = arith.index_cast %add3A_291 : i32 to index
          %get3A_344 = arith.constant 112 : index
          %get3A_345 = tpu.vector_load %arg13[%get3A_343, %get3A_344] {strides = array<i32>} : memref<112x128xf32, #tpu.memory_space<vmem>>, vector<16xf32>,
          %mul3A_346 = arith.mulf %get3A_345, %gather3A : vector<16xf32>
          %swap3A_347 = arith.index_cast %add3A_291 : i32 to index
          %swap3A_348 = arith.constant 112 : index
          %swap3A_349 = tpu.vector_load %arg13[%swap3A_347, %swap3A_348] {strides = array<i32>} : memref<112x128xf32, #tpu.memory_space<vmem>>, vector<16xf32>,
          tpu.vector_store %arg13[%swap3A_347, %swap3A_348], %mul3A_346 {strides = array<i32>} : memref<112x128xf32, #tpu.memory_space<vmem>>, vector<16xf32>,
          %scan3A_350 = arith.constant 1 : i32
          %scan3A_351 = arith.addi %scan3A_287, %scan3A_350 : i32
          %mul3A_352 = arith.constant 1 : i32
          %mul3A_353 = arith.muli %scan3A_351, %mul3A_352 : i32
          %add3A_354 = arith.constant 0 : i32
          %add3A_355 = arith.addi %add3A_354, %mul3A_353 : i32
          %add3A_356 = arith.addi %mul3A_221, %add3A_355 : i32
          %broadcast_in_dim3A_357 = vector.broadcast %add3A_356 : i32 to vector<16xi32>
          %gather3A_358 = tpu.vector_load_idx %arg7[%broadcast_in_dim3A_357] : memref<10080xf32, #tpu.memory_space<vmem>>[vector<16xi32>], vector<16xf32>,
          %get3A_359 = arith.index_cast %add3A_355 : i32 to index
          %get3A_360 = arith.constant 0 : index
          %get3A_361 = tpu.vector_load %arg13[%get3A_359, %get3A_360] {strides = array<i32>} : memref<112x128xf32, #tpu.memory_space<vmem>>, vector<16xf32>,
          %mul3A_362 = arith.mulf %get3A_361, %gather3A_358 : vector<16xf32>
          %swap3A_363 = arith.index_cast %add3A_355 : i32 to index
          %swap3A_364 = arith.constant 0 : index
          %swap3A_365 = tpu.vector_load %arg13[%swap3A_363, %swap3A_364] {strides = array<i32>} : memref<112x128xf32, #tpu.memory_space<vmem>>, vector<16xf32>,
          tpu.vector_store %arg13[%swap3A_363, %swap3A_364], %mul3A_362 {strides = array<i32>} : memref<112x128xf32, #tpu.memory_space<vmem>>, vector<16xf32>,
          %get3A_366 = arith.index_cast %add3A_355 : i32 to index
          %get3A_367 = arith.constant 16 : index
          %get3A_368 = tpu.vector_load %arg13[%get3A_366, %get3A_367] {strides = array<i32>} : memref<112x128xf32, #tpu.memory_space<vmem>>, vector<16xf32>,
          %mul3A_369 = arith.mulf %get3A_368, %gather3A_358 : vector<16xf32>
          %swap3A_370 = arith.index_cast %add3A_355 : i32 to index
          %swap3A_371 = arith.constant 16 : index
          %swap3A_372 = tpu.vector_load %arg13[%swap3A_370, %swap3A_371] {strides = array<i32>} : memref<112x128xf32, #tpu.memory_space<vmem>>, vector<16xf32>,
          tpu.vector_store %arg13[%swap3A_370, %swap3A_371], %mul3A_369 {strides = array<i32>} : memref<112x128xf32, #tpu.memory_space<vmem>>, vector<16xf32>,
          %get3A_373 = arith.index_cast %add3A_355 : i32 to index
          %get3A_374 = arith.constant 32 : index
          %get3A_375 = tpu.vector_load %arg13[%get3A_373, %get3A_374] {strides = array<i32>} : memref<112x128xf32, #tpu.memory_space<vmem>>, vector<16xf32>,
          %mul3A_376 = arith.mulf %get3A_375, %gather3A_358 : vector<16xf32>
          %swap3A_377 = arith.index_cast %add3A_355 : i32 to index
          %swap3A_378 = arith.constant 32 : index
          %swap3A_379 = tpu.vector_load %arg13[%swap3A_377, %swap3A_378] {strides = array<i32>} : memref<112x128xf32, #tpu.memory_space<vmem>>, vector<16xf32>,
          tpu.vector_store %arg13[%swap3A_377, %swap3A_378], %mul3A_376 {strides = array<i32>} : memref<112x128xf32, #tpu.memory_space<vmem>>, vector<16xf32>,
          %get3A_380 = arith.index_cast %add3A_355 : i32 to index
          %get3A_381 = arith.constant 48 : index
          %get3A_382 = tpu.vector_load %arg13[%get3A_380, %get3A_381] {strides = array<i32>} : memref<112x128xf32, #tpu.memory_space<vmem>>, vector<16xf32>,
          %mul3A_383 = arith.mulf %get3A_382, %gather3A_358 : vector<16xf32>
          %swap3A_384 = arith.index_cast %add3A_355 : i32 to index
          %swap3A_385 = arith.constant 48 : index
          %swap3A_386 = tpu.vector_load %arg13[%swap3A_384, %swap3A_385] {strides = array<i32>} : memref<112x128xf32, #tpu.memory_space<vmem>>, vector<16xf32>,
          tpu.vector_store %arg13[%swap3A_384, %swap3A_385], %mul3A_383 {strides = array<i32>} : memref<112x128xf32, #tpu.memory_space<vmem>>, vector<16xf32>,
          %get3A_387 = arith.index_cast %add3A_355 : i32 to index
          %get3A_388 = arith.constant 64 : index
          %get3A_389 = tpu.vector_load %arg13[%get3A_387, %get3A_388] {strides = array<i32>} : memref<112x128xf32, #tpu.memory_space<vmem>>, vector<16xf32>,
          %mul3A_390 = arith.mulf %get3A_389, %gather3A_358 : vector<16xf32>
          %swap3A_391 = arith.index_cast %add3A_355 : i32 to index
          %swap3A_392 = arith.constant 64 : index
          %swap3A_393 = tpu.vector_load %arg13[%swap3A_391, %swap3A_392] {strides = array<i32>} : memref<112x128xf32, #tpu.memory_space<vmem>>, vector<16xf32>,
          tpu.vector_store %arg13[%swap3A_391, %swap3A_392], %mul3A_390 {strides = array<i32>} : memref<112x128xf32, #tpu.memory_space<vmem>>, vector<16xf32>,
          %get3A_394 = arith.index_cast %add3A_355 : i32 to index
          %get3A_395 = arith.constant 80 : index
          %get3A_396 = tpu.vector_load %arg13[%get3A_394, %get3A_395] {strides = array<i32>} : memref<112x128xf32, #tpu.memory_space<vmem>>, vector<16xf32>,
          %mul3A_397 = arith.mulf %get3A_396, %gather3A_358 : vector<16xf32>
          %swap3A_398 = arith.index_cast %add3A_355 : i32 to index
          %swap3A_399 = arith.constant 80 : index
          %swap3A_400 = tpu.vector_load %arg13[%swap3A_398, %swap3A_399] {strides = array<i32>} : memref<112x128xf32, #tpu.memory_space<vmem>>, vector<16xf32>,
          tpu.vector_store %arg13[%swap3A_398, %swap3A_399], %mul3A_397 {strides = array<i32>} : memref<112x128xf32, #tpu.memory_space<vmem>>, vector<16xf32>,
          %get3A_401 = arith.index_cast %add3A_355 : i32 to index
          %get3A_402 = arith.constant 96 : index
          %get3A_403 = tpu.vector_load %arg13[%get3A_401, %get3A_402] {strides = array<i32>} : memref<112x128xf32, #tpu.memory_space<vmem>>, vector<16xf32>,
          %mul3A_404 = arith.mulf %get3A_403, %gather3A_358 : vector<16xf32>
          %swap3A_405 = arith.index_cast %add3A_355 : i32 to index
          %swap3A_406 = arith.constant 96 : index
          %swap3A_407 = tpu.vector_load %arg13[%swap3A_405, %swap3A_406] {strides = array<i32>} : memref<112x128xf32, #tpu.memory_space<vmem>>, vector<16xf32>,
          tpu.vector_store %arg13[%swap3A_405, %swap3A_406], %mul3A_404 {strides = array<i32>} : memref<112x128xf32, #tpu.memory_space<vmem>>, vector<16xf32>,
          %get3A_408 = arith.index_cast %add3A_355 : i32 to index
          %get3A_409 = arith.constant 112 : index
          %get3A_410 = tpu.vector_load %arg13[%get3A_408, %get3A_409] {strides = array<i32>} : memref<112x128xf32, #tpu.memory_space<vmem>>, vector<16xf32>,
          %mul3A_411 = arith.mulf %get3A_410, %gather3A_358 : vector<16xf32>
          %swap3A_412 = arith.index_cast %add3A_355 : i32 to index
          %swap3A_413 = arith.constant 112 : index
          %swap3A_414 = tpu.vector_load %arg13[%swap3A_412, %swap3A_413] {strides = array<i32>} : memref<112x128xf32, #tpu.memory_space<vmem>>, vector<16xf32>,
          tpu.vector_store %arg13[%swap3A_412, %swap3A_413], %mul3A_411 {strides = array<i32>} : memref<112x128xf32, #tpu.memory_space<vmem>>, vector<16xf32>,
        }
        %scan3A_286 = arith.constant 112 : i32
      } else {
      }
      %dma_start3A_279 = arith.constant 0 : i32
      %dma_start3A_280 = arith.constant 0 : i32
      %dma_start3A_281 = tpu.memref_slice %arg14[%dma_start3A_279, %dma_start3A_280] : memref<10008x128xf32, #tpu.memory_space<vmem_shared>> -> memref<10008x128xf32, #tpu.memory_space<vmem_shared>>
      tpu.enqueue_indirect_dma source(%arg13 : memref<112x128xf32, #tpu.memory_space<vmem>>) target(%dma_start3A_281 : memref<10008x128xf32, #tpu.memory_space<vmem_shared>>) offsets(%arg11 : memref<112xi32, #tpu.memory_space<vmem>>) semaphore(%arg18 : memref<!tpu.dma_semaphore, #tpu.memory_space<semaphore_mem>>) {add = true}
    }
    %scan3A_112 = arith.constant 45 : i32
    %dma_wait3A = arith.constant 0 : i32
    %dma_wait3A_113 = arith.constant 0 : i32
    %dma_wait3A_114 = tpu.memref_slice %arg14[%dma_wait3A, %dma_wait3A_113] : memref<10008x128xf32, #tpu.memory_space<vmem_shared>> -> memref<10008x128xf32, #tpu.memory_space<vmem_shared>>
    tpu.wait_indirect_dma semaphore(%arg18 : memref<!tpu.dma_semaphore, #tpu.memory_space<semaphore_mem>>) src(%arg13 : memref<112x128xf32, #tpu.memory_space<vmem>>) dst(%dma_wait3A_114 : memref<10008x128xf32, #tpu.memory_space<vmem_shared>>)
    %barrier3A_115 = arith.constant 0 : index
    tpu.barrier barrier_id(%barrier3A_115)
    "tpu.region"() ({
      %run_scoped3A = tpu.sem_alloc : memref<!tpu.dma_semaphore, #tpu.memory_space<semaphore_mem>>
      %dma_start3A_121 = arith.constant 0 : i32
      %dma_start3A_122 = tpu.memref_slice %arg5[%arg0, %mul3A_8, %dma_start3A_121] : memref<2x10000x128xf32, #tpu.memory_space<hbm>> -> memref<1x624x128xf32, #tpu.memory_space<hbm>>
      %dma_start3A_123 = tpu.memref_squeeze %dma_start3A_122 : memref<1x624x128xf32, #tpu.memory_space<hbm>> -> memref<624x128xf32, #tpu.memory_space<hbm>>
      %dma_start3A_124 = arith.constant 0 : i32
      %dma_start3A_125 = tpu.memref_slice %arg14[%mul3A_8, %dma_start3A_124] : memref<10008x128xf32, #tpu.memory_space<vmem_shared>> -> memref<624x128xf32, #tpu.memory_space<vmem_shared>>
      tpu.enqueue_dma source(%dma_start3A_125 : memref<624x128xf32, #tpu.memory_space<vmem_shared>>) target(%dma_start3A_123 : memref<624x128xf32, #tpu.memory_space<hbm>>) target_semaphore(%run_scoped3A : memref<!tpu.dma_semaphore, #tpu.memory_space<semaphore_mem>>)
      %dma_wait3A_126 = arith.constant 0 : i32
      %dma_wait3A_127 = tpu.memref_slice %arg5[%arg0, %mul3A_8, %dma_wait3A_126] : memref<2x10000x128xf32, #tpu.memory_space<hbm>> -> memref<1x624x128xf32, #tpu.memory_space<hbm>>
      %dma_wait3A_128 = tpu.memref_squeeze %dma_wait3A_127 : memref<1x624x128xf32, #tpu.memory_space<hbm>> -> memref<624x128xf32, #tpu.memory_space<hbm>>
      %dma_wait3A_129 = arith.constant 0 : i32
      %dma_wait3A_130 = tpu.memref_slice %arg14[%mul3A_8, %dma_wait3A_129] : memref<10008x128xf32, #tpu.memory_space<vmem_shared>> -> memref<624x128xf32, #tpu.memory_space<vmem_shared>>
      tpu.wait_dma2 semaphore(%run_scoped3A : memref<!tpu.dma_semaphore, #tpu.memory_space<semaphore_mem>>) src(%dma_wait3A_130 : memref<624x128xf32, #tpu.memory_space<vmem_shared>>) dst(%dma_wait3A_128 : memref<624x128xf32, #tpu.memory_space<hbm>>)
      tpu.yield
    }) : () -> ()
    %eq3A_116 = arith.constant 15 : i32
    %eq3A_117 = arith.cmpi eq, %arg1, %eq3A_116 : i32
    %convert_element_type3A_118 = arith.extui %eq3A_117 : i1 to i32
    %cond3A_119 = arith.constant 0 : i32
    %cond3A_120 = arith.cmpi ne, %convert_element_type3A_118, %cond3A_119 : i32
    scf.if %cond3A_120 {
      "tpu.region"() ({
        %run_scoped3A = tpu.sem_alloc : memref<!tpu.dma_semaphore, #tpu.memory_space<semaphore_mem>>
        %dma_start3A_121 = arith.constant 9984 : i32
        %dma_start3A_122 = arith.constant 0 : i32
        %dma_start3A_123 = tpu.memref_slice %arg5[%arg0, %dma_start3A_121, %dma_start3A_122] : memref<2x10000x128xf32, #tpu.memory_space<hbm>> -> memref<1x16x128xf32, #tpu.memory_space<hbm>>
        %dma_start3A_124 = tpu.memref_squeeze %dma_start3A_123 : memref<1x16x128xf32, #tpu.memory_space<hbm>> -> memref<16x128xf32, #tpu.memory_space<hbm>>
        %dma_start3A_125 = arith.constant 9984 : i32
        %dma_start3A_126 = arith.constant 0 : i32
        %dma_start3A_127 = tpu.memref_slice %arg14[%dma_start3A_125, %dma_start3A_126] : memref<10008x128xf32, #tpu.memory_space<vmem_shared>> -> memref<16x128xf32, #tpu.memory_space<vmem_shared>>
        tpu.enqueue_dma source(%dma_start3A_127 : memref<16x128xf32, #tpu.memory_space<vmem_shared>>) target(%dma_start3A_124 : memref<16x128xf32, #tpu.memory_space<hbm>>) target_semaphore(%run_scoped3A : memref<!tpu.dma_semaphore, #tpu.memory_space<semaphore_mem>>)
        %dma_wait3A_128 = arith.constant 9984 : i32
        %dma_wait3A_129 = arith.constant 0 : i32
        %dma_wait3A_130 = tpu.memref_slice %arg5[%arg0, %dma_wait3A_128, %dma_wait3A_129] : memref<2x10000x128xf32, #tpu.memory_space<hbm>> -> memref<1x16x128xf32, #tpu.memory_space<hbm>>
        %dma_wait3A_131 = tpu.memref_squeeze %dma_wait3A_130 : memref<1x16x128xf32, #tpu.memory_space<hbm>> -> memref<16x128xf32, #tpu.memory_space<hbm>>
        %dma_wait3A_132 = arith.constant 9984 : i32
        %dma_wait3A_133 = arith.constant 0 : i32
        %dma_wait3A_134 = tpu.memref_slice %arg14[%dma_wait3A_132, %dma_wait3A_133] : memref<10008x128xf32, #tpu.memory_space<vmem_shared>> -> memref<16x128xf32, #tpu.memory_space<vmem_shared>>
        tpu.wait_dma2 semaphore(%run_scoped3A : memref<!tpu.dma_semaphore, #tpu.memory_space<semaphore_mem>>) src(%dma_wait3A_134 : memref<16x128xf32, #tpu.memory_space<vmem_shared>>) dst(%dma_wait3A_131 : memref<16x128xf32, #tpu.memory_space<hbm>>)
        tpu.yield
      }) : () -> ()
    } else {
    }
    return
  }
}

module attributes {stable_mosaic.version = 14 : i64} {
  func.func @body(%arg0: memref<10000x128xf32, #tpu.memory_space<vmem>>, %arg1: memref<128x128xf32, #tpu.memory_space<vmem>>, %arg2: memref<1x128xf32, #tpu.memory_space<vmem>>, %arg3: memref<10000x128xf32, #tpu.memory_space<vmem>>) attributes {dimension_semantics = [], scalar_prefetch = 0 : i64, scratch_operands = 0 : i64, tpu.core_type = #tpu.core_type<tc>} {
    %get3A = arith.constant 0 : index
    %get3A_0 = arith.constant 0 : index
    %get3A_1 = vector.load %arg0[%get3A, %get3A_0] : memref<10000x128xf32, #tpu.memory_space<vmem>>, vector<10000x128xf32>
    %get3A_2 = arith.constant 0 : index
    %get3A_3 = arith.constant 0 : index
    %get3A_4 = vector.load %arg1[%get3A_2, %get3A_3] : memref<128x128xf32, #tpu.memory_space<vmem>>, vector<128x128xf32>
    %dot_general3A = arith.constant dense<0.000000e+00> : vector<10000x128xf32>
    %dot_general3A_5 = tpu.matmul %get3A_1, %get3A_4, %dot_general3A {dimension_numbers = #tpu.dot_dimension_numbers<[1], [0], [0], [1], [0, 0, 1, 1], [], []>, transpose_lhs_hint = false} : vector<10000x128xf32>, vector<128x128xf32>, vector<10000x128xf32> -> vector<10000x128xf32>
    %get3A_6 = arith.constant 0 : index
    %get3A_7 = arith.constant 0 : index
    %get3A_8 = vector.load %arg2[%get3A_6, %get3A_7] : memref<1x128xf32, #tpu.memory_space<vmem>>, vector<1x128xf32>
    %add3A = vector.broadcast %get3A_8 : vector<1x128xf32> to vector<10000x128xf32>
    %add3A_9 = arith.addf %dot_general3A_5, %add3A : vector<10000x128xf32>
    %swap3A = arith.constant 0 : index
    %swap3A_10 = arith.constant 0 : index
    %swap3A_11 = vector.load %arg3[%swap3A, %swap3A_10] : memref<10000x128xf32, #tpu.memory_space<vmem>>, vector<10000x128xf32>
    tpu.vector_store %arg3[%swap3A, %swap3A_10], %add3A_9 {strides = array<i32>} : memref<10000x128xf32, #tpu.memory_space<vmem>>, vector<10000x128xf32>,
    return
  }
}

module attributes {stable_mosaic.version = 14 : i64} {
  func.func @body(%arg0: memref<2x10000x128xf32, #tpu.memory_space<vmem>>, %arg1: memref<1x128xf32, #tpu.memory_space<vmem>>, %arg2: memref<1x128xf32, #tpu.memory_space<vmem>>, %arg3: memref<128x128xf32, #tpu.memory_space<vmem>>, %arg4: memref<1x128xf32, #tpu.memory_space<vmem>>, %arg5: memref<10000x128xf32, #tpu.memory_space<vmem>>) attributes {dimension_semantics = [], scalar_prefetch = 0 : i64, scratch_operands = 0 : i64, tpu.core_type = #tpu.core_type<tc>} {
    %get3A = arith.constant 0 : index
    %get3A_0 = arith.constant 0 : index
    %get3A_1 = arith.constant 0 : index
    %get3A_2 = vector.load %arg0[%get3A, %get3A_0, %get3A_1] : memref<2x10000x128xf32, #tpu.memory_space<vmem>>, vector<1x10000x128xf32>
    %get3A_3 = vector.shape_cast %get3A_2 : vector<1x10000x128xf32> to vector<10000x128xf32>
    %get3A_4 = arith.constant 1 : index
    %get3A_5 = arith.constant 0 : index
    %get3A_6 = arith.constant 0 : index
    %get3A_7 = vector.load %arg0[%get3A_4, %get3A_5, %get3A_6] : memref<2x10000x128xf32, #tpu.memory_space<vmem>>, vector<1x10000x128xf32>
    %get3A_8 = vector.shape_cast %get3A_7 : vector<1x10000x128xf32> to vector<10000x128xf32>
    %add3A = arith.addf %get3A_3, %get3A_8 : vector<10000x128xf32>
    %max3A = arith.constant 0.000000e+00 : f32
    %max3A_9 = vector.broadcast %max3A : f32 to vector<10000x128xf32>
    %max3A_10 = arith.maximumf %add3A, %max3A_9 : vector<10000x128xf32>
    %reduce_sum3A = arith.constant dense<0.000000e+00> : vector<10000xf32>
    %reduce_sum3A_11 = vector.multi_reduction <add>, %max3A_10, %reduce_sum3A [1] : vector<10000x128xf32> to vector<10000xf32>
    %broadcast_in_dim3A = vector.shape_cast %reduce_sum3A_11 : vector<10000xf32> to vector<10000x1xf32>
    %div3A = arith.constant 1.280000e+02 : f32
    %div3A_12 = vector.broadcast %div3A : f32 to vector<10000x1xf32>
    %div3A_13 = arith.divf %broadcast_in_dim3A, %div3A_12 : vector<10000x1xf32>
    %sub3A = vector.broadcast %div3A_13 : vector<10000x1xf32> to vector<10000x128xf32>
    %sub3A_14 = arith.subf %max3A_10, %sub3A : vector<10000x128xf32>
    %integer_pow3A = arith.mulf %sub3A_14, %sub3A_14 : vector<10000x128xf32>
    %reduce_sum3A_15 = arith.constant dense<0.000000e+00> : vector<10000xf32>
    %reduce_sum3A_16 = vector.multi_reduction <add>, %integer_pow3A, %reduce_sum3A_15 [1] : vector<10000x128xf32> to vector<10000xf32>
    %broadcast_in_dim3A_17 = vector.shape_cast %reduce_sum3A_16 : vector<10000xf32> to vector<10000x1xf32>
    %div3A_18 = arith.constant 1.280000e+02 : f32
    %div3A_19 = vector.broadcast %div3A_18 : f32 to vector<10000x1xf32>
    %div3A_20 = arith.divf %broadcast_in_dim3A_17, %div3A_19 : vector<10000x1xf32>
    %sub3A_21 = vector.broadcast %div3A_13 : vector<10000x1xf32> to vector<10000x128xf32>
    %sub3A_22 = arith.subf %max3A_10, %sub3A_21 : vector<10000x128xf32>
    %add3A_23 = arith.constant 9.99999974E-6 : f32
    %add3A_24 = vector.broadcast %add3A_23 : f32 to vector<10000x1xf32>
    %add3A_25 = arith.addf %div3A_20, %add3A_24 : vector<10000x1xf32>
    %rsqrt3A = math.rsqrt %add3A_25 : vector<10000x1xf32>
    %mul3A = vector.broadcast %rsqrt3A : vector<10000x1xf32> to vector<10000x128xf32>
    %mul3A_26 = arith.mulf %sub3A_22, %mul3A : vector<10000x128xf32>
    %get3A_27 = arith.constant 0 : index
    %get3A_28 = arith.constant 0 : index
    %get3A_29 = vector.load %arg1[%get3A_27, %get3A_28] : memref<1x128xf32, #tpu.memory_space<vmem>>, vector<1x128xf32>
    %mul3A_30 = vector.broadcast %get3A_29 : vector<1x128xf32> to vector<10000x128xf32>
    %mul3A_31 = arith.mulf %mul3A_26, %mul3A_30 : vector<10000x128xf32>
    %get3A_32 = arith.constant 0 : index
    %get3A_33 = arith.constant 0 : index
    %get3A_34 = vector.load %arg2[%get3A_32, %get3A_33] : memref<1x128xf32, #tpu.memory_space<vmem>>, vector<1x128xf32>
    %add3A_35 = vector.broadcast %get3A_34 : vector<1x128xf32> to vector<10000x128xf32>
    %add3A_36 = arith.addf %mul3A_31, %add3A_35 : vector<10000x128xf32>
    %get3A_37 = arith.constant 0 : index
    %get3A_38 = arith.constant 0 : index
    %get3A_39 = vector.load %arg3[%get3A_37, %get3A_38] : memref<128x128xf32, #tpu.memory_space<vmem>>, vector<128x128xf32>
    %dot_general3A = arith.constant dense<0.000000e+00> : vector<10000x128xf32>
    %dot_general3A_40 = tpu.matmul %add3A_36, %get3A_39, %dot_general3A {dimension_numbers = #tpu.dot_dimension_numbers<[1], [0], [0], [1], [0, 0, 1, 1], [], []>, transpose_lhs_hint = false} : vector<10000x128xf32>, vector<128x128xf32>, vector<10000x128xf32> -> vector<10000x128xf32>
    %get3A_41 = arith.constant 0 : index
    %get3A_42 = arith.constant 0 : index
    %get3A_43 = vector.load %arg4[%get3A_41, %get3A_42] : memref<1x128xf32, #tpu.memory_space<vmem>>, vector<1x128xf32>
    %add3A_44 = vector.broadcast %get3A_43 : vector<1x128xf32> to vector<10000x128xf32>
    %add3A_45 = arith.addf %dot_general3A_40, %add3A_44 : vector<10000x128xf32>
    %swap3A = arith.constant 0 : index
    %swap3A_46 = arith.constant 0 : index
    %swap3A_47 = vector.load %arg5[%swap3A, %swap3A_46] : memref<10000x128xf32, #tpu.memory_space<vmem>>, vector<10000x128xf32>
    tpu.vector_store %arg5[%swap3A, %swap3A_46], %add3A_45 {strides = array<i32>} : memref<10000x128xf32, #tpu.memory_space<vmem>>, vector<10000x128xf32>,
    return
  }
}

module attributes {stable_mosaic.version = 14 : i64} {
  func.func @body(%arg0: memref<2x10000x128xf32, #tpu.memory_space<vmem>>, %arg1: memref<1x128xf32, #tpu.memory_space<vmem>>, %arg2: memref<1x128xf32, #tpu.memory_space<vmem>>, %arg3: memref<128x64xf32, #tpu.memory_space<vmem>>, %arg4: memref<1x64xf32, #tpu.memory_space<vmem>>, %arg5: memref<10000x64xf32, #tpu.memory_space<vmem>>) attributes {dimension_semantics = [], scalar_prefetch = 0 : i64, scratch_operands = 0 : i64, tpu.core_type = #tpu.core_type<tc>} {
    %get3A = arith.constant 0 : index
    %get3A_0 = arith.constant 0 : index
    %get3A_1 = arith.constant 0 : index
    %get3A_2 = vector.load %arg0[%get3A, %get3A_0, %get3A_1] : memref<2x10000x128xf32, #tpu.memory_space<vmem>>, vector<1x10000x128xf32>
    %get3A_3 = vector.shape_cast %get3A_2 : vector<1x10000x128xf32> to vector<10000x128xf32>
    %get3A_4 = arith.constant 1 : index
    %get3A_5 = arith.constant 0 : index
    %get3A_6 = arith.constant 0 : index
    %get3A_7 = vector.load %arg0[%get3A_4, %get3A_5, %get3A_6] : memref<2x10000x128xf32, #tpu.memory_space<vmem>>, vector<1x10000x128xf32>
    %get3A_8 = vector.shape_cast %get3A_7 : vector<1x10000x128xf32> to vector<10000x128xf32>
    %add3A = arith.addf %get3A_3, %get3A_8 : vector<10000x128xf32>
    %max3A = arith.constant 0.000000e+00 : f32
    %max3A_9 = vector.broadcast %max3A : f32 to vector<10000x128xf32>
    %max3A_10 = arith.maximumf %add3A, %max3A_9 : vector<10000x128xf32>
    %reduce_sum3A = arith.constant dense<0.000000e+00> : vector<10000xf32>
    %reduce_sum3A_11 = vector.multi_reduction <add>, %max3A_10, %reduce_sum3A [1] : vector<10000x128xf32> to vector<10000xf32>
    %broadcast_in_dim3A = vector.shape_cast %reduce_sum3A_11 : vector<10000xf32> to vector<10000x1xf32>
    %div3A = arith.constant 1.280000e+02 : f32
    %div3A_12 = vector.broadcast %div3A : f32 to vector<10000x1xf32>
    %div3A_13 = arith.divf %broadcast_in_dim3A, %div3A_12 : vector<10000x1xf32>
    %sub3A = vector.broadcast %div3A_13 : vector<10000x1xf32> to vector<10000x128xf32>
    %sub3A_14 = arith.subf %max3A_10, %sub3A : vector<10000x128xf32>
    %integer_pow3A = arith.mulf %sub3A_14, %sub3A_14 : vector<10000x128xf32>
    %reduce_sum3A_15 = arith.constant dense<0.000000e+00> : vector<10000xf32>
    %reduce_sum3A_16 = vector.multi_reduction <add>, %integer_pow3A, %reduce_sum3A_15 [1] : vector<10000x128xf32> to vector<10000xf32>
    %broadcast_in_dim3A_17 = vector.shape_cast %reduce_sum3A_16 : vector<10000xf32> to vector<10000x1xf32>
    %div3A_18 = arith.constant 1.280000e+02 : f32
    %div3A_19 = vector.broadcast %div3A_18 : f32 to vector<10000x1xf32>
    %div3A_20 = arith.divf %broadcast_in_dim3A_17, %div3A_19 : vector<10000x1xf32>
    %sub3A_21 = vector.broadcast %div3A_13 : vector<10000x1xf32> to vector<10000x128xf32>
    %sub3A_22 = arith.subf %max3A_10, %sub3A_21 : vector<10000x128xf32>
    %add3A_23 = arith.constant 9.99999974E-6 : f32
    %add3A_24 = vector.broadcast %add3A_23 : f32 to vector<10000x1xf32>
    %add3A_25 = arith.addf %div3A_20, %add3A_24 : vector<10000x1xf32>
    %rsqrt3A = math.rsqrt %add3A_25 : vector<10000x1xf32>
    %mul3A = vector.broadcast %rsqrt3A : vector<10000x1xf32> to vector<10000x128xf32>
    %mul3A_26 = arith.mulf %sub3A_22, %mul3A : vector<10000x128xf32>
    %get3A_27 = arith.constant 0 : index
    %get3A_28 = arith.constant 0 : index
    %get3A_29 = vector.load %arg1[%get3A_27, %get3A_28] : memref<1x128xf32, #tpu.memory_space<vmem>>, vector<1x128xf32>
    %mul3A_30 = vector.broadcast %get3A_29 : vector<1x128xf32> to vector<10000x128xf32>
    %mul3A_31 = arith.mulf %mul3A_26, %mul3A_30 : vector<10000x128xf32>
    %get3A_32 = arith.constant 0 : index
    %get3A_33 = arith.constant 0 : index
    %get3A_34 = vector.load %arg2[%get3A_32, %get3A_33] : memref<1x128xf32, #tpu.memory_space<vmem>>, vector<1x128xf32>
    %add3A_35 = vector.broadcast %get3A_34 : vector<1x128xf32> to vector<10000x128xf32>
    %add3A_36 = arith.addf %mul3A_31, %add3A_35 : vector<10000x128xf32>
    %get3A_37 = arith.constant 0 : index
    %get3A_38 = arith.constant 0 : index
    %get3A_39 = vector.load %arg3[%get3A_37, %get3A_38] : memref<128x64xf32, #tpu.memory_space<vmem>>, vector<128x64xf32>
    %dot_general3A = arith.constant dense<0.000000e+00> : vector<10000x64xf32>
    %dot_general3A_40 = tpu.matmul %add3A_36, %get3A_39, %dot_general3A {dimension_numbers = #tpu.dot_dimension_numbers<[1], [0], [0], [1], [0, 0, 1, 1], [], []>, transpose_lhs_hint = false} : vector<10000x128xf32>, vector<128x64xf32>, vector<10000x64xf32> -> vector<10000x64xf32>
    %get3A_41 = arith.constant 0 : index
    %get3A_42 = arith.constant 0 : index
    %get3A_43 = vector.load %arg4[%get3A_41, %get3A_42] : memref<1x64xf32, #tpu.memory_space<vmem>>, vector<1x64xf32>
    %add3A_44 = vector.broadcast %get3A_43 : vector<1x64xf32> to vector<10000x64xf32>
    %add3A_45 = arith.addf %dot_general3A_40, %add3A_44 : vector<10000x64xf32>
    %swap3A = arith.constant 0 : index
    %swap3A_46 = arith.constant 0 : index
    %swap3A_47 = vector.load %arg5[%swap3A, %swap3A_46] : memref<10000x64xf32, #tpu.memory_space<vmem>>, vector<10000x64xf32>
    tpu.vector_store %arg5[%swap3A, %swap3A_46], %add3A_45 {strides = array<i32>} : memref<10000x64xf32, #tpu.memory_space<vmem>>, vector<10000x64xf32>,
    return
  }
}

</mosaic_0001>

<sc_bundles>
// kernel: kernel.12.cloned.1.call-start
scs
__scs_entry_jumppad:
0x0: {  	(pc) =	sbr.rel $0x88, $3  }
0x1: {  	(tag) =	ssettag $0x0;
	lr =	simm.s32 $0x1  }
0x2: {  	[smem:$0x3F90] =	sst lr;
	_ =	strace $0xD0000000  }
0x3: {  	_ = 	snop  }
0x4: {  	_ = 	snop  }
0x5: {  	_ = 	snop  }
0x6: {  	_ = 	snop  }
0x7: {  	_ = 	snop  }
__scs_overlays_trampoline_lowered:
0x8: {  	[smem:$0x3F9F] =	sst s0  }
0x9: {  	[smem:$0x3FA0] =	sst s1  }
0xa: {  	[smem:$0x3FA1] =	sst s2  }
0xb: {  	[smem:$0x3FA2] =	sst s3  }
0xc: {  	[smem:$0x3FA3] =	sst s4  }
0xd: {  	[smem:$0x3FA4] =	sst s5  }
0xe: {  	[smem:$0x3FA5] =	sst s6  }
0xf: {  	[smem:$0x3FA6] =	sst s7  }
0x10: {  	[smem:$0x3FA7] =	sst s8  }
0x11: {  	[smem:$0x3FA8] =	sst s9;
	s0 =	simm.s32 @!p0 $0x0  }
0x12: {  	s1 =	sld [smem:$0x3F8E];
	s0 =	simm.s32 @p0 $0x1  }
0x13: {  	[smem:$0x3FA9] =	sst s0;
	s0 =	simm.s32 @!p1 $0x0  }
0x14: {  	s2 =	sld [smem:$0x3F8D];
	s0 =	simm.s32 @p1 $0x1  }
0x15: {  	[smem:$0x3FAA] =	sst s0;
	s0 =	simm.s32 @!p2 $0x0  }
0x16: {  	s3 =	sld [smem:$0x3FDB];
	s0 =	simm.s32 @p2 $0x1  }
0x17: {  	s4 =	simm.s32 $0x1BF5;
	[smem:$0x3FAC] =	sst s0  }
0x18: {  	s0 =	sld [smem:$0x3F8F];
	_ =	swait.ge [sflag:s4], $0x0  }
0x19: {  	s7 =	sld [smem:$0x3F90]  }
0x1a: {  	s8 =	sadd.s32 $0xFFFFE003, lr  }
0x1b: {  	s9 =	sadd.s32 $0xFFFFFEF7, lr;
	s5 =	simm.s32 $0xFFFFFFFF;
	p2 =	slt.u32 s8, $0xFFFFF086  }
0x1c: {  	p1 =	slt.u32 s9, $0xF7A;
	s5 =	simm.s32 @!p2 $0x0  }
0x1d: {  	s5 =	simm.s32 @p1 $0x1;
	p0 =	seq.s32 s7, s2  }
0x1e: {  	s7 =	smul.u32 @!p0 $0xF7A, s2;
	p2 =	seq.s32 @!p0 s5, $0x0  }
0x1f: {  	s9 =	smul.u32 $0xF7A, s1;
	s8 =	simm.s32 @!p0 $0x1BF5;
	p2 =	por !p2, p0  }
0x20: {  	[sflag:s8] =	ssyncset.s32 @!p0 $0xFFFFF086;
	s6 =	sadd.s32 @!p0 s3, s7;
	s7 =	simm.s32 @!p0 $0x108  }
0x21: {  	s3 =	sadd.s32 s3, s9;
	s6 =	sadd.s32 @!p0 $0x88, s6;
	s7 =	simm.s32 @p2 $0x1082  }
0x22: {  	[simem:s7], [sflag:s8] =	dma.local @!p0 [hbm:s6], $0xF7A  }
0x23: {  	s9 =	sor.u32 $0xD0000000, s2;
	s6 =	simm.s32 $0x108;
	_ =	swait.ge @!p0 [sflag:s8], $0x0  }
0x24: {  	s3 =	sadd.s32 $0x88, s3;
	s6 =	simm.s32 @!p1 $0x1082;
	[sflag:s4] =	ssyncset.s32 $0xFFFFF086  }
0x25: {  	[simem:s6], [sflag:s4] =	dma.local [hbm:s3], $0xF7A  }
0x26: {  	[smem:$0x3F90] =	sst s1;
	(tag) =	ssettag s2;
	_ =	strace s9  }
0x27: {  	s1 =	sld [smem:$0x3FA0]  }
0x28: {  	s2 =	sld [smem:$0x3FA1]  }
0x29: {  	s4 =	sld [smem:$0x3FA3]  }
0x2a: {  	p0 =	seq.s32 s5, $0x0;
	s5 =	sld [smem:$0x3FA4]  }
0x2b: {  	s6 =	sld [smem:$0x3FA5]  }
0x2c: {  	s7 =	sld [smem:$0x3FA6]  }
0x2d: {  	s3 =	simm.s32 $0x108;
	s8 =	sld [smem:$0x3FA7]  }
0x2e: {  	s3 =	simm.s32 @!p0 $0x1082;
	s9 =	sld [smem:$0x3FA8]  }
0x2f: {  	lr =	sadd.s32 s0, s3;
	s0 =	sld [smem:$0x3F9F]  }
0x30: {  	s3 =	sld [smem:$0x3FA2]  }
0x31: {  	[smem:$0x3FAB] =	sst s10  }
0x32: {  	s10 =	sld [smem:$0x3FA9];
	_ =	sdelay $0x3  }
0x33: {  	p0 =	seq.s32 s10, $0x1;
	s10 =	sld [smem:$0x3FAB];
	_ =	sdelay $0x3  }
0x34: {  	[smem:$0x3FAB] =	sst s10  }
0x35: {  	s10 =	sld [smem:$0x3FAA];
	_ =	sdelay $0x3  }
0x36: {  	p1 =	seq.s32 s10, $0x1;
	s10 =	sld [smem:$0x3FAB];
	_ =	sdelay $0x3  }
0x37: {  	[smem:$0x3FAB] =	sst s10  }
0x38: {  	s10 =	sld [smem:$0x3FAC]  }
0x39: {  	_ = 	snop;
	(pc) =	sbr.ind lr, $3  }
0x3a: {  	_ = 	snop  }
0x3b: {  	_ = 	snop  }
0x3c: {  	p2 =	seq.s32 s10, $0x1;
	s10 =	sld [smem:$0x3FAB]  }
0x3d: {  	_ =	shalt  }
0x3e: {  	_ =	shalt  }
0x3f: {  	_ =	shalt  }
0x40: {  	_ =	shalt  }
0x41: {  	_ =	shalt  }
0x42: {  	_ =	shalt  }
0x43: {  	_ =	shalt  }
0x44: {  	_ =	shalt  }
0x45: {  	_ =	shalt  }
0x46: {  	_ =	shalt  }
0x47: {  	_ =	shalt  }
0x48: {  	_ =	shalt  }
0x49: {  	_ =	shalt  }
0x4a: {  	_ =	shalt  }
0x4b: {  	_ =	shalt  }
0x4c: {  	_ =	shalt  }
0x4d: {  	_ =	shalt  }
0x4e: {  	_ =	shalt  }
0x4f: {  	_ =	shalt  }
0x50: {  	_ =	shalt  }
0x51: {  	_ =	shalt  }
0x52: {  	_ =	shalt  }
0x53: {  	_ =	shalt  }
0x54: {  	_ =	shalt  }
0x55: {  	_ =	shalt  }
0x56: {  	_ =	shalt  }
0x57: {  	_ =	shalt  }
0x58: {  	_ =	shalt  }
0x59: {  	_ =	shalt  }
0x5a: {  	_ =	shalt  }
0x5b: {  	_ =	shalt  }
0x5c: {  	_ =	shalt  }
0x5d: {  	_ =	shalt  }
0x5e: {  	_ =	shalt  }
0x5f: {  	_ =	shalt  }
0x60: {  	_ =	shalt  }
0x61: {  	_ =	shalt  }
0x62: {  	_ =	shalt  }
0x63: {  	_ =	shalt  }
0x64: {  	_ =	shalt  }
0x65: {  	_ =	shalt  }
0x66: {  	_ =	shalt  }
0x67: {  	_ =	shalt  }
0x68: {  	_ =	shalt  }
0x69: {  	_ =	shalt  }
0x6a: {  	_ =	shalt  }
0x6b: {  	_ =	shalt  }
0x6c: {  	_ =	shalt  }
0x6d: {  	_ =	shalt  }
0x6e: {  	_ =	shalt  }
0x6f: {  	_ =	shalt  }
0x70: {  	_ =	shalt  }
0x71: {  	_ =	shalt  }
0x72: {  	_ =	shalt  }
0x73: {  	_ =	shalt  }
0x74: {  	_ =	shalt  }
0x75: {  	_ =	shalt  }
0x76: {  	_ =	shalt  }
0x77: {  	_ =	shalt  }
0x78: {  	_ =	shalt  }
0x79: {  	_ =	shalt  }
0x7a: {  	_ =	shalt  }
0x7b: {  	_ =	shalt  }
0x7c: {  	_ =	shalt  }
0x7d: {  	_ =	shalt  }
0x7e: {  	_ =	shalt  }
0x7f: {  	_ =	shalt  }
0x80: {  	_ =	shalt  }
0x81: {  	_ =	shalt  }
0x82: {  	_ =	shalt  }
0x83: {  	_ =	shalt  }
0x84: {  	_ =	shalt  }
0x85: {  	_ =	shalt  }
0x86: {  	_ =	shalt  }
0x87: {  	_ =	shalt  }
.Lfunc_end0:
.L_simem_size_0:
called_computation.1_lowered:
.L_overlay_start_0:
0x88: {  	s2 =	sld [smem:$0x3FD9]  }
0x89: {  	s3 =	sld [smem:$0x3FFE];
	_ =	sdelay $0x1  }
0x8a: {  	s1 =	srdreg.scid  }
0x8b: {  	s0 =	sand.u32 $0x1, s1  }
0x8c: {  	s17 =	sshll.u32 s0, $0xA;
	s2 =	sadd.s32 s3, s2  }
0x8d: {  	s2 =	sadd.s32 s2, s17  }
0x8e: {  	[smem:$0x3FB7] =	sst s2  }
0x8f: {  	_ = 	snop  }
0x90: {  	s2 =	sld [smem:$0x3FD0];
	(tm) =	ssettm $0x1  }
0x91: {  	s18 =	sld [smem:$0x3FFB];
	_ =	sdelay $0x3  }
0x92: {  	_ =	strace s18  }
0x93: {  	s3 =	sld [smem:$0x3FFC];
	_ =	sdelay $0x3  }
0x94: {  	_ =	strace s3  }
0x95: {  	s3 =	sld [smem:$0x3FFD];
	_ =	sdelay $0x3  }
0x96: {  	_ =	strace s3  }
0x97: {  	_ =	strace $0x8FFFFFFF  }
0x98: {  	s19 =	sld [smem:$0x3FDB];
	_ =	sdelay $0x1  }
0x99: {  	s4 =	simm.s32 $_scs_section_size  }
0x9a: {  	s5 =	simm.s32 $_size__tile_overlayer_lowered;
	s6 =	simm.s32 $_tile_overlayer_lowered  }
0x9b: {  	s22 =	simm.s32 $0x1BFF;
	s21 =	sshll.u32 s6, $0x1;
	s3 =	sadd.s32 s4, s19  }
0x9c: {  	s7 =	simm.s32 $0x0;
	s20 =	sshll.u32 s5, $0x1;
	s5 =	sadd.s32 s21, s3  }
0x9d: {  	[timem:s7], [sflag:s22] =	dma.local [hbm:s5], s20  }
0x9e: {  	_ =	swait.ge [sflag:s22], s20  }
0x9f: {  	s4 =	ssub.s32 $0x0, s20;
	[sflag:s22] =	ssyncset.done $0x0  }
0xa0: {  	[sflag:s22] =	ssyncadd.s32 s4;
	_ =	sdelay $0x1  }
0xa1: {  	s23 =	simm.s32 $0x1B8B  }
0xa2: {  	_ =	swait.ge [sflag:s23], $0x1  }
0xa3: {  	[sflag:s23] =	ssyncset.done $0x0  }
0xa4: {  	s25 =	simm.s32 $0x1B8E;
	s24 =	sld [smem:$0x3FFE];
	[sflag:s23] =	ssyncadd.s32 $0xFFFFFFFF  }
0xa5: {  	s26 =	simm.s32 $execute0_lowered;
	[smem:$0x3FD2] =	sst s25  }
0xa6: {  	s5 =	sshll.u32 s26, $0x1;
	_ =	strace $0x80000049;
	[dreg:$0x1] =	wrdreg $0xFFFFFFFF  }
0xa7: {  	s28 =	simm.s32 $_size_execute0_lowered;
	s3 =	sadd.s32 s3, s5;
	[dreg:$0x0] =	wrdreg $0x0  }
0xa8: {  	s5 =	sshll.u32 s28, $0x1;
	[dreg:$0x2] =	wrdreg s3  }
0xa9: {  	[dreg:$0x3] =	wrdreg s5  }
0xaa: {  	[dreg:$0x4] =	wrdreg $0xC0  }
0xab: {  	_ =	task [dreg:s7], $0x5FFFF  }
0xac: {  	[dreg:$0x1] =	wrdreg $0xFFFFFFFF  }
0xad: {  	[dreg:$0x0] =	wrdreg $0x60  }
0xae: {  	[dreg:$0x2] =	wrdreg s24  }
0xaf: {  	[dreg:$0x3] =	wrdreg s2  }
0xb0: {  	[dreg:$0x4] =	wrdreg $0xC1000  }
0xb1: {  	[dreg:$0x5] =	wrdreg $0x9  }
0xb2: {  	_ =	task.clear_ibuf [dreg:s7], $0x6FFFF;
	_ =	strace $0x90000049  }
0xb3: {  	s29 =	simm.s32 $0x9;
	_ =	strace $0x8000004B  }
0xb4: {  	_ =	swait.ge [sflag:s29], $0x1  }
0xb5: {  	[sflag:s29] =	ssyncadd.s32 $0xFFFFFFFF  }
0xb6: {  	_ =	strace $0x9000004B  }
0xb7: {  	_ =	sfence  }
0xb8: {  	s30 =	sld [smem:$0x0];
	_ =	sdelay $0x2  }
0xb9: {  	s31 =	sshll.u32 s1, $0xD;
	s1 =	sshrl.u32 s1, $0x2  }
0xba: {  	s3 =	sand.u32 $0x4000, s31;
	s1 =	sadd.s32 s1, s30  }
0xbb: {  	s0 =	sor.u32 s3, s0;
	s1 =	sshll.u32 s1, $0x11  }
0xbc: {  	s0 =	sor.u32 s1, s0  }
0xbd: {  	s0 =	sadd.s32 $0x8F2B, s0  }
0xbe: {  	[sflag:s0] =	ssyncadd.remote.s32 $0x1  }
0xbf: {  	_ =	sfence.sel $0xFFFF  }
0xc0: {  	[dreg:$0x0] =	wrdreg $0xFFFFFFFF;
	(pc) =	sbr.abs _section_cstart, $3  }
0xc1: {  	[dreg:$0x1] =	wrdreg $0xFFFFFFFF  }
0xc2: {  	_ =	task.clear_ibuf [dreg:s7], $0x2FFFF;
	_ =	strace $0x9FFFFFFF  }
0xc3: {  	(tm) =	ssettm $0x7FFFFFFF  }
tec
execute0_lowered:
.L_overlay_start_1:
0x0: {  	(tag) =	ssettag $0x1  }
0x1: {  	s0 =	rddreg [dreg:$0x0]  }
0x2: {  	s5 =	rddreg [dreg:$0x1]  }
0x3: {  	s1 =	rddreg [dreg:$0x2]  }
0x4: {  	s2 =	srdreg.scid;
	s3 =	simm.s32 $0x0;
	s26 =	stileid.u32  }
0x5: {  	s13 =	simm.s32 $0x2780;
	s14 =	simm.s32 $0x5100;
	s15 =	simm.s32 $0x70  }
0x6: {  	s17 =	simm.s32 $0x1;
	s18 =	simm.s32 $0x4F80;
	s19 =	simm.s32 $0x8900  }
0x7: {  	s20 =	simm.s32 $0x5000;
	s21 =	simm.s32 $0x2;
	s22 =	simm.s32 $0x3  }
0x8: {  	s23 =	simm.s32 $0x5080;
	s24 =	simm.s32 $0x4;
	s25 =	simm.s32 $0x0  }
0x9: {  	s6 =	sand.u32 $0x1, s2;
	[smem:$0x7FF] =	sst s3;
	s9 =	smul.u32 $0x4E000, s26  }
0xa: {  	s28 =	smul.u32 $0x13800, s26;
	p0 =	sne.s32 s26, $0xF;
	s4 =	sshll.u32 s6, $0x4  }
0xb: {  	_ =	strace $0x8000004A;
	s8 =	ssub.s32 $0x2, s6;
	s12 =	smul.u32 $0x138800, s6  }
0xc: {  	s4 =	sor.u32 s26, s4;
	s11 =	sshrl.u32 s8, $0x1;
	s29 =	sshrl.u32 s9, $0x2  }
0xd: {  	s7 =	smul.u32 $0x4EC, s4;
	s4 =	sadd.s32 $0xCE00, s0;
	s11 =	ssub.s32 s8, s11  }
.Ltmp0:
0xe: {  	s30 =	sadd.s32 s28, s12;
	s31 =	sshrl.u32 s12, $0x3;
	(pc) =	sbr.rel .LBB2_1-.Ltmp0, $4  }
0xf: {  	s8 =	sadd.s32 $0x138000, s1;
	s12 =	simm.s32 $0x5;
	s9 =	sshrl.u32 s30, $0x3  }
0x10: {  	s11 =	smax.u32 s11, $0x1;
	s10 =	sadd.s32 s7, s0;
	s0 =	sadd.s32 $0x34000, s0  }
0x11: {  	s5 =	sadd.s32 s5, s7;
	s6 =	sadd.s32 $0x3000, s10;
	s10 =	sadd.s32 s0, s31  }
0x12: {  	v0 =	vimm.f32 $0.0e+00;
	s7 =	sadd.s32 s29, s1;
	s9 =	sadd.s32 s0, s9;
	s10 =	sadd.s32 $0x27000, s10  }
.LBB2_15:
0x13: {  	_ =	swait.ge [sflag:s24], $0x3800  }
0x14: {  	s0 =	stileid.u32;
	[sflag:s24] =	ssyncset.done $0x0  }
0x15: {  	s0 =	sshll.u32 s0, $0x6;
	[sflag:s24] =	ssyncadd.s32 $0xFFFFC800  }
0x16: {  	s2 =	sshrl.u32 s7, $0x3;
	s0 =	sor.u32 $0x1C05, s0;
	[bflag:$0x0] =	sbarrier.arrive $0xFFFF  }
0x17: {  	[hbm:s9], [sflag:s0] =	dma.local [spmem:s2], $0x2700  }
0x18: {  	_ =	swait.ge [sflag:s12], $0x2700  }
0x19: {  	s25 =	sadd.s32 $0x1, s25;
	[sflag:s12] =	ssyncset.done $0x0  }
0x1a: {  	p1 =	sne.s32 s25, s11;
	s2 =	sshrl.u32 @!p0 s8, $0x3;
	[sflag:s12] =	ssyncadd.s32 $0xFFFFD900  }
0x1b: {  	[hbm:s10], [sflag:s0] =	dma.local @!p0 [spmem:s2], $0x100  }
.Ltmp1:
0x1c: {  	_ = 	snop;
	(pc) =	sbr.rel @!p1 .LBB2_16-.Ltmp1, $4  }
0x1d: {  	s0 =	simm.s32 @!p0 $0x5  }
0x1e: {  	_ =	swait.ge @!p0 [sflag:s0], $0x100  }
0x1f: {  	[sflag:s0] =	ssyncset.done @!p0 $0x0  }
0x20: {  	[sflag:s0] =	ssyncadd.s32 @!p0 $0xFFFFFF00  }
.LBB2_1:
0x21: {  	[tilespmem:s3], [sflag:$0x5] =	stream.linear.gather [hbm4b:s5+s3], $0x2760, $0x38;
	[tilespmem:$0x1F9C0] =	vst v63  }
0x22: {  	_ =	swait.ge [sflag:s12], $0x2760  }
0x23: {  	[sflag:s12] =	ssyncset.done $0x0  }
0x24: {  	[sflag:s12] =	ssyncadd.s32 $0xFFFFD8A0  }
0x25: {  	[tilespmem:s13], [sflag:$0x5] =	stream.linear.gather [hbm4b:s6+s3], $0x2760, $0x38;
	[tilespmem:$0x1F9C0] =	vst v63  }
0x26: {  	_ =	swait.ge [sflag:s12], $0x2760  }
0x27: {  	[sflag:s12] =	ssyncset.done $0x0  }
0x28: {  	s0 =	simm.s32 $0x0;
	s26 =	simm.s32 $0x200;
	[sflag:s12] =	ssyncadd.s32 $0xFFFFD8A0  }
.LBB2_2:
0x29: {  	p1 =	sne.s32 s26, $0x1E00;
	[tilespmem:s0+$0x5170] =	vst v0  }
0x2a: {  	[tilespmem:s0+$0x5100] =	vst v0  }
0x2b: {  	[tilespmem:s0+$0x5110] =	vst v0  }
.Ltmp2:
0x2c: {  	[tilespmem:s0+$0x5120] =	vst v0;
	(pc) =	sbr.rel @p1 .LBB2_2-.Ltmp2, $4  }
0x2d: {  	[tilespmem:s0+$0x5130] =	vst v0  }
0x2e: {  	[tilespmem:s0+$0x5140] =	vst v0  }
0x2f: {  	[tilespmem:s0+$0x5150] =	vst v0  }
0x30: {  	[tilespmem:s0+$0x5160] =	vst v0;
	s0 =	sshra.s32 s26, $0x2;
	s26 =	sadd.s32 $0x200, s26  }
0x31: {  	[tilespmem:s0+$0x5170] =	vst v0  }
0x32: {  	[tilespmem:s0+$0x5100] =	vst v0  }
0x33: {  	[tilespmem:s0+$0x5110] =	vst v0  }
0x34: {  	[tilespmem:s0+$0x5120] =	vst v0  }
0x35: {  	[tilespmem:s0+$0x5130] =	vst v0  }
0x36: {  	[tilespmem:s0+$0x5140] =	vst v0  }
0x37: {  	[tilespmem:s0+$0x5150] =	vst v0  }
0x38: {  	[tilespmem:s0+$0x5160] =	vst v0;
	s31 =	sadd.s32 $0x0, s7  }
0x39: {  	[spmem:s31] =	stream.linear.scatter [tilespmem:s14], [sflag:$0x5], $0x800, $0x38;
	[tilespmem:$0x1F9C0] =	vst v63  }
0x3a: {  	s0 =	simm.s32 $0x2000;
	_ =	swait.ge [sflag:s12], $0x800  }
.LBB2_4:
0x3b: {  	s26 =	sshra.s32 s0, $0x2;
	[sflag:s12] =	ssyncset.done $0x0;
	p1 =	sne.s32 s0, $0x4C000  }
.Ltmp3:
0x3c: {  	s26 =	sadd.s32 s26, s7;
	[sflag:s12] =	ssyncadd.s32 $0xFFFFF800;
	(pc) =	sbr.rel @p1 .LBB2_4-.Ltmp3, $3  }
0x3d: {  	[spmem:s26] =	stream.linear.scatter [tilespmem:s14], [sflag:$0x5], $0x800, $0x38;
	[tilespmem:$0x1F9C0] =	vst v63  }
0x3e: {  	s0 =	sadd.s32 $0x2000, s0;
	_ =	sdelay $0x1  }
0x3f: {  	_ =	swait.ge [sflag:s12], $0x800  }
0x40: {  	[sflag:s12] =	ssyncset.done $0x0  }
0x41: {  	s0 =	simm.s32 @!p0 $0x5100;
	[sflag:s12] =	ssyncadd.s32 $0xFFFFF800  }
0x42: {  	[spmem:s8] =	stream.linear.scatter @!p0 [tilespmem:s0], [sflag:$0x5], $0x800, $0x38;
	[tilespmem:$0x1F9C0] =	vst v63  }
0x43: {  	s0 =	simm.s32 @!p0 $0x5  }
0x44: {  	_ =	swait.ge @!p0 [sflag:s0], $0x800  }
0x45: {  	[sflag:s0] =	ssyncset.done @!p0 $0x0  }
0x46: {  	[sflag:s0] =	ssyncadd.s32 @!p0 $0xFFFFF800  }
0x47: {  	[bflag:$0x0] =	sbarrier.arrive $0xFFFF  }
0x48: {  	v1 =	vld [tilespmem:$0x0];
	_ =	sdelay $0x1  }
0x49: {  	v2 =	vld [tilespmem:$0x10];
	_ =	sdelay $0x1  }
0x4a: {  	v3 =	vld [tilespmem:$0x20]  }
0x4b: {  	v4 =	vand.u32 $0x3FFF, v1  }
0x4c: {  	v62 =	vld [tilespmem:$0x30];
	v1 =	vshrl.u32 v1, $0xE;
	[tilespmem:$0x4F00] =	vst v4  }
0x4d: {  	[tilespmem:$0x5000] =	vst v1;
	v1 =	vand.u32 $0x3FFF, v2  }
0x4e: {  	[tilespmem:$0x4F10] =	vst v1;
	v1 =	vshrl.u32 v2, $0xE;
	v2 =	vld [tilespmem:$0x40]  }
0x4f: {  	[tilespmem:$0x5010] =	vst v1;
	v1 =	vand.u32 $0x3FFF, v3  }
0x50: {  	[tilespmem:$0x4F20] =	vst v1;
	v1 =	vshrl.u32 v3, $0xE;
	v3 =	vld [tilespmem:$0x50]  }
0x51: {  	[tilespmem:$0x5020] =	vst v1;
	v1 =	vand.u32 $0x3FFF, v62  }
0x52: {  	v63 =	vld [tilespmem:$0x60];
	[tilespmem:$0x4F30] =	vst v1;
	v1 =	vshrl.u32 v62, $0xE  }
0x53: {  	[tilespmem:$0x5030] =	vst v1;
	v1 =	vand.u32 $0x3FFF, v2  }
0x54: {  	[tilespmem:$0x4F40] =	vst v1;
	v1 =	vshrl.u32 v2, $0xE  }
0x55: {  	[tilespmem:$0x5040] =	vst v1;
	v1 =	vand.u32 $0x3FFF, v3  }
.Ltmp4:
0x56: {  	[tilespmem:$0x4F50] =	vst v1;
	v1 =	vshrl.u32 v3, $0xE;
	(pc) =	sbr.rel .LBB2_6-.Ltmp4, $4  }
0x57: {  	[tilespmem:$0x5050] =	vst v1;
	v1 =	vand.u32 $0x3FFF, v63  }
0x58: {  	[tilespmem:$0x4F60] =	vst v1;
	v1 =	vshrl.u32 v63, $0xE  }
0x59: {  	s31 =	simm.s32 $0x4F00;
	s26 =	simm.s32 $0x0;
	s28 =	simm.s32 $0x0;
	[tilespmem:$0x5060] =	vst v1  }
0x5a: {  	[tilespmem:s14], [sflag:$0x1] =	stream.indirect.gather [hbm4b:s4+s15], $0x80, s31, s15, $0xb8;
	[tilespmem:$0x1F9C0] =	vst v63  }
.LBB2_14:
0x5b: {  	s28 =	sadd.s32 $0x1, s28  }
0x5c: {  	p1 =	sne.s32 s28, $0x2D  }
.Ltmp5:
0x5d: {  	_ = 	snop;
	(pc) =	sbr.rel @!p1 .LBB2_15-.Ltmp5, $3  }
0x5e: {  	_ =	sdelay $0x1  }
0x5f: {  	[spmem:s1] =	stream.indirect.scatter.add.f32 [tilespmem:s19], [sflag:$0x4], $0x80, s23, s15, $0xb8;
	[tilespmem:$0x1F9C0] =	vst v63  }
0x60: {  	s26 =	sadd.s32 $0xE0, s26  }
.LBB2_6:
0x61: {  	_ =	swait.ge [sflag:s17], $0x3800  }
0x62: {  	p1 =	seq.s32 s28, $0x0;
	[sflag:s17] =	ssyncset.done $0x0  }
0x63: {  	s0 =	simm.s32 @!p1 $0x4;
	[sflag:s17] =	ssyncadd.s32 $0xFFFFC800  }
0x64: {  	_ =	swait.ge @!p1 [sflag:s0], $0x3800  }
0x65: {  	s29 =	smul.u32 $0xE0, s28;
	[sflag:s0] =	ssyncset.done @!p1 $0x0  }
0x66: {  	[sflag:s0] =	ssyncadd.s32 @!p1 $0xFFFFC800  }
0x67: {  	v1 =	vld [tilespmem:s29+$0x70];
	_ =	sdelay $0x4  }
0x68: {  	v2 =	vand.u32 $0x3FFF, v1  }
0x69: {  	v1 =	vshrl.u32 v1, $0xE;
	[tilespmem:$0x4F80] =	vst v2  }
0x6a: {  	[tilespmem:$0x5080] =	vst v1  }
0x6b: {  	v1 =	vld [tilespmem:s29+$0x80];
	_ =	sdelay $0x4  }
0x6c: {  	v2 =	vand.u32 $0x3FFF, v1  }
0x6d: {  	v1 =	vshrl.u32 v1, $0xE;
	[tilespmem:$0x4F90] =	vst v2  }
0x6e: {  	[tilespmem:$0x5090] =	vst v1  }
0x6f: {  	v1 =	vld [tilespmem:s29+$0x90];
	_ =	sdelay $0x4  }
0x70: {  	v2 =	vand.u32 $0x3FFF, v1  }
0x71: {  	v1 =	vshrl.u32 v1, $0xE;
	[tilespmem:$0x4FA0] =	vst v2  }
0x72: {  	[tilespmem:$0x50A0] =	vst v1  }
0x73: {  	v1 =	vld [tilespmem:s29+$0xA0];
	_ =	sdelay $0x4  }
0x74: {  	v2 =	vand.u32 $0x3FFF, v1  }
0x75: {  	v1 =	vshrl.u32 v1, $0xE;
	[tilespmem:$0x4FB0] =	vst v2  }
0x76: {  	[tilespmem:$0x50B0] =	vst v1  }
0x77: {  	v1 =	vld [tilespmem:s29+$0xB0];
	_ =	sdelay $0x4  }
0x78: {  	v2 =	vand.u32 $0x3FFF, v1  }
0x79: {  	v1 =	vshrl.u32 v1, $0xE;
	[tilespmem:$0x4FC0] =	vst v2  }
0x7a: {  	[tilespmem:$0x50C0] =	vst v1  }
0x7b: {  	v1 =	vld [tilespmem:s29+$0xC0];
	_ =	sdelay $0x4  }
0x7c: {  	v2 =	vand.u32 $0x3FFF, v1  }
0x7d: {  	v1 =	vshrl.u32 v1, $0xE;
	[tilespmem:$0x4FD0] =	vst v2  }
0x7e: {  	[tilespmem:$0x50D0] =	vst v1  }
0x7f: {  	v1 =	vld [tilespmem:s29+$0xD0];
	_ =	sdelay $0x4  }
0x80: {  	v2 =	vand.u32 $0x3FFF, v1  }
0x81: {  	v1 =	vshrl.u32 v1, $0xE;
	[tilespmem:$0x4FE0] =	vst v2  }
0x82: {  	[tilespmem:$0x50E0] =	vst v1  }
0x83: {  	[tilespmem:s19], [sflag:$0x2] =	stream.indirect.gather [hbm4b:s4+s15], $0x80, s18, s15, $0xb8;
	[tilespmem:$0x1F9C0] =	vst v63  }
0x84: {  	v1 =	vld [tilespmem:s29+$0x2780]  }
0x85: {  	v2 =	vld [tilespmem:s29+$0x2790]  }
0x86: {  	v3 =	vld [tilespmem:s29+$0x27A0]  }
0x87: {  	v4 =	vld [tilespmem:s29+$0x27B0]  }
0x88: {  	v5 =	vld [tilespmem:s29+$0x27C0]  }
0x89: {  	v6 =	vld [tilespmem:s29+$0x27D0]  }
0x8a: {  	vm0 =	veq.f32 v1, $1.000000000e+00;
	vm1 =	veq.f32 v2, $1.000000000e+00;
	v1 =	vld [tilespmem:s29+$0x27E0]  }
0x8b: {  	vm11 =	veq.f32 v3, $1.000000000e+00;
	vm0 =	vmand vm0, vm1  }
0x8c: {  	vm12 =	veq.f32 v4, $1.000000000e+00;
	vm0 =	vmand vm0, vm11  }
0x8d: {  	vm13 =	veq.f32 v5, $1.000000000e+00;
	vm0 =	vmand vm0, vm12  }
0x8e: {  	vm14 =	veq.f32 v6, $1.000000000e+00;
	vm0 =	vmand vm0, vm13  }
0x8f: {  	vm0 =	vmand vm0, vm14;
	vm15 =	veq.f32 v1, $1.000000000e+00  }
0x90: {  	vm0 =	vmand vm0, vm15  }
0x91: {  	v1 =	vsel vm0, $0x3F800000, v0  }
0x92: {  	(xrf0) =	vmin.scan.msk.f32 $0xffff, v1;
	_ =	sdelay $0x5  }
0x93: {  	v1, _, _ =	vpop (xrf0)  }
0x94: {  	(v2sf) =	vpush v1, $0xF;
	_ =	sdelay $0xe  }
0x95: {  	s31 =	spop (v2sf)  }
0x96: {  	p1 =	sgt.f32 s31, $0.0e+00  }
.Ltmp6:
0x97: {  	_ = 	snop;
	(pc) =	sbr.rel @p1 .LBB2_10-.Ltmp6, $1  }
0x98: {  	_ =	sdelay $0x3  }
0x99: {  	s0 =	sadd.s32 $0xFFFFFFFE, s26  }
0x9a: {  	s30 =	sadd.s32 $0x2, s0  }
0x9b: {  	v1 =	vmov s30  }
0x9c: {  	v1 =	vand.u32 $0xFFFFFFFE, v1  }
0x9d: {  	v2 =	vbroadcast v1, $0x0;
	_ =	sdelay $0x3  }
0x9e: {  	s30 =	simm.s32 $0x5180  }
0x9f: {  	v5 =	vld [tilespmem:s30+$0xFFFFFFF0]  }
0xa0: {  	v6 =	vld.idx.msk [tilespmem:v2+s13+$0x0], $0xffff  }
0xa1: {  	v7 =	vld [tilespmem:s30+$0xFFFFFF80]  }
0xa2: {  	v8 =	vld [tilespmem:s30+$0xFFFFFFA0]  }
0xa3: {  	v4 =	vld [tilespmem:s30+$0xFFFFFFB0]  }
0xa4: {  	v3 =	vld [tilespmem:s30+$0xFFFFFFD0]  }
0xa5: {  	v10 =	vld [tilespmem:s30+$0xFFFFFF90];
	v5 =	vmul.f32 v5, v6  }
0xa6: {  	v9 =	vld [tilespmem:s30+$0xFFFFFFE0];
	v7 =	vmul.f32 v7, v6  }
0xa7: {  	v11 =	vld [tilespmem:s30+$0xFFFFFFC0];
	v8 =	vmul.f32 v8, v6;
	[tilespmem:s30+$0xFFFFFFF0] =	vst v5  }
0xa8: {  	v4 =	vmul.f32 v4, v6;
	[tilespmem:s30+$0xFFFFFF80] =	vst v7  }
0xa9: {  	s0 =	sadd.s32 $0x3, s0;
	v3 =	vmul.f32 v3, v6;
	[tilespmem:s30+$0xFFFFFFA0] =	vst v8  }
0xaa: {  	v5 =	vmul.f32 v10, v6;
	[tilespmem:s30+$0xFFFFFFB0] =	vst v4;
	v7 =	vmov s0  }
0xab: {  	v1 =	vld [tilespmem:s30+$0x0];
	v4 =	vmul.f32 v9, v6;
	[tilespmem:s30+$0xFFFFFFD0] =	vst v3  }
0xac: {  	v2 =	vld [tilespmem:s30+$0x10];
	v3 =	vmul.f32 v11, v6;
	[tilespmem:s30+$0xFFFFFF90] =	vst v5  }
0xad: {  	[tilespmem:s30+$0xFFFFFFE0] =	vst v4;
	v5 =	vld [tilespmem:s30+$0x30]  }
0xae: {  	[tilespmem:s30+$0xFFFFFFC0] =	vst v3;
	v4 =	vld [tilespmem:s30+$0x70]  }
0xaf: {  	s31 =	simm.s32 $0x0;
	s0 =	simm.s32 $0x5180;
	v3 =	vld.idx.msk [tilespmem:v7+s13+$0x0], $0xffff  }
.LBB2_8:
0xb0: {  	v6 =	vld [tilespmem:s30+$0x20];
	s0 =	sadd.s32 $0x100, s0;
	s16 =	smov.u32 s31;
	s31 =	sadd.s32 $0x2, s31  }
0xb1: {  	p1 =	slt.u32 s31, $0x6E;
	v7 =	vld [tilespmem:s30+$0x40]  }
0xb2: {  	v8 =	vld [tilespmem:s30+$0x50]  }
0xb3: {  	v9 =	vld [tilespmem:s30+$0x60];
	_ =	sdelay $0x1  }
0xb4: {  	s16 =	sadd.s32 s16, s26;
	v1 =	vmul.f32 v1, v3;
	v2 =	vmul.f32 v2, v3  }
0xb5: {  	s2 =	sadd.s32 $0x2, s16;
	s16 =	sadd.s32 $0x3, s16;
	v5 =	vmul.f32 v5, v3;
	v6 =	vmul.f32 v6, v3  }
0xb6: {  	v10 =	vmov s2;
	v7 =	vmul.f32 v7, v3;
	[tilespmem:s30+$0x0] =	vst v1;
	v8 =	vmul.f32 v8, v3  }
0xb7: {  	v10 =	vand.u32 $0xFFFFFFFE, v10;
	v1 =	vld [tilespmem:s0+$0x0];
	[tilespmem:s30+$0x30] =	vst v5;
	v5 =	vmul.f32 v9, v3;
	v3 =	vmul.f32 v4, v3  }
0xb8: {  	v4 =	vbroadcast v10, $0x0;
	[tilespmem:s30+$0x10] =	vst v2  }
0xb9: {  	[tilespmem:s30+$0x70] =	vst v3  }
0xba: {  	v3 =	vld [tilespmem:s0+$0xFFFFFFD0];
	[tilespmem:s30+$0x20] =	vst v6  }
0xbb: {  	v6 =	vld [tilespmem:s0+$0xFFFFFFB0];
	[tilespmem:s30+$0x60] =	vst v5  }
0xbc: {  	v5 =	vld [tilespmem:s0+$0xFFFFFFE0];
	[tilespmem:s30+$0x40] =	vst v7  }
0xbd: {  	v7 =	vld [tilespmem:s0+$0xFFFFFFF0];
	[tilespmem:s30+$0x50] =	vst v8;
	s30 =	smov.u32 s0  }
0xbe: {  	v4 =	vld.idx.msk [tilespmem:v4+s13+$0x0], $0xffff  }
0xbf: {  	v8 =	vld [tilespmem:s0+$0xFFFFFF80]  }
0xc0: {  	v9 =	vld [tilespmem:s0+$0xFFFFFFA0]  }
0xc1: {  	v10 =	vld [tilespmem:s0+$0xFFFFFF90]  }
0xc2: {  	v11 =	vld [tilespmem:s0+$0xFFFFFFC0]  }
0xc3: {  	v2 =	vld [tilespmem:s0+$0x10]  }
0xc4: {  	v7 =	vmul.f32 v7, v4;
	v8 =	vmul.f32 v8, v4  }
0xc5: {  	v5 =	vmul.f32 v5, v4;
	v9 =	vmul.f32 v9, v4  }
0xc6: {  	v6 =	vmul.f32 v6, v4;
	v10 =	vmul.f32 v10, v4;
	[tilespmem:s0+$0xFFFFFFF0] =	vst v7  }
0xc7: {  	v3 =	vmul.f32 v3, v4;
	[tilespmem:s0+$0xFFFFFF80] =	vst v8;
	v7 =	vmul.f32 v11, v4  }
0xc8: {  	[tilespmem:s0+$0xFFFFFFA0] =	vst v9  }
0xc9: {  	[tilespmem:s0+$0xFFFFFFB0] =	vst v6;
	v6 =	vmov s16  }
.Ltmp7:
0xca: {  	[tilespmem:s0+$0xFFFFFFD0] =	vst v3;
	(pc) =	sbr.rel @p1 .LBB2_8-.Ltmp7, $4  }
0xcb: {  	[tilespmem:s0+$0xFFFFFF90] =	vst v10  }
0xcc: {  	[tilespmem:s0+$0xFFFFFFE0] =	vst v5;
	v5 =	vld [tilespmem:s0+$0x30]  }
0xcd: {  	[tilespmem:s0+$0xFFFFFFC0] =	vst v7;
	v4 =	vld [tilespmem:s0+$0x70]  }
0xce: {  	v3 =	vld.idx.msk [tilespmem:v6+s13+$0x0], $0xffff  }
0xcf: {  	_ =	sdelay $0x1  }
0xd0: {  	v6 =	vld [tilespmem:s30+$0x20];
	_ =	sdelay $0x1  }
0xd1: {  	v7 =	vld [tilespmem:s30+$0x60];
	v1 =	vmul.f32 v1, v3  }
0xd2: {  	v8 =	vld [tilespmem:s30+$0x40];
	v5 =	vmul.f32 v5, v3  }
0xd3: {  	v9 =	vld [tilespmem:s30+$0x50];
	v2 =	vmul.f32 v2, v3;
	[tilespmem:s30+$0x0] =	vst v1  }
0xd4: {  	v63 =	vmul.f32 v6, v3;
	[tilespmem:s30+$0x30] =	vst v5  }
0xd5: {  	v1 =	vmul.f32 v4, v3;
	[tilespmem:s30+$0x10] =	vst v2  }
0xd6: {  	v2 =	vmul.f32 v7, v3;
	[tilespmem:s30+$0x20] =	vst v63  }
0xd7: {  	[tilespmem:s30+$0x70] =	vst v1;
	v1 =	vmul.f32 v8, v3  }
0xd8: {  	v3 =	vmul.f32 v9, v3;
	[tilespmem:s30+$0x60] =	vst v2  }
0xd9: {  	[tilespmem:s30+$0x40] =	vst v1  }
0xda: {  	[tilespmem:s30+$0x50] =	vst v3  }
.LBB2_10:
0xdb: {  	[spmem:s1] =	stream.indirect.scatter.add.f32 [tilespmem:s14], [sflag:$0x3], $0x80, s20, s15, $0xb8;
	[tilespmem:$0x1F9C0] =	vst v63  }
0xdc: {  	_ =	swait.ge [sflag:s21], $0x3800  }
0xdd: {  	[sflag:s21] =	ssyncset.done $0x0  }
0xde: {  	[sflag:s21] =	ssyncadd.s32 $0xFFFFC800  }
0xdf: {  	_ =	swait.ge [sflag:s22], $0x3800  }
0xe0: {  	[sflag:s22] =	ssyncset.done $0x0  }
0xe1: {  	p1 =	seq.s32 s28, $0x2C;
	[sflag:s22] =	ssyncadd.s32 $0xFFFFC800  }
0xe2: {  	v1 =	vld @!p1 [tilespmem:s29+$0xE0];
	_ =	sdelay $0x4  }
0xe3: {  	v2 =	vand.u32 @!p1 $0x3FFF, v1  }
0xe4: {  	v1 =	vshrl.u32 @!p1 v1, $0xE;
	[tilespmem:$0x4F00] =	vst @!p1 v2  }
0xe5: {  	[tilespmem:$0x5000] =	vst @!p1 v1  }
0xe6: {  	v1 =	vld @!p1 [tilespmem:s29+$0xF0];
	_ =	sdelay $0x4  }
0xe7: {  	v2 =	vand.u32 @!p1 $0x3FFF, v1  }
0xe8: {  	v1 =	vshrl.u32 @!p1 v1, $0xE;
	[tilespmem:$0x4F10] =	vst @!p1 v2  }
0xe9: {  	[tilespmem:$0x5010] =	vst @!p1 v1  }
0xea: {  	v1 =	vld @!p1 [tilespmem:s29+$0x100];
	_ =	sdelay $0x4  }
0xeb: {  	v2 =	vand.u32 @!p1 $0x3FFF, v1  }
0xec: {  	v1 =	vshrl.u32 @!p1 v1, $0xE;
	[tilespmem:$0x4F20] =	vst @!p1 v2  }
0xed: {  	[tilespmem:$0x5020] =	vst @!p1 v1  }
0xee: {  	v1 =	vld @!p1 [tilespmem:s29+$0x110];
	_ =	sdelay $0x4  }
0xef: {  	v2 =	vand.u32 @!p1 $0x3FFF, v1  }
0xf0: {  	v1 =	vshrl.u32 @!p1 v1, $0xE;
	[tilespmem:$0x4F30] =	vst @!p1 v2  }
0xf1: {  	[tilespmem:$0x5030] =	vst @!p1 v1  }
0xf2: {  	v1 =	vld @!p1 [tilespmem:s29+$0x120];
	_ =	sdelay $0x4  }
0xf3: {  	v2 =	vand.u32 @!p1 $0x3FFF, v1  }
0xf4: {  	v1 =	vshrl.u32 @!p1 v1, $0xE;
	[tilespmem:$0x4F40] =	vst @!p1 v2  }
0xf5: {  	[tilespmem:$0x5040] =	vst @!p1 v1  }
0xf6: {  	v1 =	vld @!p1 [tilespmem:s29+$0x130];
	_ =	sdelay $0x4  }
0xf7: {  	v2 =	vand.u32 @!p1 $0x3FFF, v1  }
0xf8: {  	v1 =	vshrl.u32 @!p1 v1, $0xE;
	[tilespmem:$0x4F50] =	vst @!p1 v2  }
0xf9: {  	[tilespmem:$0x5050] =	vst @!p1 v1  }
0xfa: {  	v1 =	vld @!p1 [tilespmem:s29+$0x140];
	_ =	sdelay $0x4  }
0xfb: {  	v2 =	vand.u32 @!p1 $0x3FFF, v1  }
0xfc: {  	s0 =	sadd.s32 $0x70, s29;
	v1 =	vshrl.u32 @!p1 v1, $0xE;
	[tilespmem:$0x4F60] =	vst @!p1 v2  }
0xfd: {  	s2 =	simm.s32 @!p1 $0x70;
	s16 =	simm.s32 @!p1 $0x4F00;
	s29 =	simm.s32 @!p1 $0x5100;
	[tilespmem:$0x5060] =	vst @!p1 v1  }
0xfe: {  	[tilespmem:s29], [sflag:$0x1] =	stream.indirect.gather @!p1 [hbm4b:s4+s2], $0x80, s16, s2, $0xb8;
	[tilespmem:$0x1F9C0] =	vst v63  }
0xff: {  	v1 =	vld [tilespmem:s0+$0x2780]  }
0x100: {  	v2 =	vld [tilespmem:s0+$0x2790]  }
0x101: {  	v3 =	vld [tilespmem:s0+$0x27A0]  }
0x102: {  	v4 =	vld [tilespmem:s0+$0x27B0]  }
0x103: {  	v5 =	vld [tilespmem:s0+$0x27C0]  }
0x104: {  	v6 =	vld [tilespmem:s0+$0x27D0]  }
0x105: {  	vm0 =	veq.f32 v1, $1.000000000e+00;
	vm1 =	veq.f32 v2, $1.000000000e+00;
	v1 =	vld [tilespmem:s0+$0x27E0]  }
0x106: {  	vm11 =	veq.f32 v3, $1.000000000e+00;
	vm0 =	vmand vm0, vm1  }
0x107: {  	vm12 =	veq.f32 v4, $1.000000000e+00;
	vm0 =	vmand vm0, vm11  }
0x108: {  	vm13 =	veq.f32 v5, $1.000000000e+00;
	vm0 =	vmand vm0, vm12  }
0x109: {  	vm14 =	veq.f32 v6, $1.000000000e+00;
	vm0 =	vmand vm0, vm13  }
0x10a: {  	vm0 =	vmand vm0, vm14;
	vm15 =	veq.f32 v1, $1.000000000e+00  }
0x10b: {  	vm0 =	vmand vm0, vm15  }
0x10c: {  	v1 =	vsel vm0, $0x3F800000, v0  }
0x10d: {  	(xrf0) =	vmin.scan.msk.f32 $0xffff, v1;
	_ =	sdelay $0x5  }
0x10e: {  	v1, _, _ =	vpop (xrf0)  }
0x10f: {  	(v2sf) =	vpush v1, $0xF;
	_ =	sdelay $0xe  }
0x110: {  	s31 =	spop (v2sf)  }
0x111: {  	p1 =	sgt.f32 s31, $0.0e+00  }
.Ltmp8:
0x112: {  	_ = 	snop;
	(pc) =	sbr.rel @p1 .LBB2_14-.Ltmp8, $1  }
0x113: {  	_ =	sdelay $0x3  }
0x114: {  	s0 =	sadd.s32 $0xFFFFFFFE, s26  }
0x115: {  	s2 =	sadd.s32 $0x72, s0  }
0x116: {  	v1 =	vmov s2  }
0x117: {  	v1 =	vand.u32 $0xFFFFFFFE, v1  }
0x118: {  	v2 =	vbroadcast v1, $0x0;
	_ =	sdelay $0x3  }
0x119: {  	s29 =	simm.s32 $0x8980  }
0x11a: {  	v5 =	vld [tilespmem:s29+$0xFFFFFFF0]  }
0x11b: {  	v6 =	vld.idx.msk [tilespmem:v2+s13+$0x0], $0xffff  }
0x11c: {  	v7 =	vld [tilespmem:s29+$0xFFFFFF80]  }
0x11d: {  	v8 =	vld [tilespmem:s29+$0xFFFFFFA0]  }
0x11e: {  	v4 =	vld [tilespmem:s29+$0xFFFFFFB0]  }
0x11f: {  	v3 =	vld [tilespmem:s29+$0xFFFFFFD0]  }
0x120: {  	v10 =	vld [tilespmem:s29+$0xFFFFFF90];
	v5 =	vmul.f32 v5, v6  }
0x121: {  	v9 =	vld [tilespmem:s29+$0xFFFFFFE0];
	v7 =	vmul.f32 v7, v6  }
0x122: {  	v11 =	vld [tilespmem:s29+$0xFFFFFFC0];
	v8 =	vmul.f32 v8, v6;
	[tilespmem:s29+$0xFFFFFFF0] =	vst v5  }
0x123: {  	v4 =	vmul.f32 v4, v6;
	[tilespmem:s29+$0xFFFFFF80] =	vst v7  }
0x124: {  	s0 =	sadd.s32 $0x73, s0;
	v3 =	vmul.f32 v3, v6;
	[tilespmem:s29+$0xFFFFFFA0] =	vst v8  }
0x125: {  	v5 =	vmul.f32 v10, v6;
	[tilespmem:s29+$0xFFFFFFB0] =	vst v4;
	v7 =	vmov s0  }
0x126: {  	v1 =	vld [tilespmem:s29+$0x0];
	v4 =	vmul.f32 v9, v6;
	[tilespmem:s29+$0xFFFFFFD0] =	vst v3  }
0x127: {  	v2 =	vld [tilespmem:s29+$0x10];
	v3 =	vmul.f32 v11, v6;
	[tilespmem:s29+$0xFFFFFF90] =	vst v5  }
0x128: {  	[tilespmem:s29+$0xFFFFFFE0] =	vst v4;
	v5 =	vld [tilespmem:s29+$0x30]  }
0x129: {  	[tilespmem:s29+$0xFFFFFFC0] =	vst v3;
	v4 =	vld [tilespmem:s29+$0x70]  }
0x12a: {  	s30 =	simm.s32 $0x0;
	s0 =	simm.s32 $0x8980;
	v3 =	vld.idx.msk [tilespmem:v7+s13+$0x0], $0xffff  }
.LBB2_12:
0x12b: {  	v6 =	vld [tilespmem:s29+$0x20];
	s0 =	sadd.s32 $0x100, s0;
	s2 =	smov.u32 s30;
	s30 =	sadd.s32 $0x2, s30  }
0x12c: {  	p1 =	slt.u32 s30, $0x6E;
	v7 =	vld [tilespmem:s29+$0x40]  }
0x12d: {  	v8 =	vld [tilespmem:s29+$0x50]  }
0x12e: {  	v9 =	vld [tilespmem:s29+$0x60];
	_ =	sdelay $0x1  }
0x12f: {  	s2 =	sadd.s32 s2, s26;
	v1 =	vmul.f32 v1, v3;
	v2 =	vmul.f32 v2, v3  }
0x130: {  	s16 =	sadd.s32 $0x72, s2;
	s2 =	sadd.s32 $0x73, s2;
	v5 =	vmul.f32 v5, v3;
	v6 =	vmul.f32 v6, v3  }
0x131: {  	v10 =	vmov s16;
	v7 =	vmul.f32 v7, v3;
	[tilespmem:s29+$0x0] =	vst v1;
	v8 =	vmul.f32 v8, v3  }
0x132: {  	v10 =	vand.u32 $0xFFFFFFFE, v10;
	v1 =	vld [tilespmem:s0+$0x0];
	[tilespmem:s29+$0x30] =	vst v5;
	v5 =	vmul.f32 v9, v3;
	v3 =	vmul.f32 v4, v3  }
0x133: {  	v4 =	vbroadcast v10, $0x0;
	[tilespmem:s29+$0x10] =	vst v2  }
0x134: {  	[tilespmem:s29+$0x70] =	vst v3  }
0x135: {  	v3 =	vld [tilespmem:s0+$0xFFFFFFD0];
	[tilespmem:s29+$0x20] =	vst v6  }
0x136: {  	v6 =	vld [tilespmem:s0+$0xFFFFFFB0];
	[tilespmem:s29+$0x60] =	vst v5  }
0x137: {  	v5 =	vld [tilespmem:s0+$0xFFFFFFE0];
	[tilespmem:s29+$0x40] =	vst v7  }
0x138: {  	v7 =	vld [tilespmem:s0+$0xFFFFFFF0];
	[tilespmem:s29+$0x50] =	vst v8;
	s29 =	smov.u32 s0  }
0x139: {  	v4 =	vld.idx.msk [tilespmem:v4+s13+$0x0], $0xffff  }
0x13a: {  	v8 =	vld [tilespmem:s0+$0xFFFFFF80]  }
0x13b: {  	v9 =	vld [tilespmem:s0+$0xFFFFFFA0]  }
0x13c: {  	v10 =	vld [tilespmem:s0+$0xFFFFFF90]  }
0x13d: {  	v11 =	vld [tilespmem:s0+$0xFFFFFFC0]  }
0x13e: {  	v2 =	vld [tilespmem:s0+$0x10]  }
0x13f: {  	v7 =	vmul.f32 v7, v4;
	v8 =	vmul.f32 v8, v4  }
0x140: {  	v5 =	vmul.f32 v5, v4;
	v9 =	vmul.f32 v9, v4  }
0x141: {  	v6 =	vmul.f32 v6, v4;
	v10 =	vmul.f32 v10, v4;
	[tilespmem:s0+$0xFFFFFFF0] =	vst v7  }
0x142: {  	v3 =	vmul.f32 v3, v4;
	[tilespmem:s0+$0xFFFFFF80] =	vst v8;
	v7 =	vmul.f32 v11, v4  }
0x143: {  	[tilespmem:s0+$0xFFFFFFA0] =	vst v9  }
0x144: {  	[tilespmem:s0+$0xFFFFFFB0] =	vst v6;
	v6 =	vmov s2  }
.Ltmp9:
0x145: {  	[tilespmem:s0+$0xFFFFFFD0] =	vst v3;
	(pc) =	sbr.rel @p1 .LBB2_12-.Ltmp9, $4  }
0x146: {  	[tilespmem:s0+$0xFFFFFF90] =	vst v10  }
0x147: {  	[tilespmem:s0+$0xFFFFFFE0] =	vst v5;
	v5 =	vld [tilespmem:s0+$0x30]  }
0x148: {  	[tilespmem:s0+$0xFFFFFFC0] =	vst v7;
	v4 =	vld [tilespmem:s0+$0x70]  }
0x149: {  	v3 =	vld.idx.msk [tilespmem:v6+s13+$0x0], $0xffff  }
0x14a: {  	_ =	sdelay $0x1  }
0x14b: {  	v6 =	vld [tilespmem:s29+$0x20];
	_ =	sdelay $0x1  }
0x14c: {  	v7 =	vld [tilespmem:s29+$0x60];
	v1 =	vmul.f32 v1, v3  }
0x14d: {  	v8 =	vld [tilespmem:s29+$0x40];
	v5 =	vmul.f32 v5, v3  }
0x14e: {  	v9 =	vld [tilespmem:s29+$0x50];
	v2 =	vmul.f32 v2, v3;
	[tilespmem:s29+$0x0] =	vst v1  }
0x14f: {  	v63 =	vmul.f32 v6, v3;
	[tilespmem:s29+$0x30] =	vst v5  }
0x150: {  	v1 =	vmul.f32 v4, v3;
	[tilespmem:s29+$0x10] =	vst v2  }
.Ltmp10:
0x151: {  	v2 =	vmul.f32 v7, v3;
	[tilespmem:s29+$0x20] =	vst v63;
	(pc) =	sbr.rel .LBB2_14-.Ltmp10, $4  }
0x152: {  	[tilespmem:s29+$0x70] =	vst v1;
	v1 =	vmul.f32 v8, v3  }
0x153: {  	v3 =	vmul.f32 v9, v3;
	[tilespmem:s29+$0x60] =	vst v2  }
0x154: {  	[tilespmem:s29+$0x40] =	vst v1  }
0x155: {  	[tilespmem:s29+$0x50] =	vst v3  }
.LBB2_16:
0x156: {  	_ =	sfence.sel $0x180000  }
0x157: {  	[bflag:$0x0] =	sbarrier.arrive $0xFFFF  }
0x158: {  	_ =	strace $0x9000004A  }
0x159: {  	s0 =	stileid.u32;
	[bflag:$0x2] =	sbarrier.arrive $0xFFFF  }
0x15a: {  	p0 =	sne.s32 s0, $0x0;
	s0 =	rddreg [dreg:$0x3]  }
0x15b: {  	s0 =	sadd.s32 @!p0 $0x100000, s0  }
0x15c: {  	[sflag:s0] =	ssyncadd.tile.s32 @!p0 $0x1;
	_ =	shalt  }
.Lfunc_end2:
_tile_overlayer_lowered:
.L_overlay_start_2:
0x15d: {  	(tag) =	ssettag $0x2  }
0x15e: {  	s0 =	rddreg [dreg:$0x0];
	s2 =	stileid.u32  }
0x15f: {  	s1 =	rddreg [dreg:$0x1];
	p0 =	sne.s32 s2, $0x0  }
0x160: {  	s3 =	rddreg [dreg:$0x2];
	[bflag:$0x3] =	sbarrier.arrive $0xFFFF;
	s2 =	simm.s32 @!p0 $0x1C05  }
0x161: {  	[timem:s3], [sflag:s2] =	dma.local @!p0 [hbm:s0], s1  }
0x162: {  	s0 =	simm.s32 @!p0 $0x5  }
0x163: {  	_ =	swait.ge @!p0 [sflag:s0], s1  }
0x164: {  	s1 =	ssub.s32 @!p0 $0x0, s1;
	[sflag:s0] =	ssyncset.done @!p0 $0x0  }
0x165: {  	[sflag:s0] =	ssyncadd.s32 @!p0 s1  }
0x166: {  	[bflag:$0x3] =	sbarrier.arrive $0xFFFF  }
0x167: {  	_ =	shalt  }

// kernel: kernel.15.cloned.1.call-start
scs
__scs_entry_jumppad:
0x0: {  	(pc) =	sbr.rel $0x88, $3  }
0x1: {  	(tag) =	ssettag $0x0;
	lr =	simm.s32 $0x1  }
0x2: {  	[smem:$0x3F90] =	sst lr;
	_ =	strace $0xD0000000  }
0x3: {  	_ = 	snop  }
0x4: {  	_ = 	snop  }
0x5: {  	_ = 	snop  }
0x6: {  	_ = 	snop  }
0x7: {  	_ = 	snop  }
__scs_overlays_trampoline_lowered:
0x8: {  	[smem:$0x3F9F] =	sst s0  }
0x9: {  	[smem:$0x3FA0] =	sst s1  }
0xa: {  	[smem:$0x3FA1] =	sst s2  }
0xb: {  	[smem:$0x3FA2] =	sst s3  }
0xc: {  	[smem:$0x3FA3] =	sst s4  }
0xd: {  	[smem:$0x3FA4] =	sst s5  }
0xe: {  	[smem:$0x3FA5] =	sst s6  }
0xf: {  	[smem:$0x3FA6] =	sst s7  }
0x10: {  	[smem:$0x3FA7] =	sst s8  }
0x11: {  	[smem:$0x3FA8] =	sst s9;
	s0 =	simm.s32 @!p0 $0x0  }
0x12: {  	s1 =	sld [smem:$0x3F8E];
	s0 =	simm.s32 @p0 $0x1  }
0x13: {  	[smem:$0x3FA9] =	sst s0;
	s0 =	simm.s32 @!p1 $0x0  }
0x14: {  	s2 =	sld [smem:$0x3F8D];
	s0 =	simm.s32 @p1 $0x1  }
0x15: {  	[smem:$0x3FAA] =	sst s0;
	s0 =	simm.s32 @!p2 $0x0  }
0x16: {  	s3 =	sld [smem:$0x3FDB];
	s0 =	simm.s32 @p2 $0x1  }
0x17: {  	s4 =	simm.s32 $0x1BF5;
	[smem:$0x3FAC] =	sst s0  }
0x18: {  	s0 =	sld [smem:$0x3F8F];
	_ =	swait.ge [sflag:s4], $0x0  }
0x19: {  	s7 =	sld [smem:$0x3F90]  }
0x1a: {  	s8 =	sadd.s32 $0xFFFFE003, lr  }
0x1b: {  	s9 =	sadd.s32 $0xFFFFFEF7, lr;
	s5 =	simm.s32 $0xFFFFFFFF;
	p2 =	slt.u32 s8, $0xFFFFF086  }
0x1c: {  	p1 =	slt.u32 s9, $0xF7A;
	s5 =	simm.s32 @!p2 $0x0  }
0x1d: {  	s5 =	simm.s32 @p1 $0x1;
	p0 =	seq.s32 s7, s2  }
0x1e: {  	s7 =	smul.u32 @!p0 $0xF7A, s2;
	p2 =	seq.s32 @!p0 s5, $0x0  }
0x1f: {  	s9 =	smul.u32 $0xF7A, s1;
	s8 =	simm.s32 @!p0 $0x1BF5;
	p2 =	por !p2, p0  }
0x20: {  	[sflag:s8] =	ssyncset.s32 @!p0 $0xFFFFF086;
	s6 =	sadd.s32 @!p0 s3, s7;
	s7 =	simm.s32 @!p0 $0x108  }
0x21: {  	s3 =	sadd.s32 s3, s9;
	s6 =	sadd.s32 @!p0 $0x88, s6;
	s7 =	simm.s32 @p2 $0x1082  }
0x22: {  	[simem:s7], [sflag:s8] =	dma.local @!p0 [hbm:s6], $0xF7A  }
0x23: {  	s9 =	sor.u32 $0xD0000000, s2;
	s6 =	simm.s32 $0x108;
	_ =	swait.ge @!p0 [sflag:s8], $0x0  }
0x24: {  	s3 =	sadd.s32 $0x88, s3;
	s6 =	simm.s32 @!p1 $0x1082;
	[sflag:s4] =	ssyncset.s32 $0xFFFFF086  }
0x25: {  	[simem:s6], [sflag:s4] =	dma.local [hbm:s3], $0xF7A  }
0x26: {  	[smem:$0x3F90] =	sst s1;
	(tag) =	ssettag s2;
	_ =	strace s9  }
0x27: {  	s1 =	sld [smem:$0x3FA0]  }
0x28: {  	s2 =	sld [smem:$0x3FA1]  }
0x29: {  	s4 =	sld [smem:$0x3FA3]  }
0x2a: {  	p0 =	seq.s32 s5, $0x0;
	s5 =	sld [smem:$0x3FA4]  }
0x2b: {  	s6 =	sld [smem:$0x3FA5]  }
0x2c: {  	s7 =	sld [smem:$0x3FA6]  }
0x2d: {  	s3 =	simm.s32 $0x108;
	s8 =	sld [smem:$0x3FA7]  }
0x2e: {  	s3 =	simm.s32 @!p0 $0x1082;
	s9 =	sld [smem:$0x3FA8]  }
0x2f: {  	lr =	sadd.s32 s0, s3;
	s0 =	sld [smem:$0x3F9F]  }
0x30: {  	s3 =	sld [smem:$0x3FA2]  }
0x31: {  	[smem:$0x3FAB] =	sst s10  }
0x32: {  	s10 =	sld [smem:$0x3FA9];
	_ =	sdelay $0x3  }
0x33: {  	p0 =	seq.s32 s10, $0x1;
	s10 =	sld [smem:$0x3FAB];
	_ =	sdelay $0x3  }
0x34: {  	[smem:$0x3FAB] =	sst s10  }
0x35: {  	s10 =	sld [smem:$0x3FAA];
	_ =	sdelay $0x3  }
0x36: {  	p1 =	seq.s32 s10, $0x1;
	s10 =	sld [smem:$0x3FAB];
	_ =	sdelay $0x3  }
0x37: {  	[smem:$0x3FAB] =	sst s10  }
0x38: {  	s10 =	sld [smem:$0x3FAC]  }
0x39: {  	_ = 	snop;
	(pc) =	sbr.ind lr, $3  }
0x3a: {  	_ = 	snop  }
0x3b: {  	_ = 	snop  }
0x3c: {  	p2 =	seq.s32 s10, $0x1;
	s10 =	sld [smem:$0x3FAB]  }
0x3d: {  	_ =	shalt  }
0x3e: {  	_ =	shalt  }
0x3f: {  	_ =	shalt  }
0x40: {  	_ =	shalt  }
0x41: {  	_ =	shalt  }
0x42: {  	_ =	shalt  }
0x43: {  	_ =	shalt  }
0x44: {  	_ =	shalt  }
0x45: {  	_ =	shalt  }
0x46: {  	_ =	shalt  }
0x47: {  	_ =	shalt  }
0x48: {  	_ =	shalt  }
0x49: {  	_ =	shalt  }
0x4a: {  	_ =	shalt  }
0x4b: {  	_ =	shalt  }
0x4c: {  	_ =	shalt  }
0x4d: {  	_ =	shalt  }
0x4e: {  	_ =	shalt  }
0x4f: {  	_ =	shalt  }
0x50: {  	_ =	shalt  }
0x51: {  	_ =	shalt  }
0x52: {  	_ =	shalt  }
0x53: {  	_ =	shalt  }
0x54: {  	_ =	shalt  }
0x55: {  	_ =	shalt  }
0x56: {  	_ =	shalt  }
0x57: {  	_ =	shalt  }
0x58: {  	_ =	shalt  }
0x59: {  	_ =	shalt  }
0x5a: {  	_ =	shalt  }
0x5b: {  	_ =	shalt  }
0x5c: {  	_ =	shalt  }
0x5d: {  	_ =	shalt  }
0x5e: {  	_ =	shalt  }
0x5f: {  	_ =	shalt  }
0x60: {  	_ =	shalt  }
0x61: {  	_ =	shalt  }
0x62: {  	_ =	shalt  }
0x63: {  	_ =	shalt  }
0x64: {  	_ =	shalt  }
0x65: {  	_ =	shalt  }
0x66: {  	_ =	shalt  }
0x67: {  	_ =	shalt  }
0x68: {  	_ =	shalt  }
0x69: {  	_ =	shalt  }
0x6a: {  	_ =	shalt  }
0x6b: {  	_ =	shalt  }
0x6c: {  	_ =	shalt  }
0x6d: {  	_ =	shalt  }
0x6e: {  	_ =	shalt  }
0x6f: {  	_ =	shalt  }
0x70: {  	_ =	shalt  }
0x71: {  	_ =	shalt  }
0x72: {  	_ =	shalt  }
0x73: {  	_ =	shalt  }
0x74: {  	_ =	shalt  }
0x75: {  	_ =	shalt  }
0x76: {  	_ =	shalt  }
0x77: {  	_ =	shalt  }
0x78: {  	_ =	shalt  }
0x79: {  	_ =	shalt  }
0x7a: {  	_ =	shalt  }
0x7b: {  	_ =	shalt  }
0x7c: {  	_ =	shalt  }
0x7d: {  	_ =	shalt  }
0x7e: {  	_ =	shalt  }
0x7f: {  	_ =	shalt  }
0x80: {  	_ =	shalt  }
0x81: {  	_ =	shalt  }
0x82: {  	_ =	shalt  }
0x83: {  	_ =	shalt  }
0x84: {  	_ =	shalt  }
0x85: {  	_ =	shalt  }
0x86: {  	_ =	shalt  }
0x87: {  	_ =	shalt  }
.Lfunc_end0:
.L_simem_size_0:
called_computation.2_lowered:
.L_overlay_start_0:
0x88: {  	s2 =	sld [smem:$0x3FD9]  }
0x89: {  	s3 =	sld [smem:$0x3FFE];
	_ =	sdelay $0x1  }
0x8a: {  	s1 =	srdreg.scid  }
0x8b: {  	s0 =	sand.u32 $0x1, s1  }
0x8c: {  	s17 =	sshll.u32 s0, $0xA;
	s2 =	sadd.s32 s3, s2  }
0x8d: {  	s2 =	sadd.s32 s2, s17  }
0x8e: {  	[smem:$0x3FB7] =	sst s2  }
0x8f: {  	_ = 	snop  }
0x90: {  	s2 =	sld [smem:$0x3FD0];
	(tm) =	ssettm $0x1  }
0x91: {  	s18 =	sld [smem:$0x3FFB];
	_ =	sdelay $0x3  }
0x92: {  	_ =	strace s18  }
0x93: {  	s3 =	sld [smem:$0x3FFC];
	_ =	sdelay $0x3  }
0x94: {  	_ =	strace s3  }
0x95: {  	s3 =	sld [smem:$0x3FFD];
	_ =	sdelay $0x3  }
0x96: {  	_ =	strace s3  }
0x97: {  	_ =	strace $0x8FFFFFFF  }
0x98: {  	s19 =	sld [smem:$0x3FDB];
	_ =	sdelay $0x1  }
0x99: {  	s4 =	simm.s32 $_scs_section_size  }
0x9a: {  	s5 =	simm.s32 $_size__tile_overlayer_lowered;
	s6 =	simm.s32 $_tile_overlayer_lowered  }
0x9b: {  	s22 =	simm.s32 $0x1BFF;
	s21 =	sshll.u32 s6, $0x1;
	s3 =	sadd.s32 s4, s19  }
0x9c: {  	s7 =	simm.s32 $0x0;
	s20 =	sshll.u32 s5, $0x1;
	s5 =	sadd.s32 s21, s3  }
0x9d: {  	[timem:s7], [sflag:s22] =	dma.local [hbm:s5], s20  }
0x9e: {  	_ =	swait.ge [sflag:s22], s20  }
0x9f: {  	s4 =	ssub.s32 $0x0, s20;
	[sflag:s22] =	ssyncset.done $0x0  }
0xa0: {  	[sflag:s22] =	ssyncadd.s32 s4;
	_ =	sdelay $0x1  }
0xa1: {  	s23 =	simm.s32 $0x1B8B  }
0xa2: {  	_ =	swait.ge [sflag:s23], $0x1  }
0xa3: {  	[sflag:s23] =	ssyncset.done $0x0  }
0xa4: {  	s25 =	simm.s32 $0x1B8E;
	s24 =	sld [smem:$0x3FFE];
	[sflag:s23] =	ssyncadd.s32 $0xFFFFFFFF  }
0xa5: {  	s26 =	simm.s32 $execute0_lowered;
	[smem:$0x3FD2] =	sst s25  }
0xa6: {  	s5 =	sshll.u32 s26, $0x1;
	_ =	strace $0x8000004C;
	[dreg:$0x1] =	wrdreg $0xFFFFFFFF  }
0xa7: {  	s28 =	simm.s32 $_size_execute0_lowered;
	s3 =	sadd.s32 s3, s5;
	[dreg:$0x0] =	wrdreg $0x0  }
0xa8: {  	s5 =	sshll.u32 s28, $0x1;
	[dreg:$0x2] =	wrdreg s3  }
0xa9: {  	[dreg:$0x3] =	wrdreg s5  }
0xaa: {  	[dreg:$0x4] =	wrdreg $0xC0  }
0xab: {  	_ =	task [dreg:s7], $0x5FFFF  }
0xac: {  	[dreg:$0x1] =	wrdreg $0xFFFFFFFF  }
0xad: {  	[dreg:$0x0] =	wrdreg $0x60  }
0xae: {  	[dreg:$0x2] =	wrdreg s24  }
0xaf: {  	[dreg:$0x3] =	wrdreg s2  }
0xb0: {  	[dreg:$0x4] =	wrdreg $0xC1000  }
0xb1: {  	[dreg:$0x5] =	wrdreg $0x9  }
0xb2: {  	_ =	task.clear_ibuf [dreg:s7], $0x6FFFF;
	_ =	strace $0x9000004C  }
0xb3: {  	s29 =	simm.s32 $0x9;
	_ =	strace $0x8000004E  }
0xb4: {  	_ =	swait.ge [sflag:s29], $0x1  }
0xb5: {  	[sflag:s29] =	ssyncadd.s32 $0xFFFFFFFF  }
0xb6: {  	_ =	strace $0x9000004E  }
0xb7: {  	_ =	sfence  }
0xb8: {  	s30 =	sld [smem:$0x0];
	_ =	sdelay $0x2  }
0xb9: {  	s31 =	sshll.u32 s1, $0xD;
	s1 =	sshrl.u32 s1, $0x2  }
0xba: {  	s3 =	sand.u32 $0x4000, s31;
	s1 =	sadd.s32 s1, s30  }
0xbb: {  	s0 =	sor.u32 s3, s0;
	s1 =	sshll.u32 s1, $0x11  }
0xbc: {  	s0 =	sor.u32 s1, s0  }
0xbd: {  	s0 =	sadd.s32 $0x8F2B, s0  }
0xbe: {  	[sflag:s0] =	ssyncadd.remote.s32 $0x1  }
0xbf: {  	_ =	sfence.sel $0xFFFF  }
0xc0: {  	[dreg:$0x0] =	wrdreg $0xFFFFFFFF;
	(pc) =	sbr.abs _section_cstart, $3  }
0xc1: {  	[dreg:$0x1] =	wrdreg $0xFFFFFFFF  }
0xc2: {  	_ =	task.clear_ibuf [dreg:s7], $0x2FFFF;
	_ =	strace $0x9FFFFFFF  }
0xc3: {  	(tm) =	ssettm $0x7FFFFFFF  }
tec
execute0_lowered:
.L_overlay_start_1:
0x0: {  	(tag) =	ssettag $0x1  }
0x1: {  	s0 =	rddreg [dreg:$0x0]  }
0x2: {  	s5 =	rddreg [dreg:$0x1]  }
0x3: {  	s1 =	rddreg [dreg:$0x2]  }
0x4: {  	s2 =	srdreg.scid;
	s3 =	simm.s32 $0x0;
	s26 =	stileid.u32  }
0x5: {  	s13 =	simm.s32 $0x2780;
	s14 =	simm.s32 $0x5100;
	s15 =	simm.s32 $0x70  }
0x6: {  	s17 =	simm.s32 $0x1;
	s18 =	simm.s32 $0x4F80;
	s19 =	simm.s32 $0x8900  }
0x7: {  	s20 =	simm.s32 $0x5000;
	s21 =	simm.s32 $0x2;
	s22 =	simm.s32 $0x3  }
0x8: {  	s23 =	simm.s32 $0x5080;
	s24 =	simm.s32 $0x4;
	s25 =	simm.s32 $0x0  }
0x9: {  	s6 =	sand.u32 $0x1, s2;
	[smem:$0x7FF] =	sst s3;
	s9 =	smul.u32 $0x4E000, s26  }
0xa: {  	s28 =	smul.u32 $0x13800, s26;
	p0 =	sne.s32 s26, $0xF;
	s4 =	sshll.u32 s6, $0x4  }
0xb: {  	_ =	strace $0x8000004D;
	s8 =	ssub.s32 $0x2, s6;
	s12 =	smul.u32 $0x138800, s6  }
0xc: {  	s4 =	sor.u32 s26, s4;
	s11 =	sshrl.u32 s8, $0x1;
	s29 =	sshrl.u32 s9, $0x2  }
0xd: {  	s7 =	smul.u32 $0x4EC, s4;
	s4 =	sadd.s32 $0xCE00, s0;
	s11 =	ssub.s32 s8, s11  }
.Ltmp0:
0xe: {  	s30 =	sadd.s32 s28, s12;
	s31 =	sshrl.u32 s12, $0x3;
	(pc) =	sbr.rel .LBB2_1-.Ltmp0, $4  }
0xf: {  	s8 =	sadd.s32 $0x138000, s1;
	s12 =	simm.s32 $0x5;
	s9 =	sshrl.u32 s30, $0x3  }
0x10: {  	s11 =	smax.u32 s11, $0x1;
	s10 =	sadd.s32 s7, s0;
	s0 =	sadd.s32 $0x34000, s0  }
0x11: {  	s5 =	sadd.s32 s5, s7;
	s6 =	sadd.s32 $0x3000, s10;
	s10 =	sadd.s32 s0, s31  }
0x12: {  	v0 =	vimm.f32 $0.0e+00;
	s7 =	sadd.s32 s29, s1;
	s9 =	sadd.s32 s0, s9;
	s10 =	sadd.s32 $0x27000, s10  }
.LBB2_15:
0x13: {  	_ =	swait.ge [sflag:s24], $0x3800  }
0x14: {  	s0 =	stileid.u32;
	[sflag:s24] =	ssyncset.done $0x0  }
0x15: {  	s0 =	sshll.u32 s0, $0x6;
	[sflag:s24] =	ssyncadd.s32 $0xFFFFC800  }
0x16: {  	s2 =	sshrl.u32 s7, $0x3;
	s0 =	sor.u32 $0x1C05, s0;
	[bflag:$0x0] =	sbarrier.arrive $0xFFFF  }
0x17: {  	[hbm:s9], [sflag:s0] =	dma.local [spmem:s2], $0x2700  }
0x18: {  	_ =	swait.ge [sflag:s12], $0x2700  }
0x19: {  	s25 =	sadd.s32 $0x1, s25;
	[sflag:s12] =	ssyncset.done $0x0  }
0x1a: {  	p1 =	sne.s32 s25, s11;
	s2 =	sshrl.u32 @!p0 s8, $0x3;
	[sflag:s12] =	ssyncadd.s32 $0xFFFFD900  }
0x1b: {  	[hbm:s10], [sflag:s0] =	dma.local @!p0 [spmem:s2], $0x100  }
.Ltmp1:
0x1c: {  	_ = 	snop;
	(pc) =	sbr.rel @!p1 .LBB2_16-.Ltmp1, $4  }
0x1d: {  	s0 =	simm.s32 @!p0 $0x5  }
0x1e: {  	_ =	swait.ge @!p0 [sflag:s0], $0x100  }
0x1f: {  	[sflag:s0] =	ssyncset.done @!p0 $0x0  }
0x20: {  	[sflag:s0] =	ssyncadd.s32 @!p0 $0xFFFFFF00  }
.LBB2_1:
0x21: {  	[tilespmem:s3], [sflag:$0x5] =	stream.linear.gather [hbm4b:s5+s3], $0x2760, $0x38;
	[tilespmem:$0x1F9C0] =	vst v63  }
0x22: {  	_ =	swait.ge [sflag:s12], $0x2760  }
0x23: {  	[sflag:s12] =	ssyncset.done $0x0  }
0x24: {  	[sflag:s12] =	ssyncadd.s32 $0xFFFFD8A0  }
0x25: {  	[tilespmem:s13], [sflag:$0x5] =	stream.linear.gather [hbm4b:s6+s3], $0x2760, $0x38;
	[tilespmem:$0x1F9C0] =	vst v63  }
0x26: {  	_ =	swait.ge [sflag:s12], $0x2760  }
0x27: {  	[sflag:s12] =	ssyncset.done $0x0  }
0x28: {  	s0 =	simm.s32 $0x0;
	s26 =	simm.s32 $0x200;
	[sflag:s12] =	ssyncadd.s32 $0xFFFFD8A0  }
.LBB2_2:
0x29: {  	p1 =	sne.s32 s26, $0x1E00;
	[tilespmem:s0+$0x5170] =	vst v0  }
0x2a: {  	[tilespmem:s0+$0x5100] =	vst v0  }
0x2b: {  	[tilespmem:s0+$0x5110] =	vst v0  }
.Ltmp2:
0x2c: {  	[tilespmem:s0+$0x5120] =	vst v0;
	(pc) =	sbr.rel @p1 .LBB2_2-.Ltmp2, $4  }
0x2d: {  	[tilespmem:s0+$0x5130] =	vst v0  }
0x2e: {  	[tilespmem:s0+$0x5140] =	vst v0  }
0x2f: {  	[tilespmem:s0+$0x5150] =	vst v0  }
0x30: {  	[tilespmem:s0+$0x5160] =	vst v0;
	s0 =	sshra.s32 s26, $0x2;
	s26 =	sadd.s32 $0x200, s26  }
0x31: {  	[tilespmem:s0+$0x5170] =	vst v0  }
0x32: {  	[tilespmem:s0+$0x5100] =	vst v0  }
0x33: {  	[tilespmem:s0+$0x5110] =	vst v0  }
0x34: {  	[tilespmem:s0+$0x5120] =	vst v0  }
0x35: {  	[tilespmem:s0+$0x5130] =	vst v0  }
0x36: {  	[tilespmem:s0+$0x5140] =	vst v0  }
0x37: {  	[tilespmem:s0+$0x5150] =	vst v0  }
0x38: {  	[tilespmem:s0+$0x5160] =	vst v0;
	s31 =	sadd.s32 $0x0, s7  }
0x39: {  	[spmem:s31] =	stream.linear.scatter [tilespmem:s14], [sflag:$0x5], $0x800, $0x38;
	[tilespmem:$0x1F9C0] =	vst v63  }
0x3a: {  	s0 =	simm.s32 $0x2000;
	_ =	swait.ge [sflag:s12], $0x800  }
.LBB2_4:
0x3b: {  	s26 =	sshra.s32 s0, $0x2;
	[sflag:s12] =	ssyncset.done $0x0;
	p1 =	sne.s32 s0, $0x4C000  }
.Ltmp3:
0x3c: {  	s26 =	sadd.s32 s26, s7;
	[sflag:s12] =	ssyncadd.s32 $0xFFFFF800;
	(pc) =	sbr.rel @p1 .LBB2_4-.Ltmp3, $3  }
0x3d: {  	[spmem:s26] =	stream.linear.scatter [tilespmem:s14], [sflag:$0x5], $0x800, $0x38;
	[tilespmem:$0x1F9C0] =	vst v63  }
0x3e: {  	s0 =	sadd.s32 $0x2000, s0;
	_ =	sdelay $0x1  }
0x3f: {  	_ =	swait.ge [sflag:s12], $0x800  }
0x40: {  	[sflag:s12] =	ssyncset.done $0x0  }
0x41: {  	s0 =	simm.s32 @!p0 $0x5100;
	[sflag:s12] =	ssyncadd.s32 $0xFFFFF800  }
0x42: {  	[spmem:s8] =	stream.linear.scatter @!p0 [tilespmem:s0], [sflag:$0x5], $0x800, $0x38;
	[tilespmem:$0x1F9C0] =	vst v63  }
0x43: {  	s0 =	simm.s32 @!p0 $0x5  }
0x44: {  	_ =	swait.ge @!p0 [sflag:s0], $0x800  }
0x45: {  	[sflag:s0] =	ssyncset.done @!p0 $0x0  }
0x46: {  	[sflag:s0] =	ssyncadd.s32 @!p0 $0xFFFFF800  }
0x47: {  	[bflag:$0x0] =	sbarrier.arrive $0xFFFF  }
0x48: {  	v1 =	vld [tilespmem:$0x0];
	_ =	sdelay $0x1  }
0x49: {  	v2 =	vld [tilespmem:$0x10];
	_ =	sdelay $0x1  }
0x4a: {  	v3 =	vld [tilespmem:$0x20]  }
0x4b: {  	v4 =	vand.u32 $0x3FFF, v1  }
0x4c: {  	v62 =	vld [tilespmem:$0x30];
	v1 =	vshrl.u32 v1, $0xE;
	[tilespmem:$0x4F00] =	vst v4  }
0x4d: {  	[tilespmem:$0x5000] =	vst v1;
	v1 =	vand.u32 $0x3FFF, v2  }
0x4e: {  	[tilespmem:$0x4F10] =	vst v1;
	v1 =	vshrl.u32 v2, $0xE;
	v2 =	vld [tilespmem:$0x40]  }
0x4f: {  	[tilespmem:$0x5010] =	vst v1;
	v1 =	vand.u32 $0x3FFF, v3  }
0x50: {  	[tilespmem:$0x4F20] =	vst v1;
	v1 =	vshrl.u32 v3, $0xE;
	v3 =	vld [tilespmem:$0x50]  }
0x51: {  	[tilespmem:$0x5020] =	vst v1;
	v1 =	vand.u32 $0x3FFF, v62  }
0x52: {  	v63 =	vld [tilespmem:$0x60];
	[tilespmem:$0x4F30] =	vst v1;
	v1 =	vshrl.u32 v62, $0xE  }
0x53: {  	[tilespmem:$0x5030] =	vst v1;
	v1 =	vand.u32 $0x3FFF, v2  }
0x54: {  	[tilespmem:$0x4F40] =	vst v1;
	v1 =	vshrl.u32 v2, $0xE  }
0x55: {  	[tilespmem:$0x5040] =	vst v1;
	v1 =	vand.u32 $0x3FFF, v3  }
.Ltmp4:
0x56: {  	[tilespmem:$0x4F50] =	vst v1;
	v1 =	vshrl.u32 v3, $0xE;
	(pc) =	sbr.rel .LBB2_6-.Ltmp4, $4  }
0x57: {  	[tilespmem:$0x5050] =	vst v1;
	v1 =	vand.u32 $0x3FFF, v63  }
0x58: {  	[tilespmem:$0x4F60] =	vst v1;
	v1 =	vshrl.u32 v63, $0xE  }
0x59: {  	s31 =	simm.s32 $0x4F00;
	s26 =	simm.s32 $0x0;
	s28 =	simm.s32 $0x0;
	[tilespmem:$0x5060] =	vst v1  }
0x5a: {  	[tilespmem:s14], [sflag:$0x1] =	stream.indirect.gather [hbm4b:s4+s15], $0x80, s31, s15, $0xb8;
	[tilespmem:$0x1F9C0] =	vst v63  }
.LBB2_14:
0x5b: {  	s28 =	sadd.s32 $0x1, s28  }
0x5c: {  	p1 =	sne.s32 s28, $0x2D  }
.Ltmp5:
0x5d: {  	_ = 	snop;
	(pc) =	sbr.rel @!p1 .LBB2_15-.Ltmp5, $3  }
0x5e: {  	_ =	sdelay $0x1  }
0x5f: {  	[spmem:s1] =	stream.indirect.scatter.add.f32 [tilespmem:s19], [sflag:$0x4], $0x80, s23, s15, $0xb8;
	[tilespmem:$0x1F9C0] =	vst v63  }
0x60: {  	s26 =	sadd.s32 $0xE0, s26  }
.LBB2_6:
0x61: {  	_ =	swait.ge [sflag:s17], $0x3800  }
0x62: {  	p1 =	seq.s32 s28, $0x0;
	[sflag:s17] =	ssyncset.done $0x0  }
0x63: {  	s0 =	simm.s32 @!p1 $0x4;
	[sflag:s17] =	ssyncadd.s32 $0xFFFFC800  }
0x64: {  	_ =	swait.ge @!p1 [sflag:s0], $0x3800  }
0x65: {  	s29 =	smul.u32 $0xE0, s28;
	[sflag:s0] =	ssyncset.done @!p1 $0x0  }
0x66: {  	[sflag:s0] =	ssyncadd.s32 @!p1 $0xFFFFC800  }
0x67: {  	v1 =	vld [tilespmem:s29+$0x70];
	_ =	sdelay $0x4  }
0x68: {  	v2 =	vand.u32 $0x3FFF, v1  }
0x69: {  	v1 =	vshrl.u32 v1, $0xE;
	[tilespmem:$0x4F80] =	vst v2  }
0x6a: {  	[tilespmem:$0x5080] =	vst v1  }
0x6b: {  	v1 =	vld [tilespmem:s29+$0x80];
	_ =	sdelay $0x4  }
0x6c: {  	v2 =	vand.u32 $0x3FFF, v1  }
0x6d: {  	v1 =	vshrl.u32 v1, $0xE;
	[tilespmem:$0x4F90] =	vst v2  }
0x6e: {  	[tilespmem:$0x5090] =	vst v1  }
0x6f: {  	v1 =	vld [tilespmem:s29+$0x90];
	_ =	sdelay $0x4  }
0x70: {  	v2 =	vand.u32 $0x3FFF, v1  }
0x71: {  	v1 =	vshrl.u32 v1, $0xE;
	[tilespmem:$0x4FA0] =	vst v2  }
0x72: {  	[tilespmem:$0x50A0] =	vst v1  }
0x73: {  	v1 =	vld [tilespmem:s29+$0xA0];
	_ =	sdelay $0x4  }
0x74: {  	v2 =	vand.u32 $0x3FFF, v1  }
0x75: {  	v1 =	vshrl.u32 v1, $0xE;
	[tilespmem:$0x4FB0] =	vst v2  }
0x76: {  	[tilespmem:$0x50B0] =	vst v1  }
0x77: {  	v1 =	vld [tilespmem:s29+$0xB0];
	_ =	sdelay $0x4  }
0x78: {  	v2 =	vand.u32 $0x3FFF, v1  }
0x79: {  	v1 =	vshrl.u32 v1, $0xE;
	[tilespmem:$0x4FC0] =	vst v2  }
0x7a: {  	[tilespmem:$0x50C0] =	vst v1  }
0x7b: {  	v1 =	vld [tilespmem:s29+$0xC0];
	_ =	sdelay $0x4  }
0x7c: {  	v2 =	vand.u32 $0x3FFF, v1  }
0x7d: {  	v1 =	vshrl.u32 v1, $0xE;
	[tilespmem:$0x4FD0] =	vst v2  }
0x7e: {  	[tilespmem:$0x50D0] =	vst v1  }
0x7f: {  	v1 =	vld [tilespmem:s29+$0xD0];
	_ =	sdelay $0x4  }
0x80: {  	v2 =	vand.u32 $0x3FFF, v1  }
0x81: {  	v1 =	vshrl.u32 v1, $0xE;
	[tilespmem:$0x4FE0] =	vst v2  }
0x82: {  	[tilespmem:$0x50E0] =	vst v1  }
0x83: {  	[tilespmem:s19], [sflag:$0x2] =	stream.indirect.gather [hbm4b:s4+s15], $0x80, s18, s15, $0xb8;
	[tilespmem:$0x1F9C0] =	vst v63  }
0x84: {  	v1 =	vld [tilespmem:s29+$0x2780]  }
0x85: {  	v2 =	vld [tilespmem:s29+$0x2790]  }
0x86: {  	v3 =	vld [tilespmem:s29+$0x27A0]  }
0x87: {  	v4 =	vld [tilespmem:s29+$0x27B0]  }
0x88: {  	v5 =	vld [tilespmem:s29+$0x27C0]  }
0x89: {  	v6 =	vld [tilespmem:s29+$0x27D0]  }
0x8a: {  	vm0 =	veq.f32 v1, $1.000000000e+00;
	vm1 =	veq.f32 v2, $1.000000000e+00;
	v1 =	vld [tilespmem:s29+$0x27E0]  }
0x8b: {  	vm11 =	veq.f32 v3, $1.000000000e+00;
	vm0 =	vmand vm0, vm1  }
0x8c: {  	vm12 =	veq.f32 v4, $1.000000000e+00;
	vm0 =	vmand vm0, vm11  }
0x8d: {  	vm13 =	veq.f32 v5, $1.000000000e+00;
	vm0 =	vmand vm0, vm12  }
0x8e: {  	vm14 =	veq.f32 v6, $1.000000000e+00;
	vm0 =	vmand vm0, vm13  }
0x8f: {  	vm0 =	vmand vm0, vm14;
	vm15 =	veq.f32 v1, $1.000000000e+00  }
0x90: {  	vm0 =	vmand vm0, vm15  }
0x91: {  	v1 =	vsel vm0, $0x3F800000, v0  }
0x92: {  	(xrf0) =	vmin.scan.msk.f32 $0xffff, v1;
	_ =	sdelay $0x5  }
0x93: {  	v1, _, _ =	vpop (xrf0)  }
0x94: {  	(v2sf) =	vpush v1, $0xF;
	_ =	sdelay $0xe  }
0x95: {  	s31 =	spop (v2sf)  }
0x96: {  	p1 =	sgt.f32 s31, $0.0e+00  }
.Ltmp6:
0x97: {  	_ = 	snop;
	(pc) =	sbr.rel @p1 .LBB2_10-.Ltmp6, $1  }
0x98: {  	_ =	sdelay $0x3  }
0x99: {  	s0 =	sadd.s32 $0xFFFFFFFE, s26  }
0x9a: {  	s30 =	sadd.s32 $0x2, s0  }
0x9b: {  	v1 =	vmov s30  }
0x9c: {  	v1 =	vand.u32 $0xFFFFFFFE, v1  }
0x9d: {  	v2 =	vbroadcast v1, $0x0;
	_ =	sdelay $0x3  }
0x9e: {  	s30 =	simm.s32 $0x5180  }
0x9f: {  	v5 =	vld [tilespmem:s30+$0xFFFFFFF0]  }
0xa0: {  	v6 =	vld.idx.msk [tilespmem:v2+s13+$0x0], $0xffff  }
0xa1: {  	v7 =	vld [tilespmem:s30+$0xFFFFFF80]  }
0xa2: {  	v8 =	vld [tilespmem:s30+$0xFFFFFFA0]  }
0xa3: {  	v4 =	vld [tilespmem:s30+$0xFFFFFFB0]  }
0xa4: {  	v3 =	vld [tilespmem:s30+$0xFFFFFFD0]  }
0xa5: {  	v10 =	vld [tilespmem:s30+$0xFFFFFF90];
	v5 =	vmul.f32 v5, v6  }
0xa6: {  	v9 =	vld [tilespmem:s30+$0xFFFFFFE0];
	v7 =	vmul.f32 v7, v6  }
0xa7: {  	v11 =	vld [tilespmem:s30+$0xFFFFFFC0];
	v8 =	vmul.f32 v8, v6;
	[tilespmem:s30+$0xFFFFFFF0] =	vst v5  }
0xa8: {  	v4 =	vmul.f32 v4, v6;
	[tilespmem:s30+$0xFFFFFF80] =	vst v7  }
0xa9: {  	s0 =	sadd.s32 $0x3, s0;
	v3 =	vmul.f32 v3, v6;
	[tilespmem:s30+$0xFFFFFFA0] =	vst v8  }
0xaa: {  	v5 =	vmul.f32 v10, v6;
	[tilespmem:s30+$0xFFFFFFB0] =	vst v4;
	v7 =	vmov s0  }
0xab: {  	v1 =	vld [tilespmem:s30+$0x0];
	v4 =	vmul.f32 v9, v6;
	[tilespmem:s30+$0xFFFFFFD0] =	vst v3  }
0xac: {  	v2 =	vld [tilespmem:s30+$0x10];
	v3 =	vmul.f32 v11, v6;
	[tilespmem:s30+$0xFFFFFF90] =	vst v5  }
0xad: {  	[tilespmem:s30+$0xFFFFFFE0] =	vst v4;
	v5 =	vld [tilespmem:s30+$0x30]  }
0xae: {  	[tilespmem:s30+$0xFFFFFFC0] =	vst v3;
	v4 =	vld [tilespmem:s30+$0x70]  }
0xaf: {  	s31 =	simm.s32 $0x0;
	s0 =	simm.s32 $0x5180;
	v3 =	vld.idx.msk [tilespmem:v7+s13+$0x0], $0xffff  }
.LBB2_8:
0xb0: {  	v6 =	vld [tilespmem:s30+$0x20];
	s0 =	sadd.s32 $0x100, s0;
	s16 =	smov.u32 s31;
	s31 =	sadd.s32 $0x2, s31  }
0xb1: {  	p1 =	slt.u32 s31, $0x6E;
	v7 =	vld [tilespmem:s30+$0x40]  }
0xb2: {  	v8 =	vld [tilespmem:s30+$0x50]  }
0xb3: {  	v9 =	vld [tilespmem:s30+$0x60];
	_ =	sdelay $0x1  }
0xb4: {  	s16 =	sadd.s32 s16, s26;
	v1 =	vmul.f32 v1, v3;
	v2 =	vmul.f32 v2, v3  }
0xb5: {  	s2 =	sadd.s32 $0x2, s16;
	s16 =	sadd.s32 $0x3, s16;
	v5 =	vmul.f32 v5, v3;
	v6 =	vmul.f32 v6, v3  }
0xb6: {  	v10 =	vmov s2;
	v7 =	vmul.f32 v7, v3;
	[tilespmem:s30+$0x0] =	vst v1;
	v8 =	vmul.f32 v8, v3  }
0xb7: {  	v10 =	vand.u32 $0xFFFFFFFE, v10;
	v1 =	vld [tilespmem:s0+$0x0];
	[tilespmem:s30+$0x30] =	vst v5;
	v5 =	vmul.f32 v9, v3;
	v3 =	vmul.f32 v4, v3  }
0xb8: {  	v4 =	vbroadcast v10, $0x0;
	[tilespmem:s30+$0x10] =	vst v2  }
0xb9: {  	[tilespmem:s30+$0x70] =	vst v3  }
0xba: {  	v3 =	vld [tilespmem:s0+$0xFFFFFFD0];
	[tilespmem:s30+$0x20] =	vst v6  }
0xbb: {  	v6 =	vld [tilespmem:s0+$0xFFFFFFB0];
	[tilespmem:s30+$0x60] =	vst v5  }
0xbc: {  	v5 =	vld [tilespmem:s0+$0xFFFFFFE0];
	[tilespmem:s30+$0x40] =	vst v7  }
0xbd: {  	v7 =	vld [tilespmem:s0+$0xFFFFFFF0];
	[tilespmem:s30+$0x50] =	vst v8;
	s30 =	smov.u32 s0  }
0xbe: {  	v4 =	vld.idx.msk [tilespmem:v4+s13+$0x0], $0xffff  }
0xbf: {  	v8 =	vld [tilespmem:s0+$0xFFFFFF80]  }
0xc0: {  	v9 =	vld [tilespmem:s0+$0xFFFFFFA0]  }
0xc1: {  	v10 =	vld [tilespmem:s0+$0xFFFFFF90]  }
0xc2: {  	v11 =	vld [tilespmem:s0+$0xFFFFFFC0]  }
0xc3: {  	v2 =	vld [tilespmem:s0+$0x10]  }
0xc4: {  	v7 =	vmul.f32 v7, v4;
	v8 =	vmul.f32 v8, v4  }
0xc5: {  	v5 =	vmul.f32 v5, v4;
	v9 =	vmul.f32 v9, v4  }
0xc6: {  	v6 =	vmul.f32 v6, v4;
	v10 =	vmul.f32 v10, v4;
	[tilespmem:s0+$0xFFFFFFF0] =	vst v7  }
0xc7: {  	v3 =	vmul.f32 v3, v4;
	[tilespmem:s0+$0xFFFFFF80] =	vst v8;
	v7 =	vmul.f32 v11, v4  }
0xc8: {  	[tilespmem:s0+$0xFFFFFFA0] =	vst v9  }
0xc9: {  	[tilespmem:s0+$0xFFFFFFB0] =	vst v6;
	v6 =	vmov s16  }
.Ltmp7:
0xca: {  	[tilespmem:s0+$0xFFFFFFD0] =	vst v3;
	(pc) =	sbr.rel @p1 .LBB2_8-.Ltmp7, $4  }
0xcb: {  	[tilespmem:s0+$0xFFFFFF90] =	vst v10  }
0xcc: {  	[tilespmem:s0+$0xFFFFFFE0] =	vst v5;
	v5 =	vld [tilespmem:s0+$0x30]  }
0xcd: {  	[tilespmem:s0+$0xFFFFFFC0] =	vst v7;
	v4 =	vld [tilespmem:s0+$0x70]  }
0xce: {  	v3 =	vld.idx.msk [tilespmem:v6+s13+$0x0], $0xffff  }
0xcf: {  	_ =	sdelay $0x1  }
0xd0: {  	v6 =	vld [tilespmem:s30+$0x20];
	_ =	sdelay $0x1  }
0xd1: {  	v7 =	vld [tilespmem:s30+$0x60];
	v1 =	vmul.f32 v1, v3  }
0xd2: {  	v8 =	vld [tilespmem:s30+$0x40];
	v5 =	vmul.f32 v5, v3  }
0xd3: {  	v9 =	vld [tilespmem:s30+$0x50];
	v2 =	vmul.f32 v2, v3;
	[tilespmem:s30+$0x0] =	vst v1  }
0xd4: {  	v63 =	vmul.f32 v6, v3;
	[tilespmem:s30+$0x30] =	vst v5  }
0xd5: {  	v1 =	vmul.f32 v4, v3;
	[tilespmem:s30+$0x10] =	vst v2  }
0xd6: {  	v2 =	vmul.f32 v7, v3;
	[tilespmem:s30+$0x20] =	vst v63  }
0xd7: {  	[tilespmem:s30+$0x70] =	vst v1;
	v1 =	vmul.f32 v8, v3  }
0xd8: {  	v3 =	vmul.f32 v9, v3;
	[tilespmem:s30+$0x60] =	vst v2  }
0xd9: {  	[tilespmem:s30+$0x40] =	vst v1  }
0xda: {  	[tilespmem:s30+$0x50] =	vst v3  }
.LBB2_10:
0xdb: {  	[spmem:s1] =	stream.indirect.scatter.add.f32 [tilespmem:s14], [sflag:$0x3], $0x80, s20, s15, $0xb8;
	[tilespmem:$0x1F9C0] =	vst v63  }
0xdc: {  	_ =	swait.ge [sflag:s21], $0x3800  }
0xdd: {  	[sflag:s21] =	ssyncset.done $0x0  }
0xde: {  	[sflag:s21] =	ssyncadd.s32 $0xFFFFC800  }
0xdf: {  	_ =	swait.ge [sflag:s22], $0x3800  }
0xe0: {  	[sflag:s22] =	ssyncset.done $0x0  }
0xe1: {  	p1 =	seq.s32 s28, $0x2C;
	[sflag:s22] =	ssyncadd.s32 $0xFFFFC800  }
0xe2: {  	v1 =	vld @!p1 [tilespmem:s29+$0xE0];
	_ =	sdelay $0x4  }
0xe3: {  	v2 =	vand.u32 @!p1 $0x3FFF, v1  }
0xe4: {  	v1 =	vshrl.u32 @!p1 v1, $0xE;
	[tilespmem:$0x4F00] =	vst @!p1 v2  }
0xe5: {  	[tilespmem:$0x5000] =	vst @!p1 v1  }
0xe6: {  	v1 =	vld @!p1 [tilespmem:s29+$0xF0];
	_ =	sdelay $0x4  }
0xe7: {  	v2 =	vand.u32 @!p1 $0x3FFF, v1  }
0xe8: {  	v1 =	vshrl.u32 @!p1 v1, $0xE;
	[tilespmem:$0x4F10] =	vst @!p1 v2  }
0xe9: {  	[tilespmem:$0x5010] =	vst @!p1 v1  }
0xea: {  	v1 =	vld @!p1 [tilespmem:s29+$0x100];
	_ =	sdelay $0x4  }
0xeb: {  	v2 =	vand.u32 @!p1 $0x3FFF, v1  }
0xec: {  	v1 =	vshrl.u32 @!p1 v1, $0xE;
	[tilespmem:$0x4F20] =	vst @!p1 v2  }
0xed: {  	[tilespmem:$0x5020] =	vst @!p1 v1  }
0xee: {  	v1 =	vld @!p1 [tilespmem:s29+$0x110];
	_ =	sdelay $0x4  }
0xef: {  	v2 =	vand.u32 @!p1 $0x3FFF, v1  }
0xf0: {  	v1 =	vshrl.u32 @!p1 v1, $0xE;
	[tilespmem:$0x4F30] =	vst @!p1 v2  }
0xf1: {  	[tilespmem:$0x5030] =	vst @!p1 v1  }
0xf2: {  	v1 =	vld @!p1 [tilespmem:s29+$0x120];
	_ =	sdelay $0x4  }
0xf3: {  	v2 =	vand.u32 @!p1 $0x3FFF, v1  }
0xf4: {  	v1 =	vshrl.u32 @!p1 v1, $0xE;
	[tilespmem:$0x4F40] =	vst @!p1 v2  }
0xf5: {  	[tilespmem:$0x5040] =	vst @!p1 v1  }
0xf6: {  	v1 =	vld @!p1 [tilespmem:s29+$0x130];
	_ =	sdelay $0x4  }
0xf7: {  	v2 =	vand.u32 @!p1 $0x3FFF, v1  }
0xf8: {  	v1 =	vshrl.u32 @!p1 v1, $0xE;
	[tilespmem:$0x4F50] =	vst @!p1 v2  }
0xf9: {  	[tilespmem:$0x5050] =	vst @!p1 v1  }
0xfa: {  	v1 =	vld @!p1 [tilespmem:s29+$0x140];
	_ =	sdelay $0x4  }
0xfb: {  	v2 =	vand.u32 @!p1 $0x3FFF, v1  }
0xfc: {  	s0 =	sadd.s32 $0x70, s29;
	v1 =	vshrl.u32 @!p1 v1, $0xE;
	[tilespmem:$0x4F60] =	vst @!p1 v2  }
0xfd: {  	s2 =	simm.s32 @!p1 $0x70;
	s16 =	simm.s32 @!p1 $0x4F00;
	s29 =	simm.s32 @!p1 $0x5100;
	[tilespmem:$0x5060] =	vst @!p1 v1  }
0xfe: {  	[tilespmem:s29], [sflag:$0x1] =	stream.indirect.gather @!p1 [hbm4b:s4+s2], $0x80, s16, s2, $0xb8;
	[tilespmem:$0x1F9C0] =	vst v63  }
0xff: {  	v1 =	vld [tilespmem:s0+$0x2780]  }
0x100: {  	v2 =	vld [tilespmem:s0+$0x2790]  }
0x101: {  	v3 =	vld [tilespmem:s0+$0x27A0]  }
0x102: {  	v4 =	vld [tilespmem:s0+$0x27B0]  }
0x103: {  	v5 =	vld [tilespmem:s0+$0x27C0]  }
0x104: {  	v6 =	vld [tilespmem:s0+$0x27D0]  }
0x105: {  	vm0 =	veq.f32 v1, $1.000000000e+00;
	vm1 =	veq.f32 v2, $1.000000000e+00;
	v1 =	vld [tilespmem:s0+$0x27E0]  }
0x106: {  	vm11 =	veq.f32 v3, $1.000000000e+00;
	vm0 =	vmand vm0, vm1  }
0x107: {  	vm12 =	veq.f32 v4, $1.000000000e+00;
	vm0 =	vmand vm0, vm11  }
0x108: {  	vm13 =	veq.f32 v5, $1.000000000e+00;
	vm0 =	vmand vm0, vm12  }
0x109: {  	vm14 =	veq.f32 v6, $1.000000000e+00;
	vm0 =	vmand vm0, vm13  }
0x10a: {  	vm0 =	vmand vm0, vm14;
	vm15 =	veq.f32 v1, $1.000000000e+00  }
0x10b: {  	vm0 =	vmand vm0, vm15  }
0x10c: {  	v1 =	vsel vm0, $0x3F800000, v0  }
0x10d: {  	(xrf0) =	vmin.scan.msk.f32 $0xffff, v1;
	_ =	sdelay $0x5  }
0x10e: {  	v1, _, _ =	vpop (xrf0)  }
0x10f: {  	(v2sf) =	vpush v1, $0xF;
	_ =	sdelay $0xe  }
0x110: {  	s31 =	spop (v2sf)  }
0x111: {  	p1 =	sgt.f32 s31, $0.0e+00  }
.Ltmp8:
0x112: {  	_ = 	snop;
	(pc) =	sbr.rel @p1 .LBB2_14-.Ltmp8, $1  }
0x113: {  	_ =	sdelay $0x3  }
0x114: {  	s0 =	sadd.s32 $0xFFFFFFFE, s26  }
0x115: {  	s2 =	sadd.s32 $0x72, s0  }
0x116: {  	v1 =	vmov s2  }
0x117: {  	v1 =	vand.u32 $0xFFFFFFFE, v1  }
0x118: {  	v2 =	vbroadcast v1, $0x0;
	_ =	sdelay $0x3  }
0x119: {  	s29 =	simm.s32 $0x8980  }
0x11a: {  	v5 =	vld [tilespmem:s29+$0xFFFFFFF0]  }
0x11b: {  	v6 =	vld.idx.msk [tilespmem:v2+s13+$0x0], $0xffff  }
0x11c: {  	v7 =	vld [tilespmem:s29+$0xFFFFFF80]  }
0x11d: {  	v8 =	vld [tilespmem:s29+$0xFFFFFFA0]  }
0x11e: {  	v4 =	vld [tilespmem:s29+$0xFFFFFFB0]  }
0x11f: {  	v3 =	vld [tilespmem:s29+$0xFFFFFFD0]  }
0x120: {  	v10 =	vld [tilespmem:s29+$0xFFFFFF90];
	v5 =	vmul.f32 v5, v6  }
0x121: {  	v9 =	vld [tilespmem:s29+$0xFFFFFFE0];
	v7 =	vmul.f32 v7, v6  }
0x122: {  	v11 =	vld [tilespmem:s29+$0xFFFFFFC0];
	v8 =	vmul.f32 v8, v6;
	[tilespmem:s29+$0xFFFFFFF0] =	vst v5  }
0x123: {  	v4 =	vmul.f32 v4, v6;
	[tilespmem:s29+$0xFFFFFF80] =	vst v7  }
0x124: {  	s0 =	sadd.s32 $0x73, s0;
	v3 =	vmul.f32 v3, v6;
	[tilespmem:s29+$0xFFFFFFA0] =	vst v8  }
0x125: {  	v5 =	vmul.f32 v10, v6;
	[tilespmem:s29+$0xFFFFFFB0] =	vst v4;
	v7 =	vmov s0  }
0x126: {  	v1 =	vld [tilespmem:s29+$0x0];
	v4 =	vmul.f32 v9, v6;
	[tilespmem:s29+$0xFFFFFFD0] =	vst v3  }
0x127: {  	v2 =	vld [tilespmem:s29+$0x10];
	v3 =	vmul.f32 v11, v6;
	[tilespmem:s29+$0xFFFFFF90] =	vst v5  }
0x128: {  	[tilespmem:s29+$0xFFFFFFE0] =	vst v4;
	v5 =	vld [tilespmem:s29+$0x30]  }
0x129: {  	[tilespmem:s29+$0xFFFFFFC0] =	vst v3;
	v4 =	vld [tilespmem:s29+$0x70]  }
0x12a: {  	s30 =	simm.s32 $0x0;
	s0 =	simm.s32 $0x8980;
	v3 =	vld.idx.msk [tilespmem:v7+s13+$0x0], $0xffff  }
.LBB2_12:
0x12b: {  	v6 =	vld [tilespmem:s29+$0x20];
	s0 =	sadd.s32 $0x100, s0;
	s2 =	smov.u32 s30;
	s30 =	sadd.s32 $0x2, s30  }
0x12c: {  	p1 =	slt.u32 s30, $0x6E;
	v7 =	vld [tilespmem:s29+$0x40]  }
0x12d: {  	v8 =	vld [tilespmem:s29+$0x50]  }
0x12e: {  	v9 =	vld [tilespmem:s29+$0x60];
	_ =	sdelay $0x1  }
0x12f: {  	s2 =	sadd.s32 s2, s26;
	v1 =	vmul.f32 v1, v3;
	v2 =	vmul.f32 v2, v3  }
0x130: {  	s16 =	sadd.s32 $0x72, s2;
	s2 =	sadd.s32 $0x73, s2;
	v5 =	vmul.f32 v5, v3;
	v6 =	vmul.f32 v6, v3  }
0x131: {  	v10 =	vmov s16;
	v7 =	vmul.f32 v7, v3;
	[tilespmem:s29+$0x0] =	vst v1;
	v8 =	vmul.f32 v8, v3  }
0x132: {  	v10 =	vand.u32 $0xFFFFFFFE, v10;
	v1 =	vld [tilespmem:s0+$0x0];
	[tilespmem:s29+$0x30] =	vst v5;
	v5 =	vmul.f32 v9, v3;
	v3 =	vmul.f32 v4, v3  }
0x133: {  	v4 =	vbroadcast v10, $0x0;
	[tilespmem:s29+$0x10] =	vst v2  }
0x134: {  	[tilespmem:s29+$0x70] =	vst v3  }
0x135: {  	v3 =	vld [tilespmem:s0+$0xFFFFFFD0];
	[tilespmem:s29+$0x20] =	vst v6  }
0x136: {  	v6 =	vld [tilespmem:s0+$0xFFFFFFB0];
	[tilespmem:s29+$0x60] =	vst v5  }
0x137: {  	v5 =	vld [tilespmem:s0+$0xFFFFFFE0];
	[tilespmem:s29+$0x40] =	vst v7  }
0x138: {  	v7 =	vld [tilespmem:s0+$0xFFFFFFF0];
	[tilespmem:s29+$0x50] =	vst v8;
	s29 =	smov.u32 s0  }
0x139: {  	v4 =	vld.idx.msk [tilespmem:v4+s13+$0x0], $0xffff  }
0x13a: {  	v8 =	vld [tilespmem:s0+$0xFFFFFF80]  }
0x13b: {  	v9 =	vld [tilespmem:s0+$0xFFFFFFA0]  }
0x13c: {  	v10 =	vld [tilespmem:s0+$0xFFFFFF90]  }
0x13d: {  	v11 =	vld [tilespmem:s0+$0xFFFFFFC0]  }
0x13e: {  	v2 =	vld [tilespmem:s0+$0x10]  }
0x13f: {  	v7 =	vmul.f32 v7, v4;
	v8 =	vmul.f32 v8, v4  }
0x140: {  	v5 =	vmul.f32 v5, v4;
	v9 =	vmul.f32 v9, v4  }
0x141: {  	v6 =	vmul.f32 v6, v4;
	v10 =	vmul.f32 v10, v4;
	[tilespmem:s0+$0xFFFFFFF0] =	vst v7  }
0x142: {  	v3 =	vmul.f32 v3, v4;
	[tilespmem:s0+$0xFFFFFF80] =	vst v8;
	v7 =	vmul.f32 v11, v4  }
0x143: {  	[tilespmem:s0+$0xFFFFFFA0] =	vst v9  }
0x144: {  	[tilespmem:s0+$0xFFFFFFB0] =	vst v6;
	v6 =	vmov s2  }
.Ltmp9:
0x145: {  	[tilespmem:s0+$0xFFFFFFD0] =	vst v3;
	(pc) =	sbr.rel @p1 .LBB2_12-.Ltmp9, $4  }
0x146: {  	[tilespmem:s0+$0xFFFFFF90] =	vst v10  }
0x147: {  	[tilespmem:s0+$0xFFFFFFE0] =	vst v5;
	v5 =	vld [tilespmem:s0+$0x30]  }
0x148: {  	[tilespmem:s0+$0xFFFFFFC0] =	vst v7;
	v4 =	vld [tilespmem:s0+$0x70]  }
0x149: {  	v3 =	vld.idx.msk [tilespmem:v6+s13+$0x0], $0xffff  }
0x14a: {  	_ =	sdelay $0x1  }
0x14b: {  	v6 =	vld [tilespmem:s29+$0x20];
	_ =	sdelay $0x1  }
0x14c: {  	v7 =	vld [tilespmem:s29+$0x60];
	v1 =	vmul.f32 v1, v3  }
0x14d: {  	v8 =	vld [tilespmem:s29+$0x40];
	v5 =	vmul.f32 v5, v3  }
0x14e: {  	v9 =	vld [tilespmem:s29+$0x50];
	v2 =	vmul.f32 v2, v3;
	[tilespmem:s29+$0x0] =	vst v1  }
0x14f: {  	v63 =	vmul.f32 v6, v3;
	[tilespmem:s29+$0x30] =	vst v5  }
0x150: {  	v1 =	vmul.f32 v4, v3;
	[tilespmem:s29+$0x10] =	vst v2  }
.Ltmp10:
0x151: {  	v2 =	vmul.f32 v7, v3;
	[tilespmem:s29+$0x20] =	vst v63;
	(pc) =	sbr.rel .LBB2_14-.Ltmp10, $4  }
0x152: {  	[tilespmem:s29+$0x70] =	vst v1;
	v1 =	vmul.f32 v8, v3  }
0x153: {  	v3 =	vmul.f32 v9, v3;
	[tilespmem:s29+$0x60] =	vst v2  }
0x154: {  	[tilespmem:s29+$0x40] =	vst v1  }
0x155: {  	[tilespmem:s29+$0x50] =	vst v3  }
.LBB2_16:
0x156: {  	_ =	sfence.sel $0x180000  }
0x157: {  	[bflag:$0x0] =	sbarrier.arrive $0xFFFF  }
0x158: {  	_ =	strace $0x9000004D  }
0x159: {  	s0 =	stileid.u32;
	[bflag:$0x2] =	sbarrier.arrive $0xFFFF  }
0x15a: {  	p0 =	sne.s32 s0, $0x0;
	s0 =	rddreg [dreg:$0x3]  }
0x15b: {  	s0 =	sadd.s32 @!p0 $0x100000, s0  }
0x15c: {  	[sflag:s0] =	ssyncadd.tile.s32 @!p0 $0x1;
	_ =	shalt  }
.Lfunc_end2:
_tile_overlayer_lowered:
.L_overlay_start_2:
0x15d: {  	(tag) =	ssettag $0x2  }
0x15e: {  	s0 =	rddreg [dreg:$0x0];
	s2 =	stileid.u32  }
0x15f: {  	s1 =	rddreg [dreg:$0x1];
	p0 =	sne.s32 s2, $0x0  }
0x160: {  	s3 =	rddreg [dreg:$0x2];
	[bflag:$0x3] =	sbarrier.arrive $0xFFFF;
	s2 =	simm.s32 @!p0 $0x1C05  }
0x161: {  	[timem:s3], [sflag:s2] =	dma.local @!p0 [hbm:s0], s1  }
0x162: {  	s0 =	simm.s32 @!p0 $0x5  }
0x163: {  	_ =	swait.ge @!p0 [sflag:s0], s1  }
0x164: {  	s1 =	ssub.s32 @!p0 $0x0, s1;
	[sflag:s0] =	ssyncset.done @!p0 $0x0  }
0x165: {  	[sflag:s0] =	ssyncadd.s32 @!p0 s1  }
0x166: {  	[bflag:$0x3] =	sbarrier.arrive $0xFFFF  }
0x167: {  	_ =	shalt  }

// kernel: kernel.9.cloned.1.call-start
scs
__scs_entry_jumppad:
0x0: {  	(pc) =	sbr.rel $0x88, $3  }
0x1: {  	(tag) =	ssettag $0x0;
	lr =	simm.s32 $0x1  }
0x2: {  	[smem:$0x3F90] =	sst lr;
	_ =	strace $0xD0000000  }
0x3: {  	_ = 	snop  }
0x4: {  	_ = 	snop  }
0x5: {  	_ = 	snop  }
0x6: {  	_ = 	snop  }
0x7: {  	_ = 	snop  }
__scs_overlays_trampoline_lowered:
0x8: {  	[smem:$0x3F9F] =	sst s0  }
0x9: {  	[smem:$0x3FA0] =	sst s1  }
0xa: {  	[smem:$0x3FA1] =	sst s2  }
0xb: {  	[smem:$0x3FA2] =	sst s3  }
0xc: {  	[smem:$0x3FA3] =	sst s4  }
0xd: {  	[smem:$0x3FA4] =	sst s5  }
0xe: {  	[smem:$0x3FA5] =	sst s6  }
0xf: {  	[smem:$0x3FA6] =	sst s7  }
0x10: {  	[smem:$0x3FA7] =	sst s8  }
0x11: {  	[smem:$0x3FA8] =	sst s9;
	s0 =	simm.s32 @!p0 $0x0  }
0x12: {  	s1 =	sld [smem:$0x3F8E];
	s0 =	simm.s32 @p0 $0x1  }
0x13: {  	[smem:$0x3FA9] =	sst s0;
	s0 =	simm.s32 @!p1 $0x0  }
0x14: {  	s2 =	sld [smem:$0x3F8D];
	s0 =	simm.s32 @p1 $0x1  }
0x15: {  	[smem:$0x3FAA] =	sst s0;
	s0 =	simm.s32 @!p2 $0x0  }
0x16: {  	s3 =	sld [smem:$0x3FDB];
	s0 =	simm.s32 @p2 $0x1  }
0x17: {  	s4 =	simm.s32 $0x1BF5;
	[smem:$0x3FAC] =	sst s0  }
0x18: {  	s0 =	sld [smem:$0x3F8F];
	_ =	swait.ge [sflag:s4], $0x0  }
0x19: {  	s7 =	sld [smem:$0x3F90]  }
0x1a: {  	s8 =	sadd.s32 $0xFFFFE003, lr  }
0x1b: {  	s9 =	sadd.s32 $0xFFFFFEF7, lr;
	s5 =	simm.s32 $0xFFFFFFFF;
	p2 =	slt.u32 s8, $0xFFFFF086  }
0x1c: {  	p1 =	slt.u32 s9, $0xF7A;
	s5 =	simm.s32 @!p2 $0x0  }
0x1d: {  	s5 =	simm.s32 @p1 $0x1;
	p0 =	seq.s32 s7, s2  }
0x1e: {  	s7 =	smul.u32 @!p0 $0xF7A, s2;
	p2 =	seq.s32 @!p0 s5, $0x0  }
0x1f: {  	s9 =	smul.u32 $0xF7A, s1;
	s8 =	simm.s32 @!p0 $0x1BF5;
	p2 =	por !p2, p0  }
0x20: {  	[sflag:s8] =	ssyncset.s32 @!p0 $0xFFFFF086;
	s6 =	sadd.s32 @!p0 s3, s7;
	s7 =	simm.s32 @!p0 $0x108  }
0x21: {  	s3 =	sadd.s32 s3, s9;
	s6 =	sadd.s32 @!p0 $0x88, s6;
	s7 =	simm.s32 @p2 $0x1082  }
0x22: {  	[simem:s7], [sflag:s8] =	dma.local @!p0 [hbm:s6], $0xF7A  }
0x23: {  	s9 =	sor.u32 $0xD0000000, s2;
	s6 =	simm.s32 $0x108;
	_ =	swait.ge @!p0 [sflag:s8], $0x0  }
0x24: {  	s3 =	sadd.s32 $0x88, s3;
	s6 =	simm.s32 @!p1 $0x1082;
	[sflag:s4] =	ssyncset.s32 $0xFFFFF086  }
0x25: {  	[simem:s6], [sflag:s4] =	dma.local [hbm:s3], $0xF7A  }
0x26: {  	[smem:$0x3F90] =	sst s1;
	(tag) =	ssettag s2;
	_ =	strace s9  }
0x27: {  	s1 =	sld [smem:$0x3FA0]  }
0x28: {  	s2 =	sld [smem:$0x3FA1]  }
0x29: {  	s4 =	sld [smem:$0x3FA3]  }
0x2a: {  	p0 =	seq.s32 s5, $0x0;
	s5 =	sld [smem:$0x3FA4]  }
0x2b: {  	s6 =	sld [smem:$0x3FA5]  }
0x2c: {  	s7 =	sld [smem:$0x3FA6]  }
0x2d: {  	s3 =	simm.s32 $0x108;
	s8 =	sld [smem:$0x3FA7]  }
0x2e: {  	s3 =	simm.s32 @!p0 $0x1082;
	s9 =	sld [smem:$0x3FA8]  }
0x2f: {  	lr =	sadd.s32 s0, s3;
	s0 =	sld [smem:$0x3F9F]  }
0x30: {  	s3 =	sld [smem:$0x3FA2]  }
0x31: {  	[smem:$0x3FAB] =	sst s10  }
0x32: {  	s10 =	sld [smem:$0x3FA9];
	_ =	sdelay $0x3  }
0x33: {  	p0 =	seq.s32 s10, $0x1;
	s10 =	sld [smem:$0x3FAB];
	_ =	sdelay $0x3  }
0x34: {  	[smem:$0x3FAB] =	sst s10  }
0x35: {  	s10 =	sld [smem:$0x3FAA];
	_ =	sdelay $0x3  }
0x36: {  	p1 =	seq.s32 s10, $0x1;
	s10 =	sld [smem:$0x3FAB];
	_ =	sdelay $0x3  }
0x37: {  	[smem:$0x3FAB] =	sst s10  }
0x38: {  	s10 =	sld [smem:$0x3FAC]  }
0x39: {  	_ = 	snop;
	(pc) =	sbr.ind lr, $3  }
0x3a: {  	_ = 	snop  }
0x3b: {  	_ = 	snop  }
0x3c: {  	p2 =	seq.s32 s10, $0x1;
	s10 =	sld [smem:$0x3FAB]  }
0x3d: {  	_ =	shalt  }
0x3e: {  	_ =	shalt  }
0x3f: {  	_ =	shalt  }
0x40: {  	_ =	shalt  }
0x41: {  	_ =	shalt  }
0x42: {  	_ =	shalt  }
0x43: {  	_ =	shalt  }
0x44: {  	_ =	shalt  }
0x45: {  	_ =	shalt  }
0x46: {  	_ =	shalt  }
0x47: {  	_ =	shalt  }
0x48: {  	_ =	shalt  }
0x49: {  	_ =	shalt  }
0x4a: {  	_ =	shalt  }
0x4b: {  	_ =	shalt  }
0x4c: {  	_ =	shalt  }
0x4d: {  	_ =	shalt  }
0x4e: {  	_ =	shalt  }
0x4f: {  	_ =	shalt  }
0x50: {  	_ =	shalt  }
0x51: {  	_ =	shalt  }
0x52: {  	_ =	shalt  }
0x53: {  	_ =	shalt  }
0x54: {  	_ =	shalt  }
0x55: {  	_ =	shalt  }
0x56: {  	_ =	shalt  }
0x57: {  	_ =	shalt  }
0x58: {  	_ =	shalt  }
0x59: {  	_ =	shalt  }
0x5a: {  	_ =	shalt  }
0x5b: {  	_ =	shalt  }
0x5c: {  	_ =	shalt  }
0x5d: {  	_ =	shalt  }
0x5e: {  	_ =	shalt  }
0x5f: {  	_ =	shalt  }
0x60: {  	_ =	shalt  }
0x61: {  	_ =	shalt  }
0x62: {  	_ =	shalt  }
0x63: {  	_ =	shalt  }
0x64: {  	_ =	shalt  }
0x65: {  	_ =	shalt  }
0x66: {  	_ =	shalt  }
0x67: {  	_ =	shalt  }
0x68: {  	_ =	shalt  }
0x69: {  	_ =	shalt  }
0x6a: {  	_ =	shalt  }
0x6b: {  	_ =	shalt  }
0x6c: {  	_ =	shalt  }
0x6d: {  	_ =	shalt  }
0x6e: {  	_ =	shalt  }
0x6f: {  	_ =	shalt  }
0x70: {  	_ =	shalt  }
0x71: {  	_ =	shalt  }
0x72: {  	_ =	shalt  }
0x73: {  	_ =	shalt  }
0x74: {  	_ =	shalt  }
0x75: {  	_ =	shalt  }
0x76: {  	_ =	shalt  }
0x77: {  	_ =	shalt  }
0x78: {  	_ =	shalt  }
0x79: {  	_ =	shalt  }
0x7a: {  	_ =	shalt  }
0x7b: {  	_ =	shalt  }
0x7c: {  	_ =	shalt  }
0x7d: {  	_ =	shalt  }
0x7e: {  	_ =	shalt  }
0x7f: {  	_ =	shalt  }
0x80: {  	_ =	shalt  }
0x81: {  	_ =	shalt  }
0x82: {  	_ =	shalt  }
0x83: {  	_ =	shalt  }
0x84: {  	_ =	shalt  }
0x85: {  	_ =	shalt  }
0x86: {  	_ =	shalt  }
0x87: {  	_ =	shalt  }
.Lfunc_end0:
.L_simem_size_0:
called_computation_lowered:
.L_overlay_start_0:
0x88: {  	s2 =	sld [smem:$0x3FD9]  }
0x89: {  	s3 =	sld [smem:$0x3FFE];
	_ =	sdelay $0x1  }
0x8a: {  	s1 =	srdreg.scid  }
0x8b: {  	s0 =	sand.u32 $0x1, s1  }
0x8c: {  	s17 =	sshll.u32 s0, $0xA;
	s2 =	sadd.s32 s3, s2  }
0x8d: {  	s2 =	sadd.s32 s2, s17  }
0x8e: {  	[smem:$0x3FB7] =	sst s2  }
0x8f: {  	_ = 	snop  }
0x90: {  	s2 =	sld [smem:$0x3FD0];
	(tm) =	ssettm $0x1  }
0x91: {  	s18 =	sld [smem:$0x3FFB];
	_ =	sdelay $0x3  }
0x92: {  	_ =	strace s18  }
0x93: {  	s3 =	sld [smem:$0x3FFC];
	_ =	sdelay $0x3  }
0x94: {  	_ =	strace s3  }
0x95: {  	s3 =	sld [smem:$0x3FFD];
	_ =	sdelay $0x3  }
0x96: {  	_ =	strace s3  }
0x97: {  	_ =	strace $0x8FFFFFFF  }
0x98: {  	s19 =	sld [smem:$0x3FDB];
	_ =	sdelay $0x1  }
0x99: {  	s4 =	simm.s32 $_scs_section_size  }
0x9a: {  	s5 =	simm.s32 $_size__tile_overlayer_lowered;
	s6 =	simm.s32 $_tile_overlayer_lowered  }
0x9b: {  	s22 =	simm.s32 $0x1BFF;
	s21 =	sshll.u32 s6, $0x1;
	s3 =	sadd.s32 s4, s19  }
0x9c: {  	s7 =	simm.s32 $0x0;
	s20 =	sshll.u32 s5, $0x1;
	s5 =	sadd.s32 s21, s3  }
0x9d: {  	[timem:s7], [sflag:s22] =	dma.local [hbm:s5], s20  }
0x9e: {  	_ =	swait.ge [sflag:s22], s20  }
0x9f: {  	s4 =	ssub.s32 $0x0, s20;
	[sflag:s22] =	ssyncset.done $0x0  }
0xa0: {  	[sflag:s22] =	ssyncadd.s32 s4;
	_ =	sdelay $0x1  }
0xa1: {  	s23 =	simm.s32 $0x1B8B  }
0xa2: {  	_ =	swait.ge [sflag:s23], $0x1  }
0xa3: {  	[sflag:s23] =	ssyncset.done $0x0  }
0xa4: {  	s25 =	simm.s32 $0x1B8E;
	s24 =	sld [smem:$0x3FFE];
	[sflag:s23] =	ssyncadd.s32 $0xFFFFFFFF  }
0xa5: {  	s26 =	simm.s32 $execute0_lowered;
	[smem:$0x3FD2] =	sst s25  }
0xa6: {  	s5 =	sshll.u32 s26, $0x1;
	_ =	strace $0x80000046;
	[dreg:$0x1] =	wrdreg $0xFFFFFFFF  }
0xa7: {  	s28 =	simm.s32 $_size_execute0_lowered;
	s3 =	sadd.s32 s3, s5;
	[dreg:$0x0] =	wrdreg $0x0  }
0xa8: {  	s5 =	sshll.u32 s28, $0x1;
	[dreg:$0x2] =	wrdreg s3  }
0xa9: {  	[dreg:$0x3] =	wrdreg s5  }
0xaa: {  	[dreg:$0x4] =	wrdreg $0xC0  }
0xab: {  	_ =	task [dreg:s7], $0x5FFFF  }
0xac: {  	[dreg:$0x1] =	wrdreg $0xFFFFFFFF  }
0xad: {  	[dreg:$0x0] =	wrdreg $0x60  }
0xae: {  	[dreg:$0x2] =	wrdreg s24  }
0xaf: {  	[dreg:$0x3] =	wrdreg s2  }
0xb0: {  	[dreg:$0x4] =	wrdreg $0xC1000  }
0xb1: {  	[dreg:$0x5] =	wrdreg $0x9  }
0xb2: {  	_ =	task.clear_ibuf [dreg:s7], $0x6FFFF;
	_ =	strace $0x90000046  }
0xb3: {  	s29 =	simm.s32 $0x9;
	_ =	strace $0x80000048  }
0xb4: {  	_ =	swait.ge [sflag:s29], $0x1  }
0xb5: {  	[sflag:s29] =	ssyncadd.s32 $0xFFFFFFFF  }
0xb6: {  	_ =	strace $0x90000048  }
0xb7: {  	_ =	sfence  }
0xb8: {  	s30 =	sld [smem:$0x0];
	_ =	sdelay $0x2  }
0xb9: {  	s31 =	sshll.u32 s1, $0xD;
	s1 =	sshrl.u32 s1, $0x2  }
0xba: {  	s3 =	sand.u32 $0x4000, s31;
	s1 =	sadd.s32 s1, s30  }
0xbb: {  	s0 =	sor.u32 s3, s0;
	s1 =	sshll.u32 s1, $0x11  }
0xbc: {  	s0 =	sor.u32 s1, s0  }
0xbd: {  	s0 =	sadd.s32 $0x8F2B, s0  }
0xbe: {  	[sflag:s0] =	ssyncadd.remote.s32 $0x1  }
0xbf: {  	_ =	sfence.sel $0xFFFF  }
0xc0: {  	[dreg:$0x0] =	wrdreg $0xFFFFFFFF;
	(pc) =	sbr.abs _section_cstart, $3  }
0xc1: {  	[dreg:$0x1] =	wrdreg $0xFFFFFFFF  }
0xc2: {  	_ =	task.clear_ibuf [dreg:s7], $0x2FFFF;
	_ =	strace $0x9FFFFFFF  }
0xc3: {  	(tm) =	ssettm $0x7FFFFFFF  }
tec
execute0_lowered:
.L_overlay_start_1:
0x0: {  	(tag) =	ssettag $0x1  }
0x1: {  	s0 =	rddreg [dreg:$0x0]  }
0x2: {  	s5 =	rddreg [dreg:$0x1]  }
0x3: {  	s1 =	rddreg [dreg:$0x2]  }
0x4: {  	s2 =	srdreg.scid;
	s3 =	simm.s32 $0x0;
	s26 =	stileid.u32  }
0x5: {  	s13 =	simm.s32 $0x2780;
	s14 =	simm.s32 $0x5100;
	s15 =	simm.s32 $0x70  }
0x6: {  	s17 =	simm.s32 $0x1;
	s18 =	simm.s32 $0x4F80;
	s19 =	simm.s32 $0x8900  }
0x7: {  	s20 =	simm.s32 $0x5000;
	s21 =	simm.s32 $0x2;
	s22 =	simm.s32 $0x3  }
0x8: {  	s23 =	simm.s32 $0x5080;
	s24 =	simm.s32 $0x4;
	s25 =	simm.s32 $0x0  }
0x9: {  	s6 =	sand.u32 $0x1, s2;
	[smem:$0x7FF] =	sst s3;
	s9 =	smul.u32 $0x4E000, s26  }
0xa: {  	s28 =	smul.u32 $0x13800, s26;
	p0 =	sne.s32 s26, $0xF;
	s4 =	sshll.u32 s6, $0x4  }
0xb: {  	_ =	strace $0x80000047;
	s8 =	ssub.s32 $0x2, s6;
	s12 =	smul.u32 $0x138800, s6  }
0xc: {  	s4 =	sor.u32 s26, s4;
	s11 =	sshrl.u32 s8, $0x1;
	s29 =	sshrl.u32 s9, $0x2  }
0xd: {  	s7 =	smul.u32 $0x4EC, s4;
	s4 =	sadd.s32 $0xCE00, s0;
	s11 =	ssub.s32 s8, s11  }
.Ltmp0:
0xe: {  	s30 =	sadd.s32 s28, s12;
	s31 =	sshrl.u32 s12, $0x3;
	(pc) =	sbr.rel .LBB2_1-.Ltmp0, $4  }
0xf: {  	s8 =	sadd.s32 $0x138000, s1;
	s12 =	simm.s32 $0x5;
	s9 =	sshrl.u32 s30, $0x3  }
0x10: {  	s11 =	smax.u32 s11, $0x1;
	s10 =	sadd.s32 s7, s0;
	s0 =	sadd.s32 $0x34000, s0  }
0x11: {  	s5 =	sadd.s32 s5, s7;
	s6 =	sadd.s32 $0x3000, s10;
	s10 =	sadd.s32 s0, s31  }
0x12: {  	v0 =	vimm.f32 $0.0e+00;
	s7 =	sadd.s32 s29, s1;
	s9 =	sadd.s32 s0, s9;
	s10 =	sadd.s32 $0x27000, s10  }
.LBB2_15:
0x13: {  	_ =	swait.ge [sflag:s24], $0x3800  }
0x14: {  	s0 =	stileid.u32;
	[sflag:s24] =	ssyncset.done $0x0  }
0x15: {  	s0 =	sshll.u32 s0, $0x6;
	[sflag:s24] =	ssyncadd.s32 $0xFFFFC800  }
0x16: {  	s2 =	sshrl.u32 s7, $0x3;
	s0 =	sor.u32 $0x1C05, s0;
	[bflag:$0x0] =	sbarrier.arrive $0xFFFF  }
0x17: {  	[hbm:s9], [sflag:s0] =	dma.local [spmem:s2], $0x2700  }
0x18: {  	_ =	swait.ge [sflag:s12], $0x2700  }
0x19: {  	s25 =	sadd.s32 $0x1, s25;
	[sflag:s12] =	ssyncset.done $0x0  }
0x1a: {  	p1 =	sne.s32 s25, s11;
	s2 =	sshrl.u32 @!p0 s8, $0x3;
	[sflag:s12] =	ssyncadd.s32 $0xFFFFD900  }
0x1b: {  	[hbm:s10], [sflag:s0] =	dma.local @!p0 [spmem:s2], $0x100  }
.Ltmp1:
0x1c: {  	_ = 	snop;
	(pc) =	sbr.rel @!p1 .LBB2_16-.Ltmp1, $4  }
0x1d: {  	s0 =	simm.s32 @!p0 $0x5  }
0x1e: {  	_ =	swait.ge @!p0 [sflag:s0], $0x100  }
0x1f: {  	[sflag:s0] =	ssyncset.done @!p0 $0x0  }
0x20: {  	[sflag:s0] =	ssyncadd.s32 @!p0 $0xFFFFFF00  }
.LBB2_1:
0x21: {  	[tilespmem:s3], [sflag:$0x5] =	stream.linear.gather [hbm4b:s5+s3], $0x2760, $0x38;
	[tilespmem:$0x1F9C0] =	vst v63  }
0x22: {  	_ =	swait.ge [sflag:s12], $0x2760  }
0x23: {  	[sflag:s12] =	ssyncset.done $0x0  }
0x24: {  	[sflag:s12] =	ssyncadd.s32 $0xFFFFD8A0  }
0x25: {  	[tilespmem:s13], [sflag:$0x5] =	stream.linear.gather [hbm4b:s6+s3], $0x2760, $0x38;
	[tilespmem:$0x1F9C0] =	vst v63  }
0x26: {  	_ =	swait.ge [sflag:s12], $0x2760  }
0x27: {  	[sflag:s12] =	ssyncset.done $0x0  }
0x28: {  	s0 =	simm.s32 $0x0;
	s26 =	simm.s32 $0x200;
	[sflag:s12] =	ssyncadd.s32 $0xFFFFD8A0  }
.LBB2_2:
0x29: {  	p1 =	sne.s32 s26, $0x1E00;
	[tilespmem:s0+$0x5170] =	vst v0  }
0x2a: {  	[tilespmem:s0+$0x5100] =	vst v0  }
0x2b: {  	[tilespmem:s0+$0x5110] =	vst v0  }
.Ltmp2:
0x2c: {  	[tilespmem:s0+$0x5120] =	vst v0;
	(pc) =	sbr.rel @p1 .LBB2_2-.Ltmp2, $4  }
0x2d: {  	[tilespmem:s0+$0x5130] =	vst v0  }
0x2e: {  	[tilespmem:s0+$0x5140] =	vst v0  }
0x2f: {  	[tilespmem:s0+$0x5150] =	vst v0  }
0x30: {  	[tilespmem:s0+$0x5160] =	vst v0;
	s0 =	sshra.s32 s26, $0x2;
	s26 =	sadd.s32 $0x200, s26  }
0x31: {  	[tilespmem:s0+$0x5170] =	vst v0  }
0x32: {  	[tilespmem:s0+$0x5100] =	vst v0  }
0x33: {  	[tilespmem:s0+$0x5110] =	vst v0  }
0x34: {  	[tilespmem:s0+$0x5120] =	vst v0  }
0x35: {  	[tilespmem:s0+$0x5130] =	vst v0  }
0x36: {  	[tilespmem:s0+$0x5140] =	vst v0  }
0x37: {  	[tilespmem:s0+$0x5150] =	vst v0  }
0x38: {  	[tilespmem:s0+$0x5160] =	vst v0;
	s31 =	sadd.s32 $0x0, s7  }
0x39: {  	[spmem:s31] =	stream.linear.scatter [tilespmem:s14], [sflag:$0x5], $0x800, $0x38;
	[tilespmem:$0x1F9C0] =	vst v63  }
0x3a: {  	s0 =	simm.s32 $0x2000;
	_ =	swait.ge [sflag:s12], $0x800  }
.LBB2_4:
0x3b: {  	s26 =	sshra.s32 s0, $0x2;
	[sflag:s12] =	ssyncset.done $0x0;
	p1 =	sne.s32 s0, $0x4C000  }
.Ltmp3:
0x3c: {  	s26 =	sadd.s32 s26, s7;
	[sflag:s12] =	ssyncadd.s32 $0xFFFFF800;
	(pc) =	sbr.rel @p1 .LBB2_4-.Ltmp3, $3  }
0x3d: {  	[spmem:s26] =	stream.linear.scatter [tilespmem:s14], [sflag:$0x5], $0x800, $0x38;
	[tilespmem:$0x1F9C0] =	vst v63  }
0x3e: {  	s0 =	sadd.s32 $0x2000, s0;
	_ =	sdelay $0x1  }
0x3f: {  	_ =	swait.ge [sflag:s12], $0x800  }
0x40: {  	[sflag:s12] =	ssyncset.done $0x0  }
0x41: {  	s0 =	simm.s32 @!p0 $0x5100;
	[sflag:s12] =	ssyncadd.s32 $0xFFFFF800  }
0x42: {  	[spmem:s8] =	stream.linear.scatter @!p0 [tilespmem:s0], [sflag:$0x5], $0x800, $0x38;
	[tilespmem:$0x1F9C0] =	vst v63  }
0x43: {  	s0 =	simm.s32 @!p0 $0x5  }
0x44: {  	_ =	swait.ge @!p0 [sflag:s0], $0x800  }
0x45: {  	[sflag:s0] =	ssyncset.done @!p0 $0x0  }
0x46: {  	[sflag:s0] =	ssyncadd.s32 @!p0 $0xFFFFF800  }
0x47: {  	[bflag:$0x0] =	sbarrier.arrive $0xFFFF  }
0x48: {  	v1 =	vld [tilespmem:$0x0];
	_ =	sdelay $0x1  }
0x49: {  	v2 =	vld [tilespmem:$0x10];
	_ =	sdelay $0x1  }
0x4a: {  	v3 =	vld [tilespmem:$0x20]  }
0x4b: {  	v4 =	vand.u32 $0x3FFF, v1  }
0x4c: {  	v62 =	vld [tilespmem:$0x30];
	v1 =	vshrl.u32 v1, $0xE;
	[tilespmem:$0x4F00] =	vst v4  }
0x4d: {  	[tilespmem:$0x5000] =	vst v1;
	v1 =	vand.u32 $0x3FFF, v2  }
0x4e: {  	[tilespmem:$0x4F10] =	vst v1;
	v1 =	vshrl.u32 v2, $0xE;
	v2 =	vld [tilespmem:$0x40]  }
0x4f: {  	[tilespmem:$0x5010] =	vst v1;
	v1 =	vand.u32 $0x3FFF, v3  }
0x50: {  	[tilespmem:$0x4F20] =	vst v1;
	v1 =	vshrl.u32 v3, $0xE;
	v3 =	vld [tilespmem:$0x50]  }
0x51: {  	[tilespmem:$0x5020] =	vst v1;
	v1 =	vand.u32 $0x3FFF, v62  }
0x52: {  	v63 =	vld [tilespmem:$0x60];
	[tilespmem:$0x4F30] =	vst v1;
	v1 =	vshrl.u32 v62, $0xE  }
0x53: {  	[tilespmem:$0x5030] =	vst v1;
	v1 =	vand.u32 $0x3FFF, v2  }
0x54: {  	[tilespmem:$0x4F40] =	vst v1;
	v1 =	vshrl.u32 v2, $0xE  }
0x55: {  	[tilespmem:$0x5040] =	vst v1;
	v1 =	vand.u32 $0x3FFF, v3  }
.Ltmp4:
0x56: {  	[tilespmem:$0x4F50] =	vst v1;
	v1 =	vshrl.u32 v3, $0xE;
	(pc) =	sbr.rel .LBB2_6-.Ltmp4, $4  }
0x57: {  	[tilespmem:$0x5050] =	vst v1;
	v1 =	vand.u32 $0x3FFF, v63  }
0x58: {  	[tilespmem:$0x4F60] =	vst v1;
	v1 =	vshrl.u32 v63, $0xE  }
0x59: {  	s31 =	simm.s32 $0x4F00;
	s26 =	simm.s32 $0x0;
	s28 =	simm.s32 $0x0;
	[tilespmem:$0x5060] =	vst v1  }
0x5a: {  	[tilespmem:s14], [sflag:$0x1] =	stream.indirect.gather [hbm4b:s4+s15], $0x80, s31, s15, $0xb8;
	[tilespmem:$0x1F9C0] =	vst v63  }
.LBB2_14:
0x5b: {  	s28 =	sadd.s32 $0x1, s28  }
0x5c: {  	p1 =	sne.s32 s28, $0x2D  }
.Ltmp5:
0x5d: {  	_ = 	snop;
	(pc) =	sbr.rel @!p1 .LBB2_15-.Ltmp5, $3  }
0x5e: {  	_ =	sdelay $0x1  }
0x5f: {  	[spmem:s1] =	stream.indirect.scatter.add.f32 [tilespmem:s19], [sflag:$0x4], $0x80, s23, s15, $0xb8;
	[tilespmem:$0x1F9C0] =	vst v63  }
0x60: {  	s26 =	sadd.s32 $0xE0, s26  }
.LBB2_6:
0x61: {  	_ =	swait.ge [sflag:s17], $0x3800  }
0x62: {  	p1 =	seq.s32 s28, $0x0;
	[sflag:s17] =	ssyncset.done $0x0  }
0x63: {  	s0 =	simm.s32 @!p1 $0x4;
	[sflag:s17] =	ssyncadd.s32 $0xFFFFC800  }
0x64: {  	_ =	swait.ge @!p1 [sflag:s0], $0x3800  }
0x65: {  	s29 =	smul.u32 $0xE0, s28;
	[sflag:s0] =	ssyncset.done @!p1 $0x0  }
0x66: {  	[sflag:s0] =	ssyncadd.s32 @!p1 $0xFFFFC800  }
0x67: {  	v1 =	vld [tilespmem:s29+$0x70];
	_ =	sdelay $0x4  }
0x68: {  	v2 =	vand.u32 $0x3FFF, v1  }
0x69: {  	v1 =	vshrl.u32 v1, $0xE;
	[tilespmem:$0x4F80] =	vst v2  }
0x6a: {  	[tilespmem:$0x5080] =	vst v1  }
0x6b: {  	v1 =	vld [tilespmem:s29+$0x80];
	_ =	sdelay $0x4  }
0x6c: {  	v2 =	vand.u32 $0x3FFF, v1  }
0x6d: {  	v1 =	vshrl.u32 v1, $0xE;
	[tilespmem:$0x4F90] =	vst v2  }
0x6e: {  	[tilespmem:$0x5090] =	vst v1  }
0x6f: {  	v1 =	vld [tilespmem:s29+$0x90];
	_ =	sdelay $0x4  }
0x70: {  	v2 =	vand.u32 $0x3FFF, v1  }
0x71: {  	v1 =	vshrl.u32 v1, $0xE;
	[tilespmem:$0x4FA0] =	vst v2  }
0x72: {  	[tilespmem:$0x50A0] =	vst v1  }
0x73: {  	v1 =	vld [tilespmem:s29+$0xA0];
	_ =	sdelay $0x4  }
0x74: {  	v2 =	vand.u32 $0x3FFF, v1  }
0x75: {  	v1 =	vshrl.u32 v1, $0xE;
	[tilespmem:$0x4FB0] =	vst v2  }
0x76: {  	[tilespmem:$0x50B0] =	vst v1  }
0x77: {  	v1 =	vld [tilespmem:s29+$0xB0];
	_ =	sdelay $0x4  }
0x78: {  	v2 =	vand.u32 $0x3FFF, v1  }
0x79: {  	v1 =	vshrl.u32 v1, $0xE;
	[tilespmem:$0x4FC0] =	vst v2  }
0x7a: {  	[tilespmem:$0x50C0] =	vst v1  }
0x7b: {  	v1 =	vld [tilespmem:s29+$0xC0];
	_ =	sdelay $0x4  }
0x7c: {  	v2 =	vand.u32 $0x3FFF, v1  }
0x7d: {  	v1 =	vshrl.u32 v1, $0xE;
	[tilespmem:$0x4FD0] =	vst v2  }
0x7e: {  	[tilespmem:$0x50D0] =	vst v1  }
0x7f: {  	v1 =	vld [tilespmem:s29+$0xD0];
	_ =	sdelay $0x4  }
0x80: {  	v2 =	vand.u32 $0x3FFF, v1  }
0x81: {  	v1 =	vshrl.u32 v1, $0xE;
	[tilespmem:$0x4FE0] =	vst v2  }
0x82: {  	[tilespmem:$0x50E0] =	vst v1  }
0x83: {  	[tilespmem:s19], [sflag:$0x2] =	stream.indirect.gather [hbm4b:s4+s15], $0x80, s18, s15, $0xb8;
	[tilespmem:$0x1F9C0] =	vst v63  }
0x84: {  	v1 =	vld [tilespmem:s29+$0x2780]  }
0x85: {  	v2 =	vld [tilespmem:s29+$0x2790]  }
0x86: {  	v3 =	vld [tilespmem:s29+$0x27A0]  }
0x87: {  	v4 =	vld [tilespmem:s29+$0x27B0]  }
0x88: {  	v5 =	vld [tilespmem:s29+$0x27C0]  }
0x89: {  	v6 =	vld [tilespmem:s29+$0x27D0]  }
0x8a: {  	vm0 =	veq.f32 v1, $1.000000000e+00;
	vm1 =	veq.f32 v2, $1.000000000e+00;
	v1 =	vld [tilespmem:s29+$0x27E0]  }
0x8b: {  	vm11 =	veq.f32 v3, $1.000000000e+00;
	vm0 =	vmand vm0, vm1  }
0x8c: {  	vm12 =	veq.f32 v4, $1.000000000e+00;
	vm0 =	vmand vm0, vm11  }
0x8d: {  	vm13 =	veq.f32 v5, $1.000000000e+00;
	vm0 =	vmand vm0, vm12  }
0x8e: {  	vm14 =	veq.f32 v6, $1.000000000e+00;
	vm0 =	vmand vm0, vm13  }
0x8f: {  	vm0 =	vmand vm0, vm14;
	vm15 =	veq.f32 v1, $1.000000000e+00  }
0x90: {  	vm0 =	vmand vm0, vm15  }
0x91: {  	v1 =	vsel vm0, $0x3F800000, v0  }
0x92: {  	(xrf0) =	vmin.scan.msk.f32 $0xffff, v1;
	_ =	sdelay $0x5  }
0x93: {  	v1, _, _ =	vpop (xrf0)  }
0x94: {  	(v2sf) =	vpush v1, $0xF;
	_ =	sdelay $0xe  }
0x95: {  	s31 =	spop (v2sf)  }
0x96: {  	p1 =	sgt.f32 s31, $0.0e+00  }
.Ltmp6:
0x97: {  	_ = 	snop;
	(pc) =	sbr.rel @p1 .LBB2_10-.Ltmp6, $1  }
0x98: {  	_ =	sdelay $0x3  }
0x99: {  	s0 =	sadd.s32 $0xFFFFFFFE, s26  }
0x9a: {  	s30 =	sadd.s32 $0x2, s0  }
0x9b: {  	v1 =	vmov s30  }
0x9c: {  	v1 =	vand.u32 $0xFFFFFFFE, v1  }
0x9d: {  	v2 =	vbroadcast v1, $0x0;
	_ =	sdelay $0x3  }
0x9e: {  	s30 =	simm.s32 $0x5180  }
0x9f: {  	v5 =	vld [tilespmem:s30+$0xFFFFFFF0]  }
0xa0: {  	v6 =	vld.idx.msk [tilespmem:v2+s13+$0x0], $0xffff  }
0xa1: {  	v7 =	vld [tilespmem:s30+$0xFFFFFF80]  }
0xa2: {  	v8 =	vld [tilespmem:s30+$0xFFFFFFA0]  }
0xa3: {  	v4 =	vld [tilespmem:s30+$0xFFFFFFB0]  }
0xa4: {  	v3 =	vld [tilespmem:s30+$0xFFFFFFD0]  }
0xa5: {  	v10 =	vld [tilespmem:s30+$0xFFFFFF90];
	v5 =	vmul.f32 v5, v6  }
0xa6: {  	v9 =	vld [tilespmem:s30+$0xFFFFFFE0];
	v7 =	vmul.f32 v7, v6  }
0xa7: {  	v11 =	vld [tilespmem:s30+$0xFFFFFFC0];
	v8 =	vmul.f32 v8, v6;
	[tilespmem:s30+$0xFFFFFFF0] =	vst v5  }
0xa8: {  	v4 =	vmul.f32 v4, v6;
	[tilespmem:s30+$0xFFFFFF80] =	vst v7  }
0xa9: {  	s0 =	sadd.s32 $0x3, s0;
	v3 =	vmul.f32 v3, v6;
	[tilespmem:s30+$0xFFFFFFA0] =	vst v8  }
0xaa: {  	v5 =	vmul.f32 v10, v6;
	[tilespmem:s30+$0xFFFFFFB0] =	vst v4;
	v7 =	vmov s0  }
0xab: {  	v1 =	vld [tilespmem:s30+$0x0];
	v4 =	vmul.f32 v9, v6;
	[tilespmem:s30+$0xFFFFFFD0] =	vst v3  }
0xac: {  	v2 =	vld [tilespmem:s30+$0x10];
	v3 =	vmul.f32 v11, v6;
	[tilespmem:s30+$0xFFFFFF90] =	vst v5  }
0xad: {  	[tilespmem:s30+$0xFFFFFFE0] =	vst v4;
	v5 =	vld [tilespmem:s30+$0x30]  }
0xae: {  	[tilespmem:s30+$0xFFFFFFC0] =	vst v3;
	v4 =	vld [tilespmem:s30+$0x70]  }
0xaf: {  	s31 =	simm.s32 $0x0;
	s0 =	simm.s32 $0x5180;
	v3 =	vld.idx.msk [tilespmem:v7+s13+$0x0], $0xffff  }
.LBB2_8:
0xb0: {  	v6 =	vld [tilespmem:s30+$0x20];
	s0 =	sadd.s32 $0x100, s0;
	s16 =	smov.u32 s31;
	s31 =	sadd.s32 $0x2, s31  }
0xb1: {  	p1 =	slt.u32 s31, $0x6E;
	v7 =	vld [tilespmem:s30+$0x40]  }
0xb2: {  	v8 =	vld [tilespmem:s30+$0x50]  }
0xb3: {  	v9 =	vld [tilespmem:s30+$0x60];
	_ =	sdelay $0x1  }
0xb4: {  	s16 =	sadd.s32 s16, s26;
	v1 =	vmul.f32 v1, v3;
	v2 =	vmul.f32 v2, v3  }
0xb5: {  	s2 =	sadd.s32 $0x2, s16;
	s16 =	sadd.s32 $0x3, s16;
	v5 =	vmul.f32 v5, v3;
	v6 =	vmul.f32 v6, v3  }
0xb6: {  	v10 =	vmov s2;
	v7 =	vmul.f32 v7, v3;
	[tilespmem:s30+$0x0] =	vst v1;
	v8 =	vmul.f32 v8, v3  }
0xb7: {  	v10 =	vand.u32 $0xFFFFFFFE, v10;
	v1 =	vld [tilespmem:s0+$0x0];
	[tilespmem:s30+$0x30] =	vst v5;
	v5 =	vmul.f32 v9, v3;
	v3 =	vmul.f32 v4, v3  }
0xb8: {  	v4 =	vbroadcast v10, $0x0;
	[tilespmem:s30+$0x10] =	vst v2  }
0xb9: {  	[tilespmem:s30+$0x70] =	vst v3  }
0xba: {  	v3 =	vld [tilespmem:s0+$0xFFFFFFD0];
	[tilespmem:s30+$0x20] =	vst v6  }
0xbb: {  	v6 =	vld [tilespmem:s0+$0xFFFFFFB0];
	[tilespmem:s30+$0x60] =	vst v5  }
0xbc: {  	v5 =	vld [tilespmem:s0+$0xFFFFFFE0];
	[tilespmem:s30+$0x40] =	vst v7  }
0xbd: {  	v7 =	vld [tilespmem:s0+$0xFFFFFFF0];
	[tilespmem:s30+$0x50] =	vst v8;
	s30 =	smov.u32 s0  }
0xbe: {  	v4 =	vld.idx.msk [tilespmem:v4+s13+$0x0], $0xffff  }
0xbf: {  	v8 =	vld [tilespmem:s0+$0xFFFFFF80]  }
0xc0: {  	v9 =	vld [tilespmem:s0+$0xFFFFFFA0]  }
0xc1: {  	v10 =	vld [tilespmem:s0+$0xFFFFFF90]  }
0xc2: {  	v11 =	vld [tilespmem:s0+$0xFFFFFFC0]  }
0xc3: {  	v2 =	vld [tilespmem:s0+$0x10]  }
0xc4: {  	v7 =	vmul.f32 v7, v4;
	v8 =	vmul.f32 v8, v4  }
0xc5: {  	v5 =	vmul.f32 v5, v4;
	v9 =	vmul.f32 v9, v4  }
0xc6: {  	v6 =	vmul.f32 v6, v4;
	v10 =	vmul.f32 v10, v4;
	[tilespmem:s0+$0xFFFFFFF0] =	vst v7  }
0xc7: {  	v3 =	vmul.f32 v3, v4;
	[tilespmem:s0+$0xFFFFFF80] =	vst v8;
	v7 =	vmul.f32 v11, v4  }
0xc8: {  	[tilespmem:s0+$0xFFFFFFA0] =	vst v9  }
0xc9: {  	[tilespmem:s0+$0xFFFFFFB0] =	vst v6;
	v6 =	vmov s16  }
.Ltmp7:
0xca: {  	[tilespmem:s0+$0xFFFFFFD0] =	vst v3;
	(pc) =	sbr.rel @p1 .LBB2_8-.Ltmp7, $4  }
0xcb: {  	[tilespmem:s0+$0xFFFFFF90] =	vst v10  }
0xcc: {  	[tilespmem:s0+$0xFFFFFFE0] =	vst v5;
	v5 =	vld [tilespmem:s0+$0x30]  }
0xcd: {  	[tilespmem:s0+$0xFFFFFFC0] =	vst v7;
	v4 =	vld [tilespmem:s0+$0x70]  }
0xce: {  	v3 =	vld.idx.msk [tilespmem:v6+s13+$0x0], $0xffff  }
0xcf: {  	_ =	sdelay $0x1  }
0xd0: {  	v6 =	vld [tilespmem:s30+$0x20];
	_ =	sdelay $0x1  }
0xd1: {  	v7 =	vld [tilespmem:s30+$0x60];
	v1 =	vmul.f32 v1, v3  }
0xd2: {  	v8 =	vld [tilespmem:s30+$0x40];
	v5 =	vmul.f32 v5, v3  }
0xd3: {  	v9 =	vld [tilespmem:s30+$0x50];
	v2 =	vmul.f32 v2, v3;
	[tilespmem:s30+$0x0] =	vst v1  }
0xd4: {  	v63 =	vmul.f32 v6, v3;
	[tilespmem:s30+$0x30] =	vst v5  }
0xd5: {  	v1 =	vmul.f32 v4, v3;
	[tilespmem:s30+$0x10] =	vst v2  }
0xd6: {  	v2 =	vmul.f32 v7, v3;
	[tilespmem:s30+$0x20] =	vst v63  }
0xd7: {  	[tilespmem:s30+$0x70] =	vst v1;
	v1 =	vmul.f32 v8, v3  }
0xd8: {  	v3 =	vmul.f32 v9, v3;
	[tilespmem:s30+$0x60] =	vst v2  }
0xd9: {  	[tilespmem:s30+$0x40] =	vst v1  }
0xda: {  	[tilespmem:s30+$0x50] =	vst v3  }
.LBB2_10:
0xdb: {  	[spmem:s1] =	stream.indirect.scatter.add.f32 [tilespmem:s14], [sflag:$0x3], $0x80, s20, s15, $0xb8;
	[tilespmem:$0x1F9C0] =	vst v63  }
0xdc: {  	_ =	swait.ge [sflag:s21], $0x3800  }
0xdd: {  	[sflag:s21] =	ssyncset.done $0x0  }
0xde: {  	[sflag:s21] =	ssyncadd.s32 $0xFFFFC800  }
0xdf: {  	_ =	swait.ge [sflag:s22], $0x3800  }
0xe0: {  	[sflag:s22] =	ssyncset.done $0x0  }
0xe1: {  	p1 =	seq.s32 s28, $0x2C;
	[sflag:s22] =	ssyncadd.s32 $0xFFFFC800  }
0xe2: {  	v1 =	vld @!p1 [tilespmem:s29+$0xE0];
	_ =	sdelay $0x4  }
0xe3: {  	v2 =	vand.u32 @!p1 $0x3FFF, v1  }
0xe4: {  	v1 =	vshrl.u32 @!p1 v1, $0xE;
	[tilespmem:$0x4F00] =	vst @!p1 v2  }
0xe5: {  	[tilespmem:$0x5000] =	vst @!p1 v1  }
0xe6: {  	v1 =	vld @!p1 [tilespmem:s29+$0xF0];
	_ =	sdelay $0x4  }
0xe7: {  	v2 =	vand.u32 @!p1 $0x3FFF, v1  }
0xe8: {  	v1 =	vshrl.u32 @!p1 v1, $0xE;
	[tilespmem:$0x4F10] =	vst @!p1 v2  }
0xe9: {  	[tilespmem:$0x5010] =	vst @!p1 v1  }
0xea: {  	v1 =	vld @!p1 [tilespmem:s29+$0x100];
	_ =	sdelay $0x4  }
0xeb: {  	v2 =	vand.u32 @!p1 $0x3FFF, v1  }
0xec: {  	v1 =	vshrl.u32 @!p1 v1, $0xE;
	[tilespmem:$0x4F20] =	vst @!p1 v2  }
0xed: {  	[tilespmem:$0x5020] =	vst @!p1 v1  }
0xee: {  	v1 =	vld @!p1 [tilespmem:s29+$0x110];
	_ =	sdelay $0x4  }
0xef: {  	v2 =	vand.u32 @!p1 $0x3FFF, v1  }
0xf0: {  	v1 =	vshrl.u32 @!p1 v1, $0xE;
	[tilespmem:$0x4F30] =	vst @!p1 v2  }
0xf1: {  	[tilespmem:$0x5030] =	vst @!p1 v1  }
0xf2: {  	v1 =	vld @!p1 [tilespmem:s29+$0x120];
	_ =	sdelay $0x4  }
0xf3: {  	v2 =	vand.u32 @!p1 $0x3FFF, v1  }
0xf4: {  	v1 =	vshrl.u32 @!p1 v1, $0xE;
	[tilespmem:$0x4F40] =	vst @!p1 v2  }
0xf5: {  	[tilespmem:$0x5040] =	vst @!p1 v1  }
0xf6: {  	v1 =	vld @!p1 [tilespmem:s29+$0x130];
	_ =	sdelay $0x4  }
0xf7: {  	v2 =	vand.u32 @!p1 $0x3FFF, v1  }
0xf8: {  	v1 =	vshrl.u32 @!p1 v1, $0xE;
	[tilespmem:$0x4F50] =	vst @!p1 v2  }
0xf9: {  	[tilespmem:$0x5050] =	vst @!p1 v1  }
0xfa: {  	v1 =	vld @!p1 [tilespmem:s29+$0x140];
	_ =	sdelay $0x4  }
0xfb: {  	v2 =	vand.u32 @!p1 $0x3FFF, v1  }
0xfc: {  	s0 =	sadd.s32 $0x70, s29;
	v1 =	vshrl.u32 @!p1 v1, $0xE;
	[tilespmem:$0x4F60] =	vst @!p1 v2  }
0xfd: {  	s2 =	simm.s32 @!p1 $0x70;
	s16 =	simm.s32 @!p1 $0x4F00;
	s29 =	simm.s32 @!p1 $0x5100;
	[tilespmem:$0x5060] =	vst @!p1 v1  }
0xfe: {  	[tilespmem:s29], [sflag:$0x1] =	stream.indirect.gather @!p1 [hbm4b:s4+s2], $0x80, s16, s2, $0xb8;
	[tilespmem:$0x1F9C0] =	vst v63  }
0xff: {  	v1 =	vld [tilespmem:s0+$0x2780]  }
0x100: {  	v2 =	vld [tilespmem:s0+$0x2790]  }
0x101: {  	v3 =	vld [tilespmem:s0+$0x27A0]  }
0x102: {  	v4 =	vld [tilespmem:s0+$0x27B0]  }
0x103: {  	v5 =	vld [tilespmem:s0+$0x27C0]  }
0x104: {  	v6 =	vld [tilespmem:s0+$0x27D0]  }
0x105: {  	vm0 =	veq.f32 v1, $1.000000000e+00;
	vm1 =	veq.f32 v2, $1.000000000e+00;
	v1 =	vld [tilespmem:s0+$0x27E0]  }
0x106: {  	vm11 =	veq.f32 v3, $1.000000000e+00;
	vm0 =	vmand vm0, vm1  }
0x107: {  	vm12 =	veq.f32 v4, $1.000000000e+00;
	vm0 =	vmand vm0, vm11  }
0x108: {  	vm13 =	veq.f32 v5, $1.000000000e+00;
	vm0 =	vmand vm0, vm12  }
0x109: {  	vm14 =	veq.f32 v6, $1.000000000e+00;
	vm0 =	vmand vm0, vm13  }
0x10a: {  	vm0 =	vmand vm0, vm14;
	vm15 =	veq.f32 v1, $1.000000000e+00  }
0x10b: {  	vm0 =	vmand vm0, vm15  }
0x10c: {  	v1 =	vsel vm0, $0x3F800000, v0  }
0x10d: {  	(xrf0) =	vmin.scan.msk.f32 $0xffff, v1;
	_ =	sdelay $0x5  }
0x10e: {  	v1, _, _ =	vpop (xrf0)  }
0x10f: {  	(v2sf) =	vpush v1, $0xF;
	_ =	sdelay $0xe  }
0x110: {  	s31 =	spop (v2sf)  }
0x111: {  	p1 =	sgt.f32 s31, $0.0e+00  }
.Ltmp8:
0x112: {  	_ = 	snop;
	(pc) =	sbr.rel @p1 .LBB2_14-.Ltmp8, $1  }
0x113: {  	_ =	sdelay $0x3  }
0x114: {  	s0 =	sadd.s32 $0xFFFFFFFE, s26  }
0x115: {  	s2 =	sadd.s32 $0x72, s0  }
0x116: {  	v1 =	vmov s2  }
0x117: {  	v1 =	vand.u32 $0xFFFFFFFE, v1  }
0x118: {  	v2 =	vbroadcast v1, $0x0;
	_ =	sdelay $0x3  }
0x119: {  	s29 =	simm.s32 $0x8980  }
0x11a: {  	v5 =	vld [tilespmem:s29+$0xFFFFFFF0]  }
0x11b: {  	v6 =	vld.idx.msk [tilespmem:v2+s13+$0x0], $0xffff  }
0x11c: {  	v7 =	vld [tilespmem:s29+$0xFFFFFF80]  }
0x11d: {  	v8 =	vld [tilespmem:s29+$0xFFFFFFA0]  }
0x11e: {  	v4 =	vld [tilespmem:s29+$0xFFFFFFB0]  }
0x11f: {  	v3 =	vld [tilespmem:s29+$0xFFFFFFD0]  }
0x120: {  	v10 =	vld [tilespmem:s29+$0xFFFFFF90];
	v5 =	vmul.f32 v5, v6  }
0x121: {  	v9 =	vld [tilespmem:s29+$0xFFFFFFE0];
	v7 =	vmul.f32 v7, v6  }
0x122: {  	v11 =	vld [tilespmem:s29+$0xFFFFFFC0];
	v8 =	vmul.f32 v8, v6;
	[tilespmem:s29+$0xFFFFFFF0] =	vst v5  }
0x123: {  	v4 =	vmul.f32 v4, v6;
	[tilespmem:s29+$0xFFFFFF80] =	vst v7  }
0x124: {  	s0 =	sadd.s32 $0x73, s0;
	v3 =	vmul.f32 v3, v6;
	[tilespmem:s29+$0xFFFFFFA0] =	vst v8  }
0x125: {  	v5 =	vmul.f32 v10, v6;
	[tilespmem:s29+$0xFFFFFFB0] =	vst v4;
	v7 =	vmov s0  }
0x126: {  	v1 =	vld [tilespmem:s29+$0x0];
	v4 =	vmul.f32 v9, v6;
	[tilespmem:s29+$0xFFFFFFD0] =	vst v3  }
0x127: {  	v2 =	vld [tilespmem:s29+$0x10];
	v3 =	vmul.f32 v11, v6;
	[tilespmem:s29+$0xFFFFFF90] =	vst v5  }
0x128: {  	[tilespmem:s29+$0xFFFFFFE0] =	vst v4;
	v5 =	vld [tilespmem:s29+$0x30]  }
0x129: {  	[tilespmem:s29+$0xFFFFFFC0] =	vst v3;
	v4 =	vld [tilespmem:s29+$0x70]  }
0x12a: {  	s30 =	simm.s32 $0x0;
	s0 =	simm.s32 $0x8980;
	v3 =	vld.idx.msk [tilespmem:v7+s13+$0x0], $0xffff  }
.LBB2_12:
0x12b: {  	v6 =	vld [tilespmem:s29+$0x20];
	s0 =	sadd.s32 $0x100, s0;
	s2 =	smov.u32 s30;
	s30 =	sadd.s32 $0x2, s30  }
0x12c: {  	p1 =	slt.u32 s30, $0x6E;
	v7 =	vld [tilespmem:s29+$0x40]  }
0x12d: {  	v8 =	vld [tilespmem:s29+$0x50]  }
0x12e: {  	v9 =	vld [tilespmem:s29+$0x60];
	_ =	sdelay $0x1  }
0x12f: {  	s2 =	sadd.s32 s2, s26;
	v1 =	vmul.f32 v1, v3;
	v2 =	vmul.f32 v2, v3  }
0x130: {  	s16 =	sadd.s32 $0x72, s2;
	s2 =	sadd.s32 $0x73, s2;
	v5 =	vmul.f32 v5, v3;
	v6 =	vmul.f32 v6, v3  }
0x131: {  	v10 =	vmov s16;
	v7 =	vmul.f32 v7, v3;
	[tilespmem:s29+$0x0] =	vst v1;
	v8 =	vmul.f32 v8, v3  }
0x132: {  	v10 =	vand.u32 $0xFFFFFFFE, v10;
	v1 =	vld [tilespmem:s0+$0x0];
	[tilespmem:s29+$0x30] =	vst v5;
	v5 =	vmul.f32 v9, v3;
	v3 =	vmul.f32 v4, v3  }
0x133: {  	v4 =	vbroadcast v10, $0x0;
	[tilespmem:s29+$0x10] =	vst v2  }
0x134: {  	[tilespmem:s29+$0x70] =	vst v3  }
0x135: {  	v3 =	vld [tilespmem:s0+$0xFFFFFFD0];
	[tilespmem:s29+$0x20] =	vst v6  }
0x136: {  	v6 =	vld [tilespmem:s0+$0xFFFFFFB0];
	[tilespmem:s29+$0x60] =	vst v5  }
0x137: {  	v5 =	vld [tilespmem:s0+$0xFFFFFFE0];
	[tilespmem:s29+$0x40] =	vst v7  }
0x138: {  	v7 =	vld [tilespmem:s0+$0xFFFFFFF0];
	[tilespmem:s29+$0x50] =	vst v8;
	s29 =	smov.u32 s0  }
0x139: {  	v4 =	vld.idx.msk [tilespmem:v4+s13+$0x0], $0xffff  }
0x13a: {  	v8 =	vld [tilespmem:s0+$0xFFFFFF80]  }
0x13b: {  	v9 =	vld [tilespmem:s0+$0xFFFFFFA0]  }
0x13c: {  	v10 =	vld [tilespmem:s0+$0xFFFFFF90]  }
0x13d: {  	v11 =	vld [tilespmem:s0+$0xFFFFFFC0]  }
0x13e: {  	v2 =	vld [tilespmem:s0+$0x10]  }
0x13f: {  	v7 =	vmul.f32 v7, v4;
	v8 =	vmul.f32 v8, v4  }
0x140: {  	v5 =	vmul.f32 v5, v4;
	v9 =	vmul.f32 v9, v4  }
0x141: {  	v6 =	vmul.f32 v6, v4;
	v10 =	vmul.f32 v10, v4;
	[tilespmem:s0+$0xFFFFFFF0] =	vst v7  }
0x142: {  	v3 =	vmul.f32 v3, v4;
	[tilespmem:s0+$0xFFFFFF80] =	vst v8;
	v7 =	vmul.f32 v11, v4  }
0x143: {  	[tilespmem:s0+$0xFFFFFFA0] =	vst v9  }
0x144: {  	[tilespmem:s0+$0xFFFFFFB0] =	vst v6;
	v6 =	vmov s2  }
.Ltmp9:
0x145: {  	[tilespmem:s0+$0xFFFFFFD0] =	vst v3;
	(pc) =	sbr.rel @p1 .LBB2_12-.Ltmp9, $4  }
0x146: {  	[tilespmem:s0+$0xFFFFFF90] =	vst v10  }
0x147: {  	[tilespmem:s0+$0xFFFFFFE0] =	vst v5;
	v5 =	vld [tilespmem:s0+$0x30]  }
0x148: {  	[tilespmem:s0+$0xFFFFFFC0] =	vst v7;
	v4 =	vld [tilespmem:s0+$0x70]  }
0x149: {  	v3 =	vld.idx.msk [tilespmem:v6+s13+$0x0], $0xffff  }
0x14a: {  	_ =	sdelay $0x1  }
0x14b: {  	v6 =	vld [tilespmem:s29+$0x20];
	_ =	sdelay $0x1  }
0x14c: {  	v7 =	vld [tilespmem:s29+$0x60];
	v1 =	vmul.f32 v1, v3  }
0x14d: {  	v8 =	vld [tilespmem:s29+$0x40];
	v5 =	vmul.f32 v5, v3  }
0x14e: {  	v9 =	vld [tilespmem:s29+$0x50];
	v2 =	vmul.f32 v2, v3;
	[tilespmem:s29+$0x0] =	vst v1  }
0x14f: {  	v63 =	vmul.f32 v6, v3;
	[tilespmem:s29+$0x30] =	vst v5  }
0x150: {  	v1 =	vmul.f32 v4, v3;
	[tilespmem:s29+$0x10] =	vst v2  }
.Ltmp10:
0x151: {  	v2 =	vmul.f32 v7, v3;
	[tilespmem:s29+$0x20] =	vst v63;
	(pc) =	sbr.rel .LBB2_14-.Ltmp10, $4  }
0x152: {  	[tilespmem:s29+$0x70] =	vst v1;
	v1 =	vmul.f32 v8, v3  }
0x153: {  	v3 =	vmul.f32 v9, v3;
	[tilespmem:s29+$0x60] =	vst v2  }
0x154: {  	[tilespmem:s29+$0x40] =	vst v1  }
0x155: {  	[tilespmem:s29+$0x50] =	vst v3  }
.LBB2_16:
0x156: {  	_ =	sfence.sel $0x180000  }
0x157: {  	[bflag:$0x0] =	sbarrier.arrive $0xFFFF  }
0x158: {  	_ =	strace $0x90000047  }
0x159: {  	s0 =	stileid.u32;
	[bflag:$0x2] =	sbarrier.arrive $0xFFFF  }
0x15a: {  	p0 =	sne.s32 s0, $0x0;
	s0 =	rddreg [dreg:$0x3]  }
0x15b: {  	s0 =	sadd.s32 @!p0 $0x100000, s0  }
0x15c: {  	[sflag:s0] =	ssyncadd.tile.s32 @!p0 $0x1;
	_ =	shalt  }
.Lfunc_end2:
_tile_overlayer_lowered:
.L_overlay_start_2:
0x15d: {  	(tag) =	ssettag $0x2  }
0x15e: {  	s0 =	rddreg [dreg:$0x0];
	s2 =	stileid.u32  }
0x15f: {  	s1 =	rddreg [dreg:$0x1];
	p0 =	sne.s32 s2, $0x0  }
0x160: {  	s3 =	rddreg [dreg:$0x2];
	[bflag:$0x3] =	sbarrier.arrive $0xFFFF;
	s2 =	simm.s32 @!p0 $0x1C05  }
0x161: {  	[timem:s3], [sflag:s2] =	dma.local @!p0 [hbm:s0], s1  }
0x162: {  	s0 =	simm.s32 @!p0 $0x5  }
0x163: {  	_ =	swait.ge @!p0 [sflag:s0], s1  }
0x164: {  	s1 =	ssub.s32 @!p0 $0x0, s1;
	[sflag:s0] =	ssyncset.done @!p0 $0x0  }
0x165: {  	[sflag:s0] =	ssyncadd.s32 @!p0 s1  }
0x166: {  	[bflag:$0x3] =	sbarrier.arrive $0xFFFF  }
0x167: {  	_ =	shalt  }

</sc_bundles>
